<compile_context>
chip_gen: v7x
topology: tpu7x:2x2x1
jax: 0.10.2.dev20260603
libtpu: 0.0.44.dev20260713+nightly
codegen_flags: <defaults>
</compile_context>

<pallas_src>
import jax
import jax.numpy as jnp
from jax import lax
from jax.experimental import pallas as pl
from jax.experimental.pallas import tpu as pltpu
from jax.experimental.pallas import tpu_sc as plsc

N_NODES = 10000
N_EDGES = 320000
D = 128
N_WORKERS = 32
CHUNK = 128
CPT = 80
E_PAD = N_WORKERS * CPT * CHUNK
ACC_ROWS = N_NODES + 8
ROW_STEP = 624
ROW_SPAN = 640
CNT_W = 16
NBUF = 3


def _make_sc_agg():
    mesh = plsc.VectorSubcoreMesh(core_axis_name="c", subcore_axis_name="s")
    out_type = [jax.ShapeDtypeStruct((2, N_NODES, D), jnp.float32)]
    scratch = (
        [pltpu.VMEM((CHUNK,), jnp.int32) for _ in range(NBUF)]
        + [pltpu.VMEM((CHUNK,), jnp.int32) for _ in range(NBUF)]
        + [pltpu.VMEM((CHUNK, D), jnp.float32) for _ in range(NBUF)]
        + [pltpu.VMEM_SHARED((ACC_ROWS, D), jnp.float32)]
        + [pltpu.SemaphoreType.DMA for _ in range(NBUF)]
        + [pltpu.SemaphoreType.DMA for _ in range(NBUF)]
    )

    def body(x_hbm, src_hbm, dst_hbm, z_d, agg_out, *scr):
        idx_s = scr[0:NBUF]
        idx_d = scr[NBUF:2 * NBUF]
        rows = scr[2 * NBUF:3 * NBUF]
        agg_acc = scr[3 * NBUF]
        sem_g = scr[3 * NBUF + 1:4 * NBUF + 1]
        sem_s = scr[4 * NBUF + 1:5 * NBUF + 1]

        cid = lax.axis_index("c")
        sid = lax.axis_index("s")
        wid = cid * 16 + sid

        base = wid * CPT * CHUNK

        row0 = pl.multiple_of(sid * ROW_STEP, 8)
        pltpu.sync_copy(z_d, rows[0])
        for k in range(ROW_SPAN // CHUNK):
            r = pl.multiple_of(row0 + k * CHUNK, 8)
            pltpu.sync_copy(rows[0], agg_acc.at[pl.ds(r, CHUNK)])
        plsc.subcore_barrier()

        def gather_start(c, b):
            off = pl.multiple_of(base + c * CHUNK, 8)
            pltpu.sync_copy(src_hbm.at[pl.ds(off, CHUNK)], idx_s[b])
            pltpu.async_copy(x_hbm.at[idx_s[b]], rows[b], sem_g[b])

        def gather_wait(c, b):
            pltpu.make_async_copy(x_hbm.at[idx_s[b]], rows[b],
                                  sem_g[b]).wait()

        def scatter_go(c, b):
            off = pl.multiple_of(base + c * CHUNK, 8)
            pltpu.sync_copy(dst_hbm.at[pl.ds(off, CHUNK)], idx_d[b])
            pltpu.async_copy(rows[b], agg_acc.at[idx_d[b]], sem_s[b],
                             add=True)

        def scatter_wait(b):
            pltpu.make_async_copy(rows[b], agg_acc.at[idx_d[b]],
                                  sem_s[b]).wait()

        for b in range(NBUF):
            gather_start(b, b)

        def loop_body(i):
            for b in range(NBUF):
                @pl.when(i + b < CPT)
                def _(b=b):
                    gather_wait(i + b, b)
                    scatter_go(i + b, b)
            for b in range(NBUF):
                @pl.when(i + b < CPT)
                def _(b=b):
                    scatter_wait(b)

                    @pl.when(i + NBUF + b < CPT)
                    def _():
                        gather_start(i + NBUF + b, b)

        pl.loop(0, CPT, step=NBUF)(loop_body)

        plsc.subcore_barrier()

        for k in range(ROW_SPAN // CHUNK):
            r = pl.multiple_of(row0 + k * CHUNK, 8)
            pltpu.sync_copy(agg_acc.at[pl.ds(r, CHUNK)], rows[0])
            pltpu.sync_copy(rows[0], agg_out.at[cid, pl.ds(r, CHUNK)])

    return pl.kernel(body, out_type=out_type, mesh=mesh,
                     scratch_types=scratch)


def _make_sc_cnt():
    mesh = plsc.VectorSubcoreMesh(core_axis_name="c", subcore_axis_name="s")
    out_type = [jax.ShapeDtypeStruct((2, N_NODES, D), jnp.float32)]
    scratch = [
        pltpu.VMEM((CHUNK,), jnp.int32),
        pltpu.VMEM((CHUNK, D), jnp.float32),
        pltpu.VMEM_SHARED((ACC_ROWS, D), jnp.float32),
        pltpu.SemaphoreType.DMA,
    ]

    def body(dst_hbm, z_c, ones_hbm, cnt_out, idx_d, ones_v, cnt_acc, sem):
        cid = lax.axis_index("c")
        sid = lax.axis_index("s")
        wid = cid * 16 + sid
        base = wid * CPT * CHUNK

        row0 = pl.multiple_of(sid * ROW_STEP, 8)
        pltpu.sync_copy(z_c, ones_v)
        for k in range(ROW_SPAN // CHUNK):
            r = pl.multiple_of(row0 + k * CHUNK, 8)
            pltpu.sync_copy(ones_v, cnt_acc.at[pl.ds(r, CHUNK)])
        pltpu.sync_copy(ones_hbm, ones_v)
        plsc.subcore_barrier()

        def loop_body(i):
            off = pl.multiple_of(base + i * CHUNK, 8)
            pltpu.sync_copy(dst_hbm.at[pl.ds(off, CHUNK)], idx_d)
            pltpu.sync_copy(ones_v, cnt_acc.at[idx_d], add=True)

        pl.loop(0, CPT)(loop_body)

        plsc.subcore_barrier()

        for k in range(ROW_SPAN // CHUNK):
            r = pl.multiple_of(row0 + k * CHUNK, 8)
            pltpu.sync_copy(cnt_acc.at[pl.ds(r, CHUNK)], ones_v)
            pltpu.sync_copy(ones_v, cnt_out.at[cid, pl.ds(r, CHUNK)])

    return pl.kernel(body, out_type=out_type, mesh=mesh,
                     scratch_types=scratch)


_sc_agg = _make_sc_agg()
_sc_cnt = _make_sc_cnt()


def _tc_layer_body(h_ref, agg_ref, cnt_ref, wl_ref, bl_ref, wr_ref, o_ref):
    agg = agg_ref[0] + agg_ref[1]
    cnt = cnt_ref[0, :, 0:1] + cnt_ref[1, :, 0:1]
    inv = 1.0 / jnp.clip(cnt, 1.0, None)
    mean = agg * inv
    acc = (jnp.dot(mean, wl_ref[...], preferred_element_type=jnp.float32)
           + jnp.dot(h_ref[...], wr_ref[...], preferred_element_type=jnp.float32)
           + bl_ref[...])
    o_ref[...] = jnp.where(acc >= 0.0, acc, 0.01 * acc)


def _tc_final_body(h_ref, agg_ref, cnt_ref, wl_ref, bl_ref, wr_ref,
                   wo_ref, bo_ref, o_ref):
    agg = agg_ref[0] + agg_ref[1]
    cnt = cnt_ref[0, :, 0:1] + cnt_ref[1, :, 0:1]
    inv = 1.0 / jnp.clip(cnt, 1.0, None)
    mean = agg * inv
    acc = (jnp.dot(mean, wl_ref[...], preferred_element_type=jnp.float32)
           + jnp.dot(h_ref[...], wr_ref[...], preferred_element_type=jnp.float32)
           + bl_ref[...])
    hrelu = jnp.where(acc >= 0.0, acc, 0.01 * acc)
    o_ref[...] = (jnp.dot(hrelu, wo_ref[...],
                          preferred_element_type=jnp.float32) + bo_ref[...])


_BLK = 1000
_GRID = N_NODES // _BLK


def _row_specs():
    return [
        pl.BlockSpec((_BLK, D), lambda i: (i, 0)),
        pl.BlockSpec((2, _BLK, D), lambda i: (0, i, 0)),
        pl.BlockSpec((2, _BLK, D), lambda i: (0, i, 0)),
        pl.BlockSpec((D, D), lambda i: (0, 0)),
        pl.BlockSpec((1, D), lambda i: (0, 0)),
        pl.BlockSpec((D, D), lambda i: (0, 0)),
    ]


_tc_layer = pl.pallas_call(
    _tc_layer_body,
    grid=(_GRID,),
    in_specs=_row_specs(),
    out_specs=pl.BlockSpec((_BLK, D), lambda i: (i, 0)),
    out_shape=jax.ShapeDtypeStruct((N_NODES, D), jnp.float32),
)

_tc_final = pl.pallas_call(
    _tc_final_body,
    grid=(_GRID,),
    in_specs=_row_specs() + [
        pl.BlockSpec((D, 1), lambda i: (0, 0)),
        pl.BlockSpec((1, 1), lambda i: (0, 0)),
    ],
    out_specs=pl.BlockSpec((_BLK, 1), lambda i: (i, 0)),
    out_shape=jax.ShapeDtypeStruct((N_NODES, 1), jnp.float32),
)


@jax.jit
def kernel(x, edge_index, Wl1, bl1, Wr1, Wl2, bl2, Wr2, Wl3, bl3, Wr3, Wo, bo):
    src = edge_index[0].astype(jnp.int32)
    dst = edge_index[1].astype(jnp.int32)
    pad = E_PAD - N_EDGES
    srcp = jnp.concatenate([src, jnp.zeros((pad,), jnp.int32)])
    dstp = jnp.concatenate([dst, jnp.full((pad,), N_NODES, jnp.int32)])

    z_d = jnp.zeros((CHUNK, D), jnp.float32)
    ones = jnp.ones((CHUNK, D), jnp.float32)

    bl1r = bl1.reshape(1, D)
    bl2r = bl2.reshape(1, D)
    bl3r = bl3.reshape(1, D)
    bor = bo.reshape(1, 1)

    (cnt,) = _sc_cnt(dstp, z_d, ones)
    (agg1,) = _sc_agg(x, srcp, dstp, z_d)
    h1 = _tc_layer(x, agg1, cnt, Wl1, bl1r, Wr1)
    (agg2,) = _sc_agg(h1, srcp, dstp, z_d)
    h2 = _tc_layer(h1, agg2, cnt, Wl2, bl2r, Wr2)
    (agg3,) = _sc_agg(h2, srcp, dstp, z_d)
    return _tc_final(h2, agg3, cnt, Wl3, bl3r, Wr3, Wo, bor)

# --- scband reference (transcript-rebuilt; emitter-appended) ---
"""Pipeline reference for scband-lattice-graph-sage-28527172780199 (READ-ONLY COPY).

The authoritative reference and input builder live on the scoring server;
editing this copy changes nothing except your own understanding.
"""

import jax, jax.numpy as jnp
import numpy as np

N_NODES = 10000
N_EDGES = 320000
D_IN = 128
D_HID = 128

def setup_inputs(seed: int = 0) -> dict:
    key = jax.random.key(seed)
    ks = jax.random.split(key, 16)
    x = jax.random.normal(ks[0], (N_NODES, D_IN), dtype=jnp.float32)
    edge_index = jax.random.randint(ks[1], (2, N_EDGES), 0, N_NODES, dtype=jnp.int64)
    def lin(k, fan_in, fan_out):
        bound = 1.0 / np.sqrt(fan_in)
        return jax.random.uniform(k, (fan_in, fan_out), dtype=jnp.float32, minval=-bound, maxval=bound)
    Wl1 = lin(ks[2], D_IN, D_HID); bl1 = jnp.zeros((D_HID,), jnp.float32); Wr1 = lin(ks[3], D_IN, D_HID)
    Wl2 = lin(ks[4], D_HID, D_HID); bl2 = jnp.zeros((D_HID,), jnp.float32); Wr2 = lin(ks[5], D_HID, D_HID)
    Wl3 = lin(ks[6], D_HID, D_HID); bl3 = jnp.zeros((D_HID,), jnp.float32); Wr3 = lin(ks[7], D_HID, D_HID)
    Wo = lin(ks[8], D_HID, 1); bo = jnp.zeros((1,), jnp.float32)
    return {"x": x, "edge_index": edge_index, "Wl1": Wl1, "bl1": bl1, "Wr1": Wr1,
            "Wl2": Wl2, "bl2": bl2, "Wr2": Wr2, "Wl3": Wl3, "bl3": bl3, "Wr3": Wr3,
            "Wo": Wo, "bo": bo}

def _sage_conv(x, src, dst, Wl, bl, Wr):
    msg = jnp.take(x, src, axis=0)
    agg = jax.ops.segment_sum(msg, dst, num_segments=N_NODES)
    cnt = jax.ops.segment_sum(jnp.ones((src.shape[0],), jnp.float32), dst, num_segments=N_NODES)
    mean = agg / jnp.clip(cnt, 1.0, None)[:, None]
    return mean @ Wl + bl + x @ Wr

def reference(x, edge_index, Wl1, bl1, Wr1, Wl2, bl2, Wr2, Wl3, bl3, Wr3, Wo, bo):
    src = edge_index[0]
    dst = edge_index[1]
    h = x
    h = jax.nn.leaky_relu(_sage_conv(h, src, dst, Wl1, bl1, Wr1), negative_slope=0.01)
    h = jax.nn.leaky_relu(_sage_conv(h, src, dst, Wl2, bl2, Wr2), negative_slope=0.01)
    h = jax.nn.leaky_relu(_sage_conv(h, src, dst, Wl3, bl3, Wr3), negative_slope=0.01)
    return h @ Wo + bo

if __name__ == "__main__":
    import jax
    _d = setup_inputs()
    print(jax.jit(kernel)(*tuple(_d.values())))

</pallas_src>

<mosaic_0001>
#map = affine_map<(d0, d1) -> (0, 0)>
#map1 = affine_map<(d0, d1) -> (0)>
#map2 = affine_map<(d0, d1) -> (0, 0, 0)>
module attributes {stable_mosaic.version = 14 : i64} {
  func.func @body(%arg0: i32, %arg1: i32, %arg2: memref<10000x128xf32, #tpu.memory_space<hbm>>, %arg3: memref<327680xi32, #tpu.memory_space<hbm>>, %arg4: memref<327680xi32, #tpu.memory_space<hbm>>, %arg5: memref<128x128xf32, #tpu.memory_space<hbm>>, %arg6: memref<2x10000x128xf32, #tpu.memory_space<hbm>>, %arg7: memref<128xi32, #tpu.memory_space<vmem>>, %arg8: memref<128xi32, #tpu.memory_space<vmem>>, %arg9: memref<128xi32, #tpu.memory_space<vmem>>, %arg10: memref<128xi32, #tpu.memory_space<vmem>>, %arg11: memref<128xi32, #tpu.memory_space<vmem>>, %arg12: memref<128xi32, #tpu.memory_space<vmem>>, %arg13: memref<128x128xf32, #tpu.memory_space<vmem>>, %arg14: memref<128x128xf32, #tpu.memory_space<vmem>>, %arg15: memref<128x128xf32, #tpu.memory_space<vmem>>, %arg16: memref<10008x128xf32, #tpu.memory_space<vmem_shared>>, %arg17: memref<!tpu.dma_semaphore, #tpu.memory_space<semaphore_mem>>, %arg18: memref<!tpu.dma_semaphore, #tpu.memory_space<semaphore_mem>>, %arg19: memref<!tpu.dma_semaphore, #tpu.memory_space<semaphore_mem>>, %arg20: memref<!tpu.dma_semaphore, #tpu.memory_space<semaphore_mem>>, %arg21: memref<!tpu.dma_semaphore, #tpu.memory_space<semaphore_mem>>, %arg22: memref<!tpu.dma_semaphore, #tpu.memory_space<semaphore_mem>>) attributes {dimension_semantics = [#tpu.dimension_semantics<core_parallel>, #tpu.dimension_semantics<subcore_parallel>], iteration_bounds = array<i64: 2, 16>, scalar_prefetch = 0 : i64, scratch_operands = 16 : i64, tpu.core_type = #tpu.core_type<sc_vector_subcore>, window_params = [{transform_indices = #map}, {transform_indices = #map1}, {transform_indices = #map1}, {transform_indices = #map}, {transform_indices = #map2}]} {
    %mul3A = arith.constant 16 : i32
    %mul3A_0 = arith.muli %arg0, %mul3A : i32
    %add3A = arith.addi %mul3A_0, %arg1 : i32
    %mul3A_1 = arith.constant 80 : i32
    %mul3A_2 = arith.muli %add3A, %mul3A_1 : i32
    %mul3A_3 = arith.constant 128 : i32
    %mul3A_4 = arith.muli %mul3A_2, %mul3A_3 : i32
    %mul3A_5 = arith.constant 624 : i32
    %mul3A_6 = arith.muli %arg1, %mul3A_5 : i32
    %multiple_of3A = tpu.assume_multiple %mul3A_6, 8 : i32
    "tpu.region"() ({
      %run_scoped3A = tpu.sem_alloc : memref<!tpu.dma_semaphore, #tpu.memory_space<semaphore_mem>>
      tpu.enqueue_dma source(%arg5 : memref<128x128xf32, #tpu.memory_space<hbm>>) target(%arg13 : memref<128x128xf32, #tpu.memory_space<vmem>>) target_semaphore(%run_scoped3A : memref<!tpu.dma_semaphore, #tpu.memory_space<semaphore_mem>>)
      tpu.wait_dma2 semaphore(%run_scoped3A : memref<!tpu.dma_semaphore, #tpu.memory_space<semaphore_mem>>) src(%arg5 : memref<128x128xf32, #tpu.memory_space<hbm>>) dst(%arg13 : memref<128x128xf32, #tpu.memory_space<vmem>>)
      tpu.yield
    }) : () -> ()
    %add3A_7 = arith.constant 0 : i32
    %add3A_8 = arith.addi %multiple_of3A, %add3A_7 : i32
    %multiple_of3A_9 = tpu.assume_multiple %add3A_8, 8 : i32
    "tpu.region"() ({
      %run_scoped3A = tpu.sem_alloc : memref<!tpu.dma_semaphore, #tpu.memory_space<semaphore_mem>>
      %dma_start3A_59 = arith.constant 0 : i32
      %dma_start3A_60 = tpu.memref_slice %arg16[%multiple_of3A_9, %dma_start3A_59] : memref<10008x128xf32, #tpu.memory_space<vmem_shared>> -> memref<128x128xf32, #tpu.memory_space<vmem_shared>>
      %dma_start3A_61 = arith.constant 0 : i32
      %dma_start3A_62 = tpu.memref_slice %arg16[%multiple_of3A_9, %dma_start3A_61] : memref<10008x128xf32, #tpu.memory_space<vmem_shared>> -> memref<128x128xf32, #tpu.memory_space<vmem_shared>>
      tpu.enqueue_dma source(%arg13 : memref<128x128xf32, #tpu.memory_space<vmem>>) target(%dma_start3A_62 : memref<128x128xf32, #tpu.memory_space<vmem_shared>>) target_semaphore(%run_scoped3A : memref<!tpu.dma_semaphore, #tpu.memory_space<semaphore_mem>>)
      %dma_wait3A = arith.constant 0 : i32
      %dma_wait3A_63 = tpu.memref_slice %arg16[%multiple_of3A_9, %dma_wait3A] : memref<10008x128xf32, #tpu.memory_space<vmem_shared>> -> memref<128x128xf32, #tpu.memory_space<vmem_shared>>
      %dma_wait3A_64 = arith.constant 0 : i32
      %dma_wait3A_65 = tpu.memref_slice %arg16[%multiple_of3A_9, %dma_wait3A_64] : memref<10008x128xf32, #tpu.memory_space<vmem_shared>> -> memref<128x128xf32, #tpu.memory_space<vmem_shared>>
      tpu.wait_dma2 semaphore(%run_scoped3A : memref<!tpu.dma_semaphore, #tpu.memory_space<semaphore_mem>>) src(%arg13 : memref<128x128xf32, #tpu.memory_space<vmem>>) dst(%dma_wait3A_65 : memref<128x128xf32, #tpu.memory_space<vmem_shared>>)
      tpu.yield
    }) : () -> ()
    %add3A_10 = arith.constant 128 : i32
    %add3A_11 = arith.addi %multiple_of3A, %add3A_10 : i32
    %multiple_of3A_12 = tpu.assume_multiple %add3A_11, 8 : i32
    "tpu.region"() ({
      %run_scoped3A = tpu.sem_alloc : memref<!tpu.dma_semaphore, #tpu.memory_space<semaphore_mem>>
      %dma_start3A_59 = arith.constant 0 : i32
      %dma_start3A_60 = tpu.memref_slice %arg16[%multiple_of3A_12, %dma_start3A_59] : memref<10008x128xf32, #tpu.memory_space<vmem_shared>> -> memref<128x128xf32, #tpu.memory_space<vmem_shared>>
      %dma_start3A_61 = arith.constant 0 : i32
      %dma_start3A_62 = tpu.memref_slice %arg16[%multiple_of3A_12, %dma_start3A_61] : memref<10008x128xf32, #tpu.memory_space<vmem_shared>> -> memref<128x128xf32, #tpu.memory_space<vmem_shared>>
      tpu.enqueue_dma source(%arg13 : memref<128x128xf32, #tpu.memory_space<vmem>>) target(%dma_start3A_62 : memref<128x128xf32, #tpu.memory_space<vmem_shared>>) target_semaphore(%run_scoped3A : memref<!tpu.dma_semaphore, #tpu.memory_space<semaphore_mem>>)
      %dma_wait3A = arith.constant 0 : i32
      %dma_wait3A_63 = tpu.memref_slice %arg16[%multiple_of3A_12, %dma_wait3A] : memref<10008x128xf32, #tpu.memory_space<vmem_shared>> -> memref<128x128xf32, #tpu.memory_space<vmem_shared>>
      %dma_wait3A_64 = arith.constant 0 : i32
      %dma_wait3A_65 = tpu.memref_slice %arg16[%multiple_of3A_12, %dma_wait3A_64] : memref<10008x128xf32, #tpu.memory_space<vmem_shared>> -> memref<128x128xf32, #tpu.memory_space<vmem_shared>>
      tpu.wait_dma2 semaphore(%run_scoped3A : memref<!tpu.dma_semaphore, #tpu.memory_space<semaphore_mem>>) src(%arg13 : memref<128x128xf32, #tpu.memory_space<vmem>>) dst(%dma_wait3A_65 : memref<128x128xf32, #tpu.memory_space<vmem_shared>>)
      tpu.yield
    }) : () -> ()
    %add3A_13 = arith.constant 256 : i32
    %add3A_14 = arith.addi %multiple_of3A, %add3A_13 : i32
    %multiple_of3A_15 = tpu.assume_multiple %add3A_14, 8 : i32
    "tpu.region"() ({
      %run_scoped3A = tpu.sem_alloc : memref<!tpu.dma_semaphore, #tpu.memory_space<semaphore_mem>>
      %dma_start3A_59 = arith.constant 0 : i32
      %dma_start3A_60 = tpu.memref_slice %arg16[%multiple_of3A_15, %dma_start3A_59] : memref<10008x128xf32, #tpu.memory_space<vmem_shared>> -> memref<128x128xf32, #tpu.memory_space<vmem_shared>>
      %dma_start3A_61 = arith.constant 0 : i32
      %dma_start3A_62 = tpu.memref_slice %arg16[%multiple_of3A_15, %dma_start3A_61] : memref<10008x128xf32, #tpu.memory_space<vmem_shared>> -> memref<128x128xf32, #tpu.memory_space<vmem_shared>>
      tpu.enqueue_dma source(%arg13 : memref<128x128xf32, #tpu.memory_space<vmem>>) target(%dma_start3A_62 : memref<128x128xf32, #tpu.memory_space<vmem_shared>>) target_semaphore(%run_scoped3A : memref<!tpu.dma_semaphore, #tpu.memory_space<semaphore_mem>>)
      %dma_wait3A = arith.constant 0 : i32
      %dma_wait3A_63 = tpu.memref_slice %arg16[%multiple_of3A_15, %dma_wait3A] : memref<10008x128xf32, #tpu.memory_space<vmem_shared>> -> memref<128x128xf32, #tpu.memory_space<vmem_shared>>
      %dma_wait3A_64 = arith.constant 0 : i32
      %dma_wait3A_65 = tpu.memref_slice %arg16[%multiple_of3A_15, %dma_wait3A_64] : memref<10008x128xf32, #tpu.memory_space<vmem_shared>> -> memref<128x128xf32, #tpu.memory_space<vmem_shared>>
      tpu.wait_dma2 semaphore(%run_scoped3A : memref<!tpu.dma_semaphore, #tpu.memory_space<semaphore_mem>>) src(%arg13 : memref<128x128xf32, #tpu.memory_space<vmem>>) dst(%dma_wait3A_65 : memref<128x128xf32, #tpu.memory_space<vmem_shared>>)
      tpu.yield
    }) : () -> ()
    %add3A_16 = arith.constant 384 : i32
    %add3A_17 = arith.addi %multiple_of3A, %add3A_16 : i32
    %multiple_of3A_18 = tpu.assume_multiple %add3A_17, 8 : i32
    "tpu.region"() ({
      %run_scoped3A = tpu.sem_alloc : memref<!tpu.dma_semaphore, #tpu.memory_space<semaphore_mem>>
      %dma_start3A_59 = arith.constant 0 : i32
      %dma_start3A_60 = tpu.memref_slice %arg16[%multiple_of3A_18, %dma_start3A_59] : memref<10008x128xf32, #tpu.memory_space<vmem_shared>> -> memref<128x128xf32, #tpu.memory_space<vmem_shared>>
      %dma_start3A_61 = arith.constant 0 : i32
      %dma_start3A_62 = tpu.memref_slice %arg16[%multiple_of3A_18, %dma_start3A_61] : memref<10008x128xf32, #tpu.memory_space<vmem_shared>> -> memref<128x128xf32, #tpu.memory_space<vmem_shared>>
      tpu.enqueue_dma source(%arg13 : memref<128x128xf32, #tpu.memory_space<vmem>>) target(%dma_start3A_62 : memref<128x128xf32, #tpu.memory_space<vmem_shared>>) target_semaphore(%run_scoped3A : memref<!tpu.dma_semaphore, #tpu.memory_space<semaphore_mem>>)
      %dma_wait3A = arith.constant 0 : i32
      %dma_wait3A_63 = tpu.memref_slice %arg16[%multiple_of3A_18, %dma_wait3A] : memref<10008x128xf32, #tpu.memory_space<vmem_shared>> -> memref<128x128xf32, #tpu.memory_space<vmem_shared>>
      %dma_wait3A_64 = arith.constant 0 : i32
      %dma_wait3A_65 = tpu.memref_slice %arg16[%multiple_of3A_18, %dma_wait3A_64] : memref<10008x128xf32, #tpu.memory_space<vmem_shared>> -> memref<128x128xf32, #tpu.memory_space<vmem_shared>>
      tpu.wait_dma2 semaphore(%run_scoped3A : memref<!tpu.dma_semaphore, #tpu.memory_space<semaphore_mem>>) src(%arg13 : memref<128x128xf32, #tpu.memory_space<vmem>>) dst(%dma_wait3A_65 : memref<128x128xf32, #tpu.memory_space<vmem_shared>>)
      tpu.yield
    }) : () -> ()
    %add3A_19 = arith.constant 512 : i32
    %add3A_20 = arith.addi %multiple_of3A, %add3A_19 : i32
    %multiple_of3A_21 = tpu.assume_multiple %add3A_20, 8 : i32
    "tpu.region"() ({
      %run_scoped3A = tpu.sem_alloc : memref<!tpu.dma_semaphore, #tpu.memory_space<semaphore_mem>>
      %dma_start3A_59 = arith.constant 0 : i32
      %dma_start3A_60 = tpu.memref_slice %arg16[%multiple_of3A_21, %dma_start3A_59] : memref<10008x128xf32, #tpu.memory_space<vmem_shared>> -> memref<128x128xf32, #tpu.memory_space<vmem_shared>>
      %dma_start3A_61 = arith.constant 0 : i32
      %dma_start3A_62 = tpu.memref_slice %arg16[%multiple_of3A_21, %dma_start3A_61] : memref<10008x128xf32, #tpu.memory_space<vmem_shared>> -> memref<128x128xf32, #tpu.memory_space<vmem_shared>>
      tpu.enqueue_dma source(%arg13 : memref<128x128xf32, #tpu.memory_space<vmem>>) target(%dma_start3A_62 : memref<128x128xf32, #tpu.memory_space<vmem_shared>>) target_semaphore(%run_scoped3A : memref<!tpu.dma_semaphore, #tpu.memory_space<semaphore_mem>>)
      %dma_wait3A = arith.constant 0 : i32
      %dma_wait3A_63 = tpu.memref_slice %arg16[%multiple_of3A_21, %dma_wait3A] : memref<10008x128xf32, #tpu.memory_space<vmem_shared>> -> memref<128x128xf32, #tpu.memory_space<vmem_shared>>
      %dma_wait3A_64 = arith.constant 0 : i32
      %dma_wait3A_65 = tpu.memref_slice %arg16[%multiple_of3A_21, %dma_wait3A_64] : memref<10008x128xf32, #tpu.memory_space<vmem_shared>> -> memref<128x128xf32, #tpu.memory_space<vmem_shared>>
      tpu.wait_dma2 semaphore(%run_scoped3A : memref<!tpu.dma_semaphore, #tpu.memory_space<semaphore_mem>>) src(%arg13 : memref<128x128xf32, #tpu.memory_space<vmem>>) dst(%dma_wait3A_65 : memref<128x128xf32, #tpu.memory_space<vmem_shared>>)
      tpu.yield
    }) : () -> ()
    %barrier3A = arith.constant 0 : index
    tpu.barrier barrier_id(%barrier3A)
    %add3A_22 = arith.constant 0 : i32
    %add3A_23 = arith.addi %mul3A_4, %add3A_22 : i32
    %multiple_of3A_24 = tpu.assume_multiple %add3A_23, 8 : i32
    "tpu.region"() ({
      %run_scoped3A = tpu.sem_alloc : memref<!tpu.dma_semaphore, #tpu.memory_space<semaphore_mem>>
      %dma_start3A_59 = tpu.memref_slice %arg3[%multiple_of3A_24] : memref<327680xi32, #tpu.memory_space<hbm>> -> memref<128xi32, #tpu.memory_space<hbm>>
      %dma_start3A_60 = tpu.memref_slice %arg3[%multiple_of3A_24] : memref<327680xi32, #tpu.memory_space<hbm>> -> memref<128xi32, #tpu.memory_space<hbm>>
      tpu.enqueue_dma source(%dma_start3A_60 : memref<128xi32, #tpu.memory_space<hbm>>) target(%arg7 : memref<128xi32, #tpu.memory_space<vmem>>) target_semaphore(%run_scoped3A : memref<!tpu.dma_semaphore, #tpu.memory_space<semaphore_mem>>)
      %dma_wait3A = tpu.memref_slice %arg3[%multiple_of3A_24] : memref<327680xi32, #tpu.memory_space<hbm>> -> memref<128xi32, #tpu.memory_space<hbm>>
      %dma_wait3A_61 = tpu.memref_slice %arg3[%multiple_of3A_24] : memref<327680xi32, #tpu.memory_space<hbm>> -> memref<128xi32, #tpu.memory_space<hbm>>
      tpu.wait_dma2 semaphore(%run_scoped3A : memref<!tpu.dma_semaphore, #tpu.memory_space<semaphore_mem>>) src(%dma_wait3A_61 : memref<128xi32, #tpu.memory_space<hbm>>) dst(%arg7 : memref<128xi32, #tpu.memory_space<vmem>>)
      tpu.yield
    }) : () -> ()
    %dma_start3A = arith.constant 0 : i32
    %dma_start3A_25 = arith.constant 0 : i32
    %dma_start3A_26 = tpu.memref_slice %arg2[%dma_start3A, %dma_start3A_25] : memref<10000x128xf32, #tpu.memory_space<hbm>> -> memref<10000x128xf32, #tpu.memory_space<hbm>>
    tpu.enqueue_indirect_dma source(%dma_start3A_26 : memref<10000x128xf32, #tpu.memory_space<hbm>>) target(%arg13 : memref<128x128xf32, #tpu.memory_space<vmem>>) offsets(%arg7 : memref<128xi32, #tpu.memory_space<vmem>>) semaphore(%arg17 : memref<!tpu.dma_semaphore, #tpu.memory_space<semaphore_mem>>)
    %add3A_27 = arith.constant 128 : i32
    %add3A_28 = arith.addi %mul3A_4, %add3A_27 : i32
    %multiple_of3A_29 = tpu.assume_multiple %add3A_28, 8 : i32
    "tpu.region"() ({
      %run_scoped3A = tpu.sem_alloc : memref<!tpu.dma_semaphore, #tpu.memory_space<semaphore_mem>>
      %dma_start3A_59 = tpu.memref_slice %arg3[%multiple_of3A_29] : memref<327680xi32, #tpu.memory_space<hbm>> -> memref<128xi32, #tpu.memory_space<hbm>>
      %dma_start3A_60 = tpu.memref_slice %arg3[%multiple_of3A_29] : memref<327680xi32, #tpu.memory_space<hbm>> -> memref<128xi32, #tpu.memory_space<hbm>>
      tpu.enqueue_dma source(%dma_start3A_60 : memref<128xi32, #tpu.memory_space<hbm>>) target(%arg8 : memref<128xi32, #tpu.memory_space<vmem>>) target_semaphore(%run_scoped3A : memref<!tpu.dma_semaphore, #tpu.memory_space<semaphore_mem>>)
      %dma_wait3A = tpu.memref_slice %arg3[%multiple_of3A_29] : memref<327680xi32, #tpu.memory_space<hbm>> -> memref<128xi32, #tpu.memory_space<hbm>>
      %dma_wait3A_61 = tpu.memref_slice %arg3[%multiple_of3A_29] : memref<327680xi32, #tpu.memory_space<hbm>> -> memref<128xi32, #tpu.memory_space<hbm>>
      tpu.wait_dma2 semaphore(%run_scoped3A : memref<!tpu.dma_semaphore, #tpu.memory_space<semaphore_mem>>) src(%dma_wait3A_61 : memref<128xi32, #tpu.memory_space<hbm>>) dst(%arg8 : memref<128xi32, #tpu.memory_space<vmem>>)
      tpu.yield
    }) : () -> ()
    %dma_start3A_30 = arith.constant 0 : i32
    %dma_start3A_31 = arith.constant 0 : i32
    %dma_start3A_32 = tpu.memref_slice %arg2[%dma_start3A_30, %dma_start3A_31] : memref<10000x128xf32, #tpu.memory_space<hbm>> -> memref<10000x128xf32, #tpu.memory_space<hbm>>
    tpu.enqueue_indirect_dma source(%dma_start3A_32 : memref<10000x128xf32, #tpu.memory_space<hbm>>) target(%arg14 : memref<128x128xf32, #tpu.memory_space<vmem>>) offsets(%arg8 : memref<128xi32, #tpu.memory_space<vmem>>) semaphore(%arg18 : memref<!tpu.dma_semaphore, #tpu.memory_space<semaphore_mem>>)
    %add3A_33 = arith.constant 256 : i32
    %add3A_34 = arith.addi %mul3A_4, %add3A_33 : i32
    %multiple_of3A_35 = tpu.assume_multiple %add3A_34, 8 : i32
    "tpu.region"() ({
      %run_scoped3A = tpu.sem_alloc : memref<!tpu.dma_semaphore, #tpu.memory_space<semaphore_mem>>
      %dma_start3A_59 = tpu.memref_slice %arg3[%multiple_of3A_35] : memref<327680xi32, #tpu.memory_space<hbm>> -> memref<128xi32, #tpu.memory_space<hbm>>
      %dma_start3A_60 = tpu.memref_slice %arg3[%multiple_of3A_35] : memref<327680xi32, #tpu.memory_space<hbm>> -> memref<128xi32, #tpu.memory_space<hbm>>
      tpu.enqueue_dma source(%dma_start3A_60 : memref<128xi32, #tpu.memory_space<hbm>>) target(%arg9 : memref<128xi32, #tpu.memory_space<vmem>>) target_semaphore(%run_scoped3A : memref<!tpu.dma_semaphore, #tpu.memory_space<semaphore_mem>>)
      %dma_wait3A = tpu.memref_slice %arg3[%multiple_of3A_35] : memref<327680xi32, #tpu.memory_space<hbm>> -> memref<128xi32, #tpu.memory_space<hbm>>
      %dma_wait3A_61 = tpu.memref_slice %arg3[%multiple_of3A_35] : memref<327680xi32, #tpu.memory_space<hbm>> -> memref<128xi32, #tpu.memory_space<hbm>>
      tpu.wait_dma2 semaphore(%run_scoped3A : memref<!tpu.dma_semaphore, #tpu.memory_space<semaphore_mem>>) src(%dma_wait3A_61 : memref<128xi32, #tpu.memory_space<hbm>>) dst(%arg9 : memref<128xi32, #tpu.memory_space<vmem>>)
      tpu.yield
    }) : () -> ()
    %dma_start3A_36 = arith.constant 0 : i32
    %dma_start3A_37 = arith.constant 0 : i32
    %dma_start3A_38 = tpu.memref_slice %arg2[%dma_start3A_36, %dma_start3A_37] : memref<10000x128xf32, #tpu.memory_space<hbm>> -> memref<10000x128xf32, #tpu.memory_space<hbm>>
    tpu.enqueue_indirect_dma source(%dma_start3A_38 : memref<10000x128xf32, #tpu.memory_space<hbm>>) target(%arg15 : memref<128x128xf32, #tpu.memory_space<vmem>>) offsets(%arg9 : memref<128xi32, #tpu.memory_space<vmem>>) semaphore(%arg19 : memref<!tpu.dma_semaphore, #tpu.memory_space<semaphore_mem>>)
    %scan3A = arith.constant 0 : i32
    %scan3A_39 = arith.constant 27 : i32
    %scan3A_40 = arith.addi %scan3A, %scan3A_39 : i32
    %scan3A_41 = arith.constant 1 : i32
    scf.for %scan3A_59 = %scan3A to %scan3A_40 step %scan3A_41  : i32 {
      %mul3A_60 = arith.constant 3 : i32
      %mul3A_61 = arith.muli %scan3A_59, %mul3A_60 : i32
      %add3A_62 = arith.constant 0 : i32
      %add3A_63 = arith.addi %add3A_62, %mul3A_61 : i32
      %add3A_64 = arith.constant 0 : i32
      %add3A_65 = arith.addi %add3A_63, %add3A_64 : i32
      %lt3A = arith.constant 80 : i32
      %lt3A_66 = arith.cmpi slt, %add3A_65, %lt3A : i32
      %convert_element_type3A = arith.extui %lt3A_66 : i1 to i32
      %cond3A = arith.constant 0 : i32
      %cond3A_67 = arith.cmpi ne, %convert_element_type3A, %cond3A : i32
      scf.if %cond3A_67 {
        %add3A_103 = arith.constant 0 : i32
        %add3A_104 = arith.addi %add3A_63, %add3A_103 : i32
        %dma_wait3A = arith.constant 0 : i32
        %dma_wait3A_105 = arith.constant 0 : i32
        %dma_wait3A_106 = tpu.memref_slice %arg2[%dma_wait3A, %dma_wait3A_105] : memref<10000x128xf32, #tpu.memory_space<hbm>> -> memref<10000x128xf32, #tpu.memory_space<hbm>>
        tpu.wait_indirect_dma semaphore(%arg17 : memref<!tpu.dma_semaphore, #tpu.memory_space<semaphore_mem>>) src(%dma_wait3A_106 : memref<10000x128xf32, #tpu.memory_space<hbm>>) dst(%arg13 : memref<128x128xf32, #tpu.memory_space<vmem>>)
        %add3A_107 = arith.constant 0 : i32
        %add3A_108 = arith.addi %add3A_63, %add3A_107 : i32
        %mul3A_109 = arith.constant 128 : i32
        %mul3A_110 = arith.muli %add3A_108, %mul3A_109 : i32
        %add3A_111 = arith.addi %mul3A_4, %mul3A_110 : i32
        %multiple_of3A_112 = tpu.assume_multiple %add3A_111, 8 : i32
        "tpu.region"() ({
          %run_scoped3A = tpu.sem_alloc : memref<!tpu.dma_semaphore, #tpu.memory_space<semaphore_mem>>
          %dma_start3A_116 = tpu.memref_slice %arg4[%multiple_of3A_112] : memref<327680xi32, #tpu.memory_space<hbm>> -> memref<128xi32, #tpu.memory_space<hbm>>
          %dma_start3A_117 = tpu.memref_slice %arg4[%multiple_of3A_112] : memref<327680xi32, #tpu.memory_space<hbm>> -> memref<128xi32, #tpu.memory_space<hbm>>
          tpu.enqueue_dma source(%dma_start3A_117 : memref<128xi32, #tpu.memory_space<hbm>>) target(%arg10 : memref<128xi32, #tpu.memory_space<vmem>>) target_semaphore(%run_scoped3A : memref<!tpu.dma_semaphore, #tpu.memory_space<semaphore_mem>>)
          %dma_wait3A_118 = tpu.memref_slice %arg4[%multiple_of3A_112] : memref<327680xi32, #tpu.memory_space<hbm>> -> memref<128xi32, #tpu.memory_space<hbm>>
          %dma_wait3A_119 = tpu.memref_slice %arg4[%multiple_of3A_112] : memref<327680xi32, #tpu.memory_space<hbm>> -> memref<128xi32, #tpu.memory_space<hbm>>
          tpu.wait_dma2 semaphore(%run_scoped3A : memref<!tpu.dma_semaphore, #tpu.memory_space<semaphore_mem>>) src(%dma_wait3A_119 : memref<128xi32, #tpu.memory_space<hbm>>) dst(%arg10 : memref<128xi32, #tpu.memory_space<vmem>>)
          tpu.yield
        }) : () -> ()
        %dma_start3A_113 = arith.constant 0 : i32
        %dma_start3A_114 = arith.constant 0 : i32
        %dma_start3A_115 = tpu.memref_slice %arg16[%dma_start3A_113, %dma_start3A_114] : memref<10008x128xf32, #tpu.memory_space<vmem_shared>> -> memref<10008x128xf32, #tpu.memory_space<vmem_shared>>
        tpu.enqueue_indirect_dma source(%arg13 : memref<128x128xf32, #tpu.memory_space<vmem>>) target(%dma_start3A_115 : memref<10008x128xf32, #tpu.memory_space<vmem_shared>>) offsets(%arg10 : memref<128xi32, #tpu.memory_space<vmem>>) semaphore(%arg20 : memref<!tpu.dma_semaphore, #tpu.memory_space<semaphore_mem>>) {add = true}
      } else {
      }
      %add3A_68 = arith.constant 1 : i32
      %add3A_69 = arith.addi %add3A_63, %add3A_68 : i32
      %lt3A_70 = arith.constant 80 : i32
      %lt3A_71 = arith.cmpi slt, %add3A_69, %lt3A_70 : i32
      %convert_element_type3A_72 = arith.extui %lt3A_71 : i1 to i32
      %cond3A_73 = arith.constant 0 : i32
      %cond3A_74 = arith.cmpi ne, %convert_element_type3A_72, %cond3A_73 : i32
      scf.if %cond3A_74 {
        %add3A_103 = arith.constant 1 : i32
        %add3A_104 = arith.addi %add3A_63, %add3A_103 : i32
        %dma_wait3A = arith.constant 0 : i32
        %dma_wait3A_105 = arith.constant 0 : i32
        %dma_wait3A_106 = tpu.memref_slice %arg2[%dma_wait3A, %dma_wait3A_105] : memref<10000x128xf32, #tpu.memory_space<hbm>> -> memref<10000x128xf32, #tpu.memory_space<hbm>>
        tpu.wait_indirect_dma semaphore(%arg18 : memref<!tpu.dma_semaphore, #tpu.memory_space<semaphore_mem>>) src(%dma_wait3A_106 : memref<10000x128xf32, #tpu.memory_space<hbm>>) dst(%arg14 : memref<128x128xf32, #tpu.memory_space<vmem>>)
        %add3A_107 = arith.constant 1 : i32
        %add3A_108 = arith.addi %add3A_63, %add3A_107 : i32
        %mul3A_109 = arith.constant 128 : i32
        %mul3A_110 = arith.muli %add3A_108, %mul3A_109 : i32
        %add3A_111 = arith.addi %mul3A_4, %mul3A_110 : i32
        %multiple_of3A_112 = tpu.assume_multiple %add3A_111, 8 : i32
        "tpu.region"() ({
          %run_scoped3A = tpu.sem_alloc : memref<!tpu.dma_semaphore, #tpu.memory_space<semaphore_mem>>
          %dma_start3A_116 = tpu.memref_slice %arg4[%multiple_of3A_112] : memref<327680xi32, #tpu.memory_space<hbm>> -> memref<128xi32, #tpu.memory_space<hbm>>
          %dma_start3A_117 = tpu.memref_slice %arg4[%multiple_of3A_112] : memref<327680xi32, #tpu.memory_space<hbm>> -> memref<128xi32, #tpu.memory_space<hbm>>
          tpu.enqueue_dma source(%dma_start3A_117 : memref<128xi32, #tpu.memory_space<hbm>>) target(%arg11 : memref<128xi32, #tpu.memory_space<vmem>>) target_semaphore(%run_scoped3A : memref<!tpu.dma_semaphore, #tpu.memory_space<semaphore_mem>>)
          %dma_wait3A_118 = tpu.memref_slice %arg4[%multiple_of3A_112] : memref<327680xi32, #tpu.memory_space<hbm>> -> memref<128xi32, #tpu.memory_space<hbm>>
          %dma_wait3A_119 = tpu.memref_slice %arg4[%multiple_of3A_112] : memref<327680xi32, #tpu.memory_space<hbm>> -> memref<128xi32, #tpu.memory_space<hbm>>
          tpu.wait_dma2 semaphore(%run_scoped3A : memref<!tpu.dma_semaphore, #tpu.memory_space<semaphore_mem>>) src(%dma_wait3A_119 : memref<128xi32, #tpu.memory_space<hbm>>) dst(%arg11 : memref<128xi32, #tpu.memory_space<vmem>>)
          tpu.yield
        }) : () -> ()
        %dma_start3A_113 = arith.constant 0 : i32
        %dma_start3A_114 = arith.constant 0 : i32
        %dma_start3A_115 = tpu.memref_slice %arg16[%dma_start3A_113, %dma_start3A_114] : memref<10008x128xf32, #tpu.memory_space<vmem_shared>> -> memref<10008x128xf32, #tpu.memory_space<vmem_shared>>
        tpu.enqueue_indirect_dma source(%arg14 : memref<128x128xf32, #tpu.memory_space<vmem>>) target(%dma_start3A_115 : memref<10008x128xf32, #tpu.memory_space<vmem_shared>>) offsets(%arg11 : memref<128xi32, #tpu.memory_space<vmem>>) semaphore(%arg21 : memref<!tpu.dma_semaphore, #tpu.memory_space<semaphore_mem>>) {add = true}
      } else {
      }
      %add3A_75 = arith.constant 2 : i32
      %add3A_76 = arith.addi %add3A_63, %add3A_75 : i32
      %lt3A_77 = arith.constant 80 : i32
      %lt3A_78 = arith.cmpi slt, %add3A_76, %lt3A_77 : i32
      %convert_element_type3A_79 = arith.extui %lt3A_78 : i1 to i32
      %cond3A_80 = arith.constant 0 : i32
      %cond3A_81 = arith.cmpi ne, %convert_element_type3A_79, %cond3A_80 : i32
      scf.if %cond3A_81 {
        %add3A_103 = arith.constant 2 : i32
        %add3A_104 = arith.addi %add3A_63, %add3A_103 : i32
        %dma_wait3A = arith.constant 0 : i32
        %dma_wait3A_105 = arith.constant 0 : i32
        %dma_wait3A_106 = tpu.memref_slice %arg2[%dma_wait3A, %dma_wait3A_105] : memref<10000x128xf32, #tpu.memory_space<hbm>> -> memref<10000x128xf32, #tpu.memory_space<hbm>>
        tpu.wait_indirect_dma semaphore(%arg19 : memref<!tpu.dma_semaphore, #tpu.memory_space<semaphore_mem>>) src(%dma_wait3A_106 : memref<10000x128xf32, #tpu.memory_space<hbm>>) dst(%arg15 : memref<128x128xf32, #tpu.memory_space<vmem>>)
        %add3A_107 = arith.constant 2 : i32
        %add3A_108 = arith.addi %add3A_63, %add3A_107 : i32
        %mul3A_109 = arith.constant 128 : i32
        %mul3A_110 = arith.muli %add3A_108, %mul3A_109 : i32
        %add3A_111 = arith.addi %mul3A_4, %mul3A_110 : i32
        %multiple_of3A_112 = tpu.assume_multiple %add3A_111, 8 : i32
        "tpu.region"() ({
          %run_scoped3A = tpu.sem_alloc : memref<!tpu.dma_semaphore, #tpu.memory_space<semaphore_mem>>
          %dma_start3A_116 = tpu.memref_slice %arg4[%multiple_of3A_112] : memref<327680xi32, #tpu.memory_space<hbm>> -> memref<128xi32, #tpu.memory_space<hbm>>
          %dma_start3A_117 = tpu.memref_slice %arg4[%multiple_of3A_112] : memref<327680xi32, #tpu.memory_space<hbm>> -> memref<128xi32, #tpu.memory_space<hbm>>
          tpu.enqueue_dma source(%dma_start3A_117 : memref<128xi32, #tpu.memory_space<hbm>>) target(%arg12 : memref<128xi32, #tpu.memory_space<vmem>>) target_semaphore(%run_scoped3A : memref<!tpu.dma_semaphore, #tpu.memory_space<semaphore_mem>>)
          %dma_wait3A_118 = tpu.memref_slice %arg4[%multiple_of3A_112] : memref<327680xi32, #tpu.memory_space<hbm>> -> memref<128xi32, #tpu.memory_space<hbm>>
          %dma_wait3A_119 = tpu.memref_slice %arg4[%multiple_of3A_112] : memref<327680xi32, #tpu.memory_space<hbm>> -> memref<128xi32, #tpu.memory_space<hbm>>
          tpu.wait_dma2 semaphore(%run_scoped3A : memref<!tpu.dma_semaphore, #tpu.memory_space<semaphore_mem>>) src(%dma_wait3A_119 : memref<128xi32, #tpu.memory_space<hbm>>) dst(%arg12 : memref<128xi32, #tpu.memory_space<vmem>>)
          tpu.yield
        }) : () -> ()
        %dma_start3A_113 = arith.constant 0 : i32
        %dma_start3A_114 = arith.constant 0 : i32
        %dma_start3A_115 = tpu.memref_slice %arg16[%dma_start3A_113, %dma_start3A_114] : memref<10008x128xf32, #tpu.memory_space<vmem_shared>> -> memref<10008x128xf32, #tpu.memory_space<vmem_shared>>
        tpu.enqueue_indirect_dma source(%arg15 : memref<128x128xf32, #tpu.memory_space<vmem>>) target(%dma_start3A_115 : memref<10008x128xf32, #tpu.memory_space<vmem_shared>>) offsets(%arg12 : memref<128xi32, #tpu.memory_space<vmem>>) semaphore(%arg22 : memref<!tpu.dma_semaphore, #tpu.memory_space<semaphore_mem>>) {add = true}
      } else {
      }
      %add3A_82 = arith.constant 0 : i32
      %add3A_83 = arith.addi %add3A_63, %add3A_82 : i32
      %lt3A_84 = arith.constant 80 : i32
      %lt3A_85 = arith.cmpi slt, %add3A_83, %lt3A_84 : i32
      %convert_element_type3A_86 = arith.extui %lt3A_85 : i1 to i32
      %cond3A_87 = arith.constant 0 : i32
      %cond3A_88 = arith.cmpi ne, %convert_element_type3A_86, %cond3A_87 : i32
      scf.if %cond3A_88 {
        %dma_wait3A = arith.constant 0 : i32
        %dma_wait3A_103 = arith.constant 0 : i32
        %dma_wait3A_104 = tpu.memref_slice %arg16[%dma_wait3A, %dma_wait3A_103] : memref<10008x128xf32, #tpu.memory_space<vmem_shared>> -> memref<10008x128xf32, #tpu.memory_space<vmem_shared>>
        tpu.wait_indirect_dma semaphore(%arg20 : memref<!tpu.dma_semaphore, #tpu.memory_space<semaphore_mem>>) src(%arg13 : memref<128x128xf32, #tpu.memory_space<vmem>>) dst(%dma_wait3A_104 : memref<10008x128xf32, #tpu.memory_space<vmem_shared>>)
        %add3A_105 = arith.constant 3 : i32
        %add3A_106 = arith.addi %add3A_63, %add3A_105 : i32
        %add3A_107 = arith.constant 0 : i32
        %add3A_108 = arith.addi %add3A_106, %add3A_107 : i32
        %lt3A_109 = arith.constant 80 : i32
        %lt3A_110 = arith.cmpi slt, %add3A_108, %lt3A_109 : i32
        %convert_element_type3A_111 = arith.extui %lt3A_110 : i1 to i32
        %cond3A_112 = arith.constant 0 : i32
        %cond3A_113 = arith.cmpi ne, %convert_element_type3A_111, %cond3A_112 : i32
        scf.if %cond3A_113 {
          %add3A_114 = arith.constant 3 : i32
          %add3A_115 = arith.addi %add3A_63, %add3A_114 : i32
          %add3A_116 = arith.constant 0 : i32
          %add3A_117 = arith.addi %add3A_115, %add3A_116 : i32
          %mul3A_118 = arith.constant 128 : i32
          %mul3A_119 = arith.muli %add3A_117, %mul3A_118 : i32
          %add3A_120 = arith.addi %mul3A_4, %mul3A_119 : i32
          %multiple_of3A_121 = tpu.assume_multiple %add3A_120, 8 : i32
          "tpu.region"() ({
            %run_scoped3A = tpu.sem_alloc : memref<!tpu.dma_semaphore, #tpu.memory_space<semaphore_mem>>
            %dma_start3A_125 = tpu.memref_slice %arg3[%multiple_of3A_121] : memref<327680xi32, #tpu.memory_space<hbm>> -> memref<128xi32, #tpu.memory_space<hbm>>
            %dma_start3A_126 = tpu.memref_slice %arg3[%multiple_of3A_121] : memref<327680xi32, #tpu.memory_space<hbm>> -> memref<128xi32, #tpu.memory_space<hbm>>
            tpu.enqueue_dma source(%dma_start3A_126 : memref<128xi32, #tpu.memory_space<hbm>>) target(%arg7 : memref<128xi32, #tpu.memory_space<vmem>>) target_semaphore(%run_scoped3A : memref<!tpu.dma_semaphore, #tpu.memory_space<semaphore_mem>>)
            %dma_wait3A_127 = tpu.memref_slice %arg3[%multiple_of3A_121] : memref<327680xi32, #tpu.memory_space<hbm>> -> memref<128xi32, #tpu.memory_space<hbm>>
            %dma_wait3A_128 = tpu.memref_slice %arg3[%multiple_of3A_121] : memref<327680xi32, #tpu.memory_space<hbm>> -> memref<128xi32, #tpu.memory_space<hbm>>
            tpu.wait_dma2 semaphore(%run_scoped3A : memref<!tpu.dma_semaphore, #tpu.memory_space<semaphore_mem>>) src(%dma_wait3A_128 : memref<128xi32, #tpu.memory_space<hbm>>) dst(%arg7 : memref<128xi32, #tpu.memory_space<vmem>>)
            tpu.yield
          }) : () -> ()
          %dma_start3A_122 = arith.constant 0 : i32
          %dma_start3A_123 = arith.constant 0 : i32
          %dma_start3A_124 = tpu.memref_slice %arg2[%dma_start3A_122, %dma_start3A_123] : memref<10000x128xf32, #tpu.memory_space<hbm>> -> memref<10000x128xf32, #tpu.memory_space<hbm>>
          tpu.enqueue_indirect_dma source(%dma_start3A_124 : memref<10000x128xf32, #tpu.memory_space<hbm>>) target(%arg13 : memref<128x128xf32, #tpu.memory_space<vmem>>) offsets(%arg7 : memref<128xi32, #tpu.memory_space<vmem>>) semaphore(%arg17 : memref<!tpu.dma_semaphore, #tpu.memory_space<semaphore_mem>>)
        } else {
        }
      } else {
      }
      %add3A_89 = arith.constant 1 : i32
      %add3A_90 = arith.addi %add3A_63, %add3A_89 : i32
      %lt3A_91 = arith.constant 80 : i32
      %lt3A_92 = arith.cmpi slt, %add3A_90, %lt3A_91 : i32
      %convert_element_type3A_93 = arith.extui %lt3A_92 : i1 to i32
      %cond3A_94 = arith.constant 0 : i32
      %cond3A_95 = arith.cmpi ne, %convert_element_type3A_93, %cond3A_94 : i32
      scf.if %cond3A_95 {
        %dma_wait3A = arith.constant 0 : i32
        %dma_wait3A_103 = arith.constant 0 : i32
        %dma_wait3A_104 = tpu.memref_slice %arg16[%dma_wait3A, %dma_wait3A_103] : memref<10008x128xf32, #tpu.memory_space<vmem_shared>> -> memref<10008x128xf32, #tpu.memory_space<vmem_shared>>
        tpu.wait_indirect_dma semaphore(%arg21 : memref<!tpu.dma_semaphore, #tpu.memory_space<semaphore_mem>>) src(%arg14 : memref<128x128xf32, #tpu.memory_space<vmem>>) dst(%dma_wait3A_104 : memref<10008x128xf32, #tpu.memory_space<vmem_shared>>)
        %add3A_105 = arith.constant 3 : i32
        %add3A_106 = arith.addi %add3A_63, %add3A_105 : i32
        %add3A_107 = arith.constant 1 : i32
        %add3A_108 = arith.addi %add3A_106, %add3A_107 : i32
        %lt3A_109 = arith.constant 80 : i32
        %lt3A_110 = arith.cmpi slt, %add3A_108, %lt3A_109 : i32
        %convert_element_type3A_111 = arith.extui %lt3A_110 : i1 to i32
        %cond3A_112 = arith.constant 0 : i32
        %cond3A_113 = arith.cmpi ne, %convert_element_type3A_111, %cond3A_112 : i32
        scf.if %cond3A_113 {
          %add3A_114 = arith.constant 3 : i32
          %add3A_115 = arith.addi %add3A_63, %add3A_114 : i32
          %add3A_116 = arith.constant 1 : i32
          %add3A_117 = arith.addi %add3A_115, %add3A_116 : i32
          %mul3A_118 = arith.constant 128 : i32
          %mul3A_119 = arith.muli %add3A_117, %mul3A_118 : i32
          %add3A_120 = arith.addi %mul3A_4, %mul3A_119 : i32
          %multiple_of3A_121 = tpu.assume_multiple %add3A_120, 8 : i32
          "tpu.region"() ({
            %run_scoped3A = tpu.sem_alloc : memref<!tpu.dma_semaphore, #tpu.memory_space<semaphore_mem>>
            %dma_start3A_125 = tpu.memref_slice %arg3[%multiple_of3A_121] : memref<327680xi32, #tpu.memory_space<hbm>> -> memref<128xi32, #tpu.memory_space<hbm>>
            %dma_start3A_126 = tpu.memref_slice %arg3[%multiple_of3A_121] : memref<327680xi32, #tpu.memory_space<hbm>> -> memref<128xi32, #tpu.memory_space<hbm>>
            tpu.enqueue_dma source(%dma_start3A_126 : memref<128xi32, #tpu.memory_space<hbm>>) target(%arg8 : memref<128xi32, #tpu.memory_space<vmem>>) target_semaphore(%run_scoped3A : memref<!tpu.dma_semaphore, #tpu.memory_space<semaphore_mem>>)
            %dma_wait3A_127 = tpu.memref_slice %arg3[%multiple_of3A_121] : memref<327680xi32, #tpu.memory_space<hbm>> -> memref<128xi32, #tpu.memory_space<hbm>>
            %dma_wait3A_128 = tpu.memref_slice %arg3[%multiple_of3A_121] : memref<327680xi32, #tpu.memory_space<hbm>> -> memref<128xi32, #tpu.memory_space<hbm>>
            tpu.wait_dma2 semaphore(%run_scoped3A : memref<!tpu.dma_semaphore, #tpu.memory_space<semaphore_mem>>) src(%dma_wait3A_128 : memref<128xi32, #tpu.memory_space<hbm>>) dst(%arg8 : memref<128xi32, #tpu.memory_space<vmem>>)
            tpu.yield
          }) : () -> ()
          %dma_start3A_122 = arith.constant 0 : i32
          %dma_start3A_123 = arith.constant 0 : i32
          %dma_start3A_124 = tpu.memref_slice %arg2[%dma_start3A_122, %dma_start3A_123] : memref<10000x128xf32, #tpu.memory_space<hbm>> -> memref<10000x128xf32, #tpu.memory_space<hbm>>
          tpu.enqueue_indirect_dma source(%dma_start3A_124 : memref<10000x128xf32, #tpu.memory_space<hbm>>) target(%arg14 : memref<128x128xf32, #tpu.memory_space<vmem>>) offsets(%arg8 : memref<128xi32, #tpu.memory_space<vmem>>) semaphore(%arg18 : memref<!tpu.dma_semaphore, #tpu.memory_space<semaphore_mem>>)
        } else {
        }
      } else {
      }
      %add3A_96 = arith.constant 2 : i32
      %add3A_97 = arith.addi %add3A_63, %add3A_96 : i32
      %lt3A_98 = arith.constant 80 : i32
      %lt3A_99 = arith.cmpi slt, %add3A_97, %lt3A_98 : i32
      %convert_element_type3A_100 = arith.extui %lt3A_99 : i1 to i32
      %cond3A_101 = arith.constant 0 : i32
      %cond3A_102 = arith.cmpi ne, %convert_element_type3A_100, %cond3A_101 : i32
      scf.if %cond3A_102 {
        %dma_wait3A = arith.constant 0 : i32
        %dma_wait3A_103 = arith.constant 0 : i32
        %dma_wait3A_104 = tpu.memref_slice %arg16[%dma_wait3A, %dma_wait3A_103] : memref<10008x128xf32, #tpu.memory_space<vmem_shared>> -> memref<10008x128xf32, #tpu.memory_space<vmem_shared>>
        tpu.wait_indirect_dma semaphore(%arg22 : memref<!tpu.dma_semaphore, #tpu.memory_space<semaphore_mem>>) src(%arg15 : memref<128x128xf32, #tpu.memory_space<vmem>>) dst(%dma_wait3A_104 : memref<10008x128xf32, #tpu.memory_space<vmem_shared>>)
        %add3A_105 = arith.constant 3 : i32
        %add3A_106 = arith.addi %add3A_63, %add3A_105 : i32
        %add3A_107 = arith.constant 2 : i32
        %add3A_108 = arith.addi %add3A_106, %add3A_107 : i32
        %lt3A_109 = arith.constant 80 : i32
        %lt3A_110 = arith.cmpi slt, %add3A_108, %lt3A_109 : i32
        %convert_element_type3A_111 = arith.extui %lt3A_110 : i1 to i32
        %cond3A_112 = arith.constant 0 : i32
        %cond3A_113 = arith.cmpi ne, %convert_element_type3A_111, %cond3A_112 : i32
        scf.if %cond3A_113 {
          %add3A_114 = arith.constant 3 : i32
          %add3A_115 = arith.addi %add3A_63, %add3A_114 : i32
          %add3A_116 = arith.constant 2 : i32
          %add3A_117 = arith.addi %add3A_115, %add3A_116 : i32
          %mul3A_118 = arith.constant 128 : i32
          %mul3A_119 = arith.muli %add3A_117, %mul3A_118 : i32
          %add3A_120 = arith.addi %mul3A_4, %mul3A_119 : i32
          %multiple_of3A_121 = tpu.assume_multiple %add3A_120, 8 : i32
          "tpu.region"() ({
            %run_scoped3A = tpu.sem_alloc : memref<!tpu.dma_semaphore, #tpu.memory_space<semaphore_mem>>
            %dma_start3A_125 = tpu.memref_slice %arg3[%multiple_of3A_121] : memref<327680xi32, #tpu.memory_space<hbm>> -> memref<128xi32, #tpu.memory_space<hbm>>
            %dma_start3A_126 = tpu.memref_slice %arg3[%multiple_of3A_121] : memref<327680xi32, #tpu.memory_space<hbm>> -> memref<128xi32, #tpu.memory_space<hbm>>
            tpu.enqueue_dma source(%dma_start3A_126 : memref<128xi32, #tpu.memory_space<hbm>>) target(%arg9 : memref<128xi32, #tpu.memory_space<vmem>>) target_semaphore(%run_scoped3A : memref<!tpu.dma_semaphore, #tpu.memory_space<semaphore_mem>>)
            %dma_wait3A_127 = tpu.memref_slice %arg3[%multiple_of3A_121] : memref<327680xi32, #tpu.memory_space<hbm>> -> memref<128xi32, #tpu.memory_space<hbm>>
            %dma_wait3A_128 = tpu.memref_slice %arg3[%multiple_of3A_121] : memref<327680xi32, #tpu.memory_space<hbm>> -> memref<128xi32, #tpu.memory_space<hbm>>
            tpu.wait_dma2 semaphore(%run_scoped3A : memref<!tpu.dma_semaphore, #tpu.memory_space<semaphore_mem>>) src(%dma_wait3A_128 : memref<128xi32, #tpu.memory_space<hbm>>) dst(%arg9 : memref<128xi32, #tpu.memory_space<vmem>>)
            tpu.yield
          }) : () -> ()
          %dma_start3A_122 = arith.constant 0 : i32
          %dma_start3A_123 = arith.constant 0 : i32
          %dma_start3A_124 = tpu.memref_slice %arg2[%dma_start3A_122, %dma_start3A_123] : memref<10000x128xf32, #tpu.memory_space<hbm>> -> memref<10000x128xf32, #tpu.memory_space<hbm>>
          tpu.enqueue_indirect_dma source(%dma_start3A_124 : memref<10000x128xf32, #tpu.memory_space<hbm>>) target(%arg15 : memref<128x128xf32, #tpu.memory_space<vmem>>) offsets(%arg9 : memref<128xi32, #tpu.memory_space<vmem>>) semaphore(%arg19 : memref<!tpu.dma_semaphore, #tpu.memory_space<semaphore_mem>>)
        } else {
        }
      } else {
      }
    }
    %scan3A_42 = arith.constant 27 : i32
    %barrier3A_43 = arith.constant 0 : index
    tpu.barrier barrier_id(%barrier3A_43)
    %add3A_44 = arith.constant 0 : i32
    %add3A_45 = arith.addi %multiple_of3A, %add3A_44 : i32
    %multiple_of3A_46 = tpu.assume_multiple %add3A_45, 8 : i32
    "tpu.region"() ({
      %run_scoped3A = tpu.sem_alloc : memref<!tpu.dma_semaphore, #tpu.memory_space<semaphore_mem>>
      %dma_start3A_59 = arith.constant 0 : i32
      %dma_start3A_60 = tpu.memref_slice %arg16[%multiple_of3A_46, %dma_start3A_59] : memref<10008x128xf32, #tpu.memory_space<vmem_shared>> -> memref<128x128xf32, #tpu.memory_space<vmem_shared>>
      %dma_start3A_61 = arith.constant 0 : i32
      %dma_start3A_62 = tpu.memref_slice %arg16[%multiple_of3A_46, %dma_start3A_61] : memref<10008x128xf32, #tpu.memory_space<vmem_shared>> -> memref<128x128xf32, #tpu.memory_space<vmem_shared>>
      tpu.enqueue_dma source(%dma_start3A_62 : memref<128x128xf32, #tpu.memory_space<vmem_shared>>) target(%arg13 : memref<128x128xf32, #tpu.memory_space<vmem>>) target_semaphore(%run_scoped3A : memref<!tpu.dma_semaphore, #tpu.memory_space<semaphore_mem>>)
      %dma_wait3A = arith.constant 0 : i32
      %dma_wait3A_63 = tpu.memref_slice %arg16[%multiple_of3A_46, %dma_wait3A] : memref<10008x128xf32, #tpu.memory_space<vmem_shared>> -> memref<128x128xf32, #tpu.memory_space<vmem_shared>>
      %dma_wait3A_64 = arith.constant 0 : i32
      %dma_wait3A_65 = tpu.memref_slice %arg16[%multiple_of3A_46, %dma_wait3A_64] : memref<10008x128xf32, #tpu.memory_space<vmem_shared>> -> memref<128x128xf32, #tpu.memory_space<vmem_shared>>
      tpu.wait_dma2 semaphore(%run_scoped3A : memref<!tpu.dma_semaphore, #tpu.memory_space<semaphore_mem>>) src(%dma_wait3A_65 : memref<128x128xf32, #tpu.memory_space<vmem_shared>>) dst(%arg13 : memref<128x128xf32, #tpu.memory_space<vmem>>)
      tpu.yield
    }) : () -> ()
    "tpu.region"() ({
      %run_scoped3A = tpu.sem_alloc : memref<!tpu.dma_semaphore, #tpu.memory_space<semaphore_mem>>
      %dma_start3A_59 = arith.constant 0 : i32
      %dma_start3A_60 = tpu.memref_slice %arg6[%arg0, %multiple_of3A_46, %dma_start3A_59] : memref<2x10000x128xf32, #tpu.memory_space<hbm>> -> memref<1x128x128xf32, #tpu.memory_space<hbm>>
      %dma_start3A_61 = tpu.memref_squeeze %dma_start3A_60 : memref<1x128x128xf32, #tpu.memory_space<hbm>> -> memref<128x128xf32, #tpu.memory_space<hbm>>
      %dma_start3A_62 = arith.constant 0 : i32
      %dma_start3A_63 = tpu.memref_slice %arg6[%arg0, %multiple_of3A_46, %dma_start3A_62] : memref<2x10000x128xf32, #tpu.memory_space<hbm>> -> memref<1x128x128xf32, #tpu.memory_space<hbm>>
      %dma_start3A_64 = tpu.memref_squeeze %dma_start3A_63 : memref<1x128x128xf32, #tpu.memory_space<hbm>> -> memref<128x128xf32, #tpu.memory_space<hbm>>
      tpu.enqueue_dma source(%arg13 : memref<128x128xf32, #tpu.memory_space<vmem>>) target(%dma_start3A_64 : memref<128x128xf32, #tpu.memory_space<hbm>>) target_semaphore(%run_scoped3A : memref<!tpu.dma_semaphore, #tpu.memory_space<semaphore_mem>>)
      %dma_wait3A = arith.constant 0 : i32
      %dma_wait3A_65 = tpu.memref_slice %arg6[%arg0, %multiple_of3A_46, %dma_wait3A] : memref<2x10000x128xf32, #tpu.memory_space<hbm>> -> memref<1x128x128xf32, #tpu.memory_space<hbm>>
      %dma_wait3A_66 = tpu.memref_squeeze %dma_wait3A_65 : memref<1x128x128xf32, #tpu.memory_space<hbm>> -> memref<128x128xf32, #tpu.memory_space<hbm>>
      %dma_wait3A_67 = arith.constant 0 : i32
      %dma_wait3A_68 = tpu.memref_slice %arg6[%arg0, %multiple_of3A_46, %dma_wait3A_67] : memref<2x10000x128xf32, #tpu.memory_space<hbm>> -> memref<1x128x128xf32, #tpu.memory_space<hbm>>
      %dma_wait3A_69 = tpu.memref_squeeze %dma_wait3A_68 : memref<1x128x128xf32, #tpu.memory_space<hbm>> -> memref<128x128xf32, #tpu.memory_space<hbm>>
      tpu.wait_dma2 semaphore(%run_scoped3A : memref<!tpu.dma_semaphore, #tpu.memory_space<semaphore_mem>>) src(%arg13 : memref<128x128xf32, #tpu.memory_space<vmem>>) dst(%dma_wait3A_69 : memref<128x128xf32, #tpu.memory_space<hbm>>)
      tpu.yield
    }) : () -> ()
    %add3A_47 = arith.constant 128 : i32
    %add3A_48 = arith.addi %multiple_of3A, %add3A_47 : i32
    %multiple_of3A_49 = tpu.assume_multiple %add3A_48, 8 : i32
    "tpu.region"() ({
      %run_scoped3A = tpu.sem_alloc : memref<!tpu.dma_semaphore, #tpu.memory_space<semaphore_mem>>
      %dma_start3A_59 = arith.constant 0 : i32
      %dma_start3A_60 = tpu.memref_slice %arg16[%multiple_of3A_49, %dma_start3A_59] : memref<10008x128xf32, #tpu.memory_space<vmem_shared>> -> memref<128x128xf32, #tpu.memory_space<vmem_shared>>
      %dma_start3A_61 = arith.constant 0 : i32
      %dma_start3A_62 = tpu.memref_slice %arg16[%multiple_of3A_49, %dma_start3A_61] : memref<10008x128xf32, #tpu.memory_space<vmem_shared>> -> memref<128x128xf32, #tpu.memory_space<vmem_shared>>
      tpu.enqueue_dma source(%dma_start3A_62 : memref<128x128xf32, #tpu.memory_space<vmem_shared>>) target(%arg13 : memref<128x128xf32, #tpu.memory_space<vmem>>) target_semaphore(%run_scoped3A : memref<!tpu.dma_semaphore, #tpu.memory_space<semaphore_mem>>)
      %dma_wait3A = arith.constant 0 : i32
      %dma_wait3A_63 = tpu.memref_slice %arg16[%multiple_of3A_49, %dma_wait3A] : memref<10008x128xf32, #tpu.memory_space<vmem_shared>> -> memref<128x128xf32, #tpu.memory_space<vmem_shared>>
      %dma_wait3A_64 = arith.constant 0 : i32
      %dma_wait3A_65 = tpu.memref_slice %arg16[%multiple_of3A_49, %dma_wait3A_64] : memref<10008x128xf32, #tpu.memory_space<vmem_shared>> -> memref<128x128xf32, #tpu.memory_space<vmem_shared>>
      tpu.wait_dma2 semaphore(%run_scoped3A : memref<!tpu.dma_semaphore, #tpu.memory_space<semaphore_mem>>) src(%dma_wait3A_65 : memref<128x128xf32, #tpu.memory_space<vmem_shared>>) dst(%arg13 : memref<128x128xf32, #tpu.memory_space<vmem>>)
      tpu.yield
    }) : () -> ()
    "tpu.region"() ({
      %run_scoped3A = tpu.sem_alloc : memref<!tpu.dma_semaphore, #tpu.memory_space<semaphore_mem>>
      %dma_start3A_59 = arith.constant 0 : i32
      %dma_start3A_60 = tpu.memref_slice %arg6[%arg0, %multiple_of3A_49, %dma_start3A_59] : memref<2x10000x128xf32, #tpu.memory_space<hbm>> -> memref<1x128x128xf32, #tpu.memory_space<hbm>>
      %dma_start3A_61 = tpu.memref_squeeze %dma_start3A_60 : memref<1x128x128xf32, #tpu.memory_space<hbm>> -> memref<128x128xf32, #tpu.memory_space<hbm>>
      %dma_start3A_62 = arith.constant 0 : i32
      %dma_start3A_63 = tpu.memref_slice %arg6[%arg0, %multiple_of3A_49, %dma_start3A_62] : memref<2x10000x128xf32, #tpu.memory_space<hbm>> -> memref<1x128x128xf32, #tpu.memory_space<hbm>>
      %dma_start3A_64 = tpu.memref_squeeze %dma_start3A_63 : memref<1x128x128xf32, #tpu.memory_space<hbm>> -> memref<128x128xf32, #tpu.memory_space<hbm>>
      tpu.enqueue_dma source(%arg13 : memref<128x128xf32, #tpu.memory_space<vmem>>) target(%dma_start3A_64 : memref<128x128xf32, #tpu.memory_space<hbm>>) target_semaphore(%run_scoped3A : memref<!tpu.dma_semaphore, #tpu.memory_space<semaphore_mem>>)
      %dma_wait3A = arith.constant 0 : i32
      %dma_wait3A_65 = tpu.memref_slice %arg6[%arg0, %multiple_of3A_49, %dma_wait3A] : memref<2x10000x128xf32, #tpu.memory_space<hbm>> -> memref<1x128x128xf32, #tpu.memory_space<hbm>>
      %dma_wait3A_66 = tpu.memref_squeeze %dma_wait3A_65 : memref<1x128x128xf32, #tpu.memory_space<hbm>> -> memref<128x128xf32, #tpu.memory_space<hbm>>
      %dma_wait3A_67 = arith.constant 0 : i32
      %dma_wait3A_68 = tpu.memref_slice %arg6[%arg0, %multiple_of3A_49, %dma_wait3A_67] : memref<2x10000x128xf32, #tpu.memory_space<hbm>> -> memref<1x128x128xf32, #tpu.memory_space<hbm>>
      %dma_wait3A_69 = tpu.memref_squeeze %dma_wait3A_68 : memref<1x128x128xf32, #tpu.memory_space<hbm>> -> memref<128x128xf32, #tpu.memory_space<hbm>>
      tpu.wait_dma2 semaphore(%run_scoped3A : memref<!tpu.dma_semaphore, #tpu.memory_space<semaphore_mem>>) src(%arg13 : memref<128x128xf32, #tpu.memory_space<vmem>>) dst(%dma_wait3A_69 : memref<128x128xf32, #tpu.memory_space<hbm>>)
      tpu.yield
    }) : () -> ()
    %add3A_50 = arith.constant 256 : i32
    %add3A_51 = arith.addi %multiple_of3A, %add3A_50 : i32
    %multiple_of3A_52 = tpu.assume_multiple %add3A_51, 8 : i32
    "tpu.region"() ({
      %run_scoped3A = tpu.sem_alloc : memref<!tpu.dma_semaphore, #tpu.memory_space<semaphore_mem>>
      %dma_start3A_59 = arith.constant 0 : i32
      %dma_start3A_60 = tpu.memref_slice %arg16[%multiple_of3A_52, %dma_start3A_59] : memref<10008x128xf32, #tpu.memory_space<vmem_shared>> -> memref<128x128xf32, #tpu.memory_space<vmem_shared>>
      %dma_start3A_61 = arith.constant 0 : i32
      %dma_start3A_62 = tpu.memref_slice %arg16[%multiple_of3A_52, %dma_start3A_61] : memref<10008x128xf32, #tpu.memory_space<vmem_shared>> -> memref<128x128xf32, #tpu.memory_space<vmem_shared>>
      tpu.enqueue_dma source(%dma_start3A_62 : memref<128x128xf32, #tpu.memory_space<vmem_shared>>) target(%arg13 : memref<128x128xf32, #tpu.memory_space<vmem>>) target_semaphore(%run_scoped3A : memref<!tpu.dma_semaphore, #tpu.memory_space<semaphore_mem>>)
      %dma_wait3A = arith.constant 0 : i32
      %dma_wait3A_63 = tpu.memref_slice %arg16[%multiple_of3A_52, %dma_wait3A] : memref<10008x128xf32, #tpu.memory_space<vmem_shared>> -> memref<128x128xf32, #tpu.memory_space<vmem_shared>>
      %dma_wait3A_64 = arith.constant 0 : i32
      %dma_wait3A_65 = tpu.memref_slice %arg16[%multiple_of3A_52, %dma_wait3A_64] : memref<10008x128xf32, #tpu.memory_space<vmem_shared>> -> memref<128x128xf32, #tpu.memory_space<vmem_shared>>
      tpu.wait_dma2 semaphore(%run_scoped3A : memref<!tpu.dma_semaphore, #tpu.memory_space<semaphore_mem>>) src(%dma_wait3A_65 : memref<128x128xf32, #tpu.memory_space<vmem_shared>>) dst(%arg13 : memref<128x128xf32, #tpu.memory_space<vmem>>)
      tpu.yield
    }) : () -> ()
    "tpu.region"() ({
      %run_scoped3A = tpu.sem_alloc : memref<!tpu.dma_semaphore, #tpu.memory_space<semaphore_mem>>
      %dma_start3A_59 = arith.constant 0 : i32
      %dma_start3A_60 = tpu.memref_slice %arg6[%arg0, %multiple_of3A_52, %dma_start3A_59] : memref<2x10000x128xf32, #tpu.memory_space<hbm>> -> memref<1x128x128xf32, #tpu.memory_space<hbm>>
      %dma_start3A_61 = tpu.memref_squeeze %dma_start3A_60 : memref<1x128x128xf32, #tpu.memory_space<hbm>> -> memref<128x128xf32, #tpu.memory_space<hbm>>
      %dma_start3A_62 = arith.constant 0 : i32
      %dma_start3A_63 = tpu.memref_slice %arg6[%arg0, %multiple_of3A_52, %dma_start3A_62] : memref<2x10000x128xf32, #tpu.memory_space<hbm>> -> memref<1x128x128xf32, #tpu.memory_space<hbm>>
      %dma_start3A_64 = tpu.memref_squeeze %dma_start3A_63 : memref<1x128x128xf32, #tpu.memory_space<hbm>> -> memref<128x128xf32, #tpu.memory_space<hbm>>
      tpu.enqueue_dma source(%arg13 : memref<128x128xf32, #tpu.memory_space<vmem>>) target(%dma_start3A_64 : memref<128x128xf32, #tpu.memory_space<hbm>>) target_semaphore(%run_scoped3A : memref<!tpu.dma_semaphore, #tpu.memory_space<semaphore_mem>>)
      %dma_wait3A = arith.constant 0 : i32
      %dma_wait3A_65 = tpu.memref_slice %arg6[%arg0, %multiple_of3A_52, %dma_wait3A] : memref<2x10000x128xf32, #tpu.memory_space<hbm>> -> memref<1x128x128xf32, #tpu.memory_space<hbm>>
      %dma_wait3A_66 = tpu.memref_squeeze %dma_wait3A_65 : memref<1x128x128xf32, #tpu.memory_space<hbm>> -> memref<128x128xf32, #tpu.memory_space<hbm>>
      %dma_wait3A_67 = arith.constant 0 : i32
      %dma_wait3A_68 = tpu.memref_slice %arg6[%arg0, %multiple_of3A_52, %dma_wait3A_67] : memref<2x10000x128xf32, #tpu.memory_space<hbm>> -> memref<1x128x128xf32, #tpu.memory_space<hbm>>
      %dma_wait3A_69 = tpu.memref_squeeze %dma_wait3A_68 : memref<1x128x128xf32, #tpu.memory_space<hbm>> -> memref<128x128xf32, #tpu.memory_space<hbm>>
      tpu.wait_dma2 semaphore(%run_scoped3A : memref<!tpu.dma_semaphore, #tpu.memory_space<semaphore_mem>>) src(%arg13 : memref<128x128xf32, #tpu.memory_space<vmem>>) dst(%dma_wait3A_69 : memref<128x128xf32, #tpu.memory_space<hbm>>)
      tpu.yield
    }) : () -> ()
    %add3A_53 = arith.constant 384 : i32
    %add3A_54 = arith.addi %multiple_of3A, %add3A_53 : i32
    %multiple_of3A_55 = tpu.assume_multiple %add3A_54, 8 : i32
    "tpu.region"() ({
      %run_scoped3A = tpu.sem_alloc : memref<!tpu.dma_semaphore, #tpu.memory_space<semaphore_mem>>
      %dma_start3A_59 = arith.constant 0 : i32
      %dma_start3A_60 = tpu.memref_slice %arg16[%multiple_of3A_55, %dma_start3A_59] : memref<10008x128xf32, #tpu.memory_space<vmem_shared>> -> memref<128x128xf32, #tpu.memory_space<vmem_shared>>
      %dma_start3A_61 = arith.constant 0 : i32
      %dma_start3A_62 = tpu.memref_slice %arg16[%multiple_of3A_55, %dma_start3A_61] : memref<10008x128xf32, #tpu.memory_space<vmem_shared>> -> memref<128x128xf32, #tpu.memory_space<vmem_shared>>
      tpu.enqueue_dma source(%dma_start3A_62 : memref<128x128xf32, #tpu.memory_space<vmem_shared>>) target(%arg13 : memref<128x128xf32, #tpu.memory_space<vmem>>) target_semaphore(%run_scoped3A : memref<!tpu.dma_semaphore, #tpu.memory_space<semaphore_mem>>)
      %dma_wait3A = arith.constant 0 : i32
      %dma_wait3A_63 = tpu.memref_slice %arg16[%multiple_of3A_55, %dma_wait3A] : memref<10008x128xf32, #tpu.memory_space<vmem_shared>> -> memref<128x128xf32, #tpu.memory_space<vmem_shared>>
      %dma_wait3A_64 = arith.constant 0 : i32
      %dma_wait3A_65 = tpu.memref_slice %arg16[%multiple_of3A_55, %dma_wait3A_64] : memref<10008x128xf32, #tpu.memory_space<vmem_shared>> -> memref<128x128xf32, #tpu.memory_space<vmem_shared>>
      tpu.wait_dma2 semaphore(%run_scoped3A : memref<!tpu.dma_semaphore, #tpu.memory_space<semaphore_mem>>) src(%dma_wait3A_65 : memref<128x128xf32, #tpu.memory_space<vmem_shared>>) dst(%arg13 : memref<128x128xf32, #tpu.memory_space<vmem>>)
      tpu.yield
    }) : () -> ()
    "tpu.region"() ({
      %run_scoped3A = tpu.sem_alloc : memref<!tpu.dma_semaphore, #tpu.memory_space<semaphore_mem>>
      %dma_start3A_59 = arith.constant 0 : i32
      %dma_start3A_60 = tpu.memref_slice %arg6[%arg0, %multiple_of3A_55, %dma_start3A_59] : memref<2x10000x128xf32, #tpu.memory_space<hbm>> -> memref<1x128x128xf32, #tpu.memory_space<hbm>>
      %dma_start3A_61 = tpu.memref_squeeze %dma_start3A_60 : memref<1x128x128xf32, #tpu.memory_space<hbm>> -> memref<128x128xf32, #tpu.memory_space<hbm>>
      %dma_start3A_62 = arith.constant 0 : i32
      %dma_start3A_63 = tpu.memref_slice %arg6[%arg0, %multiple_of3A_55, %dma_start3A_62] : memref<2x10000x128xf32, #tpu.memory_space<hbm>> -> memref<1x128x128xf32, #tpu.memory_space<hbm>>
      %dma_start3A_64 = tpu.memref_squeeze %dma_start3A_63 : memref<1x128x128xf32, #tpu.memory_space<hbm>> -> memref<128x128xf32, #tpu.memory_space<hbm>>
      tpu.enqueue_dma source(%arg13 : memref<128x128xf32, #tpu.memory_space<vmem>>) target(%dma_start3A_64 : memref<128x128xf32, #tpu.memory_space<hbm>>) target_semaphore(%run_scoped3A : memref<!tpu.dma_semaphore, #tpu.memory_space<semaphore_mem>>)
      %dma_wait3A = arith.constant 0 : i32
      %dma_wait3A_65 = tpu.memref_slice %arg6[%arg0, %multiple_of3A_55, %dma_wait3A] : memref<2x10000x128xf32, #tpu.memory_space<hbm>> -> memref<1x128x128xf32, #tpu.memory_space<hbm>>
      %dma_wait3A_66 = tpu.memref_squeeze %dma_wait3A_65 : memref<1x128x128xf32, #tpu.memory_space<hbm>> -> memref<128x128xf32, #tpu.memory_space<hbm>>
      %dma_wait3A_67 = arith.constant 0 : i32
      %dma_wait3A_68 = tpu.memref_slice %arg6[%arg0, %multiple_of3A_55, %dma_wait3A_67] : memref<2x10000x128xf32, #tpu.memory_space<hbm>> -> memref<1x128x128xf32, #tpu.memory_space<hbm>>
      %dma_wait3A_69 = tpu.memref_squeeze %dma_wait3A_68 : memref<1x128x128xf32, #tpu.memory_space<hbm>> -> memref<128x128xf32, #tpu.memory_space<hbm>>
      tpu.wait_dma2 semaphore(%run_scoped3A : memref<!tpu.dma_semaphore, #tpu.memory_space<semaphore_mem>>) src(%arg13 : memref<128x128xf32, #tpu.memory_space<vmem>>) dst(%dma_wait3A_69 : memref<128x128xf32, #tpu.memory_space<hbm>>)
      tpu.yield
    }) : () -> ()
    %add3A_56 = arith.constant 512 : i32
    %add3A_57 = arith.addi %multiple_of3A, %add3A_56 : i32
    %multiple_of3A_58 = tpu.assume_multiple %add3A_57, 8 : i32
    "tpu.region"() ({
      %run_scoped3A = tpu.sem_alloc : memref<!tpu.dma_semaphore, #tpu.memory_space<semaphore_mem>>
      %dma_start3A_59 = arith.constant 0 : i32
      %dma_start3A_60 = tpu.memref_slice %arg16[%multiple_of3A_58, %dma_start3A_59] : memref<10008x128xf32, #tpu.memory_space<vmem_shared>> -> memref<128x128xf32, #tpu.memory_space<vmem_shared>>
      %dma_start3A_61 = arith.constant 0 : i32
      %dma_start3A_62 = tpu.memref_slice %arg16[%multiple_of3A_58, %dma_start3A_61] : memref<10008x128xf32, #tpu.memory_space<vmem_shared>> -> memref<128x128xf32, #tpu.memory_space<vmem_shared>>
      tpu.enqueue_dma source(%dma_start3A_62 : memref<128x128xf32, #tpu.memory_space<vmem_shared>>) target(%arg13 : memref<128x128xf32, #tpu.memory_space<vmem>>) target_semaphore(%run_scoped3A : memref<!tpu.dma_semaphore, #tpu.memory_space<semaphore_mem>>)
      %dma_wait3A = arith.constant 0 : i32
      %dma_wait3A_63 = tpu.memref_slice %arg16[%multiple_of3A_58, %dma_wait3A] : memref<10008x128xf32, #tpu.memory_space<vmem_shared>> -> memref<128x128xf32, #tpu.memory_space<vmem_shared>>
      %dma_wait3A_64 = arith.constant 0 : i32
      %dma_wait3A_65 = tpu.memref_slice %arg16[%multiple_of3A_58, %dma_wait3A_64] : memref<10008x128xf32, #tpu.memory_space<vmem_shared>> -> memref<128x128xf32, #tpu.memory_space<vmem_shared>>
      tpu.wait_dma2 semaphore(%run_scoped3A : memref<!tpu.dma_semaphore, #tpu.memory_space<semaphore_mem>>) src(%dma_wait3A_65 : memref<128x128xf32, #tpu.memory_space<vmem_shared>>) dst(%arg13 : memref<128x128xf32, #tpu.memory_space<vmem>>)
      tpu.yield
    }) : () -> ()
    "tpu.region"() ({
      %run_scoped3A = tpu.sem_alloc : memref<!tpu.dma_semaphore, #tpu.memory_space<semaphore_mem>>
      %dma_start3A_59 = arith.constant 0 : i32
      %dma_start3A_60 = tpu.memref_slice %arg6[%arg0, %multiple_of3A_58, %dma_start3A_59] : memref<2x10000x128xf32, #tpu.memory_space<hbm>> -> memref<1x128x128xf32, #tpu.memory_space<hbm>>
      %dma_start3A_61 = tpu.memref_squeeze %dma_start3A_60 : memref<1x128x128xf32, #tpu.memory_space<hbm>> -> memref<128x128xf32, #tpu.memory_space<hbm>>
      %dma_start3A_62 = arith.constant 0 : i32
      %dma_start3A_63 = tpu.memref_slice %arg6[%arg0, %multiple_of3A_58, %dma_start3A_62] : memref<2x10000x128xf32, #tpu.memory_space<hbm>> -> memref<1x128x128xf32, #tpu.memory_space<hbm>>
      %dma_start3A_64 = tpu.memref_squeeze %dma_start3A_63 : memref<1x128x128xf32, #tpu.memory_space<hbm>> -> memref<128x128xf32, #tpu.memory_space<hbm>>
      tpu.enqueue_dma source(%arg13 : memref<128x128xf32, #tpu.memory_space<vmem>>) target(%dma_start3A_64 : memref<128x128xf32, #tpu.memory_space<hbm>>) target_semaphore(%run_scoped3A : memref<!tpu.dma_semaphore, #tpu.memory_space<semaphore_mem>>)
      %dma_wait3A = arith.constant 0 : i32
      %dma_wait3A_65 = tpu.memref_slice %arg6[%arg0, %multiple_of3A_58, %dma_wait3A] : memref<2x10000x128xf32, #tpu.memory_space<hbm>> -> memref<1x128x128xf32, #tpu.memory_space<hbm>>
      %dma_wait3A_66 = tpu.memref_squeeze %dma_wait3A_65 : memref<1x128x128xf32, #tpu.memory_space<hbm>> -> memref<128x128xf32, #tpu.memory_space<hbm>>
      %dma_wait3A_67 = arith.constant 0 : i32
      %dma_wait3A_68 = tpu.memref_slice %arg6[%arg0, %multiple_of3A_58, %dma_wait3A_67] : memref<2x10000x128xf32, #tpu.memory_space<hbm>> -> memref<1x128x128xf32, #tpu.memory_space<hbm>>
      %dma_wait3A_69 = tpu.memref_squeeze %dma_wait3A_68 : memref<1x128x128xf32, #tpu.memory_space<hbm>> -> memref<128x128xf32, #tpu.memory_space<hbm>>
      tpu.wait_dma2 semaphore(%run_scoped3A : memref<!tpu.dma_semaphore, #tpu.memory_space<semaphore_mem>>) src(%arg13 : memref<128x128xf32, #tpu.memory_space<vmem>>) dst(%dma_wait3A_69 : memref<128x128xf32, #tpu.memory_space<hbm>>)
      tpu.yield
    }) : () -> ()
    return
  }
}

#map = affine_map<(d0, d1) -> (0, 0)>
#map1 = affine_map<(d0, d1) -> (0)>
#map2 = affine_map<(d0, d1) -> (0, 0, 0)>
module attributes {stable_mosaic.version = 14 : i64} {
  func.func @body(%arg0: i32, %arg1: i32, %arg2: memref<10000x128xf32, #tpu.memory_space<hbm>>, %arg3: memref<327680xi32, #tpu.memory_space<hbm>>, %arg4: memref<327680xi32, #tpu.memory_space<hbm>>, %arg5: memref<128x128xf32, #tpu.memory_space<hbm>>, %arg6: memref<2x10000x128xf32, #tpu.memory_space<hbm>>, %arg7: memref<128xi32, #tpu.memory_space<vmem>>, %arg8: memref<128xi32, #tpu.memory_space<vmem>>, %arg9: memref<128xi32, #tpu.memory_space<vmem>>, %arg10: memref<128xi32, #tpu.memory_space<vmem>>, %arg11: memref<128xi32, #tpu.memory_space<vmem>>, %arg12: memref<128xi32, #tpu.memory_space<vmem>>, %arg13: memref<128x128xf32, #tpu.memory_space<vmem>>, %arg14: memref<128x128xf32, #tpu.memory_space<vmem>>, %arg15: memref<128x128xf32, #tpu.memory_space<vmem>>, %arg16: memref<10008x128xf32, #tpu.memory_space<vmem_shared>>, %arg17: memref<!tpu.dma_semaphore, #tpu.memory_space<semaphore_mem>>, %arg18: memref<!tpu.dma_semaphore, #tpu.memory_space<semaphore_mem>>, %arg19: memref<!tpu.dma_semaphore, #tpu.memory_space<semaphore_mem>>, %arg20: memref<!tpu.dma_semaphore, #tpu.memory_space<semaphore_mem>>, %arg21: memref<!tpu.dma_semaphore, #tpu.memory_space<semaphore_mem>>, %arg22: memref<!tpu.dma_semaphore, #tpu.memory_space<semaphore_mem>>) attributes {dimension_semantics = [#tpu.dimension_semantics<core_parallel>, #tpu.dimension_semantics<subcore_parallel>], iteration_bounds = array<i64: 2, 16>, scalar_prefetch = 0 : i64, scratch_operands = 16 : i64, tpu.core_type = #tpu.core_type<sc_vector_subcore>, window_params = [{transform_indices = #map}, {transform_indices = #map1}, {transform_indices = #map1}, {transform_indices = #map}, {transform_indices = #map2}]} {
    %mul3A = arith.constant 16 : i32
    %mul3A_0 = arith.muli %arg0, %mul3A : i32
    %add3A = arith.addi %mul3A_0, %arg1 : i32
    %mul3A_1 = arith.constant 80 : i32
    %mul3A_2 = arith.muli %add3A, %mul3A_1 : i32
    %mul3A_3 = arith.constant 128 : i32
    %mul3A_4 = arith.muli %mul3A_2, %mul3A_3 : i32
    %mul3A_5 = arith.constant 624 : i32
    %mul3A_6 = arith.muli %arg1, %mul3A_5 : i32
    %multiple_of3A = tpu.assume_multiple %mul3A_6, 8 : i32
    "tpu.region"() ({
      %run_scoped3A = tpu.sem_alloc : memref<!tpu.dma_semaphore, #tpu.memory_space<semaphore_mem>>
      tpu.enqueue_dma source(%arg5 : memref<128x128xf32, #tpu.memory_space<hbm>>) target(%arg13 : memref<128x128xf32, #tpu.memory_space<vmem>>) target_semaphore(%run_scoped3A : memref<!tpu.dma_semaphore, #tpu.memory_space<semaphore_mem>>)
      tpu.wait_dma2 semaphore(%run_scoped3A : memref<!tpu.dma_semaphore, #tpu.memory_space<semaphore_mem>>) src(%arg5 : memref<128x128xf32, #tpu.memory_space<hbm>>) dst(%arg13 : memref<128x128xf32, #tpu.memory_space<vmem>>)
      tpu.yield
    }) : () -> ()
    %add3A_7 = arith.constant 0 : i32
    %add3A_8 = arith.addi %multiple_of3A, %add3A_7 : i32
    %multiple_of3A_9 = tpu.assume_multiple %add3A_8, 8 : i32
    "tpu.region"() ({
      %run_scoped3A = tpu.sem_alloc : memref<!tpu.dma_semaphore, #tpu.memory_space<semaphore_mem>>
      %dma_start3A_59 = arith.constant 0 : i32
      %dma_start3A_60 = tpu.memref_slice %arg16[%multiple_of3A_9, %dma_start3A_59] : memref<10008x128xf32, #tpu.memory_space<vmem_shared>> -> memref<128x128xf32, #tpu.memory_space<vmem_shared>>
      %dma_start3A_61 = arith.constant 0 : i32
      %dma_start3A_62 = tpu.memref_slice %arg16[%multiple_of3A_9, %dma_start3A_61] : memref<10008x128xf32, #tpu.memory_space<vmem_shared>> -> memref<128x128xf32, #tpu.memory_space<vmem_shared>>
      tpu.enqueue_dma source(%arg13 : memref<128x128xf32, #tpu.memory_space<vmem>>) target(%dma_start3A_62 : memref<128x128xf32, #tpu.memory_space<vmem_shared>>) target_semaphore(%run_scoped3A : memref<!tpu.dma_semaphore, #tpu.memory_space<semaphore_mem>>)
      %dma_wait3A = arith.constant 0 : i32
      %dma_wait3A_63 = tpu.memref_slice %arg16[%multiple_of3A_9, %dma_wait3A] : memref<10008x128xf32, #tpu.memory_space<vmem_shared>> -> memref<128x128xf32, #tpu.memory_space<vmem_shared>>
      %dma_wait3A_64 = arith.constant 0 : i32
      %dma_wait3A_65 = tpu.memref_slice %arg16[%multiple_of3A_9, %dma_wait3A_64] : memref<10008x128xf32, #tpu.memory_space<vmem_shared>> -> memref<128x128xf32, #tpu.memory_space<vmem_shared>>
      tpu.wait_dma2 semaphore(%run_scoped3A : memref<!tpu.dma_semaphore, #tpu.memory_space<semaphore_mem>>) src(%arg13 : memref<128x128xf32, #tpu.memory_space<vmem>>) dst(%dma_wait3A_65 : memref<128x128xf32, #tpu.memory_space<vmem_shared>>)
      tpu.yield
    }) : () -> ()
    %add3A_10 = arith.constant 128 : i32
    %add3A_11 = arith.addi %multiple_of3A, %add3A_10 : i32
    %multiple_of3A_12 = tpu.assume_multiple %add3A_11, 8 : i32
    "tpu.region"() ({
      %run_scoped3A = tpu.sem_alloc : memref<!tpu.dma_semaphore, #tpu.memory_space<semaphore_mem>>
      %dma_start3A_59 = arith.constant 0 : i32
      %dma_start3A_60 = tpu.memref_slice %arg16[%multiple_of3A_12, %dma_start3A_59] : memref<10008x128xf32, #tpu.memory_space<vmem_shared>> -> memref<128x128xf32, #tpu.memory_space<vmem_shared>>
      %dma_start3A_61 = arith.constant 0 : i32
      %dma_start3A_62 = tpu.memref_slice %arg16[%multiple_of3A_12, %dma_start3A_61] : memref<10008x128xf32, #tpu.memory_space<vmem_shared>> -> memref<128x128xf32, #tpu.memory_space<vmem_shared>>
      tpu.enqueue_dma source(%arg13 : memref<128x128xf32, #tpu.memory_space<vmem>>) target(%dma_start3A_62 : memref<128x128xf32, #tpu.memory_space<vmem_shared>>) target_semaphore(%run_scoped3A : memref<!tpu.dma_semaphore, #tpu.memory_space<semaphore_mem>>)
      %dma_wait3A = arith.constant 0 : i32
      %dma_wait3A_63 = tpu.memref_slice %arg16[%multiple_of3A_12, %dma_wait3A] : memref<10008x128xf32, #tpu.memory_space<vmem_shared>> -> memref<128x128xf32, #tpu.memory_space<vmem_shared>>
      %dma_wait3A_64 = arith.constant 0 : i32
      %dma_wait3A_65 = tpu.memref_slice %arg16[%multiple_of3A_12, %dma_wait3A_64] : memref<10008x128xf32, #tpu.memory_space<vmem_shared>> -> memref<128x128xf32, #tpu.memory_space<vmem_shared>>
      tpu.wait_dma2 semaphore(%run_scoped3A : memref<!tpu.dma_semaphore, #tpu.memory_space<semaphore_mem>>) src(%arg13 : memref<128x128xf32, #tpu.memory_space<vmem>>) dst(%dma_wait3A_65 : memref<128x128xf32, #tpu.memory_space<vmem_shared>>)
      tpu.yield
    }) : () -> ()
    %add3A_13 = arith.constant 256 : i32
    %add3A_14 = arith.addi %multiple_of3A, %add3A_13 : i32
    %multiple_of3A_15 = tpu.assume_multiple %add3A_14, 8 : i32
    "tpu.region"() ({
      %run_scoped3A = tpu.sem_alloc : memref<!tpu.dma_semaphore, #tpu.memory_space<semaphore_mem>>
      %dma_start3A_59 = arith.constant 0 : i32
      %dma_start3A_60 = tpu.memref_slice %arg16[%multiple_of3A_15, %dma_start3A_59] : memref<10008x128xf32, #tpu.memory_space<vmem_shared>> -> memref<128x128xf32, #tpu.memory_space<vmem_shared>>
      %dma_start3A_61 = arith.constant 0 : i32
      %dma_start3A_62 = tpu.memref_slice %arg16[%multiple_of3A_15, %dma_start3A_61] : memref<10008x128xf32, #tpu.memory_space<vmem_shared>> -> memref<128x128xf32, #tpu.memory_space<vmem_shared>>
      tpu.enqueue_dma source(%arg13 : memref<128x128xf32, #tpu.memory_space<vmem>>) target(%dma_start3A_62 : memref<128x128xf32, #tpu.memory_space<vmem_shared>>) target_semaphore(%run_scoped3A : memref<!tpu.dma_semaphore, #tpu.memory_space<semaphore_mem>>)
      %dma_wait3A = arith.constant 0 : i32
      %dma_wait3A_63 = tpu.memref_slice %arg16[%multiple_of3A_15, %dma_wait3A] : memref<10008x128xf32, #tpu.memory_space<vmem_shared>> -> memref<128x128xf32, #tpu.memory_space<vmem_shared>>
      %dma_wait3A_64 = arith.constant 0 : i32
      %dma_wait3A_65 = tpu.memref_slice %arg16[%multiple_of3A_15, %dma_wait3A_64] : memref<10008x128xf32, #tpu.memory_space<vmem_shared>> -> memref<128x128xf32, #tpu.memory_space<vmem_shared>>
      tpu.wait_dma2 semaphore(%run_scoped3A : memref<!tpu.dma_semaphore, #tpu.memory_space<semaphore_mem>>) src(%arg13 : memref<128x128xf32, #tpu.memory_space<vmem>>) dst(%dma_wait3A_65 : memref<128x128xf32, #tpu.memory_space<vmem_shared>>)
      tpu.yield
    }) : () -> ()
    %add3A_16 = arith.constant 384 : i32
    %add3A_17 = arith.addi %multiple_of3A, %add3A_16 : i32
    %multiple_of3A_18 = tpu.assume_multiple %add3A_17, 8 : i32
    "tpu.region"() ({
      %run_scoped3A = tpu.sem_alloc : memref<!tpu.dma_semaphore, #tpu.memory_space<semaphore_mem>>
      %dma_start3A_59 = arith.constant 0 : i32
      %dma_start3A_60 = tpu.memref_slice %arg16[%multiple_of3A_18, %dma_start3A_59] : memref<10008x128xf32, #tpu.memory_space<vmem_shared>> -> memref<128x128xf32, #tpu.memory_space<vmem_shared>>
      %dma_start3A_61 = arith.constant 0 : i32
      %dma_start3A_62 = tpu.memref_slice %arg16[%multiple_of3A_18, %dma_start3A_61] : memref<10008x128xf32, #tpu.memory_space<vmem_shared>> -> memref<128x128xf32, #tpu.memory_space<vmem_shared>>
      tpu.enqueue_dma source(%arg13 : memref<128x128xf32, #tpu.memory_space<vmem>>) target(%dma_start3A_62 : memref<128x128xf32, #tpu.memory_space<vmem_shared>>) target_semaphore(%run_scoped3A : memref<!tpu.dma_semaphore, #tpu.memory_space<semaphore_mem>>)
      %dma_wait3A = arith.constant 0 : i32
      %dma_wait3A_63 = tpu.memref_slice %arg16[%multiple_of3A_18, %dma_wait3A] : memref<10008x128xf32, #tpu.memory_space<vmem_shared>> -> memref<128x128xf32, #tpu.memory_space<vmem_shared>>
      %dma_wait3A_64 = arith.constant 0 : i32
      %dma_wait3A_65 = tpu.memref_slice %arg16[%multiple_of3A_18, %dma_wait3A_64] : memref<10008x128xf32, #tpu.memory_space<vmem_shared>> -> memref<128x128xf32, #tpu.memory_space<vmem_shared>>
      tpu.wait_dma2 semaphore(%run_scoped3A : memref<!tpu.dma_semaphore, #tpu.memory_space<semaphore_mem>>) src(%arg13 : memref<128x128xf32, #tpu.memory_space<vmem>>) dst(%dma_wait3A_65 : memref<128x128xf32, #tpu.memory_space<vmem_shared>>)
      tpu.yield
    }) : () -> ()
    %add3A_19 = arith.constant 512 : i32
    %add3A_20 = arith.addi %multiple_of3A, %add3A_19 : i32
    %multiple_of3A_21 = tpu.assume_multiple %add3A_20, 8 : i32
    "tpu.region"() ({
      %run_scoped3A = tpu.sem_alloc : memref<!tpu.dma_semaphore, #tpu.memory_space<semaphore_mem>>
      %dma_start3A_59 = arith.constant 0 : i32
      %dma_start3A_60 = tpu.memref_slice %arg16[%multiple_of3A_21, %dma_start3A_59] : memref<10008x128xf32, #tpu.memory_space<vmem_shared>> -> memref<128x128xf32, #tpu.memory_space<vmem_shared>>
      %dma_start3A_61 = arith.constant 0 : i32
      %dma_start3A_62 = tpu.memref_slice %arg16[%multiple_of3A_21, %dma_start3A_61] : memref<10008x128xf32, #tpu.memory_space<vmem_shared>> -> memref<128x128xf32, #tpu.memory_space<vmem_shared>>
      tpu.enqueue_dma source(%arg13 : memref<128x128xf32, #tpu.memory_space<vmem>>) target(%dma_start3A_62 : memref<128x128xf32, #tpu.memory_space<vmem_shared>>) target_semaphore(%run_scoped3A : memref<!tpu.dma_semaphore, #tpu.memory_space<semaphore_mem>>)
      %dma_wait3A = arith.constant 0 : i32
      %dma_wait3A_63 = tpu.memref_slice %arg16[%multiple_of3A_21, %dma_wait3A] : memref<10008x128xf32, #tpu.memory_space<vmem_shared>> -> memref<128x128xf32, #tpu.memory_space<vmem_shared>>
      %dma_wait3A_64 = arith.constant 0 : i32
      %dma_wait3A_65 = tpu.memref_slice %arg16[%multiple_of3A_21, %dma_wait3A_64] : memref<10008x128xf32, #tpu.memory_space<vmem_shared>> -> memref<128x128xf32, #tpu.memory_space<vmem_shared>>
      tpu.wait_dma2 semaphore(%run_scoped3A : memref<!tpu.dma_semaphore, #tpu.memory_space<semaphore_mem>>) src(%arg13 : memref<128x128xf32, #tpu.memory_space<vmem>>) dst(%dma_wait3A_65 : memref<128x128xf32, #tpu.memory_space<vmem_shared>>)
      tpu.yield
    }) : () -> ()
    %barrier3A = arith.constant 0 : index
    tpu.barrier barrier_id(%barrier3A)
    %add3A_22 = arith.constant 0 : i32
    %add3A_23 = arith.addi %mul3A_4, %add3A_22 : i32
    %multiple_of3A_24 = tpu.assume_multiple %add3A_23, 8 : i32
    "tpu.region"() ({
      %run_scoped3A = tpu.sem_alloc : memref<!tpu.dma_semaphore, #tpu.memory_space<semaphore_mem>>
      %dma_start3A_59 = tpu.memref_slice %arg3[%multiple_of3A_24] : memref<327680xi32, #tpu.memory_space<hbm>> -> memref<128xi32, #tpu.memory_space<hbm>>
      %dma_start3A_60 = tpu.memref_slice %arg3[%multiple_of3A_24] : memref<327680xi32, #tpu.memory_space<hbm>> -> memref<128xi32, #tpu.memory_space<hbm>>
      tpu.enqueue_dma source(%dma_start3A_60 : memref<128xi32, #tpu.memory_space<hbm>>) target(%arg7 : memref<128xi32, #tpu.memory_space<vmem>>) target_semaphore(%run_scoped3A : memref<!tpu.dma_semaphore, #tpu.memory_space<semaphore_mem>>)
      %dma_wait3A = tpu.memref_slice %arg3[%multiple_of3A_24] : memref<327680xi32, #tpu.memory_space<hbm>> -> memref<128xi32, #tpu.memory_space<hbm>>
      %dma_wait3A_61 = tpu.memref_slice %arg3[%multiple_of3A_24] : memref<327680xi32, #tpu.memory_space<hbm>> -> memref<128xi32, #tpu.memory_space<hbm>>
      tpu.wait_dma2 semaphore(%run_scoped3A : memref<!tpu.dma_semaphore, #tpu.memory_space<semaphore_mem>>) src(%dma_wait3A_61 : memref<128xi32, #tpu.memory_space<hbm>>) dst(%arg7 : memref<128xi32, #tpu.memory_space<vmem>>)
      tpu.yield
    }) : () -> ()
    %dma_start3A = arith.constant 0 : i32
    %dma_start3A_25 = arith.constant 0 : i32
    %dma_start3A_26 = tpu.memref_slice %arg2[%dma_start3A, %dma_start3A_25] : memref<10000x128xf32, #tpu.memory_space<hbm>> -> memref<10000x128xf32, #tpu.memory_space<hbm>>
    tpu.enqueue_indirect_dma source(%dma_start3A_26 : memref<10000x128xf32, #tpu.memory_space<hbm>>) target(%arg13 : memref<128x128xf32, #tpu.memory_space<vmem>>) offsets(%arg7 : memref<128xi32, #tpu.memory_space<vmem>>) semaphore(%arg17 : memref<!tpu.dma_semaphore, #tpu.memory_space<semaphore_mem>>)
    %add3A_27 = arith.constant 128 : i32
    %add3A_28 = arith.addi %mul3A_4, %add3A_27 : i32
    %multiple_of3A_29 = tpu.assume_multiple %add3A_28, 8 : i32
    "tpu.region"() ({
      %run_scoped3A = tpu.sem_alloc : memref<!tpu.dma_semaphore, #tpu.memory_space<semaphore_mem>>
      %dma_start3A_59 = tpu.memref_slice %arg3[%multiple_of3A_29] : memref<327680xi32, #tpu.memory_space<hbm>> -> memref<128xi32, #tpu.memory_space<hbm>>
      %dma_start3A_60 = tpu.memref_slice %arg3[%multiple_of3A_29] : memref<327680xi32, #tpu.memory_space<hbm>> -> memref<128xi32, #tpu.memory_space<hbm>>
      tpu.enqueue_dma source(%dma_start3A_60 : memref<128xi32, #tpu.memory_space<hbm>>) target(%arg8 : memref<128xi32, #tpu.memory_space<vmem>>) target_semaphore(%run_scoped3A : memref<!tpu.dma_semaphore, #tpu.memory_space<semaphore_mem>>)
      %dma_wait3A = tpu.memref_slice %arg3[%multiple_of3A_29] : memref<327680xi32, #tpu.memory_space<hbm>> -> memref<128xi32, #tpu.memory_space<hbm>>
      %dma_wait3A_61 = tpu.memref_slice %arg3[%multiple_of3A_29] : memref<327680xi32, #tpu.memory_space<hbm>> -> memref<128xi32, #tpu.memory_space<hbm>>
      tpu.wait_dma2 semaphore(%run_scoped3A : memref<!tpu.dma_semaphore, #tpu.memory_space<semaphore_mem>>) src(%dma_wait3A_61 : memref<128xi32, #tpu.memory_space<hbm>>) dst(%arg8 : memref<128xi32, #tpu.memory_space<vmem>>)
      tpu.yield
    }) : () -> ()
    %dma_start3A_30 = arith.constant 0 : i32
    %dma_start3A_31 = arith.constant 0 : i32
    %dma_start3A_32 = tpu.memref_slice %arg2[%dma_start3A_30, %dma_start3A_31] : memref<10000x128xf32, #tpu.memory_space<hbm>> -> memref<10000x128xf32, #tpu.memory_space<hbm>>
    tpu.enqueue_indirect_dma source(%dma_start3A_32 : memref<10000x128xf32, #tpu.memory_space<hbm>>) target(%arg14 : memref<128x128xf32, #tpu.memory_space<vmem>>) offsets(%arg8 : memref<128xi32, #tpu.memory_space<vmem>>) semaphore(%arg18 : memref<!tpu.dma_semaphore, #tpu.memory_space<semaphore_mem>>)
    %add3A_33 = arith.constant 256 : i32
    %add3A_34 = arith.addi %mul3A_4, %add3A_33 : i32
    %multiple_of3A_35 = tpu.assume_multiple %add3A_34, 8 : i32
    "tpu.region"() ({
      %run_scoped3A = tpu.sem_alloc : memref<!tpu.dma_semaphore, #tpu.memory_space<semaphore_mem>>
      %dma_start3A_59 = tpu.memref_slice %arg3[%multiple_of3A_35] : memref<327680xi32, #tpu.memory_space<hbm>> -> memref<128xi32, #tpu.memory_space<hbm>>
      %dma_start3A_60 = tpu.memref_slice %arg3[%multiple_of3A_35] : memref<327680xi32, #tpu.memory_space<hbm>> -> memref<128xi32, #tpu.memory_space<hbm>>
      tpu.enqueue_dma source(%dma_start3A_60 : memref<128xi32, #tpu.memory_space<hbm>>) target(%arg9 : memref<128xi32, #tpu.memory_space<vmem>>) target_semaphore(%run_scoped3A : memref<!tpu.dma_semaphore, #tpu.memory_space<semaphore_mem>>)
      %dma_wait3A = tpu.memref_slice %arg3[%multiple_of3A_35] : memref<327680xi32, #tpu.memory_space<hbm>> -> memref<128xi32, #tpu.memory_space<hbm>>
      %dma_wait3A_61 = tpu.memref_slice %arg3[%multiple_of3A_35] : memref<327680xi32, #tpu.memory_space<hbm>> -> memref<128xi32, #tpu.memory_space<hbm>>
      tpu.wait_dma2 semaphore(%run_scoped3A : memref<!tpu.dma_semaphore, #tpu.memory_space<semaphore_mem>>) src(%dma_wait3A_61 : memref<128xi32, #tpu.memory_space<hbm>>) dst(%arg9 : memref<128xi32, #tpu.memory_space<vmem>>)
      tpu.yield
    }) : () -> ()
    %dma_start3A_36 = arith.constant 0 : i32
    %dma_start3A_37 = arith.constant 0 : i32
    %dma_start3A_38 = tpu.memref_slice %arg2[%dma_start3A_36, %dma_start3A_37] : memref<10000x128xf32, #tpu.memory_space<hbm>> -> memref<10000x128xf32, #tpu.memory_space<hbm>>
    tpu.enqueue_indirect_dma source(%dma_start3A_38 : memref<10000x128xf32, #tpu.memory_space<hbm>>) target(%arg15 : memref<128x128xf32, #tpu.memory_space<vmem>>) offsets(%arg9 : memref<128xi32, #tpu.memory_space<vmem>>) semaphore(%arg19 : memref<!tpu.dma_semaphore, #tpu.memory_space<semaphore_mem>>)
    %scan3A = arith.constant 0 : i32
    %scan3A_39 = arith.constant 27 : i32
    %scan3A_40 = arith.addi %scan3A, %scan3A_39 : i32
    %scan3A_41 = arith.constant 1 : i32
    scf.for %scan3A_59 = %scan3A to %scan3A_40 step %scan3A_41  : i32 {
      %mul3A_60 = arith.constant 3 : i32
      %mul3A_61 = arith.muli %scan3A_59, %mul3A_60 : i32
      %add3A_62 = arith.constant 0 : i32
      %add3A_63 = arith.addi %add3A_62, %mul3A_61 : i32
      %add3A_64 = arith.constant 0 : i32
      %add3A_65 = arith.addi %add3A_63, %add3A_64 : i32
      %lt3A = arith.constant 80 : i32
      %lt3A_66 = arith.cmpi slt, %add3A_65, %lt3A : i32
      %convert_element_type3A = arith.extui %lt3A_66 : i1 to i32
      %cond3A = arith.constant 0 : i32
      %cond3A_67 = arith.cmpi ne, %convert_element_type3A, %cond3A : i32
      scf.if %cond3A_67 {
        %add3A_103 = arith.constant 0 : i32
        %add3A_104 = arith.addi %add3A_63, %add3A_103 : i32
        %dma_wait3A = arith.constant 0 : i32
        %dma_wait3A_105 = arith.constant 0 : i32
        %dma_wait3A_106 = tpu.memref_slice %arg2[%dma_wait3A, %dma_wait3A_105] : memref<10000x128xf32, #tpu.memory_space<hbm>> -> memref<10000x128xf32, #tpu.memory_space<hbm>>
        tpu.wait_indirect_dma semaphore(%arg17 : memref<!tpu.dma_semaphore, #tpu.memory_space<semaphore_mem>>) src(%dma_wait3A_106 : memref<10000x128xf32, #tpu.memory_space<hbm>>) dst(%arg13 : memref<128x128xf32, #tpu.memory_space<vmem>>)
        %add3A_107 = arith.constant 0 : i32
        %add3A_108 = arith.addi %add3A_63, %add3A_107 : i32
        %mul3A_109 = arith.constant 128 : i32
        %mul3A_110 = arith.muli %add3A_108, %mul3A_109 : i32
        %add3A_111 = arith.addi %mul3A_4, %mul3A_110 : i32
        %multiple_of3A_112 = tpu.assume_multiple %add3A_111, 8 : i32
        "tpu.region"() ({
          %run_scoped3A = tpu.sem_alloc : memref<!tpu.dma_semaphore, #tpu.memory_space<semaphore_mem>>
          %dma_start3A_116 = tpu.memref_slice %arg4[%multiple_of3A_112] : memref<327680xi32, #tpu.memory_space<hbm>> -> memref<128xi32, #tpu.memory_space<hbm>>
          %dma_start3A_117 = tpu.memref_slice %arg4[%multiple_of3A_112] : memref<327680xi32, #tpu.memory_space<hbm>> -> memref<128xi32, #tpu.memory_space<hbm>>
          tpu.enqueue_dma source(%dma_start3A_117 : memref<128xi32, #tpu.memory_space<hbm>>) target(%arg10 : memref<128xi32, #tpu.memory_space<vmem>>) target_semaphore(%run_scoped3A : memref<!tpu.dma_semaphore, #tpu.memory_space<semaphore_mem>>)
          %dma_wait3A_118 = tpu.memref_slice %arg4[%multiple_of3A_112] : memref<327680xi32, #tpu.memory_space<hbm>> -> memref<128xi32, #tpu.memory_space<hbm>>
          %dma_wait3A_119 = tpu.memref_slice %arg4[%multiple_of3A_112] : memref<327680xi32, #tpu.memory_space<hbm>> -> memref<128xi32, #tpu.memory_space<hbm>>
          tpu.wait_dma2 semaphore(%run_scoped3A : memref<!tpu.dma_semaphore, #tpu.memory_space<semaphore_mem>>) src(%dma_wait3A_119 : memref<128xi32, #tpu.memory_space<hbm>>) dst(%arg10 : memref<128xi32, #tpu.memory_space<vmem>>)
          tpu.yield
        }) : () -> ()
        %dma_start3A_113 = arith.constant 0 : i32
        %dma_start3A_114 = arith.constant 0 : i32
        %dma_start3A_115 = tpu.memref_slice %arg16[%dma_start3A_113, %dma_start3A_114] : memref<10008x128xf32, #tpu.memory_space<vmem_shared>> -> memref<10008x128xf32, #tpu.memory_space<vmem_shared>>
        tpu.enqueue_indirect_dma source(%arg13 : memref<128x128xf32, #tpu.memory_space<vmem>>) target(%dma_start3A_115 : memref<10008x128xf32, #tpu.memory_space<vmem_shared>>) offsets(%arg10 : memref<128xi32, #tpu.memory_space<vmem>>) semaphore(%arg20 : memref<!tpu.dma_semaphore, #tpu.memory_space<semaphore_mem>>) {add = true}
      } else {
      }
      %add3A_68 = arith.constant 1 : i32
      %add3A_69 = arith.addi %add3A_63, %add3A_68 : i32
      %lt3A_70 = arith.constant 80 : i32
      %lt3A_71 = arith.cmpi slt, %add3A_69, %lt3A_70 : i32
      %convert_element_type3A_72 = arith.extui %lt3A_71 : i1 to i32
      %cond3A_73 = arith.constant 0 : i32
      %cond3A_74 = arith.cmpi ne, %convert_element_type3A_72, %cond3A_73 : i32
      scf.if %cond3A_74 {
        %add3A_103 = arith.constant 1 : i32
        %add3A_104 = arith.addi %add3A_63, %add3A_103 : i32
        %dma_wait3A = arith.constant 0 : i32
        %dma_wait3A_105 = arith.constant 0 : i32
        %dma_wait3A_106 = tpu.memref_slice %arg2[%dma_wait3A, %dma_wait3A_105] : memref<10000x128xf32, #tpu.memory_space<hbm>> -> memref<10000x128xf32, #tpu.memory_space<hbm>>
        tpu.wait_indirect_dma semaphore(%arg18 : memref<!tpu.dma_semaphore, #tpu.memory_space<semaphore_mem>>) src(%dma_wait3A_106 : memref<10000x128xf32, #tpu.memory_space<hbm>>) dst(%arg14 : memref<128x128xf32, #tpu.memory_space<vmem>>)
        %add3A_107 = arith.constant 1 : i32
        %add3A_108 = arith.addi %add3A_63, %add3A_107 : i32
        %mul3A_109 = arith.constant 128 : i32
        %mul3A_110 = arith.muli %add3A_108, %mul3A_109 : i32
        %add3A_111 = arith.addi %mul3A_4, %mul3A_110 : i32
        %multiple_of3A_112 = tpu.assume_multiple %add3A_111, 8 : i32
        "tpu.region"() ({
          %run_scoped3A = tpu.sem_alloc : memref<!tpu.dma_semaphore, #tpu.memory_space<semaphore_mem>>
          %dma_start3A_116 = tpu.memref_slice %arg4[%multiple_of3A_112] : memref<327680xi32, #tpu.memory_space<hbm>> -> memref<128xi32, #tpu.memory_space<hbm>>
          %dma_start3A_117 = tpu.memref_slice %arg4[%multiple_of3A_112] : memref<327680xi32, #tpu.memory_space<hbm>> -> memref<128xi32, #tpu.memory_space<hbm>>
          tpu.enqueue_dma source(%dma_start3A_117 : memref<128xi32, #tpu.memory_space<hbm>>) target(%arg11 : memref<128xi32, #tpu.memory_space<vmem>>) target_semaphore(%run_scoped3A : memref<!tpu.dma_semaphore, #tpu.memory_space<semaphore_mem>>)
          %dma_wait3A_118 = tpu.memref_slice %arg4[%multiple_of3A_112] : memref<327680xi32, #tpu.memory_space<hbm>> -> memref<128xi32, #tpu.memory_space<hbm>>
          %dma_wait3A_119 = tpu.memref_slice %arg4[%multiple_of3A_112] : memref<327680xi32, #tpu.memory_space<hbm>> -> memref<128xi32, #tpu.memory_space<hbm>>
          tpu.wait_dma2 semaphore(%run_scoped3A : memref<!tpu.dma_semaphore, #tpu.memory_space<semaphore_mem>>) src(%dma_wait3A_119 : memref<128xi32, #tpu.memory_space<hbm>>) dst(%arg11 : memref<128xi32, #tpu.memory_space<vmem>>)
          tpu.yield
        }) : () -> ()
        %dma_start3A_113 = arith.constant 0 : i32
        %dma_start3A_114 = arith.constant 0 : i32
        %dma_start3A_115 = tpu.memref_slice %arg16[%dma_start3A_113, %dma_start3A_114] : memref<10008x128xf32, #tpu.memory_space<vmem_shared>> -> memref<10008x128xf32, #tpu.memory_space<vmem_shared>>
        tpu.enqueue_indirect_dma source(%arg14 : memref<128x128xf32, #tpu.memory_space<vmem>>) target(%dma_start3A_115 : memref<10008x128xf32, #tpu.memory_space<vmem_shared>>) offsets(%arg11 : memref<128xi32, #tpu.memory_space<vmem>>) semaphore(%arg21 : memref<!tpu.dma_semaphore, #tpu.memory_space<semaphore_mem>>) {add = true}
      } else {
      }
      %add3A_75 = arith.constant 2 : i32
      %add3A_76 = arith.addi %add3A_63, %add3A_75 : i32
      %lt3A_77 = arith.constant 80 : i32
      %lt3A_78 = arith.cmpi slt, %add3A_76, %lt3A_77 : i32
      %convert_element_type3A_79 = arith.extui %lt3A_78 : i1 to i32
      %cond3A_80 = arith.constant 0 : i32
      %cond3A_81 = arith.cmpi ne, %convert_element_type3A_79, %cond3A_80 : i32
      scf.if %cond3A_81 {
        %add3A_103 = arith.constant 2 : i32
        %add3A_104 = arith.addi %add3A_63, %add3A_103 : i32
        %dma_wait3A = arith.constant 0 : i32
        %dma_wait3A_105 = arith.constant 0 : i32
        %dma_wait3A_106 = tpu.memref_slice %arg2[%dma_wait3A, %dma_wait3A_105] : memref<10000x128xf32, #tpu.memory_space<hbm>> -> memref<10000x128xf32, #tpu.memory_space<hbm>>
        tpu.wait_indirect_dma semaphore(%arg19 : memref<!tpu.dma_semaphore, #tpu.memory_space<semaphore_mem>>) src(%dma_wait3A_106 : memref<10000x128xf32, #tpu.memory_space<hbm>>) dst(%arg15 : memref<128x128xf32, #tpu.memory_space<vmem>>)
        %add3A_107 = arith.constant 2 : i32
        %add3A_108 = arith.addi %add3A_63, %add3A_107 : i32
        %mul3A_109 = arith.constant 128 : i32
        %mul3A_110 = arith.muli %add3A_108, %mul3A_109 : i32
        %add3A_111 = arith.addi %mul3A_4, %mul3A_110 : i32
        %multiple_of3A_112 = tpu.assume_multiple %add3A_111, 8 : i32
        "tpu.region"() ({
          %run_scoped3A = tpu.sem_alloc : memref<!tpu.dma_semaphore, #tpu.memory_space<semaphore_mem>>
          %dma_start3A_116 = tpu.memref_slice %arg4[%multiple_of3A_112] : memref<327680xi32, #tpu.memory_space<hbm>> -> memref<128xi32, #tpu.memory_space<hbm>>
          %dma_start3A_117 = tpu.memref_slice %arg4[%multiple_of3A_112] : memref<327680xi32, #tpu.memory_space<hbm>> -> memref<128xi32, #tpu.memory_space<hbm>>
          tpu.enqueue_dma source(%dma_start3A_117 : memref<128xi32, #tpu.memory_space<hbm>>) target(%arg12 : memref<128xi32, #tpu.memory_space<vmem>>) target_semaphore(%run_scoped3A : memref<!tpu.dma_semaphore, #tpu.memory_space<semaphore_mem>>)
          %dma_wait3A_118 = tpu.memref_slice %arg4[%multiple_of3A_112] : memref<327680xi32, #tpu.memory_space<hbm>> -> memref<128xi32, #tpu.memory_space<hbm>>
          %dma_wait3A_119 = tpu.memref_slice %arg4[%multiple_of3A_112] : memref<327680xi32, #tpu.memory_space<hbm>> -> memref<128xi32, #tpu.memory_space<hbm>>
          tpu.wait_dma2 semaphore(%run_scoped3A : memref<!tpu.dma_semaphore, #tpu.memory_space<semaphore_mem>>) src(%dma_wait3A_119 : memref<128xi32, #tpu.memory_space<hbm>>) dst(%arg12 : memref<128xi32, #tpu.memory_space<vmem>>)
          tpu.yield
        }) : () -> ()
        %dma_start3A_113 = arith.constant 0 : i32
        %dma_start3A_114 = arith.constant 0 : i32
        %dma_start3A_115 = tpu.memref_slice %arg16[%dma_start3A_113, %dma_start3A_114] : memref<10008x128xf32, #tpu.memory_space<vmem_shared>> -> memref<10008x128xf32, #tpu.memory_space<vmem_shared>>
        tpu.enqueue_indirect_dma source(%arg15 : memref<128x128xf32, #tpu.memory_space<vmem>>) target(%dma_start3A_115 : memref<10008x128xf32, #tpu.memory_space<vmem_shared>>) offsets(%arg12 : memref<128xi32, #tpu.memory_space<vmem>>) semaphore(%arg22 : memref<!tpu.dma_semaphore, #tpu.memory_space<semaphore_mem>>) {add = true}
      } else {
      }
      %add3A_82 = arith.constant 0 : i32
      %add3A_83 = arith.addi %add3A_63, %add3A_82 : i32
      %lt3A_84 = arith.constant 80 : i32
      %lt3A_85 = arith.cmpi slt, %add3A_83, %lt3A_84 : i32
      %convert_element_type3A_86 = arith.extui %lt3A_85 : i1 to i32
      %cond3A_87 = arith.constant 0 : i32
      %cond3A_88 = arith.cmpi ne, %convert_element_type3A_86, %cond3A_87 : i32
      scf.if %cond3A_88 {
        %dma_wait3A = arith.constant 0 : i32
        %dma_wait3A_103 = arith.constant 0 : i32
        %dma_wait3A_104 = tpu.memref_slice %arg16[%dma_wait3A, %dma_wait3A_103] : memref<10008x128xf32, #tpu.memory_space<vmem_shared>> -> memref<10008x128xf32, #tpu.memory_space<vmem_shared>>
        tpu.wait_indirect_dma semaphore(%arg20 : memref<!tpu.dma_semaphore, #tpu.memory_space<semaphore_mem>>) src(%arg13 : memref<128x128xf32, #tpu.memory_space<vmem>>) dst(%dma_wait3A_104 : memref<10008x128xf32, #tpu.memory_space<vmem_shared>>)
        %add3A_105 = arith.constant 3 : i32
        %add3A_106 = arith.addi %add3A_63, %add3A_105 : i32
        %add3A_107 = arith.constant 0 : i32
        %add3A_108 = arith.addi %add3A_106, %add3A_107 : i32
        %lt3A_109 = arith.constant 80 : i32
        %lt3A_110 = arith.cmpi slt, %add3A_108, %lt3A_109 : i32
        %convert_element_type3A_111 = arith.extui %lt3A_110 : i1 to i32
        %cond3A_112 = arith.constant 0 : i32
        %cond3A_113 = arith.cmpi ne, %convert_element_type3A_111, %cond3A_112 : i32
        scf.if %cond3A_113 {
          %add3A_114 = arith.constant 3 : i32
          %add3A_115 = arith.addi %add3A_63, %add3A_114 : i32
          %add3A_116 = arith.constant 0 : i32
          %add3A_117 = arith.addi %add3A_115, %add3A_116 : i32
          %mul3A_118 = arith.constant 128 : i32
          %mul3A_119 = arith.muli %add3A_117, %mul3A_118 : i32
          %add3A_120 = arith.addi %mul3A_4, %mul3A_119 : i32
          %multiple_of3A_121 = tpu.assume_multiple %add3A_120, 8 : i32
          "tpu.region"() ({
            %run_scoped3A = tpu.sem_alloc : memref<!tpu.dma_semaphore, #tpu.memory_space<semaphore_mem>>
            %dma_start3A_125 = tpu.memref_slice %arg3[%multiple_of3A_121] : memref<327680xi32, #tpu.memory_space<hbm>> -> memref<128xi32, #tpu.memory_space<hbm>>
            %dma_start3A_126 = tpu.memref_slice %arg3[%multiple_of3A_121] : memref<327680xi32, #tpu.memory_space<hbm>> -> memref<128xi32, #tpu.memory_space<hbm>>
            tpu.enqueue_dma source(%dma_start3A_126 : memref<128xi32, #tpu.memory_space<hbm>>) target(%arg7 : memref<128xi32, #tpu.memory_space<vmem>>) target_semaphore(%run_scoped3A : memref<!tpu.dma_semaphore, #tpu.memory_space<semaphore_mem>>)
            %dma_wait3A_127 = tpu.memref_slice %arg3[%multiple_of3A_121] : memref<327680xi32, #tpu.memory_space<hbm>> -> memref<128xi32, #tpu.memory_space<hbm>>
            %dma_wait3A_128 = tpu.memref_slice %arg3[%multiple_of3A_121] : memref<327680xi32, #tpu.memory_space<hbm>> -> memref<128xi32, #tpu.memory_space<hbm>>
            tpu.wait_dma2 semaphore(%run_scoped3A : memref<!tpu.dma_semaphore, #tpu.memory_space<semaphore_mem>>) src(%dma_wait3A_128 : memref<128xi32, #tpu.memory_space<hbm>>) dst(%arg7 : memref<128xi32, #tpu.memory_space<vmem>>)
            tpu.yield
          }) : () -> ()
          %dma_start3A_122 = arith.constant 0 : i32
          %dma_start3A_123 = arith.constant 0 : i32
          %dma_start3A_124 = tpu.memref_slice %arg2[%dma_start3A_122, %dma_start3A_123] : memref<10000x128xf32, #tpu.memory_space<hbm>> -> memref<10000x128xf32, #tpu.memory_space<hbm>>
          tpu.enqueue_indirect_dma source(%dma_start3A_124 : memref<10000x128xf32, #tpu.memory_space<hbm>>) target(%arg13 : memref<128x128xf32, #tpu.memory_space<vmem>>) offsets(%arg7 : memref<128xi32, #tpu.memory_space<vmem>>) semaphore(%arg17 : memref<!tpu.dma_semaphore, #tpu.memory_space<semaphore_mem>>)
        } else {
        }
      } else {
      }
      %add3A_89 = arith.constant 1 : i32
      %add3A_90 = arith.addi %add3A_63, %add3A_89 : i32
      %lt3A_91 = arith.constant 80 : i32
      %lt3A_92 = arith.cmpi slt, %add3A_90, %lt3A_91 : i32
      %convert_element_type3A_93 = arith.extui %lt3A_92 : i1 to i32
      %cond3A_94 = arith.constant 0 : i32
      %cond3A_95 = arith.cmpi ne, %convert_element_type3A_93, %cond3A_94 : i32
      scf.if %cond3A_95 {
        %dma_wait3A = arith.constant 0 : i32
        %dma_wait3A_103 = arith.constant 0 : i32
        %dma_wait3A_104 = tpu.memref_slice %arg16[%dma_wait3A, %dma_wait3A_103] : memref<10008x128xf32, #tpu.memory_space<vmem_shared>> -> memref<10008x128xf32, #tpu.memory_space<vmem_shared>>
        tpu.wait_indirect_dma semaphore(%arg21 : memref<!tpu.dma_semaphore, #tpu.memory_space<semaphore_mem>>) src(%arg14 : memref<128x128xf32, #tpu.memory_space<vmem>>) dst(%dma_wait3A_104 : memref<10008x128xf32, #tpu.memory_space<vmem_shared>>)
        %add3A_105 = arith.constant 3 : i32
        %add3A_106 = arith.addi %add3A_63, %add3A_105 : i32
        %add3A_107 = arith.constant 1 : i32
        %add3A_108 = arith.addi %add3A_106, %add3A_107 : i32
        %lt3A_109 = arith.constant 80 : i32
        %lt3A_110 = arith.cmpi slt, %add3A_108, %lt3A_109 : i32
        %convert_element_type3A_111 = arith.extui %lt3A_110 : i1 to i32
        %cond3A_112 = arith.constant 0 : i32
        %cond3A_113 = arith.cmpi ne, %convert_element_type3A_111, %cond3A_112 : i32
        scf.if %cond3A_113 {
          %add3A_114 = arith.constant 3 : i32
          %add3A_115 = arith.addi %add3A_63, %add3A_114 : i32
          %add3A_116 = arith.constant 1 : i32
          %add3A_117 = arith.addi %add3A_115, %add3A_116 : i32
          %mul3A_118 = arith.constant 128 : i32
          %mul3A_119 = arith.muli %add3A_117, %mul3A_118 : i32
          %add3A_120 = arith.addi %mul3A_4, %mul3A_119 : i32
          %multiple_of3A_121 = tpu.assume_multiple %add3A_120, 8 : i32
          "tpu.region"() ({
            %run_scoped3A = tpu.sem_alloc : memref<!tpu.dma_semaphore, #tpu.memory_space<semaphore_mem>>
            %dma_start3A_125 = tpu.memref_slice %arg3[%multiple_of3A_121] : memref<327680xi32, #tpu.memory_space<hbm>> -> memref<128xi32, #tpu.memory_space<hbm>>
            %dma_start3A_126 = tpu.memref_slice %arg3[%multiple_of3A_121] : memref<327680xi32, #tpu.memory_space<hbm>> -> memref<128xi32, #tpu.memory_space<hbm>>
            tpu.enqueue_dma source(%dma_start3A_126 : memref<128xi32, #tpu.memory_space<hbm>>) target(%arg8 : memref<128xi32, #tpu.memory_space<vmem>>) target_semaphore(%run_scoped3A : memref<!tpu.dma_semaphore, #tpu.memory_space<semaphore_mem>>)
            %dma_wait3A_127 = tpu.memref_slice %arg3[%multiple_of3A_121] : memref<327680xi32, #tpu.memory_space<hbm>> -> memref<128xi32, #tpu.memory_space<hbm>>
            %dma_wait3A_128 = tpu.memref_slice %arg3[%multiple_of3A_121] : memref<327680xi32, #tpu.memory_space<hbm>> -> memref<128xi32, #tpu.memory_space<hbm>>
            tpu.wait_dma2 semaphore(%run_scoped3A : memref<!tpu.dma_semaphore, #tpu.memory_space<semaphore_mem>>) src(%dma_wait3A_128 : memref<128xi32, #tpu.memory_space<hbm>>) dst(%arg8 : memref<128xi32, #tpu.memory_space<vmem>>)
            tpu.yield
          }) : () -> ()
          %dma_start3A_122 = arith.constant 0 : i32
          %dma_start3A_123 = arith.constant 0 : i32
          %dma_start3A_124 = tpu.memref_slice %arg2[%dma_start3A_122, %dma_start3A_123] : memref<10000x128xf32, #tpu.memory_space<hbm>> -> memref<10000x128xf32, #tpu.memory_space<hbm>>
          tpu.enqueue_indirect_dma source(%dma_start3A_124 : memref<10000x128xf32, #tpu.memory_space<hbm>>) target(%arg14 : memref<128x128xf32, #tpu.memory_space<vmem>>) offsets(%arg8 : memref<128xi32, #tpu.memory_space<vmem>>) semaphore(%arg18 : memref<!tpu.dma_semaphore, #tpu.memory_space<semaphore_mem>>)
        } else {
        }
      } else {
      }
      %add3A_96 = arith.constant 2 : i32
      %add3A_97 = arith.addi %add3A_63, %add3A_96 : i32
      %lt3A_98 = arith.constant 80 : i32
      %lt3A_99 = arith.cmpi slt, %add3A_97, %lt3A_98 : i32
      %convert_element_type3A_100 = arith.extui %lt3A_99 : i1 to i32
      %cond3A_101 = arith.constant 0 : i32
      %cond3A_102 = arith.cmpi ne, %convert_element_type3A_100, %cond3A_101 : i32
      scf.if %cond3A_102 {
        %dma_wait3A = arith.constant 0 : i32
        %dma_wait3A_103 = arith.constant 0 : i32
        %dma_wait3A_104 = tpu.memref_slice %arg16[%dma_wait3A, %dma_wait3A_103] : memref<10008x128xf32, #tpu.memory_space<vmem_shared>> -> memref<10008x128xf32, #tpu.memory_space<vmem_shared>>
        tpu.wait_indirect_dma semaphore(%arg22 : memref<!tpu.dma_semaphore, #tpu.memory_space<semaphore_mem>>) src(%arg15 : memref<128x128xf32, #tpu.memory_space<vmem>>) dst(%dma_wait3A_104 : memref<10008x128xf32, #tpu.memory_space<vmem_shared>>)
        %add3A_105 = arith.constant 3 : i32
        %add3A_106 = arith.addi %add3A_63, %add3A_105 : i32
        %add3A_107 = arith.constant 2 : i32
        %add3A_108 = arith.addi %add3A_106, %add3A_107 : i32
        %lt3A_109 = arith.constant 80 : i32
        %lt3A_110 = arith.cmpi slt, %add3A_108, %lt3A_109 : i32
        %convert_element_type3A_111 = arith.extui %lt3A_110 : i1 to i32
        %cond3A_112 = arith.constant 0 : i32
        %cond3A_113 = arith.cmpi ne, %convert_element_type3A_111, %cond3A_112 : i32
        scf.if %cond3A_113 {
          %add3A_114 = arith.constant 3 : i32
          %add3A_115 = arith.addi %add3A_63, %add3A_114 : i32
          %add3A_116 = arith.constant 2 : i32
          %add3A_117 = arith.addi %add3A_115, %add3A_116 : i32
          %mul3A_118 = arith.constant 128 : i32
          %mul3A_119 = arith.muli %add3A_117, %mul3A_118 : i32
          %add3A_120 = arith.addi %mul3A_4, %mul3A_119 : i32
          %multiple_of3A_121 = tpu.assume_multiple %add3A_120, 8 : i32
          "tpu.region"() ({
            %run_scoped3A = tpu.sem_alloc : memref<!tpu.dma_semaphore, #tpu.memory_space<semaphore_mem>>
            %dma_start3A_125 = tpu.memref_slice %arg3[%multiple_of3A_121] : memref<327680xi32, #tpu.memory_space<hbm>> -> memref<128xi32, #tpu.memory_space<hbm>>
            %dma_start3A_126 = tpu.memref_slice %arg3[%multiple_of3A_121] : memref<327680xi32, #tpu.memory_space<hbm>> -> memref<128xi32, #tpu.memory_space<hbm>>
            tpu.enqueue_dma source(%dma_start3A_126 : memref<128xi32, #tpu.memory_space<hbm>>) target(%arg9 : memref<128xi32, #tpu.memory_space<vmem>>) target_semaphore(%run_scoped3A : memref<!tpu.dma_semaphore, #tpu.memory_space<semaphore_mem>>)
            %dma_wait3A_127 = tpu.memref_slice %arg3[%multiple_of3A_121] : memref<327680xi32, #tpu.memory_space<hbm>> -> memref<128xi32, #tpu.memory_space<hbm>>
            %dma_wait3A_128 = tpu.memref_slice %arg3[%multiple_of3A_121] : memref<327680xi32, #tpu.memory_space<hbm>> -> memref<128xi32, #tpu.memory_space<hbm>>
            tpu.wait_dma2 semaphore(%run_scoped3A : memref<!tpu.dma_semaphore, #tpu.memory_space<semaphore_mem>>) src(%dma_wait3A_128 : memref<128xi32, #tpu.memory_space<hbm>>) dst(%arg9 : memref<128xi32, #tpu.memory_space<vmem>>)
            tpu.yield
          }) : () -> ()
          %dma_start3A_122 = arith.constant 0 : i32
          %dma_start3A_123 = arith.constant 0 : i32
          %dma_start3A_124 = tpu.memref_slice %arg2[%dma_start3A_122, %dma_start3A_123] : memref<10000x128xf32, #tpu.memory_space<hbm>> -> memref<10000x128xf32, #tpu.memory_space<hbm>>
          tpu.enqueue_indirect_dma source(%dma_start3A_124 : memref<10000x128xf32, #tpu.memory_space<hbm>>) target(%arg15 : memref<128x128xf32, #tpu.memory_space<vmem>>) offsets(%arg9 : memref<128xi32, #tpu.memory_space<vmem>>) semaphore(%arg19 : memref<!tpu.dma_semaphore, #tpu.memory_space<semaphore_mem>>)
        } else {
        }
      } else {
      }
    }
    %scan3A_42 = arith.constant 27 : i32
    %barrier3A_43 = arith.constant 0 : index
    tpu.barrier barrier_id(%barrier3A_43)
    %add3A_44 = arith.constant 0 : i32
    %add3A_45 = arith.addi %multiple_of3A, %add3A_44 : i32
    %multiple_of3A_46 = tpu.assume_multiple %add3A_45, 8 : i32
    "tpu.region"() ({
      %run_scoped3A = tpu.sem_alloc : memref<!tpu.dma_semaphore, #tpu.memory_space<semaphore_mem>>
      %dma_start3A_59 = arith.constant 0 : i32
      %dma_start3A_60 = tpu.memref_slice %arg16[%multiple_of3A_46, %dma_start3A_59] : memref<10008x128xf32, #tpu.memory_space<vmem_shared>> -> memref<128x128xf32, #tpu.memory_space<vmem_shared>>
      %dma_start3A_61 = arith.constant 0 : i32
      %dma_start3A_62 = tpu.memref_slice %arg16[%multiple_of3A_46, %dma_start3A_61] : memref<10008x128xf32, #tpu.memory_space<vmem_shared>> -> memref<128x128xf32, #tpu.memory_space<vmem_shared>>
      tpu.enqueue_dma source(%dma_start3A_62 : memref<128x128xf32, #tpu.memory_space<vmem_shared>>) target(%arg13 : memref<128x128xf32, #tpu.memory_space<vmem>>) target_semaphore(%run_scoped3A : memref<!tpu.dma_semaphore, #tpu.memory_space<semaphore_mem>>)
      %dma_wait3A = arith.constant 0 : i32
      %dma_wait3A_63 = tpu.memref_slice %arg16[%multiple_of3A_46, %dma_wait3A] : memref<10008x128xf32, #tpu.memory_space<vmem_shared>> -> memref<128x128xf32, #tpu.memory_space<vmem_shared>>
      %dma_wait3A_64 = arith.constant 0 : i32
      %dma_wait3A_65 = tpu.memref_slice %arg16[%multiple_of3A_46, %dma_wait3A_64] : memref<10008x128xf32, #tpu.memory_space<vmem_shared>> -> memref<128x128xf32, #tpu.memory_space<vmem_shared>>
      tpu.wait_dma2 semaphore(%run_scoped3A : memref<!tpu.dma_semaphore, #tpu.memory_space<semaphore_mem>>) src(%dma_wait3A_65 : memref<128x128xf32, #tpu.memory_space<vmem_shared>>) dst(%arg13 : memref<128x128xf32, #tpu.memory_space<vmem>>)
      tpu.yield
    }) : () -> ()
    "tpu.region"() ({
      %run_scoped3A = tpu.sem_alloc : memref<!tpu.dma_semaphore, #tpu.memory_space<semaphore_mem>>
      %dma_start3A_59 = arith.constant 0 : i32
      %dma_start3A_60 = tpu.memref_slice %arg6[%arg0, %multiple_of3A_46, %dma_start3A_59] : memref<2x10000x128xf32, #tpu.memory_space<hbm>> -> memref<1x128x128xf32, #tpu.memory_space<hbm>>
      %dma_start3A_61 = tpu.memref_squeeze %dma_start3A_60 : memref<1x128x128xf32, #tpu.memory_space<hbm>> -> memref<128x128xf32, #tpu.memory_space<hbm>>
      %dma_start3A_62 = arith.constant 0 : i32
      %dma_start3A_63 = tpu.memref_slice %arg6[%arg0, %multiple_of3A_46, %dma_start3A_62] : memref<2x10000x128xf32, #tpu.memory_space<hbm>> -> memref<1x128x128xf32, #tpu.memory_space<hbm>>
      %dma_start3A_64 = tpu.memref_squeeze %dma_start3A_63 : memref<1x128x128xf32, #tpu.memory_space<hbm>> -> memref<128x128xf32, #tpu.memory_space<hbm>>
      tpu.enqueue_dma source(%arg13 : memref<128x128xf32, #tpu.memory_space<vmem>>) target(%dma_start3A_64 : memref<128x128xf32, #tpu.memory_space<hbm>>) target_semaphore(%run_scoped3A : memref<!tpu.dma_semaphore, #tpu.memory_space<semaphore_mem>>)
      %dma_wait3A = arith.constant 0 : i32
      %dma_wait3A_65 = tpu.memref_slice %arg6[%arg0, %multiple_of3A_46, %dma_wait3A] : memref<2x10000x128xf32, #tpu.memory_space<hbm>> -> memref<1x128x128xf32, #tpu.memory_space<hbm>>
      %dma_wait3A_66 = tpu.memref_squeeze %dma_wait3A_65 : memref<1x128x128xf32, #tpu.memory_space<hbm>> -> memref<128x128xf32, #tpu.memory_space<hbm>>
      %dma_wait3A_67 = arith.constant 0 : i32
      %dma_wait3A_68 = tpu.memref_slice %arg6[%arg0, %multiple_of3A_46, %dma_wait3A_67] : memref<2x10000x128xf32, #tpu.memory_space<hbm>> -> memref<1x128x128xf32, #tpu.memory_space<hbm>>
      %dma_wait3A_69 = tpu.memref_squeeze %dma_wait3A_68 : memref<1x128x128xf32, #tpu.memory_space<hbm>> -> memref<128x128xf32, #tpu.memory_space<hbm>>
      tpu.wait_dma2 semaphore(%run_scoped3A : memref<!tpu.dma_semaphore, #tpu.memory_space<semaphore_mem>>) src(%arg13 : memref<128x128xf32, #tpu.memory_space<vmem>>) dst(%dma_wait3A_69 : memref<128x128xf32, #tpu.memory_space<hbm>>)
      tpu.yield
    }) : () -> ()
    %add3A_47 = arith.constant 128 : i32
    %add3A_48 = arith.addi %multiple_of3A, %add3A_47 : i32
    %multiple_of3A_49 = tpu.assume_multiple %add3A_48, 8 : i32
    "tpu.region"() ({
      %run_scoped3A = tpu.sem_alloc : memref<!tpu.dma_semaphore, #tpu.memory_space<semaphore_mem>>
      %dma_start3A_59 = arith.constant 0 : i32
      %dma_start3A_60 = tpu.memref_slice %arg16[%multiple_of3A_49, %dma_start3A_59] : memref<10008x128xf32, #tpu.memory_space<vmem_shared>> -> memref<128x128xf32, #tpu.memory_space<vmem_shared>>
      %dma_start3A_61 = arith.constant 0 : i32
      %dma_start3A_62 = tpu.memref_slice %arg16[%multiple_of3A_49, %dma_start3A_61] : memref<10008x128xf32, #tpu.memory_space<vmem_shared>> -> memref<128x128xf32, #tpu.memory_space<vmem_shared>>
      tpu.enqueue_dma source(%dma_start3A_62 : memref<128x128xf32, #tpu.memory_space<vmem_shared>>) target(%arg13 : memref<128x128xf32, #tpu.memory_space<vmem>>) target_semaphore(%run_scoped3A : memref<!tpu.dma_semaphore, #tpu.memory_space<semaphore_mem>>)
      %dma_wait3A = arith.constant 0 : i32
      %dma_wait3A_63 = tpu.memref_slice %arg16[%multiple_of3A_49, %dma_wait3A] : memref<10008x128xf32, #tpu.memory_space<vmem_shared>> -> memref<128x128xf32, #tpu.memory_space<vmem_shared>>
      %dma_wait3A_64 = arith.constant 0 : i32
      %dma_wait3A_65 = tpu.memref_slice %arg16[%multiple_of3A_49, %dma_wait3A_64] : memref<10008x128xf32, #tpu.memory_space<vmem_shared>> -> memref<128x128xf32, #tpu.memory_space<vmem_shared>>
      tpu.wait_dma2 semaphore(%run_scoped3A : memref<!tpu.dma_semaphore, #tpu.memory_space<semaphore_mem>>) src(%dma_wait3A_65 : memref<128x128xf32, #tpu.memory_space<vmem_shared>>) dst(%arg13 : memref<128x128xf32, #tpu.memory_space<vmem>>)
      tpu.yield
    }) : () -> ()
    "tpu.region"() ({
      %run_scoped3A = tpu.sem_alloc : memref<!tpu.dma_semaphore, #tpu.memory_space<semaphore_mem>>
      %dma_start3A_59 = arith.constant 0 : i32
      %dma_start3A_60 = tpu.memref_slice %arg6[%arg0, %multiple_of3A_49, %dma_start3A_59] : memref<2x10000x128xf32, #tpu.memory_space<hbm>> -> memref<1x128x128xf32, #tpu.memory_space<hbm>>
      %dma_start3A_61 = tpu.memref_squeeze %dma_start3A_60 : memref<1x128x128xf32, #tpu.memory_space<hbm>> -> memref<128x128xf32, #tpu.memory_space<hbm>>
      %dma_start3A_62 = arith.constant 0 : i32
      %dma_start3A_63 = tpu.memref_slice %arg6[%arg0, %multiple_of3A_49, %dma_start3A_62] : memref<2x10000x128xf32, #tpu.memory_space<hbm>> -> memref<1x128x128xf32, #tpu.memory_space<hbm>>
      %dma_start3A_64 = tpu.memref_squeeze %dma_start3A_63 : memref<1x128x128xf32, #tpu.memory_space<hbm>> -> memref<128x128xf32, #tpu.memory_space<hbm>>
      tpu.enqueue_dma source(%arg13 : memref<128x128xf32, #tpu.memory_space<vmem>>) target(%dma_start3A_64 : memref<128x128xf32, #tpu.memory_space<hbm>>) target_semaphore(%run_scoped3A : memref<!tpu.dma_semaphore, #tpu.memory_space<semaphore_mem>>)
      %dma_wait3A = arith.constant 0 : i32
      %dma_wait3A_65 = tpu.memref_slice %arg6[%arg0, %multiple_of3A_49, %dma_wait3A] : memref<2x10000x128xf32, #tpu.memory_space<hbm>> -> memref<1x128x128xf32, #tpu.memory_space<hbm>>
      %dma_wait3A_66 = tpu.memref_squeeze %dma_wait3A_65 : memref<1x128x128xf32, #tpu.memory_space<hbm>> -> memref<128x128xf32, #tpu.memory_space<hbm>>
      %dma_wait3A_67 = arith.constant 0 : i32
      %dma_wait3A_68 = tpu.memref_slice %arg6[%arg0, %multiple_of3A_49, %dma_wait3A_67] : memref<2x10000x128xf32, #tpu.memory_space<hbm>> -> memref<1x128x128xf32, #tpu.memory_space<hbm>>
      %dma_wait3A_69 = tpu.memref_squeeze %dma_wait3A_68 : memref<1x128x128xf32, #tpu.memory_space<hbm>> -> memref<128x128xf32, #tpu.memory_space<hbm>>
      tpu.wait_dma2 semaphore(%run_scoped3A : memref<!tpu.dma_semaphore, #tpu.memory_space<semaphore_mem>>) src(%arg13 : memref<128x128xf32, #tpu.memory_space<vmem>>) dst(%dma_wait3A_69 : memref<128x128xf32, #tpu.memory_space<hbm>>)
      tpu.yield
    }) : () -> ()
    %add3A_50 = arith.constant 256 : i32
    %add3A_51 = arith.addi %multiple_of3A, %add3A_50 : i32
    %multiple_of3A_52 = tpu.assume_multiple %add3A_51, 8 : i32
    "tpu.region"() ({
      %run_scoped3A = tpu.sem_alloc : memref<!tpu.dma_semaphore, #tpu.memory_space<semaphore_mem>>
      %dma_start3A_59 = arith.constant 0 : i32
      %dma_start3A_60 = tpu.memref_slice %arg16[%multiple_of3A_52, %dma_start3A_59] : memref<10008x128xf32, #tpu.memory_space<vmem_shared>> -> memref<128x128xf32, #tpu.memory_space<vmem_shared>>
      %dma_start3A_61 = arith.constant 0 : i32
      %dma_start3A_62 = tpu.memref_slice %arg16[%multiple_of3A_52, %dma_start3A_61] : memref<10008x128xf32, #tpu.memory_space<vmem_shared>> -> memref<128x128xf32, #tpu.memory_space<vmem_shared>>
      tpu.enqueue_dma source(%dma_start3A_62 : memref<128x128xf32, #tpu.memory_space<vmem_shared>>) target(%arg13 : memref<128x128xf32, #tpu.memory_space<vmem>>) target_semaphore(%run_scoped3A : memref<!tpu.dma_semaphore, #tpu.memory_space<semaphore_mem>>)
      %dma_wait3A = arith.constant 0 : i32
      %dma_wait3A_63 = tpu.memref_slice %arg16[%multiple_of3A_52, %dma_wait3A] : memref<10008x128xf32, #tpu.memory_space<vmem_shared>> -> memref<128x128xf32, #tpu.memory_space<vmem_shared>>
      %dma_wait3A_64 = arith.constant 0 : i32
      %dma_wait3A_65 = tpu.memref_slice %arg16[%multiple_of3A_52, %dma_wait3A_64] : memref<10008x128xf32, #tpu.memory_space<vmem_shared>> -> memref<128x128xf32, #tpu.memory_space<vmem_shared>>
      tpu.wait_dma2 semaphore(%run_scoped3A : memref<!tpu.dma_semaphore, #tpu.memory_space<semaphore_mem>>) src(%dma_wait3A_65 : memref<128x128xf32, #tpu.memory_space<vmem_shared>>) dst(%arg13 : memref<128x128xf32, #tpu.memory_space<vmem>>)
      tpu.yield
    }) : () -> ()
    "tpu.region"() ({
      %run_scoped3A = tpu.sem_alloc : memref<!tpu.dma_semaphore, #tpu.memory_space<semaphore_mem>>
      %dma_start3A_59 = arith.constant 0 : i32
      %dma_start3A_60 = tpu.memref_slice %arg6[%arg0, %multiple_of3A_52, %dma_start3A_59] : memref<2x10000x128xf32, #tpu.memory_space<hbm>> -> memref<1x128x128xf32, #tpu.memory_space<hbm>>
      %dma_start3A_61 = tpu.memref_squeeze %dma_start3A_60 : memref<1x128x128xf32, #tpu.memory_space<hbm>> -> memref<128x128xf32, #tpu.memory_space<hbm>>
      %dma_start3A_62 = arith.constant 0 : i32
      %dma_start3A_63 = tpu.memref_slice %arg6[%arg0, %multiple_of3A_52, %dma_start3A_62] : memref<2x10000x128xf32, #tpu.memory_space<hbm>> -> memref<1x128x128xf32, #tpu.memory_space<hbm>>
      %dma_start3A_64 = tpu.memref_squeeze %dma_start3A_63 : memref<1x128x128xf32, #tpu.memory_space<hbm>> -> memref<128x128xf32, #tpu.memory_space<hbm>>
      tpu.enqueue_dma source(%arg13 : memref<128x128xf32, #tpu.memory_space<vmem>>) target(%dma_start3A_64 : memref<128x128xf32, #tpu.memory_space<hbm>>) target_semaphore(%run_scoped3A : memref<!tpu.dma_semaphore, #tpu.memory_space<semaphore_mem>>)
      %dma_wait3A = arith.constant 0 : i32
      %dma_wait3A_65 = tpu.memref_slice %arg6[%arg0, %multiple_of3A_52, %dma_wait3A] : memref<2x10000x128xf32, #tpu.memory_space<hbm>> -> memref<1x128x128xf32, #tpu.memory_space<hbm>>
      %dma_wait3A_66 = tpu.memref_squeeze %dma_wait3A_65 : memref<1x128x128xf32, #tpu.memory_space<hbm>> -> memref<128x128xf32, #tpu.memory_space<hbm>>
      %dma_wait3A_67 = arith.constant 0 : i32
      %dma_wait3A_68 = tpu.memref_slice %arg6[%arg0, %multiple_of3A_52, %dma_wait3A_67] : memref<2x10000x128xf32, #tpu.memory_space<hbm>> -> memref<1x128x128xf32, #tpu.memory_space<hbm>>
      %dma_wait3A_69 = tpu.memref_squeeze %dma_wait3A_68 : memref<1x128x128xf32, #tpu.memory_space<hbm>> -> memref<128x128xf32, #tpu.memory_space<hbm>>
      tpu.wait_dma2 semaphore(%run_scoped3A : memref<!tpu.dma_semaphore, #tpu.memory_space<semaphore_mem>>) src(%arg13 : memref<128x128xf32, #tpu.memory_space<vmem>>) dst(%dma_wait3A_69 : memref<128x128xf32, #tpu.memory_space<hbm>>)
      tpu.yield
    }) : () -> ()
    %add3A_53 = arith.constant 384 : i32
    %add3A_54 = arith.addi %multiple_of3A, %add3A_53 : i32
    %multiple_of3A_55 = tpu.assume_multiple %add3A_54, 8 : i32
    "tpu.region"() ({
      %run_scoped3A = tpu.sem_alloc : memref<!tpu.dma_semaphore, #tpu.memory_space<semaphore_mem>>
      %dma_start3A_59 = arith.constant 0 : i32
      %dma_start3A_60 = tpu.memref_slice %arg16[%multiple_of3A_55, %dma_start3A_59] : memref<10008x128xf32, #tpu.memory_space<vmem_shared>> -> memref<128x128xf32, #tpu.memory_space<vmem_shared>>
      %dma_start3A_61 = arith.constant 0 : i32
      %dma_start3A_62 = tpu.memref_slice %arg16[%multiple_of3A_55, %dma_start3A_61] : memref<10008x128xf32, #tpu.memory_space<vmem_shared>> -> memref<128x128xf32, #tpu.memory_space<vmem_shared>>
      tpu.enqueue_dma source(%dma_start3A_62 : memref<128x128xf32, #tpu.memory_space<vmem_shared>>) target(%arg13 : memref<128x128xf32, #tpu.memory_space<vmem>>) target_semaphore(%run_scoped3A : memref<!tpu.dma_semaphore, #tpu.memory_space<semaphore_mem>>)
      %dma_wait3A = arith.constant 0 : i32
      %dma_wait3A_63 = tpu.memref_slice %arg16[%multiple_of3A_55, %dma_wait3A] : memref<10008x128xf32, #tpu.memory_space<vmem_shared>> -> memref<128x128xf32, #tpu.memory_space<vmem_shared>>
      %dma_wait3A_64 = arith.constant 0 : i32
      %dma_wait3A_65 = tpu.memref_slice %arg16[%multiple_of3A_55, %dma_wait3A_64] : memref<10008x128xf32, #tpu.memory_space<vmem_shared>> -> memref<128x128xf32, #tpu.memory_space<vmem_shared>>
      tpu.wait_dma2 semaphore(%run_scoped3A : memref<!tpu.dma_semaphore, #tpu.memory_space<semaphore_mem>>) src(%dma_wait3A_65 : memref<128x128xf32, #tpu.memory_space<vmem_shared>>) dst(%arg13 : memref<128x128xf32, #tpu.memory_space<vmem>>)
      tpu.yield
    }) : () -> ()
    "tpu.region"() ({
      %run_scoped3A = tpu.sem_alloc : memref<!tpu.dma_semaphore, #tpu.memory_space<semaphore_mem>>
      %dma_start3A_59 = arith.constant 0 : i32
      %dma_start3A_60 = tpu.memref_slice %arg6[%arg0, %multiple_of3A_55, %dma_start3A_59] : memref<2x10000x128xf32, #tpu.memory_space<hbm>> -> memref<1x128x128xf32, #tpu.memory_space<hbm>>
      %dma_start3A_61 = tpu.memref_squeeze %dma_start3A_60 : memref<1x128x128xf32, #tpu.memory_space<hbm>> -> memref<128x128xf32, #tpu.memory_space<hbm>>
      %dma_start3A_62 = arith.constant 0 : i32
      %dma_start3A_63 = tpu.memref_slice %arg6[%arg0, %multiple_of3A_55, %dma_start3A_62] : memref<2x10000x128xf32, #tpu.memory_space<hbm>> -> memref<1x128x128xf32, #tpu.memory_space<hbm>>
      %dma_start3A_64 = tpu.memref_squeeze %dma_start3A_63 : memref<1x128x128xf32, #tpu.memory_space<hbm>> -> memref<128x128xf32, #tpu.memory_space<hbm>>
      tpu.enqueue_dma source(%arg13 : memref<128x128xf32, #tpu.memory_space<vmem>>) target(%dma_start3A_64 : memref<128x128xf32, #tpu.memory_space<hbm>>) target_semaphore(%run_scoped3A : memref<!tpu.dma_semaphore, #tpu.memory_space<semaphore_mem>>)
      %dma_wait3A = arith.constant 0 : i32
      %dma_wait3A_65 = tpu.memref_slice %arg6[%arg0, %multiple_of3A_55, %dma_wait3A] : memref<2x10000x128xf32, #tpu.memory_space<hbm>> -> memref<1x128x128xf32, #tpu.memory_space<hbm>>
      %dma_wait3A_66 = tpu.memref_squeeze %dma_wait3A_65 : memref<1x128x128xf32, #tpu.memory_space<hbm>> -> memref<128x128xf32, #tpu.memory_space<hbm>>
      %dma_wait3A_67 = arith.constant 0 : i32
      %dma_wait3A_68 = tpu.memref_slice %arg6[%arg0, %multiple_of3A_55, %dma_wait3A_67] : memref<2x10000x128xf32, #tpu.memory_space<hbm>> -> memref<1x128x128xf32, #tpu.memory_space<hbm>>
      %dma_wait3A_69 = tpu.memref_squeeze %dma_wait3A_68 : memref<1x128x128xf32, #tpu.memory_space<hbm>> -> memref<128x128xf32, #tpu.memory_space<hbm>>
      tpu.wait_dma2 semaphore(%run_scoped3A : memref<!tpu.dma_semaphore, #tpu.memory_space<semaphore_mem>>) src(%arg13 : memref<128x128xf32, #tpu.memory_space<vmem>>) dst(%dma_wait3A_69 : memref<128x128xf32, #tpu.memory_space<hbm>>)
      tpu.yield
    }) : () -> ()
    %add3A_56 = arith.constant 512 : i32
    %add3A_57 = arith.addi %multiple_of3A, %add3A_56 : i32
    %multiple_of3A_58 = tpu.assume_multiple %add3A_57, 8 : i32
    "tpu.region"() ({
      %run_scoped3A = tpu.sem_alloc : memref<!tpu.dma_semaphore, #tpu.memory_space<semaphore_mem>>
      %dma_start3A_59 = arith.constant 0 : i32
      %dma_start3A_60 = tpu.memref_slice %arg16[%multiple_of3A_58, %dma_start3A_59] : memref<10008x128xf32, #tpu.memory_space<vmem_shared>> -> memref<128x128xf32, #tpu.memory_space<vmem_shared>>
      %dma_start3A_61 = arith.constant 0 : i32
      %dma_start3A_62 = tpu.memref_slice %arg16[%multiple_of3A_58, %dma_start3A_61] : memref<10008x128xf32, #tpu.memory_space<vmem_shared>> -> memref<128x128xf32, #tpu.memory_space<vmem_shared>>
      tpu.enqueue_dma source(%dma_start3A_62 : memref<128x128xf32, #tpu.memory_space<vmem_shared>>) target(%arg13 : memref<128x128xf32, #tpu.memory_space<vmem>>) target_semaphore(%run_scoped3A : memref<!tpu.dma_semaphore, #tpu.memory_space<semaphore_mem>>)
      %dma_wait3A = arith.constant 0 : i32
      %dma_wait3A_63 = tpu.memref_slice %arg16[%multiple_of3A_58, %dma_wait3A] : memref<10008x128xf32, #tpu.memory_space<vmem_shared>> -> memref<128x128xf32, #tpu.memory_space<vmem_shared>>
      %dma_wait3A_64 = arith.constant 0 : i32
      %dma_wait3A_65 = tpu.memref_slice %arg16[%multiple_of3A_58, %dma_wait3A_64] : memref<10008x128xf32, #tpu.memory_space<vmem_shared>> -> memref<128x128xf32, #tpu.memory_space<vmem_shared>>
      tpu.wait_dma2 semaphore(%run_scoped3A : memref<!tpu.dma_semaphore, #tpu.memory_space<semaphore_mem>>) src(%dma_wait3A_65 : memref<128x128xf32, #tpu.memory_space<vmem_shared>>) dst(%arg13 : memref<128x128xf32, #tpu.memory_space<vmem>>)
      tpu.yield
    }) : () -> ()
    "tpu.region"() ({
      %run_scoped3A = tpu.sem_alloc : memref<!tpu.dma_semaphore, #tpu.memory_space<semaphore_mem>>
      %dma_start3A_59 = arith.constant 0 : i32
      %dma_start3A_60 = tpu.memref_slice %arg6[%arg0, %multiple_of3A_58, %dma_start3A_59] : memref<2x10000x128xf32, #tpu.memory_space<hbm>> -> memref<1x128x128xf32, #tpu.memory_space<hbm>>
      %dma_start3A_61 = tpu.memref_squeeze %dma_start3A_60 : memref<1x128x128xf32, #tpu.memory_space<hbm>> -> memref<128x128xf32, #tpu.memory_space<hbm>>
      %dma_start3A_62 = arith.constant 0 : i32
      %dma_start3A_63 = tpu.memref_slice %arg6[%arg0, %multiple_of3A_58, %dma_start3A_62] : memref<2x10000x128xf32, #tpu.memory_space<hbm>> -> memref<1x128x128xf32, #tpu.memory_space<hbm>>
      %dma_start3A_64 = tpu.memref_squeeze %dma_start3A_63 : memref<1x128x128xf32, #tpu.memory_space<hbm>> -> memref<128x128xf32, #tpu.memory_space<hbm>>
      tpu.enqueue_dma source(%arg13 : memref<128x128xf32, #tpu.memory_space<vmem>>) target(%dma_start3A_64 : memref<128x128xf32, #tpu.memory_space<hbm>>) target_semaphore(%run_scoped3A : memref<!tpu.dma_semaphore, #tpu.memory_space<semaphore_mem>>)
      %dma_wait3A = arith.constant 0 : i32
      %dma_wait3A_65 = tpu.memref_slice %arg6[%arg0, %multiple_of3A_58, %dma_wait3A] : memref<2x10000x128xf32, #tpu.memory_space<hbm>> -> memref<1x128x128xf32, #tpu.memory_space<hbm>>
      %dma_wait3A_66 = tpu.memref_squeeze %dma_wait3A_65 : memref<1x128x128xf32, #tpu.memory_space<hbm>> -> memref<128x128xf32, #tpu.memory_space<hbm>>
      %dma_wait3A_67 = arith.constant 0 : i32
      %dma_wait3A_68 = tpu.memref_slice %arg6[%arg0, %multiple_of3A_58, %dma_wait3A_67] : memref<2x10000x128xf32, #tpu.memory_space<hbm>> -> memref<1x128x128xf32, #tpu.memory_space<hbm>>
      %dma_wait3A_69 = tpu.memref_squeeze %dma_wait3A_68 : memref<1x128x128xf32, #tpu.memory_space<hbm>> -> memref<128x128xf32, #tpu.memory_space<hbm>>
      tpu.wait_dma2 semaphore(%run_scoped3A : memref<!tpu.dma_semaphore, #tpu.memory_space<semaphore_mem>>) src(%arg13 : memref<128x128xf32, #tpu.memory_space<vmem>>) dst(%dma_wait3A_69 : memref<128x128xf32, #tpu.memory_space<hbm>>)
      tpu.yield
    }) : () -> ()
    return
  }
}

#map = affine_map<(d0, d1) -> (0, 0)>
#map1 = affine_map<(d0, d1) -> (0)>
#map2 = affine_map<(d0, d1) -> (0, 0, 0)>
module attributes {stable_mosaic.version = 14 : i64} {
  func.func @body(%arg0: i32, %arg1: i32, %arg2: memref<10000x128xf32, #tpu.memory_space<hbm>>, %arg3: memref<327680xi32, #tpu.memory_space<hbm>>, %arg4: memref<327680xi32, #tpu.memory_space<hbm>>, %arg5: memref<128x128xf32, #tpu.memory_space<hbm>>, %arg6: memref<2x10000x128xf32, #tpu.memory_space<hbm>>, %arg7: memref<128xi32, #tpu.memory_space<vmem>>, %arg8: memref<128xi32, #tpu.memory_space<vmem>>, %arg9: memref<128xi32, #tpu.memory_space<vmem>>, %arg10: memref<128xi32, #tpu.memory_space<vmem>>, %arg11: memref<128xi32, #tpu.memory_space<vmem>>, %arg12: memref<128xi32, #tpu.memory_space<vmem>>, %arg13: memref<128x128xf32, #tpu.memory_space<vmem>>, %arg14: memref<128x128xf32, #tpu.memory_space<vmem>>, %arg15: memref<128x128xf32, #tpu.memory_space<vmem>>, %arg16: memref<10008x128xf32, #tpu.memory_space<vmem_shared>>, %arg17: memref<!tpu.dma_semaphore, #tpu.memory_space<semaphore_mem>>, %arg18: memref<!tpu.dma_semaphore, #tpu.memory_space<semaphore_mem>>, %arg19: memref<!tpu.dma_semaphore, #tpu.memory_space<semaphore_mem>>, %arg20: memref<!tpu.dma_semaphore, #tpu.memory_space<semaphore_mem>>, %arg21: memref<!tpu.dma_semaphore, #tpu.memory_space<semaphore_mem>>, %arg22: memref<!tpu.dma_semaphore, #tpu.memory_space<semaphore_mem>>) attributes {dimension_semantics = [#tpu.dimension_semantics<core_parallel>, #tpu.dimension_semantics<subcore_parallel>], iteration_bounds = array<i64: 2, 16>, scalar_prefetch = 0 : i64, scratch_operands = 16 : i64, tpu.core_type = #tpu.core_type<sc_vector_subcore>, window_params = [{transform_indices = #map}, {transform_indices = #map1}, {transform_indices = #map1}, {transform_indices = #map}, {transform_indices = #map2}]} {
    %mul3A = arith.constant 16 : i32
    %mul3A_0 = arith.muli %arg0, %mul3A : i32
    %add3A = arith.addi %mul3A_0, %arg1 : i32
    %mul3A_1 = arith.constant 80 : i32
    %mul3A_2 = arith.muli %add3A, %mul3A_1 : i32
    %mul3A_3 = arith.constant 128 : i32
    %mul3A_4 = arith.muli %mul3A_2, %mul3A_3 : i32
    %mul3A_5 = arith.constant 624 : i32
    %mul3A_6 = arith.muli %arg1, %mul3A_5 : i32
    %multiple_of3A = tpu.assume_multiple %mul3A_6, 8 : i32
    "tpu.region"() ({
      %run_scoped3A = tpu.sem_alloc : memref<!tpu.dma_semaphore, #tpu.memory_space<semaphore_mem>>
      tpu.enqueue_dma source(%arg5 : memref<128x128xf32, #tpu.memory_space<hbm>>) target(%arg13 : memref<128x128xf32, #tpu.memory_space<vmem>>) target_semaphore(%run_scoped3A : memref<!tpu.dma_semaphore, #tpu.memory_space<semaphore_mem>>)
      tpu.wait_dma2 semaphore(%run_scoped3A : memref<!tpu.dma_semaphore, #tpu.memory_space<semaphore_mem>>) src(%arg5 : memref<128x128xf32, #tpu.memory_space<hbm>>) dst(%arg13 : memref<128x128xf32, #tpu.memory_space<vmem>>)
      tpu.yield
    }) : () -> ()
    %add3A_7 = arith.constant 0 : i32
    %add3A_8 = arith.addi %multiple_of3A, %add3A_7 : i32
    %multiple_of3A_9 = tpu.assume_multiple %add3A_8, 8 : i32
    "tpu.region"() ({
      %run_scoped3A = tpu.sem_alloc : memref<!tpu.dma_semaphore, #tpu.memory_space<semaphore_mem>>
      %dma_start3A_59 = arith.constant 0 : i32
      %dma_start3A_60 = tpu.memref_slice %arg16[%multiple_of3A_9, %dma_start3A_59] : memref<10008x128xf32, #tpu.memory_space<vmem_shared>> -> memref<128x128xf32, #tpu.memory_space<vmem_shared>>
      %dma_start3A_61 = arith.constant 0 : i32
      %dma_start3A_62 = tpu.memref_slice %arg16[%multiple_of3A_9, %dma_start3A_61] : memref<10008x128xf32, #tpu.memory_space<vmem_shared>> -> memref<128x128xf32, #tpu.memory_space<vmem_shared>>
      tpu.enqueue_dma source(%arg13 : memref<128x128xf32, #tpu.memory_space<vmem>>) target(%dma_start3A_62 : memref<128x128xf32, #tpu.memory_space<vmem_shared>>) target_semaphore(%run_scoped3A : memref<!tpu.dma_semaphore, #tpu.memory_space<semaphore_mem>>)
      %dma_wait3A = arith.constant 0 : i32
      %dma_wait3A_63 = tpu.memref_slice %arg16[%multiple_of3A_9, %dma_wait3A] : memref<10008x128xf32, #tpu.memory_space<vmem_shared>> -> memref<128x128xf32, #tpu.memory_space<vmem_shared>>
      %dma_wait3A_64 = arith.constant 0 : i32
      %dma_wait3A_65 = tpu.memref_slice %arg16[%multiple_of3A_9, %dma_wait3A_64] : memref<10008x128xf32, #tpu.memory_space<vmem_shared>> -> memref<128x128xf32, #tpu.memory_space<vmem_shared>>
      tpu.wait_dma2 semaphore(%run_scoped3A : memref<!tpu.dma_semaphore, #tpu.memory_space<semaphore_mem>>) src(%arg13 : memref<128x128xf32, #tpu.memory_space<vmem>>) dst(%dma_wait3A_65 : memref<128x128xf32, #tpu.memory_space<vmem_shared>>)
      tpu.yield
    }) : () -> ()
    %add3A_10 = arith.constant 128 : i32
    %add3A_11 = arith.addi %multiple_of3A, %add3A_10 : i32
    %multiple_of3A_12 = tpu.assume_multiple %add3A_11, 8 : i32
    "tpu.region"() ({
      %run_scoped3A = tpu.sem_alloc : memref<!tpu.dma_semaphore, #tpu.memory_space<semaphore_mem>>
      %dma_start3A_59 = arith.constant 0 : i32
      %dma_start3A_60 = tpu.memref_slice %arg16[%multiple_of3A_12, %dma_start3A_59] : memref<10008x128xf32, #tpu.memory_space<vmem_shared>> -> memref<128x128xf32, #tpu.memory_space<vmem_shared>>
      %dma_start3A_61 = arith.constant 0 : i32
      %dma_start3A_62 = tpu.memref_slice %arg16[%multiple_of3A_12, %dma_start3A_61] : memref<10008x128xf32, #tpu.memory_space<vmem_shared>> -> memref<128x128xf32, #tpu.memory_space<vmem_shared>>
      tpu.enqueue_dma source(%arg13 : memref<128x128xf32, #tpu.memory_space<vmem>>) target(%dma_start3A_62 : memref<128x128xf32, #tpu.memory_space<vmem_shared>>) target_semaphore(%run_scoped3A : memref<!tpu.dma_semaphore, #tpu.memory_space<semaphore_mem>>)
      %dma_wait3A = arith.constant 0 : i32
      %dma_wait3A_63 = tpu.memref_slice %arg16[%multiple_of3A_12, %dma_wait3A] : memref<10008x128xf32, #tpu.memory_space<vmem_shared>> -> memref<128x128xf32, #tpu.memory_space<vmem_shared>>
      %dma_wait3A_64 = arith.constant 0 : i32
      %dma_wait3A_65 = tpu.memref_slice %arg16[%multiple_of3A_12, %dma_wait3A_64] : memref<10008x128xf32, #tpu.memory_space<vmem_shared>> -> memref<128x128xf32, #tpu.memory_space<vmem_shared>>
      tpu.wait_dma2 semaphore(%run_scoped3A : memref<!tpu.dma_semaphore, #tpu.memory_space<semaphore_mem>>) src(%arg13 : memref<128x128xf32, #tpu.memory_space<vmem>>) dst(%dma_wait3A_65 : memref<128x128xf32, #tpu.memory_space<vmem_shared>>)
      tpu.yield
    }) : () -> ()
    %add3A_13 = arith.constant 256 : i32
    %add3A_14 = arith.addi %multiple_of3A, %add3A_13 : i32
    %multiple_of3A_15 = tpu.assume_multiple %add3A_14, 8 : i32
    "tpu.region"() ({
      %run_scoped3A = tpu.sem_alloc : memref<!tpu.dma_semaphore, #tpu.memory_space<semaphore_mem>>
      %dma_start3A_59 = arith.constant 0 : i32
      %dma_start3A_60 = tpu.memref_slice %arg16[%multiple_of3A_15, %dma_start3A_59] : memref<10008x128xf32, #tpu.memory_space<vmem_shared>> -> memref<128x128xf32, #tpu.memory_space<vmem_shared>>
      %dma_start3A_61 = arith.constant 0 : i32
      %dma_start3A_62 = tpu.memref_slice %arg16[%multiple_of3A_15, %dma_start3A_61] : memref<10008x128xf32, #tpu.memory_space<vmem_shared>> -> memref<128x128xf32, #tpu.memory_space<vmem_shared>>
      tpu.enqueue_dma source(%arg13 : memref<128x128xf32, #tpu.memory_space<vmem>>) target(%dma_start3A_62 : memref<128x128xf32, #tpu.memory_space<vmem_shared>>) target_semaphore(%run_scoped3A : memref<!tpu.dma_semaphore, #tpu.memory_space<semaphore_mem>>)
      %dma_wait3A = arith.constant 0 : i32
      %dma_wait3A_63 = tpu.memref_slice %arg16[%multiple_of3A_15, %dma_wait3A] : memref<10008x128xf32, #tpu.memory_space<vmem_shared>> -> memref<128x128xf32, #tpu.memory_space<vmem_shared>>
      %dma_wait3A_64 = arith.constant 0 : i32
      %dma_wait3A_65 = tpu.memref_slice %arg16[%multiple_of3A_15, %dma_wait3A_64] : memref<10008x128xf32, #tpu.memory_space<vmem_shared>> -> memref<128x128xf32, #tpu.memory_space<vmem_shared>>
      tpu.wait_dma2 semaphore(%run_scoped3A : memref<!tpu.dma_semaphore, #tpu.memory_space<semaphore_mem>>) src(%arg13 : memref<128x128xf32, #tpu.memory_space<vmem>>) dst(%dma_wait3A_65 : memref<128x128xf32, #tpu.memory_space<vmem_shared>>)
      tpu.yield
    }) : () -> ()
    %add3A_16 = arith.constant 384 : i32
    %add3A_17 = arith.addi %multiple_of3A, %add3A_16 : i32
    %multiple_of3A_18 = tpu.assume_multiple %add3A_17, 8 : i32
    "tpu.region"() ({
      %run_scoped3A = tpu.sem_alloc : memref<!tpu.dma_semaphore, #tpu.memory_space<semaphore_mem>>
      %dma_start3A_59 = arith.constant 0 : i32
      %dma_start3A_60 = tpu.memref_slice %arg16[%multiple_of3A_18, %dma_start3A_59] : memref<10008x128xf32, #tpu.memory_space<vmem_shared>> -> memref<128x128xf32, #tpu.memory_space<vmem_shared>>
      %dma_start3A_61 = arith.constant 0 : i32
      %dma_start3A_62 = tpu.memref_slice %arg16[%multiple_of3A_18, %dma_start3A_61] : memref<10008x128xf32, #tpu.memory_space<vmem_shared>> -> memref<128x128xf32, #tpu.memory_space<vmem_shared>>
      tpu.enqueue_dma source(%arg13 : memref<128x128xf32, #tpu.memory_space<vmem>>) target(%dma_start3A_62 : memref<128x128xf32, #tpu.memory_space<vmem_shared>>) target_semaphore(%run_scoped3A : memref<!tpu.dma_semaphore, #tpu.memory_space<semaphore_mem>>)
      %dma_wait3A = arith.constant 0 : i32
      %dma_wait3A_63 = tpu.memref_slice %arg16[%multiple_of3A_18, %dma_wait3A] : memref<10008x128xf32, #tpu.memory_space<vmem_shared>> -> memref<128x128xf32, #tpu.memory_space<vmem_shared>>
      %dma_wait3A_64 = arith.constant 0 : i32
      %dma_wait3A_65 = tpu.memref_slice %arg16[%multiple_of3A_18, %dma_wait3A_64] : memref<10008x128xf32, #tpu.memory_space<vmem_shared>> -> memref<128x128xf32, #tpu.memory_space<vmem_shared>>
      tpu.wait_dma2 semaphore(%run_scoped3A : memref<!tpu.dma_semaphore, #tpu.memory_space<semaphore_mem>>) src(%arg13 : memref<128x128xf32, #tpu.memory_space<vmem>>) dst(%dma_wait3A_65 : memref<128x128xf32, #tpu.memory_space<vmem_shared>>)
      tpu.yield
    }) : () -> ()
    %add3A_19 = arith.constant 512 : i32
    %add3A_20 = arith.addi %multiple_of3A, %add3A_19 : i32
    %multiple_of3A_21 = tpu.assume_multiple %add3A_20, 8 : i32
    "tpu.region"() ({
      %run_scoped3A = tpu.sem_alloc : memref<!tpu.dma_semaphore, #tpu.memory_space<semaphore_mem>>
      %dma_start3A_59 = arith.constant 0 : i32
      %dma_start3A_60 = tpu.memref_slice %arg16[%multiple_of3A_21, %dma_start3A_59] : memref<10008x128xf32, #tpu.memory_space<vmem_shared>> -> memref<128x128xf32, #tpu.memory_space<vmem_shared>>
      %dma_start3A_61 = arith.constant 0 : i32
      %dma_start3A_62 = tpu.memref_slice %arg16[%multiple_of3A_21, %dma_start3A_61] : memref<10008x128xf32, #tpu.memory_space<vmem_shared>> -> memref<128x128xf32, #tpu.memory_space<vmem_shared>>
      tpu.enqueue_dma source(%arg13 : memref<128x128xf32, #tpu.memory_space<vmem>>) target(%dma_start3A_62 : memref<128x128xf32, #tpu.memory_space<vmem_shared>>) target_semaphore(%run_scoped3A : memref<!tpu.dma_semaphore, #tpu.memory_space<semaphore_mem>>)
      %dma_wait3A = arith.constant 0 : i32
      %dma_wait3A_63 = tpu.memref_slice %arg16[%multiple_of3A_21, %dma_wait3A] : memref<10008x128xf32, #tpu.memory_space<vmem_shared>> -> memref<128x128xf32, #tpu.memory_space<vmem_shared>>
      %dma_wait3A_64 = arith.constant 0 : i32
      %dma_wait3A_65 = tpu.memref_slice %arg16[%multiple_of3A_21, %dma_wait3A_64] : memref<10008x128xf32, #tpu.memory_space<vmem_shared>> -> memref<128x128xf32, #tpu.memory_space<vmem_shared>>
      tpu.wait_dma2 semaphore(%run_scoped3A : memref<!tpu.dma_semaphore, #tpu.memory_space<semaphore_mem>>) src(%arg13 : memref<128x128xf32, #tpu.memory_space<vmem>>) dst(%dma_wait3A_65 : memref<128x128xf32, #tpu.memory_space<vmem_shared>>)
      tpu.yield
    }) : () -> ()
    %barrier3A = arith.constant 0 : index
    tpu.barrier barrier_id(%barrier3A)
    %add3A_22 = arith.constant 0 : i32
    %add3A_23 = arith.addi %mul3A_4, %add3A_22 : i32
    %multiple_of3A_24 = tpu.assume_multiple %add3A_23, 8 : i32
    "tpu.region"() ({
      %run_scoped3A = tpu.sem_alloc : memref<!tpu.dma_semaphore, #tpu.memory_space<semaphore_mem>>
      %dma_start3A_59 = tpu.memref_slice %arg3[%multiple_of3A_24] : memref<327680xi32, #tpu.memory_space<hbm>> -> memref<128xi32, #tpu.memory_space<hbm>>
      %dma_start3A_60 = tpu.memref_slice %arg3[%multiple_of3A_24] : memref<327680xi32, #tpu.memory_space<hbm>> -> memref<128xi32, #tpu.memory_space<hbm>>
      tpu.enqueue_dma source(%dma_start3A_60 : memref<128xi32, #tpu.memory_space<hbm>>) target(%arg7 : memref<128xi32, #tpu.memory_space<vmem>>) target_semaphore(%run_scoped3A : memref<!tpu.dma_semaphore, #tpu.memory_space<semaphore_mem>>)
      %dma_wait3A = tpu.memref_slice %arg3[%multiple_of3A_24] : memref<327680xi32, #tpu.memory_space<hbm>> -> memref<128xi32, #tpu.memory_space<hbm>>
      %dma_wait3A_61 = tpu.memref_slice %arg3[%multiple_of3A_24] : memref<327680xi32, #tpu.memory_space<hbm>> -> memref<128xi32, #tpu.memory_space<hbm>>
      tpu.wait_dma2 semaphore(%run_scoped3A : memref<!tpu.dma_semaphore, #tpu.memory_space<semaphore_mem>>) src(%dma_wait3A_61 : memref<128xi32, #tpu.memory_space<hbm>>) dst(%arg7 : memref<128xi32, #tpu.memory_space<vmem>>)
      tpu.yield
    }) : () -> ()
    %dma_start3A = arith.constant 0 : i32
    %dma_start3A_25 = arith.constant 0 : i32
    %dma_start3A_26 = tpu.memref_slice %arg2[%dma_start3A, %dma_start3A_25] : memref<10000x128xf32, #tpu.memory_space<hbm>> -> memref<10000x128xf32, #tpu.memory_space<hbm>>
    tpu.enqueue_indirect_dma source(%dma_start3A_26 : memref<10000x128xf32, #tpu.memory_space<hbm>>) target(%arg13 : memref<128x128xf32, #tpu.memory_space<vmem>>) offsets(%arg7 : memref<128xi32, #tpu.memory_space<vmem>>) semaphore(%arg17 : memref<!tpu.dma_semaphore, #tpu.memory_space<semaphore_mem>>)
    %add3A_27 = arith.constant 128 : i32
    %add3A_28 = arith.addi %mul3A_4, %add3A_27 : i32
    %multiple_of3A_29 = tpu.assume_multiple %add3A_28, 8 : i32
    "tpu.region"() ({
      %run_scoped3A = tpu.sem_alloc : memref<!tpu.dma_semaphore, #tpu.memory_space<semaphore_mem>>
      %dma_start3A_59 = tpu.memref_slice %arg3[%multiple_of3A_29] : memref<327680xi32, #tpu.memory_space<hbm>> -> memref<128xi32, #tpu.memory_space<hbm>>
      %dma_start3A_60 = tpu.memref_slice %arg3[%multiple_of3A_29] : memref<327680xi32, #tpu.memory_space<hbm>> -> memref<128xi32, #tpu.memory_space<hbm>>
      tpu.enqueue_dma source(%dma_start3A_60 : memref<128xi32, #tpu.memory_space<hbm>>) target(%arg8 : memref<128xi32, #tpu.memory_space<vmem>>) target_semaphore(%run_scoped3A : memref<!tpu.dma_semaphore, #tpu.memory_space<semaphore_mem>>)
      %dma_wait3A = tpu.memref_slice %arg3[%multiple_of3A_29] : memref<327680xi32, #tpu.memory_space<hbm>> -> memref<128xi32, #tpu.memory_space<hbm>>
      %dma_wait3A_61 = tpu.memref_slice %arg3[%multiple_of3A_29] : memref<327680xi32, #tpu.memory_space<hbm>> -> memref<128xi32, #tpu.memory_space<hbm>>
      tpu.wait_dma2 semaphore(%run_scoped3A : memref<!tpu.dma_semaphore, #tpu.memory_space<semaphore_mem>>) src(%dma_wait3A_61 : memref<128xi32, #tpu.memory_space<hbm>>) dst(%arg8 : memref<128xi32, #tpu.memory_space<vmem>>)
      tpu.yield
    }) : () -> ()
    %dma_start3A_30 = arith.constant 0 : i32
    %dma_start3A_31 = arith.constant 0 : i32
    %dma_start3A_32 = tpu.memref_slice %arg2[%dma_start3A_30, %dma_start3A_31] : memref<10000x128xf32, #tpu.memory_space<hbm>> -> memref<10000x128xf32, #tpu.memory_space<hbm>>
    tpu.enqueue_indirect_dma source(%dma_start3A_32 : memref<10000x128xf32, #tpu.memory_space<hbm>>) target(%arg14 : memref<128x128xf32, #tpu.memory_space<vmem>>) offsets(%arg8 : memref<128xi32, #tpu.memory_space<vmem>>) semaphore(%arg18 : memref<!tpu.dma_semaphore, #tpu.memory_space<semaphore_mem>>)
    %add3A_33 = arith.constant 256 : i32
    %add3A_34 = arith.addi %mul3A_4, %add3A_33 : i32
    %multiple_of3A_35 = tpu.assume_multiple %add3A_34, 8 : i32
    "tpu.region"() ({
      %run_scoped3A = tpu.sem_alloc : memref<!tpu.dma_semaphore, #tpu.memory_space<semaphore_mem>>
      %dma_start3A_59 = tpu.memref_slice %arg3[%multiple_of3A_35] : memref<327680xi32, #tpu.memory_space<hbm>> -> memref<128xi32, #tpu.memory_space<hbm>>
      %dma_start3A_60 = tpu.memref_slice %arg3[%multiple_of3A_35] : memref<327680xi32, #tpu.memory_space<hbm>> -> memref<128xi32, #tpu.memory_space<hbm>>
      tpu.enqueue_dma source(%dma_start3A_60 : memref<128xi32, #tpu.memory_space<hbm>>) target(%arg9 : memref<128xi32, #tpu.memory_space<vmem>>) target_semaphore(%run_scoped3A : memref<!tpu.dma_semaphore, #tpu.memory_space<semaphore_mem>>)
      %dma_wait3A = tpu.memref_slice %arg3[%multiple_of3A_35] : memref<327680xi32, #tpu.memory_space<hbm>> -> memref<128xi32, #tpu.memory_space<hbm>>
      %dma_wait3A_61 = tpu.memref_slice %arg3[%multiple_of3A_35] : memref<327680xi32, #tpu.memory_space<hbm>> -> memref<128xi32, #tpu.memory_space<hbm>>
      tpu.wait_dma2 semaphore(%run_scoped3A : memref<!tpu.dma_semaphore, #tpu.memory_space<semaphore_mem>>) src(%dma_wait3A_61 : memref<128xi32, #tpu.memory_space<hbm>>) dst(%arg9 : memref<128xi32, #tpu.memory_space<vmem>>)
      tpu.yield
    }) : () -> ()
    %dma_start3A_36 = arith.constant 0 : i32
    %dma_start3A_37 = arith.constant 0 : i32
    %dma_start3A_38 = tpu.memref_slice %arg2[%dma_start3A_36, %dma_start3A_37] : memref<10000x128xf32, #tpu.memory_space<hbm>> -> memref<10000x128xf32, #tpu.memory_space<hbm>>
    tpu.enqueue_indirect_dma source(%dma_start3A_38 : memref<10000x128xf32, #tpu.memory_space<hbm>>) target(%arg15 : memref<128x128xf32, #tpu.memory_space<vmem>>) offsets(%arg9 : memref<128xi32, #tpu.memory_space<vmem>>) semaphore(%arg19 : memref<!tpu.dma_semaphore, #tpu.memory_space<semaphore_mem>>)
    %scan3A = arith.constant 0 : i32
    %scan3A_39 = arith.constant 27 : i32
    %scan3A_40 = arith.addi %scan3A, %scan3A_39 : i32
    %scan3A_41 = arith.constant 1 : i32
    scf.for %scan3A_59 = %scan3A to %scan3A_40 step %scan3A_41  : i32 {
      %mul3A_60 = arith.constant 3 : i32
      %mul3A_61 = arith.muli %scan3A_59, %mul3A_60 : i32
      %add3A_62 = arith.constant 0 : i32
      %add3A_63 = arith.addi %add3A_62, %mul3A_61 : i32
      %add3A_64 = arith.constant 0 : i32
      %add3A_65 = arith.addi %add3A_63, %add3A_64 : i32
      %lt3A = arith.constant 80 : i32
      %lt3A_66 = arith.cmpi slt, %add3A_65, %lt3A : i32
      %convert_element_type3A = arith.extui %lt3A_66 : i1 to i32
      %cond3A = arith.constant 0 : i32
      %cond3A_67 = arith.cmpi ne, %convert_element_type3A, %cond3A : i32
      scf.if %cond3A_67 {
        %add3A_103 = arith.constant 0 : i32
        %add3A_104 = arith.addi %add3A_63, %add3A_103 : i32
        %dma_wait3A = arith.constant 0 : i32
        %dma_wait3A_105 = arith.constant 0 : i32
        %dma_wait3A_106 = tpu.memref_slice %arg2[%dma_wait3A, %dma_wait3A_105] : memref<10000x128xf32, #tpu.memory_space<hbm>> -> memref<10000x128xf32, #tpu.memory_space<hbm>>
        tpu.wait_indirect_dma semaphore(%arg17 : memref<!tpu.dma_semaphore, #tpu.memory_space<semaphore_mem>>) src(%dma_wait3A_106 : memref<10000x128xf32, #tpu.memory_space<hbm>>) dst(%arg13 : memref<128x128xf32, #tpu.memory_space<vmem>>)
        %add3A_107 = arith.constant 0 : i32
        %add3A_108 = arith.addi %add3A_63, %add3A_107 : i32
        %mul3A_109 = arith.constant 128 : i32
        %mul3A_110 = arith.muli %add3A_108, %mul3A_109 : i32
        %add3A_111 = arith.addi %mul3A_4, %mul3A_110 : i32
        %multiple_of3A_112 = tpu.assume_multiple %add3A_111, 8 : i32
        "tpu.region"() ({
          %run_scoped3A = tpu.sem_alloc : memref<!tpu.dma_semaphore, #tpu.memory_space<semaphore_mem>>
          %dma_start3A_116 = tpu.memref_slice %arg4[%multiple_of3A_112] : memref<327680xi32, #tpu.memory_space<hbm>> -> memref<128xi32, #tpu.memory_space<hbm>>
          %dma_start3A_117 = tpu.memref_slice %arg4[%multiple_of3A_112] : memref<327680xi32, #tpu.memory_space<hbm>> -> memref<128xi32, #tpu.memory_space<hbm>>
          tpu.enqueue_dma source(%dma_start3A_117 : memref<128xi32, #tpu.memory_space<hbm>>) target(%arg10 : memref<128xi32, #tpu.memory_space<vmem>>) target_semaphore(%run_scoped3A : memref<!tpu.dma_semaphore, #tpu.memory_space<semaphore_mem>>)
          %dma_wait3A_118 = tpu.memref_slice %arg4[%multiple_of3A_112] : memref<327680xi32, #tpu.memory_space<hbm>> -> memref<128xi32, #tpu.memory_space<hbm>>
          %dma_wait3A_119 = tpu.memref_slice %arg4[%multiple_of3A_112] : memref<327680xi32, #tpu.memory_space<hbm>> -> memref<128xi32, #tpu.memory_space<hbm>>
          tpu.wait_dma2 semaphore(%run_scoped3A : memref<!tpu.dma_semaphore, #tpu.memory_space<semaphore_mem>>) src(%dma_wait3A_119 : memref<128xi32, #tpu.memory_space<hbm>>) dst(%arg10 : memref<128xi32, #tpu.memory_space<vmem>>)
          tpu.yield
        }) : () -> ()
        %dma_start3A_113 = arith.constant 0 : i32
        %dma_start3A_114 = arith.constant 0 : i32
        %dma_start3A_115 = tpu.memref_slice %arg16[%dma_start3A_113, %dma_start3A_114] : memref<10008x128xf32, #tpu.memory_space<vmem_shared>> -> memref<10008x128xf32, #tpu.memory_space<vmem_shared>>
        tpu.enqueue_indirect_dma source(%arg13 : memref<128x128xf32, #tpu.memory_space<vmem>>) target(%dma_start3A_115 : memref<10008x128xf32, #tpu.memory_space<vmem_shared>>) offsets(%arg10 : memref<128xi32, #tpu.memory_space<vmem>>) semaphore(%arg20 : memref<!tpu.dma_semaphore, #tpu.memory_space<semaphore_mem>>) {add = true}
      } else {
      }
      %add3A_68 = arith.constant 1 : i32
      %add3A_69 = arith.addi %add3A_63, %add3A_68 : i32
      %lt3A_70 = arith.constant 80 : i32
      %lt3A_71 = arith.cmpi slt, %add3A_69, %lt3A_70 : i32
      %convert_element_type3A_72 = arith.extui %lt3A_71 : i1 to i32
      %cond3A_73 = arith.constant 0 : i32
      %cond3A_74 = arith.cmpi ne, %convert_element_type3A_72, %cond3A_73 : i32
      scf.if %cond3A_74 {
        %add3A_103 = arith.constant 1 : i32
        %add3A_104 = arith.addi %add3A_63, %add3A_103 : i32
        %dma_wait3A = arith.constant 0 : i32
        %dma_wait3A_105 = arith.constant 0 : i32
        %dma_wait3A_106 = tpu.memref_slice %arg2[%dma_wait3A, %dma_wait3A_105] : memref<10000x128xf32, #tpu.memory_space<hbm>> -> memref<10000x128xf32, #tpu.memory_space<hbm>>
        tpu.wait_indirect_dma semaphore(%arg18 : memref<!tpu.dma_semaphore, #tpu.memory_space<semaphore_mem>>) src(%dma_wait3A_106 : memref<10000x128xf32, #tpu.memory_space<hbm>>) dst(%arg14 : memref<128x128xf32, #tpu.memory_space<vmem>>)
        %add3A_107 = arith.constant 1 : i32
        %add3A_108 = arith.addi %add3A_63, %add3A_107 : i32
        %mul3A_109 = arith.constant 128 : i32
        %mul3A_110 = arith.muli %add3A_108, %mul3A_109 : i32
        %add3A_111 = arith.addi %mul3A_4, %mul3A_110 : i32
        %multiple_of3A_112 = tpu.assume_multiple %add3A_111, 8 : i32
        "tpu.region"() ({
          %run_scoped3A = tpu.sem_alloc : memref<!tpu.dma_semaphore, #tpu.memory_space<semaphore_mem>>
          %dma_start3A_116 = tpu.memref_slice %arg4[%multiple_of3A_112] : memref<327680xi32, #tpu.memory_space<hbm>> -> memref<128xi32, #tpu.memory_space<hbm>>
          %dma_start3A_117 = tpu.memref_slice %arg4[%multiple_of3A_112] : memref<327680xi32, #tpu.memory_space<hbm>> -> memref<128xi32, #tpu.memory_space<hbm>>
          tpu.enqueue_dma source(%dma_start3A_117 : memref<128xi32, #tpu.memory_space<hbm>>) target(%arg11 : memref<128xi32, #tpu.memory_space<vmem>>) target_semaphore(%run_scoped3A : memref<!tpu.dma_semaphore, #tpu.memory_space<semaphore_mem>>)
          %dma_wait3A_118 = tpu.memref_slice %arg4[%multiple_of3A_112] : memref<327680xi32, #tpu.memory_space<hbm>> -> memref<128xi32, #tpu.memory_space<hbm>>
          %dma_wait3A_119 = tpu.memref_slice %arg4[%multiple_of3A_112] : memref<327680xi32, #tpu.memory_space<hbm>> -> memref<128xi32, #tpu.memory_space<hbm>>
          tpu.wait_dma2 semaphore(%run_scoped3A : memref<!tpu.dma_semaphore, #tpu.memory_space<semaphore_mem>>) src(%dma_wait3A_119 : memref<128xi32, #tpu.memory_space<hbm>>) dst(%arg11 : memref<128xi32, #tpu.memory_space<vmem>>)
          tpu.yield
        }) : () -> ()
        %dma_start3A_113 = arith.constant 0 : i32
        %dma_start3A_114 = arith.constant 0 : i32
        %dma_start3A_115 = tpu.memref_slice %arg16[%dma_start3A_113, %dma_start3A_114] : memref<10008x128xf32, #tpu.memory_space<vmem_shared>> -> memref<10008x128xf32, #tpu.memory_space<vmem_shared>>
        tpu.enqueue_indirect_dma source(%arg14 : memref<128x128xf32, #tpu.memory_space<vmem>>) target(%dma_start3A_115 : memref<10008x128xf32, #tpu.memory_space<vmem_shared>>) offsets(%arg11 : memref<128xi32, #tpu.memory_space<vmem>>) semaphore(%arg21 : memref<!tpu.dma_semaphore, #tpu.memory_space<semaphore_mem>>) {add = true}
      } else {
      }
      %add3A_75 = arith.constant 2 : i32
      %add3A_76 = arith.addi %add3A_63, %add3A_75 : i32
      %lt3A_77 = arith.constant 80 : i32
      %lt3A_78 = arith.cmpi slt, %add3A_76, %lt3A_77 : i32
      %convert_element_type3A_79 = arith.extui %lt3A_78 : i1 to i32
      %cond3A_80 = arith.constant 0 : i32
      %cond3A_81 = arith.cmpi ne, %convert_element_type3A_79, %cond3A_80 : i32
      scf.if %cond3A_81 {
        %add3A_103 = arith.constant 2 : i32
        %add3A_104 = arith.addi %add3A_63, %add3A_103 : i32
        %dma_wait3A = arith.constant 0 : i32
        %dma_wait3A_105 = arith.constant 0 : i32
        %dma_wait3A_106 = tpu.memref_slice %arg2[%dma_wait3A, %dma_wait3A_105] : memref<10000x128xf32, #tpu.memory_space<hbm>> -> memref<10000x128xf32, #tpu.memory_space<hbm>>
        tpu.wait_indirect_dma semaphore(%arg19 : memref<!tpu.dma_semaphore, #tpu.memory_space<semaphore_mem>>) src(%dma_wait3A_106 : memref<10000x128xf32, #tpu.memory_space<hbm>>) dst(%arg15 : memref<128x128xf32, #tpu.memory_space<vmem>>)
        %add3A_107 = arith.constant 2 : i32
        %add3A_108 = arith.addi %add3A_63, %add3A_107 : i32
        %mul3A_109 = arith.constant 128 : i32
        %mul3A_110 = arith.muli %add3A_108, %mul3A_109 : i32
        %add3A_111 = arith.addi %mul3A_4, %mul3A_110 : i32
        %multiple_of3A_112 = tpu.assume_multiple %add3A_111, 8 : i32
        "tpu.region"() ({
          %run_scoped3A = tpu.sem_alloc : memref<!tpu.dma_semaphore, #tpu.memory_space<semaphore_mem>>
          %dma_start3A_116 = tpu.memref_slice %arg4[%multiple_of3A_112] : memref<327680xi32, #tpu.memory_space<hbm>> -> memref<128xi32, #tpu.memory_space<hbm>>
          %dma_start3A_117 = tpu.memref_slice %arg4[%multiple_of3A_112] : memref<327680xi32, #tpu.memory_space<hbm>> -> memref<128xi32, #tpu.memory_space<hbm>>
          tpu.enqueue_dma source(%dma_start3A_117 : memref<128xi32, #tpu.memory_space<hbm>>) target(%arg12 : memref<128xi32, #tpu.memory_space<vmem>>) target_semaphore(%run_scoped3A : memref<!tpu.dma_semaphore, #tpu.memory_space<semaphore_mem>>)
          %dma_wait3A_118 = tpu.memref_slice %arg4[%multiple_of3A_112] : memref<327680xi32, #tpu.memory_space<hbm>> -> memref<128xi32, #tpu.memory_space<hbm>>
          %dma_wait3A_119 = tpu.memref_slice %arg4[%multiple_of3A_112] : memref<327680xi32, #tpu.memory_space<hbm>> -> memref<128xi32, #tpu.memory_space<hbm>>
          tpu.wait_dma2 semaphore(%run_scoped3A : memref<!tpu.dma_semaphore, #tpu.memory_space<semaphore_mem>>) src(%dma_wait3A_119 : memref<128xi32, #tpu.memory_space<hbm>>) dst(%arg12 : memref<128xi32, #tpu.memory_space<vmem>>)
          tpu.yield
        }) : () -> ()
        %dma_start3A_113 = arith.constant 0 : i32
        %dma_start3A_114 = arith.constant 0 : i32
        %dma_start3A_115 = tpu.memref_slice %arg16[%dma_start3A_113, %dma_start3A_114] : memref<10008x128xf32, #tpu.memory_space<vmem_shared>> -> memref<10008x128xf32, #tpu.memory_space<vmem_shared>>
        tpu.enqueue_indirect_dma source(%arg15 : memref<128x128xf32, #tpu.memory_space<vmem>>) target(%dma_start3A_115 : memref<10008x128xf32, #tpu.memory_space<vmem_shared>>) offsets(%arg12 : memref<128xi32, #tpu.memory_space<vmem>>) semaphore(%arg22 : memref<!tpu.dma_semaphore, #tpu.memory_space<semaphore_mem>>) {add = true}
      } else {
      }
      %add3A_82 = arith.constant 0 : i32
      %add3A_83 = arith.addi %add3A_63, %add3A_82 : i32
      %lt3A_84 = arith.constant 80 : i32
      %lt3A_85 = arith.cmpi slt, %add3A_83, %lt3A_84 : i32
      %convert_element_type3A_86 = arith.extui %lt3A_85 : i1 to i32
      %cond3A_87 = arith.constant 0 : i32
      %cond3A_88 = arith.cmpi ne, %convert_element_type3A_86, %cond3A_87 : i32
      scf.if %cond3A_88 {
        %dma_wait3A = arith.constant 0 : i32
        %dma_wait3A_103 = arith.constant 0 : i32
        %dma_wait3A_104 = tpu.memref_slice %arg16[%dma_wait3A, %dma_wait3A_103] : memref<10008x128xf32, #tpu.memory_space<vmem_shared>> -> memref<10008x128xf32, #tpu.memory_space<vmem_shared>>
        tpu.wait_indirect_dma semaphore(%arg20 : memref<!tpu.dma_semaphore, #tpu.memory_space<semaphore_mem>>) src(%arg13 : memref<128x128xf32, #tpu.memory_space<vmem>>) dst(%dma_wait3A_104 : memref<10008x128xf32, #tpu.memory_space<vmem_shared>>)
        %add3A_105 = arith.constant 3 : i32
        %add3A_106 = arith.addi %add3A_63, %add3A_105 : i32
        %add3A_107 = arith.constant 0 : i32
        %add3A_108 = arith.addi %add3A_106, %add3A_107 : i32
        %lt3A_109 = arith.constant 80 : i32
        %lt3A_110 = arith.cmpi slt, %add3A_108, %lt3A_109 : i32
        %convert_element_type3A_111 = arith.extui %lt3A_110 : i1 to i32
        %cond3A_112 = arith.constant 0 : i32
        %cond3A_113 = arith.cmpi ne, %convert_element_type3A_111, %cond3A_112 : i32
        scf.if %cond3A_113 {
          %add3A_114 = arith.constant 3 : i32
          %add3A_115 = arith.addi %add3A_63, %add3A_114 : i32
          %add3A_116 = arith.constant 0 : i32
          %add3A_117 = arith.addi %add3A_115, %add3A_116 : i32
          %mul3A_118 = arith.constant 128 : i32
          %mul3A_119 = arith.muli %add3A_117, %mul3A_118 : i32
          %add3A_120 = arith.addi %mul3A_4, %mul3A_119 : i32
          %multiple_of3A_121 = tpu.assume_multiple %add3A_120, 8 : i32
          "tpu.region"() ({
            %run_scoped3A = tpu.sem_alloc : memref<!tpu.dma_semaphore, #tpu.memory_space<semaphore_mem>>
            %dma_start3A_125 = tpu.memref_slice %arg3[%multiple_of3A_121] : memref<327680xi32, #tpu.memory_space<hbm>> -> memref<128xi32, #tpu.memory_space<hbm>>
            %dma_start3A_126 = tpu.memref_slice %arg3[%multiple_of3A_121] : memref<327680xi32, #tpu.memory_space<hbm>> -> memref<128xi32, #tpu.memory_space<hbm>>
            tpu.enqueue_dma source(%dma_start3A_126 : memref<128xi32, #tpu.memory_space<hbm>>) target(%arg7 : memref<128xi32, #tpu.memory_space<vmem>>) target_semaphore(%run_scoped3A : memref<!tpu.dma_semaphore, #tpu.memory_space<semaphore_mem>>)
            %dma_wait3A_127 = tpu.memref_slice %arg3[%multiple_of3A_121] : memref<327680xi32, #tpu.memory_space<hbm>> -> memref<128xi32, #tpu.memory_space<hbm>>
            %dma_wait3A_128 = tpu.memref_slice %arg3[%multiple_of3A_121] : memref<327680xi32, #tpu.memory_space<hbm>> -> memref<128xi32, #tpu.memory_space<hbm>>
            tpu.wait_dma2 semaphore(%run_scoped3A : memref<!tpu.dma_semaphore, #tpu.memory_space<semaphore_mem>>) src(%dma_wait3A_128 : memref<128xi32, #tpu.memory_space<hbm>>) dst(%arg7 : memref<128xi32, #tpu.memory_space<vmem>>)
            tpu.yield
          }) : () -> ()
          %dma_start3A_122 = arith.constant 0 : i32
          %dma_start3A_123 = arith.constant 0 : i32
          %dma_start3A_124 = tpu.memref_slice %arg2[%dma_start3A_122, %dma_start3A_123] : memref<10000x128xf32, #tpu.memory_space<hbm>> -> memref<10000x128xf32, #tpu.memory_space<hbm>>
          tpu.enqueue_indirect_dma source(%dma_start3A_124 : memref<10000x128xf32, #tpu.memory_space<hbm>>) target(%arg13 : memref<128x128xf32, #tpu.memory_space<vmem>>) offsets(%arg7 : memref<128xi32, #tpu.memory_space<vmem>>) semaphore(%arg17 : memref<!tpu.dma_semaphore, #tpu.memory_space<semaphore_mem>>)
        } else {
        }
      } else {
      }
      %add3A_89 = arith.constant 1 : i32
      %add3A_90 = arith.addi %add3A_63, %add3A_89 : i32
      %lt3A_91 = arith.constant 80 : i32
      %lt3A_92 = arith.cmpi slt, %add3A_90, %lt3A_91 : i32
      %convert_element_type3A_93 = arith.extui %lt3A_92 : i1 to i32
      %cond3A_94 = arith.constant 0 : i32
      %cond3A_95 = arith.cmpi ne, %convert_element_type3A_93, %cond3A_94 : i32
      scf.if %cond3A_95 {
        %dma_wait3A = arith.constant 0 : i32
        %dma_wait3A_103 = arith.constant 0 : i32
        %dma_wait3A_104 = tpu.memref_slice %arg16[%dma_wait3A, %dma_wait3A_103] : memref<10008x128xf32, #tpu.memory_space<vmem_shared>> -> memref<10008x128xf32, #tpu.memory_space<vmem_shared>>
        tpu.wait_indirect_dma semaphore(%arg21 : memref<!tpu.dma_semaphore, #tpu.memory_space<semaphore_mem>>) src(%arg14 : memref<128x128xf32, #tpu.memory_space<vmem>>) dst(%dma_wait3A_104 : memref<10008x128xf32, #tpu.memory_space<vmem_shared>>)
        %add3A_105 = arith.constant 3 : i32
        %add3A_106 = arith.addi %add3A_63, %add3A_105 : i32
        %add3A_107 = arith.constant 1 : i32
        %add3A_108 = arith.addi %add3A_106, %add3A_107 : i32
        %lt3A_109 = arith.constant 80 : i32
        %lt3A_110 = arith.cmpi slt, %add3A_108, %lt3A_109 : i32
        %convert_element_type3A_111 = arith.extui %lt3A_110 : i1 to i32
        %cond3A_112 = arith.constant 0 : i32
        %cond3A_113 = arith.cmpi ne, %convert_element_type3A_111, %cond3A_112 : i32
        scf.if %cond3A_113 {
          %add3A_114 = arith.constant 3 : i32
          %add3A_115 = arith.addi %add3A_63, %add3A_114 : i32
          %add3A_116 = arith.constant 1 : i32
          %add3A_117 = arith.addi %add3A_115, %add3A_116 : i32
          %mul3A_118 = arith.constant 128 : i32
          %mul3A_119 = arith.muli %add3A_117, %mul3A_118 : i32
          %add3A_120 = arith.addi %mul3A_4, %mul3A_119 : i32
          %multiple_of3A_121 = tpu.assume_multiple %add3A_120, 8 : i32
          "tpu.region"() ({
            %run_scoped3A = tpu.sem_alloc : memref<!tpu.dma_semaphore, #tpu.memory_space<semaphore_mem>>
            %dma_start3A_125 = tpu.memref_slice %arg3[%multiple_of3A_121] : memref<327680xi32, #tpu.memory_space<hbm>> -> memref<128xi32, #tpu.memory_space<hbm>>
            %dma_start3A_126 = tpu.memref_slice %arg3[%multiple_of3A_121] : memref<327680xi32, #tpu.memory_space<hbm>> -> memref<128xi32, #tpu.memory_space<hbm>>
            tpu.enqueue_dma source(%dma_start3A_126 : memref<128xi32, #tpu.memory_space<hbm>>) target(%arg8 : memref<128xi32, #tpu.memory_space<vmem>>) target_semaphore(%run_scoped3A : memref<!tpu.dma_semaphore, #tpu.memory_space<semaphore_mem>>)
            %dma_wait3A_127 = tpu.memref_slice %arg3[%multiple_of3A_121] : memref<327680xi32, #tpu.memory_space<hbm>> -> memref<128xi32, #tpu.memory_space<hbm>>
            %dma_wait3A_128 = tpu.memref_slice %arg3[%multiple_of3A_121] : memref<327680xi32, #tpu.memory_space<hbm>> -> memref<128xi32, #tpu.memory_space<hbm>>
            tpu.wait_dma2 semaphore(%run_scoped3A : memref<!tpu.dma_semaphore, #tpu.memory_space<semaphore_mem>>) src(%dma_wait3A_128 : memref<128xi32, #tpu.memory_space<hbm>>) dst(%arg8 : memref<128xi32, #tpu.memory_space<vmem>>)
            tpu.yield
          }) : () -> ()
          %dma_start3A_122 = arith.constant 0 : i32
          %dma_start3A_123 = arith.constant 0 : i32
          %dma_start3A_124 = tpu.memref_slice %arg2[%dma_start3A_122, %dma_start3A_123] : memref<10000x128xf32, #tpu.memory_space<hbm>> -> memref<10000x128xf32, #tpu.memory_space<hbm>>
          tpu.enqueue_indirect_dma source(%dma_start3A_124 : memref<10000x128xf32, #tpu.memory_space<hbm>>) target(%arg14 : memref<128x128xf32, #tpu.memory_space<vmem>>) offsets(%arg8 : memref<128xi32, #tpu.memory_space<vmem>>) semaphore(%arg18 : memref<!tpu.dma_semaphore, #tpu.memory_space<semaphore_mem>>)
        } else {
        }
      } else {
      }
      %add3A_96 = arith.constant 2 : i32
      %add3A_97 = arith.addi %add3A_63, %add3A_96 : i32
      %lt3A_98 = arith.constant 80 : i32
      %lt3A_99 = arith.cmpi slt, %add3A_97, %lt3A_98 : i32
      %convert_element_type3A_100 = arith.extui %lt3A_99 : i1 to i32
      %cond3A_101 = arith.constant 0 : i32
      %cond3A_102 = arith.cmpi ne, %convert_element_type3A_100, %cond3A_101 : i32
      scf.if %cond3A_102 {
        %dma_wait3A = arith.constant 0 : i32
        %dma_wait3A_103 = arith.constant 0 : i32
        %dma_wait3A_104 = tpu.memref_slice %arg16[%dma_wait3A, %dma_wait3A_103] : memref<10008x128xf32, #tpu.memory_space<vmem_shared>> -> memref<10008x128xf32, #tpu.memory_space<vmem_shared>>
        tpu.wait_indirect_dma semaphore(%arg22 : memref<!tpu.dma_semaphore, #tpu.memory_space<semaphore_mem>>) src(%arg15 : memref<128x128xf32, #tpu.memory_space<vmem>>) dst(%dma_wait3A_104 : memref<10008x128xf32, #tpu.memory_space<vmem_shared>>)
        %add3A_105 = arith.constant 3 : i32
        %add3A_106 = arith.addi %add3A_63, %add3A_105 : i32
        %add3A_107 = arith.constant 2 : i32
        %add3A_108 = arith.addi %add3A_106, %add3A_107 : i32
        %lt3A_109 = arith.constant 80 : i32
        %lt3A_110 = arith.cmpi slt, %add3A_108, %lt3A_109 : i32
        %convert_element_type3A_111 = arith.extui %lt3A_110 : i1 to i32
        %cond3A_112 = arith.constant 0 : i32
        %cond3A_113 = arith.cmpi ne, %convert_element_type3A_111, %cond3A_112 : i32
        scf.if %cond3A_113 {
          %add3A_114 = arith.constant 3 : i32
          %add3A_115 = arith.addi %add3A_63, %add3A_114 : i32
          %add3A_116 = arith.constant 2 : i32
          %add3A_117 = arith.addi %add3A_115, %add3A_116 : i32
          %mul3A_118 = arith.constant 128 : i32
          %mul3A_119 = arith.muli %add3A_117, %mul3A_118 : i32
          %add3A_120 = arith.addi %mul3A_4, %mul3A_119 : i32
          %multiple_of3A_121 = tpu.assume_multiple %add3A_120, 8 : i32
          "tpu.region"() ({
            %run_scoped3A = tpu.sem_alloc : memref<!tpu.dma_semaphore, #tpu.memory_space<semaphore_mem>>
            %dma_start3A_125 = tpu.memref_slice %arg3[%multiple_of3A_121] : memref<327680xi32, #tpu.memory_space<hbm>> -> memref<128xi32, #tpu.memory_space<hbm>>
            %dma_start3A_126 = tpu.memref_slice %arg3[%multiple_of3A_121] : memref<327680xi32, #tpu.memory_space<hbm>> -> memref<128xi32, #tpu.memory_space<hbm>>
            tpu.enqueue_dma source(%dma_start3A_126 : memref<128xi32, #tpu.memory_space<hbm>>) target(%arg9 : memref<128xi32, #tpu.memory_space<vmem>>) target_semaphore(%run_scoped3A : memref<!tpu.dma_semaphore, #tpu.memory_space<semaphore_mem>>)
            %dma_wait3A_127 = tpu.memref_slice %arg3[%multiple_of3A_121] : memref<327680xi32, #tpu.memory_space<hbm>> -> memref<128xi32, #tpu.memory_space<hbm>>
            %dma_wait3A_128 = tpu.memref_slice %arg3[%multiple_of3A_121] : memref<327680xi32, #tpu.memory_space<hbm>> -> memref<128xi32, #tpu.memory_space<hbm>>
            tpu.wait_dma2 semaphore(%run_scoped3A : memref<!tpu.dma_semaphore, #tpu.memory_space<semaphore_mem>>) src(%dma_wait3A_128 : memref<128xi32, #tpu.memory_space<hbm>>) dst(%arg9 : memref<128xi32, #tpu.memory_space<vmem>>)
            tpu.yield
          }) : () -> ()
          %dma_start3A_122 = arith.constant 0 : i32
          %dma_start3A_123 = arith.constant 0 : i32
          %dma_start3A_124 = tpu.memref_slice %arg2[%dma_start3A_122, %dma_start3A_123] : memref<10000x128xf32, #tpu.memory_space<hbm>> -> memref<10000x128xf32, #tpu.memory_space<hbm>>
          tpu.enqueue_indirect_dma source(%dma_start3A_124 : memref<10000x128xf32, #tpu.memory_space<hbm>>) target(%arg15 : memref<128x128xf32, #tpu.memory_space<vmem>>) offsets(%arg9 : memref<128xi32, #tpu.memory_space<vmem>>) semaphore(%arg19 : memref<!tpu.dma_semaphore, #tpu.memory_space<semaphore_mem>>)
        } else {
        }
      } else {
      }
    }
    %scan3A_42 = arith.constant 27 : i32
    %barrier3A_43 = arith.constant 0 : index
    tpu.barrier barrier_id(%barrier3A_43)
    %add3A_44 = arith.constant 0 : i32
    %add3A_45 = arith.addi %multiple_of3A, %add3A_44 : i32
    %multiple_of3A_46 = tpu.assume_multiple %add3A_45, 8 : i32
    "tpu.region"() ({
      %run_scoped3A = tpu.sem_alloc : memref<!tpu.dma_semaphore, #tpu.memory_space<semaphore_mem>>
      %dma_start3A_59 = arith.constant 0 : i32
      %dma_start3A_60 = tpu.memref_slice %arg16[%multiple_of3A_46, %dma_start3A_59] : memref<10008x128xf32, #tpu.memory_space<vmem_shared>> -> memref<128x128xf32, #tpu.memory_space<vmem_shared>>
      %dma_start3A_61 = arith.constant 0 : i32
      %dma_start3A_62 = tpu.memref_slice %arg16[%multiple_of3A_46, %dma_start3A_61] : memref<10008x128xf32, #tpu.memory_space<vmem_shared>> -> memref<128x128xf32, #tpu.memory_space<vmem_shared>>
      tpu.enqueue_dma source(%dma_start3A_62 : memref<128x128xf32, #tpu.memory_space<vmem_shared>>) target(%arg13 : memref<128x128xf32, #tpu.memory_space<vmem>>) target_semaphore(%run_scoped3A : memref<!tpu.dma_semaphore, #tpu.memory_space<semaphore_mem>>)
      %dma_wait3A = arith.constant 0 : i32
      %dma_wait3A_63 = tpu.memref_slice %arg16[%multiple_of3A_46, %dma_wait3A] : memref<10008x128xf32, #tpu.memory_space<vmem_shared>> -> memref<128x128xf32, #tpu.memory_space<vmem_shared>>
      %dma_wait3A_64 = arith.constant 0 : i32
      %dma_wait3A_65 = tpu.memref_slice %arg16[%multiple_of3A_46, %dma_wait3A_64] : memref<10008x128xf32, #tpu.memory_space<vmem_shared>> -> memref<128x128xf32, #tpu.memory_space<vmem_shared>>
      tpu.wait_dma2 semaphore(%run_scoped3A : memref<!tpu.dma_semaphore, #tpu.memory_space<semaphore_mem>>) src(%dma_wait3A_65 : memref<128x128xf32, #tpu.memory_space<vmem_shared>>) dst(%arg13 : memref<128x128xf32, #tpu.memory_space<vmem>>)
      tpu.yield
    }) : () -> ()
    "tpu.region"() ({
      %run_scoped3A = tpu.sem_alloc : memref<!tpu.dma_semaphore, #tpu.memory_space<semaphore_mem>>
      %dma_start3A_59 = arith.constant 0 : i32
      %dma_start3A_60 = tpu.memref_slice %arg6[%arg0, %multiple_of3A_46, %dma_start3A_59] : memref<2x10000x128xf32, #tpu.memory_space<hbm>> -> memref<1x128x128xf32, #tpu.memory_space<hbm>>
      %dma_start3A_61 = tpu.memref_squeeze %dma_start3A_60 : memref<1x128x128xf32, #tpu.memory_space<hbm>> -> memref<128x128xf32, #tpu.memory_space<hbm>>
      %dma_start3A_62 = arith.constant 0 : i32
      %dma_start3A_63 = tpu.memref_slice %arg6[%arg0, %multiple_of3A_46, %dma_start3A_62] : memref<2x10000x128xf32, #tpu.memory_space<hbm>> -> memref<1x128x128xf32, #tpu.memory_space<hbm>>
      %dma_start3A_64 = tpu.memref_squeeze %dma_start3A_63 : memref<1x128x128xf32, #tpu.memory_space<hbm>> -> memref<128x128xf32, #tpu.memory_space<hbm>>
      tpu.enqueue_dma source(%arg13 : memref<128x128xf32, #tpu.memory_space<vmem>>) target(%dma_start3A_64 : memref<128x128xf32, #tpu.memory_space<hbm>>) target_semaphore(%run_scoped3A : memref<!tpu.dma_semaphore, #tpu.memory_space<semaphore_mem>>)
      %dma_wait3A = arith.constant 0 : i32
      %dma_wait3A_65 = tpu.memref_slice %arg6[%arg0, %multiple_of3A_46, %dma_wait3A] : memref<2x10000x128xf32, #tpu.memory_space<hbm>> -> memref<1x128x128xf32, #tpu.memory_space<hbm>>
      %dma_wait3A_66 = tpu.memref_squeeze %dma_wait3A_65 : memref<1x128x128xf32, #tpu.memory_space<hbm>> -> memref<128x128xf32, #tpu.memory_space<hbm>>
      %dma_wait3A_67 = arith.constant 0 : i32
      %dma_wait3A_68 = tpu.memref_slice %arg6[%arg0, %multiple_of3A_46, %dma_wait3A_67] : memref<2x10000x128xf32, #tpu.memory_space<hbm>> -> memref<1x128x128xf32, #tpu.memory_space<hbm>>
      %dma_wait3A_69 = tpu.memref_squeeze %dma_wait3A_68 : memref<1x128x128xf32, #tpu.memory_space<hbm>> -> memref<128x128xf32, #tpu.memory_space<hbm>>
      tpu.wait_dma2 semaphore(%run_scoped3A : memref<!tpu.dma_semaphore, #tpu.memory_space<semaphore_mem>>) src(%arg13 : memref<128x128xf32, #tpu.memory_space<vmem>>) dst(%dma_wait3A_69 : memref<128x128xf32, #tpu.memory_space<hbm>>)
      tpu.yield
    }) : () -> ()
    %add3A_47 = arith.constant 128 : i32
    %add3A_48 = arith.addi %multiple_of3A, %add3A_47 : i32
    %multiple_of3A_49 = tpu.assume_multiple %add3A_48, 8 : i32
    "tpu.region"() ({
      %run_scoped3A = tpu.sem_alloc : memref<!tpu.dma_semaphore, #tpu.memory_space<semaphore_mem>>
      %dma_start3A_59 = arith.constant 0 : i32
      %dma_start3A_60 = tpu.memref_slice %arg16[%multiple_of3A_49, %dma_start3A_59] : memref<10008x128xf32, #tpu.memory_space<vmem_shared>> -> memref<128x128xf32, #tpu.memory_space<vmem_shared>>
      %dma_start3A_61 = arith.constant 0 : i32
      %dma_start3A_62 = tpu.memref_slice %arg16[%multiple_of3A_49, %dma_start3A_61] : memref<10008x128xf32, #tpu.memory_space<vmem_shared>> -> memref<128x128xf32, #tpu.memory_space<vmem_shared>>
      tpu.enqueue_dma source(%dma_start3A_62 : memref<128x128xf32, #tpu.memory_space<vmem_shared>>) target(%arg13 : memref<128x128xf32, #tpu.memory_space<vmem>>) target_semaphore(%run_scoped3A : memref<!tpu.dma_semaphore, #tpu.memory_space<semaphore_mem>>)
      %dma_wait3A = arith.constant 0 : i32
      %dma_wait3A_63 = tpu.memref_slice %arg16[%multiple_of3A_49, %dma_wait3A] : memref<10008x128xf32, #tpu.memory_space<vmem_shared>> -> memref<128x128xf32, #tpu.memory_space<vmem_shared>>
      %dma_wait3A_64 = arith.constant 0 : i32
      %dma_wait3A_65 = tpu.memref_slice %arg16[%multiple_of3A_49, %dma_wait3A_64] : memref<10008x128xf32, #tpu.memory_space<vmem_shared>> -> memref<128x128xf32, #tpu.memory_space<vmem_shared>>
      tpu.wait_dma2 semaphore(%run_scoped3A : memref<!tpu.dma_semaphore, #tpu.memory_space<semaphore_mem>>) src(%dma_wait3A_65 : memref<128x128xf32, #tpu.memory_space<vmem_shared>>) dst(%arg13 : memref<128x128xf32, #tpu.memory_space<vmem>>)
      tpu.yield
    }) : () -> ()
    "tpu.region"() ({
      %run_scoped3A = tpu.sem_alloc : memref<!tpu.dma_semaphore, #tpu.memory_space<semaphore_mem>>
      %dma_start3A_59 = arith.constant 0 : i32
      %dma_start3A_60 = tpu.memref_slice %arg6[%arg0, %multiple_of3A_49, %dma_start3A_59] : memref<2x10000x128xf32, #tpu.memory_space<hbm>> -> memref<1x128x128xf32, #tpu.memory_space<hbm>>
      %dma_start3A_61 = tpu.memref_squeeze %dma_start3A_60 : memref<1x128x128xf32, #tpu.memory_space<hbm>> -> memref<128x128xf32, #tpu.memory_space<hbm>>
      %dma_start3A_62 = arith.constant 0 : i32
      %dma_start3A_63 = tpu.memref_slice %arg6[%arg0, %multiple_of3A_49, %dma_start3A_62] : memref<2x10000x128xf32, #tpu.memory_space<hbm>> -> memref<1x128x128xf32, #tpu.memory_space<hbm>>
      %dma_start3A_64 = tpu.memref_squeeze %dma_start3A_63 : memref<1x128x128xf32, #tpu.memory_space<hbm>> -> memref<128x128xf32, #tpu.memory_space<hbm>>
      tpu.enqueue_dma source(%arg13 : memref<128x128xf32, #tpu.memory_space<vmem>>) target(%dma_start3A_64 : memref<128x128xf32, #tpu.memory_space<hbm>>) target_semaphore(%run_scoped3A : memref<!tpu.dma_semaphore, #tpu.memory_space<semaphore_mem>>)
      %dma_wait3A = arith.constant 0 : i32
      %dma_wait3A_65 = tpu.memref_slice %arg6[%arg0, %multiple_of3A_49, %dma_wait3A] : memref<2x10000x128xf32, #tpu.memory_space<hbm>> -> memref<1x128x128xf32, #tpu.memory_space<hbm>>
      %dma_wait3A_66 = tpu.memref_squeeze %dma_wait3A_65 : memref<1x128x128xf32, #tpu.memory_space<hbm>> -> memref<128x128xf32, #tpu.memory_space<hbm>>
      %dma_wait3A_67 = arith.constant 0 : i32
      %dma_wait3A_68 = tpu.memref_slice %arg6[%arg0, %multiple_of3A_49, %dma_wait3A_67] : memref<2x10000x128xf32, #tpu.memory_space<hbm>> -> memref<1x128x128xf32, #tpu.memory_space<hbm>>
      %dma_wait3A_69 = tpu.memref_squeeze %dma_wait3A_68 : memref<1x128x128xf32, #tpu.memory_space<hbm>> -> memref<128x128xf32, #tpu.memory_space<hbm>>
      tpu.wait_dma2 semaphore(%run_scoped3A : memref<!tpu.dma_semaphore, #tpu.memory_space<semaphore_mem>>) src(%arg13 : memref<128x128xf32, #tpu.memory_space<vmem>>) dst(%dma_wait3A_69 : memref<128x128xf32, #tpu.memory_space<hbm>>)
      tpu.yield
    }) : () -> ()
    %add3A_50 = arith.constant 256 : i32
    %add3A_51 = arith.addi %multiple_of3A, %add3A_50 : i32
    %multiple_of3A_52 = tpu.assume_multiple %add3A_51, 8 : i32
    "tpu.region"() ({
      %run_scoped3A = tpu.sem_alloc : memref<!tpu.dma_semaphore, #tpu.memory_space<semaphore_mem>>
      %dma_start3A_59 = arith.constant 0 : i32
      %dma_start3A_60 = tpu.memref_slice %arg16[%multiple_of3A_52, %dma_start3A_59] : memref<10008x128xf32, #tpu.memory_space<vmem_shared>> -> memref<128x128xf32, #tpu.memory_space<vmem_shared>>
      %dma_start3A_61 = arith.constant 0 : i32
      %dma_start3A_62 = tpu.memref_slice %arg16[%multiple_of3A_52, %dma_start3A_61] : memref<10008x128xf32, #tpu.memory_space<vmem_shared>> -> memref<128x128xf32, #tpu.memory_space<vmem_shared>>
      tpu.enqueue_dma source(%dma_start3A_62 : memref<128x128xf32, #tpu.memory_space<vmem_shared>>) target(%arg13 : memref<128x128xf32, #tpu.memory_space<vmem>>) target_semaphore(%run_scoped3A : memref<!tpu.dma_semaphore, #tpu.memory_space<semaphore_mem>>)
      %dma_wait3A = arith.constant 0 : i32
      %dma_wait3A_63 = tpu.memref_slice %arg16[%multiple_of3A_52, %dma_wait3A] : memref<10008x128xf32, #tpu.memory_space<vmem_shared>> -> memref<128x128xf32, #tpu.memory_space<vmem_shared>>
      %dma_wait3A_64 = arith.constant 0 : i32
      %dma_wait3A_65 = tpu.memref_slice %arg16[%multiple_of3A_52, %dma_wait3A_64] : memref<10008x128xf32, #tpu.memory_space<vmem_shared>> -> memref<128x128xf32, #tpu.memory_space<vmem_shared>>
      tpu.wait_dma2 semaphore(%run_scoped3A : memref<!tpu.dma_semaphore, #tpu.memory_space<semaphore_mem>>) src(%dma_wait3A_65 : memref<128x128xf32, #tpu.memory_space<vmem_shared>>) dst(%arg13 : memref<128x128xf32, #tpu.memory_space<vmem>>)
      tpu.yield
    }) : () -> ()
    "tpu.region"() ({
      %run_scoped3A = tpu.sem_alloc : memref<!tpu.dma_semaphore, #tpu.memory_space<semaphore_mem>>
      %dma_start3A_59 = arith.constant 0 : i32
      %dma_start3A_60 = tpu.memref_slice %arg6[%arg0, %multiple_of3A_52, %dma_start3A_59] : memref<2x10000x128xf32, #tpu.memory_space<hbm>> -> memref<1x128x128xf32, #tpu.memory_space<hbm>>
      %dma_start3A_61 = tpu.memref_squeeze %dma_start3A_60 : memref<1x128x128xf32, #tpu.memory_space<hbm>> -> memref<128x128xf32, #tpu.memory_space<hbm>>
      %dma_start3A_62 = arith.constant 0 : i32
      %dma_start3A_63 = tpu.memref_slice %arg6[%arg0, %multiple_of3A_52, %dma_start3A_62] : memref<2x10000x128xf32, #tpu.memory_space<hbm>> -> memref<1x128x128xf32, #tpu.memory_space<hbm>>
      %dma_start3A_64 = tpu.memref_squeeze %dma_start3A_63 : memref<1x128x128xf32, #tpu.memory_space<hbm>> -> memref<128x128xf32, #tpu.memory_space<hbm>>
      tpu.enqueue_dma source(%arg13 : memref<128x128xf32, #tpu.memory_space<vmem>>) target(%dma_start3A_64 : memref<128x128xf32, #tpu.memory_space<hbm>>) target_semaphore(%run_scoped3A : memref<!tpu.dma_semaphore, #tpu.memory_space<semaphore_mem>>)
      %dma_wait3A = arith.constant 0 : i32
      %dma_wait3A_65 = tpu.memref_slice %arg6[%arg0, %multiple_of3A_52, %dma_wait3A] : memref<2x10000x128xf32, #tpu.memory_space<hbm>> -> memref<1x128x128xf32, #tpu.memory_space<hbm>>
      %dma_wait3A_66 = tpu.memref_squeeze %dma_wait3A_65 : memref<1x128x128xf32, #tpu.memory_space<hbm>> -> memref<128x128xf32, #tpu.memory_space<hbm>>
      %dma_wait3A_67 = arith.constant 0 : i32
      %dma_wait3A_68 = tpu.memref_slice %arg6[%arg0, %multiple_of3A_52, %dma_wait3A_67] : memref<2x10000x128xf32, #tpu.memory_space<hbm>> -> memref<1x128x128xf32, #tpu.memory_space<hbm>>
      %dma_wait3A_69 = tpu.memref_squeeze %dma_wait3A_68 : memref<1x128x128xf32, #tpu.memory_space<hbm>> -> memref<128x128xf32, #tpu.memory_space<hbm>>
      tpu.wait_dma2 semaphore(%run_scoped3A : memref<!tpu.dma_semaphore, #tpu.memory_space<semaphore_mem>>) src(%arg13 : memref<128x128xf32, #tpu.memory_space<vmem>>) dst(%dma_wait3A_69 : memref<128x128xf32, #tpu.memory_space<hbm>>)
      tpu.yield
    }) : () -> ()
    %add3A_53 = arith.constant 384 : i32
    %add3A_54 = arith.addi %multiple_of3A, %add3A_53 : i32
    %multiple_of3A_55 = tpu.assume_multiple %add3A_54, 8 : i32
    "tpu.region"() ({
      %run_scoped3A = tpu.sem_alloc : memref<!tpu.dma_semaphore, #tpu.memory_space<semaphore_mem>>
      %dma_start3A_59 = arith.constant 0 : i32
      %dma_start3A_60 = tpu.memref_slice %arg16[%multiple_of3A_55, %dma_start3A_59] : memref<10008x128xf32, #tpu.memory_space<vmem_shared>> -> memref<128x128xf32, #tpu.memory_space<vmem_shared>>
      %dma_start3A_61 = arith.constant 0 : i32
      %dma_start3A_62 = tpu.memref_slice %arg16[%multiple_of3A_55, %dma_start3A_61] : memref<10008x128xf32, #tpu.memory_space<vmem_shared>> -> memref<128x128xf32, #tpu.memory_space<vmem_shared>>
      tpu.enqueue_dma source(%dma_start3A_62 : memref<128x128xf32, #tpu.memory_space<vmem_shared>>) target(%arg13 : memref<128x128xf32, #tpu.memory_space<vmem>>) target_semaphore(%run_scoped3A : memref<!tpu.dma_semaphore, #tpu.memory_space<semaphore_mem>>)
      %dma_wait3A = arith.constant 0 : i32
      %dma_wait3A_63 = tpu.memref_slice %arg16[%multiple_of3A_55, %dma_wait3A] : memref<10008x128xf32, #tpu.memory_space<vmem_shared>> -> memref<128x128xf32, #tpu.memory_space<vmem_shared>>
      %dma_wait3A_64 = arith.constant 0 : i32
      %dma_wait3A_65 = tpu.memref_slice %arg16[%multiple_of3A_55, %dma_wait3A_64] : memref<10008x128xf32, #tpu.memory_space<vmem_shared>> -> memref<128x128xf32, #tpu.memory_space<vmem_shared>>
      tpu.wait_dma2 semaphore(%run_scoped3A : memref<!tpu.dma_semaphore, #tpu.memory_space<semaphore_mem>>) src(%dma_wait3A_65 : memref<128x128xf32, #tpu.memory_space<vmem_shared>>) dst(%arg13 : memref<128x128xf32, #tpu.memory_space<vmem>>)
      tpu.yield
    }) : () -> ()
    "tpu.region"() ({
      %run_scoped3A = tpu.sem_alloc : memref<!tpu.dma_semaphore, #tpu.memory_space<semaphore_mem>>
      %dma_start3A_59 = arith.constant 0 : i32
      %dma_start3A_60 = tpu.memref_slice %arg6[%arg0, %multiple_of3A_55, %dma_start3A_59] : memref<2x10000x128xf32, #tpu.memory_space<hbm>> -> memref<1x128x128xf32, #tpu.memory_space<hbm>>
      %dma_start3A_61 = tpu.memref_squeeze %dma_start3A_60 : memref<1x128x128xf32, #tpu.memory_space<hbm>> -> memref<128x128xf32, #tpu.memory_space<hbm>>
      %dma_start3A_62 = arith.constant 0 : i32
      %dma_start3A_63 = tpu.memref_slice %arg6[%arg0, %multiple_of3A_55, %dma_start3A_62] : memref<2x10000x128xf32, #tpu.memory_space<hbm>> -> memref<1x128x128xf32, #tpu.memory_space<hbm>>
      %dma_start3A_64 = tpu.memref_squeeze %dma_start3A_63 : memref<1x128x128xf32, #tpu.memory_space<hbm>> -> memref<128x128xf32, #tpu.memory_space<hbm>>
      tpu.enqueue_dma source(%arg13 : memref<128x128xf32, #tpu.memory_space<vmem>>) target(%dma_start3A_64 : memref<128x128xf32, #tpu.memory_space<hbm>>) target_semaphore(%run_scoped3A : memref<!tpu.dma_semaphore, #tpu.memory_space<semaphore_mem>>)
      %dma_wait3A = arith.constant 0 : i32
      %dma_wait3A_65 = tpu.memref_slice %arg6[%arg0, %multiple_of3A_55, %dma_wait3A] : memref<2x10000x128xf32, #tpu.memory_space<hbm>> -> memref<1x128x128xf32, #tpu.memory_space<hbm>>
      %dma_wait3A_66 = tpu.memref_squeeze %dma_wait3A_65 : memref<1x128x128xf32, #tpu.memory_space<hbm>> -> memref<128x128xf32, #tpu.memory_space<hbm>>
      %dma_wait3A_67 = arith.constant 0 : i32
      %dma_wait3A_68 = tpu.memref_slice %arg6[%arg0, %multiple_of3A_55, %dma_wait3A_67] : memref<2x10000x128xf32, #tpu.memory_space<hbm>> -> memref<1x128x128xf32, #tpu.memory_space<hbm>>
      %dma_wait3A_69 = tpu.memref_squeeze %dma_wait3A_68 : memref<1x128x128xf32, #tpu.memory_space<hbm>> -> memref<128x128xf32, #tpu.memory_space<hbm>>
      tpu.wait_dma2 semaphore(%run_scoped3A : memref<!tpu.dma_semaphore, #tpu.memory_space<semaphore_mem>>) src(%arg13 : memref<128x128xf32, #tpu.memory_space<vmem>>) dst(%dma_wait3A_69 : memref<128x128xf32, #tpu.memory_space<hbm>>)
      tpu.yield
    }) : () -> ()
    %add3A_56 = arith.constant 512 : i32
    %add3A_57 = arith.addi %multiple_of3A, %add3A_56 : i32
    %multiple_of3A_58 = tpu.assume_multiple %add3A_57, 8 : i32
    "tpu.region"() ({
      %run_scoped3A = tpu.sem_alloc : memref<!tpu.dma_semaphore, #tpu.memory_space<semaphore_mem>>
      %dma_start3A_59 = arith.constant 0 : i32
      %dma_start3A_60 = tpu.memref_slice %arg16[%multiple_of3A_58, %dma_start3A_59] : memref<10008x128xf32, #tpu.memory_space<vmem_shared>> -> memref<128x128xf32, #tpu.memory_space<vmem_shared>>
      %dma_start3A_61 = arith.constant 0 : i32
      %dma_start3A_62 = tpu.memref_slice %arg16[%multiple_of3A_58, %dma_start3A_61] : memref<10008x128xf32, #tpu.memory_space<vmem_shared>> -> memref<128x128xf32, #tpu.memory_space<vmem_shared>>
      tpu.enqueue_dma source(%dma_start3A_62 : memref<128x128xf32, #tpu.memory_space<vmem_shared>>) target(%arg13 : memref<128x128xf32, #tpu.memory_space<vmem>>) target_semaphore(%run_scoped3A : memref<!tpu.dma_semaphore, #tpu.memory_space<semaphore_mem>>)
      %dma_wait3A = arith.constant 0 : i32
      %dma_wait3A_63 = tpu.memref_slice %arg16[%multiple_of3A_58, %dma_wait3A] : memref<10008x128xf32, #tpu.memory_space<vmem_shared>> -> memref<128x128xf32, #tpu.memory_space<vmem_shared>>
      %dma_wait3A_64 = arith.constant 0 : i32
      %dma_wait3A_65 = tpu.memref_slice %arg16[%multiple_of3A_58, %dma_wait3A_64] : memref<10008x128xf32, #tpu.memory_space<vmem_shared>> -> memref<128x128xf32, #tpu.memory_space<vmem_shared>>
      tpu.wait_dma2 semaphore(%run_scoped3A : memref<!tpu.dma_semaphore, #tpu.memory_space<semaphore_mem>>) src(%dma_wait3A_65 : memref<128x128xf32, #tpu.memory_space<vmem_shared>>) dst(%arg13 : memref<128x128xf32, #tpu.memory_space<vmem>>)
      tpu.yield
    }) : () -> ()
    "tpu.region"() ({
      %run_scoped3A = tpu.sem_alloc : memref<!tpu.dma_semaphore, #tpu.memory_space<semaphore_mem>>
      %dma_start3A_59 = arith.constant 0 : i32
      %dma_start3A_60 = tpu.memref_slice %arg6[%arg0, %multiple_of3A_58, %dma_start3A_59] : memref<2x10000x128xf32, #tpu.memory_space<hbm>> -> memref<1x128x128xf32, #tpu.memory_space<hbm>>
      %dma_start3A_61 = tpu.memref_squeeze %dma_start3A_60 : memref<1x128x128xf32, #tpu.memory_space<hbm>> -> memref<128x128xf32, #tpu.memory_space<hbm>>
      %dma_start3A_62 = arith.constant 0 : i32
      %dma_start3A_63 = tpu.memref_slice %arg6[%arg0, %multiple_of3A_58, %dma_start3A_62] : memref<2x10000x128xf32, #tpu.memory_space<hbm>> -> memref<1x128x128xf32, #tpu.memory_space<hbm>>
      %dma_start3A_64 = tpu.memref_squeeze %dma_start3A_63 : memref<1x128x128xf32, #tpu.memory_space<hbm>> -> memref<128x128xf32, #tpu.memory_space<hbm>>
      tpu.enqueue_dma source(%arg13 : memref<128x128xf32, #tpu.memory_space<vmem>>) target(%dma_start3A_64 : memref<128x128xf32, #tpu.memory_space<hbm>>) target_semaphore(%run_scoped3A : memref<!tpu.dma_semaphore, #tpu.memory_space<semaphore_mem>>)
      %dma_wait3A = arith.constant 0 : i32
      %dma_wait3A_65 = tpu.memref_slice %arg6[%arg0, %multiple_of3A_58, %dma_wait3A] : memref<2x10000x128xf32, #tpu.memory_space<hbm>> -> memref<1x128x128xf32, #tpu.memory_space<hbm>>
      %dma_wait3A_66 = tpu.memref_squeeze %dma_wait3A_65 : memref<1x128x128xf32, #tpu.memory_space<hbm>> -> memref<128x128xf32, #tpu.memory_space<hbm>>
      %dma_wait3A_67 = arith.constant 0 : i32
      %dma_wait3A_68 = tpu.memref_slice %arg6[%arg0, %multiple_of3A_58, %dma_wait3A_67] : memref<2x10000x128xf32, #tpu.memory_space<hbm>> -> memref<1x128x128xf32, #tpu.memory_space<hbm>>
      %dma_wait3A_69 = tpu.memref_squeeze %dma_wait3A_68 : memref<1x128x128xf32, #tpu.memory_space<hbm>> -> memref<128x128xf32, #tpu.memory_space<hbm>>
      tpu.wait_dma2 semaphore(%run_scoped3A : memref<!tpu.dma_semaphore, #tpu.memory_space<semaphore_mem>>) src(%arg13 : memref<128x128xf32, #tpu.memory_space<vmem>>) dst(%dma_wait3A_69 : memref<128x128xf32, #tpu.memory_space<hbm>>)
      tpu.yield
    }) : () -> ()
    return
  }
}

#map = affine_map<(d0, d1) -> (0)>
#map1 = affine_map<(d0, d1) -> (0, 0)>
#map2 = affine_map<(d0, d1) -> (0, 0, 0)>
module attributes {stable_mosaic.version = 14 : i64} {
  func.func @body(%arg0: i32, %arg1: i32, %arg2: memref<327680xi32, #tpu.memory_space<hbm>>, %arg3: memref<128x128xf32, #tpu.memory_space<hbm>>, %arg4: memref<128x128xf32, #tpu.memory_space<hbm>>, %arg5: memref<2x10000x128xf32, #tpu.memory_space<hbm>>, %arg6: memref<128xi32, #tpu.memory_space<vmem>>, %arg7: memref<128x128xf32, #tpu.memory_space<vmem>>, %arg8: memref<10008x128xf32, #tpu.memory_space<vmem_shared>>, %arg9: memref<!tpu.dma_semaphore, #tpu.memory_space<semaphore_mem>>) attributes {dimension_semantics = [#tpu.dimension_semantics<core_parallel>, #tpu.dimension_semantics<subcore_parallel>], iteration_bounds = array<i64: 2, 16>, scalar_prefetch = 0 : i64, scratch_operands = 4 : i64, tpu.core_type = #tpu.core_type<sc_vector_subcore>, window_params = [{transform_indices = #map}, {transform_indices = #map1}, {transform_indices = #map1}, {transform_indices = #map2}]} {
    %mul3A = arith.constant 16 : i32
    %mul3A_0 = arith.muli %arg0, %mul3A : i32
    %add3A = arith.addi %mul3A_0, %arg1 : i32
    %mul3A_1 = arith.constant 80 : i32
    %mul3A_2 = arith.muli %add3A, %mul3A_1 : i32
    %mul3A_3 = arith.constant 128 : i32
    %mul3A_4 = arith.muli %mul3A_2, %mul3A_3 : i32
    %mul3A_5 = arith.constant 624 : i32
    %mul3A_6 = arith.muli %arg1, %mul3A_5 : i32
    %multiple_of3A = tpu.assume_multiple %mul3A_6, 8 : i32
    "tpu.region"() ({
      %run_scoped3A = tpu.sem_alloc : memref<!tpu.dma_semaphore, #tpu.memory_space<semaphore_mem>>
      tpu.enqueue_dma source(%arg3 : memref<128x128xf32, #tpu.memory_space<hbm>>) target(%arg7 : memref<128x128xf32, #tpu.memory_space<vmem>>) target_semaphore(%run_scoped3A : memref<!tpu.dma_semaphore, #tpu.memory_space<semaphore_mem>>)
      tpu.wait_dma2 semaphore(%run_scoped3A : memref<!tpu.dma_semaphore, #tpu.memory_space<semaphore_mem>>) src(%arg3 : memref<128x128xf32, #tpu.memory_space<hbm>>) dst(%arg7 : memref<128x128xf32, #tpu.memory_space<vmem>>)
      tpu.yield
    }) : () -> ()
    %add3A_7 = arith.constant 0 : i32
    %add3A_8 = arith.addi %multiple_of3A, %add3A_7 : i32
    %multiple_of3A_9 = tpu.assume_multiple %add3A_8, 8 : i32
    "tpu.region"() ({
      %run_scoped3A = tpu.sem_alloc : memref<!tpu.dma_semaphore, #tpu.memory_space<semaphore_mem>>
      %dma_start3A = arith.constant 0 : i32
      %dma_start3A_42 = tpu.memref_slice %arg8[%multiple_of3A_9, %dma_start3A] : memref<10008x128xf32, #tpu.memory_space<vmem_shared>> -> memref<128x128xf32, #tpu.memory_space<vmem_shared>>
      %dma_start3A_43 = arith.constant 0 : i32
      %dma_start3A_44 = tpu.memref_slice %arg8[%multiple_of3A_9, %dma_start3A_43] : memref<10008x128xf32, #tpu.memory_space<vmem_shared>> -> memref<128x128xf32, #tpu.memory_space<vmem_shared>>
      tpu.enqueue_dma source(%arg7 : memref<128x128xf32, #tpu.memory_space<vmem>>) target(%dma_start3A_44 : memref<128x128xf32, #tpu.memory_space<vmem_shared>>) target_semaphore(%run_scoped3A : memref<!tpu.dma_semaphore, #tpu.memory_space<semaphore_mem>>)
      %dma_wait3A = arith.constant 0 : i32
      %dma_wait3A_45 = tpu.memref_slice %arg8[%multiple_of3A_9, %dma_wait3A] : memref<10008x128xf32, #tpu.memory_space<vmem_shared>> -> memref<128x128xf32, #tpu.memory_space<vmem_shared>>
      %dma_wait3A_46 = arith.constant 0 : i32
      %dma_wait3A_47 = tpu.memref_slice %arg8[%multiple_of3A_9, %dma_wait3A_46] : memref<10008x128xf32, #tpu.memory_space<vmem_shared>> -> memref<128x128xf32, #tpu.memory_space<vmem_shared>>
      tpu.wait_dma2 semaphore(%run_scoped3A : memref<!tpu.dma_semaphore, #tpu.memory_space<semaphore_mem>>) src(%arg7 : memref<128x128xf32, #tpu.memory_space<vmem>>) dst(%dma_wait3A_47 : memref<128x128xf32, #tpu.memory_space<vmem_shared>>)
      tpu.yield
    }) : () -> ()
    %add3A_10 = arith.constant 128 : i32
    %add3A_11 = arith.addi %multiple_of3A, %add3A_10 : i32
    %multiple_of3A_12 = tpu.assume_multiple %add3A_11, 8 : i32
    "tpu.region"() ({
      %run_scoped3A = tpu.sem_alloc : memref<!tpu.dma_semaphore, #tpu.memory_space<semaphore_mem>>
      %dma_start3A = arith.constant 0 : i32
      %dma_start3A_42 = tpu.memref_slice %arg8[%multiple_of3A_12, %dma_start3A] : memref<10008x128xf32, #tpu.memory_space<vmem_shared>> -> memref<128x128xf32, #tpu.memory_space<vmem_shared>>
      %dma_start3A_43 = arith.constant 0 : i32
      %dma_start3A_44 = tpu.memref_slice %arg8[%multiple_of3A_12, %dma_start3A_43] : memref<10008x128xf32, #tpu.memory_space<vmem_shared>> -> memref<128x128xf32, #tpu.memory_space<vmem_shared>>
      tpu.enqueue_dma source(%arg7 : memref<128x128xf32, #tpu.memory_space<vmem>>) target(%dma_start3A_44 : memref<128x128xf32, #tpu.memory_space<vmem_shared>>) target_semaphore(%run_scoped3A : memref<!tpu.dma_semaphore, #tpu.memory_space<semaphore_mem>>)
      %dma_wait3A = arith.constant 0 : i32
      %dma_wait3A_45 = tpu.memref_slice %arg8[%multiple_of3A_12, %dma_wait3A] : memref<10008x128xf32, #tpu.memory_space<vmem_shared>> -> memref<128x128xf32, #tpu.memory_space<vmem_shared>>
      %dma_wait3A_46 = arith.constant 0 : i32
      %dma_wait3A_47 = tpu.memref_slice %arg8[%multiple_of3A_12, %dma_wait3A_46] : memref<10008x128xf32, #tpu.memory_space<vmem_shared>> -> memref<128x128xf32, #tpu.memory_space<vmem_shared>>
      tpu.wait_dma2 semaphore(%run_scoped3A : memref<!tpu.dma_semaphore, #tpu.memory_space<semaphore_mem>>) src(%arg7 : memref<128x128xf32, #tpu.memory_space<vmem>>) dst(%dma_wait3A_47 : memref<128x128xf32, #tpu.memory_space<vmem_shared>>)
      tpu.yield
    }) : () -> ()
    %add3A_13 = arith.constant 256 : i32
    %add3A_14 = arith.addi %multiple_of3A, %add3A_13 : i32
    %multiple_of3A_15 = tpu.assume_multiple %add3A_14, 8 : i32
    "tpu.region"() ({
      %run_scoped3A = tpu.sem_alloc : memref<!tpu.dma_semaphore, #tpu.memory_space<semaphore_mem>>
      %dma_start3A = arith.constant 0 : i32
      %dma_start3A_42 = tpu.memref_slice %arg8[%multiple_of3A_15, %dma_start3A] : memref<10008x128xf32, #tpu.memory_space<vmem_shared>> -> memref<128x128xf32, #tpu.memory_space<vmem_shared>>
      %dma_start3A_43 = arith.constant 0 : i32
      %dma_start3A_44 = tpu.memref_slice %arg8[%multiple_of3A_15, %dma_start3A_43] : memref<10008x128xf32, #tpu.memory_space<vmem_shared>> -> memref<128x128xf32, #tpu.memory_space<vmem_shared>>
      tpu.enqueue_dma source(%arg7 : memref<128x128xf32, #tpu.memory_space<vmem>>) target(%dma_start3A_44 : memref<128x128xf32, #tpu.memory_space<vmem_shared>>) target_semaphore(%run_scoped3A : memref<!tpu.dma_semaphore, #tpu.memory_space<semaphore_mem>>)
      %dma_wait3A = arith.constant 0 : i32
      %dma_wait3A_45 = tpu.memref_slice %arg8[%multiple_of3A_15, %dma_wait3A] : memref<10008x128xf32, #tpu.memory_space<vmem_shared>> -> memref<128x128xf32, #tpu.memory_space<vmem_shared>>
      %dma_wait3A_46 = arith.constant 0 : i32
      %dma_wait3A_47 = tpu.memref_slice %arg8[%multiple_of3A_15, %dma_wait3A_46] : memref<10008x128xf32, #tpu.memory_space<vmem_shared>> -> memref<128x128xf32, #tpu.memory_space<vmem_shared>>
      tpu.wait_dma2 semaphore(%run_scoped3A : memref<!tpu.dma_semaphore, #tpu.memory_space<semaphore_mem>>) src(%arg7 : memref<128x128xf32, #tpu.memory_space<vmem>>) dst(%dma_wait3A_47 : memref<128x128xf32, #tpu.memory_space<vmem_shared>>)
      tpu.yield
    }) : () -> ()
    %add3A_16 = arith.constant 384 : i32
    %add3A_17 = arith.addi %multiple_of3A, %add3A_16 : i32
    %multiple_of3A_18 = tpu.assume_multiple %add3A_17, 8 : i32
    "tpu.region"() ({
      %run_scoped3A = tpu.sem_alloc : memref<!tpu.dma_semaphore, #tpu.memory_space<semaphore_mem>>
      %dma_start3A = arith.constant 0 : i32
      %dma_start3A_42 = tpu.memref_slice %arg8[%multiple_of3A_18, %dma_start3A] : memref<10008x128xf32, #tpu.memory_space<vmem_shared>> -> memref<128x128xf32, #tpu.memory_space<vmem_shared>>
      %dma_start3A_43 = arith.constant 0 : i32
      %dma_start3A_44 = tpu.memref_slice %arg8[%multiple_of3A_18, %dma_start3A_43] : memref<10008x128xf32, #tpu.memory_space<vmem_shared>> -> memref<128x128xf32, #tpu.memory_space<vmem_shared>>
      tpu.enqueue_dma source(%arg7 : memref<128x128xf32, #tpu.memory_space<vmem>>) target(%dma_start3A_44 : memref<128x128xf32, #tpu.memory_space<vmem_shared>>) target_semaphore(%run_scoped3A : memref<!tpu.dma_semaphore, #tpu.memory_space<semaphore_mem>>)
      %dma_wait3A = arith.constant 0 : i32
      %dma_wait3A_45 = tpu.memref_slice %arg8[%multiple_of3A_18, %dma_wait3A] : memref<10008x128xf32, #tpu.memory_space<vmem_shared>> -> memref<128x128xf32, #tpu.memory_space<vmem_shared>>
      %dma_wait3A_46 = arith.constant 0 : i32
      %dma_wait3A_47 = tpu.memref_slice %arg8[%multiple_of3A_18, %dma_wait3A_46] : memref<10008x128xf32, #tpu.memory_space<vmem_shared>> -> memref<128x128xf32, #tpu.memory_space<vmem_shared>>
      tpu.wait_dma2 semaphore(%run_scoped3A : memref<!tpu.dma_semaphore, #tpu.memory_space<semaphore_mem>>) src(%arg7 : memref<128x128xf32, #tpu.memory_space<vmem>>) dst(%dma_wait3A_47 : memref<128x128xf32, #tpu.memory_space<vmem_shared>>)
      tpu.yield
    }) : () -> ()
    %add3A_19 = arith.constant 512 : i32
    %add3A_20 = arith.addi %multiple_of3A, %add3A_19 : i32
    %multiple_of3A_21 = tpu.assume_multiple %add3A_20, 8 : i32
    "tpu.region"() ({
      %run_scoped3A = tpu.sem_alloc : memref<!tpu.dma_semaphore, #tpu.memory_space<semaphore_mem>>
      %dma_start3A = arith.constant 0 : i32
      %dma_start3A_42 = tpu.memref_slice %arg8[%multiple_of3A_21, %dma_start3A] : memref<10008x128xf32, #tpu.memory_space<vmem_shared>> -> memref<128x128xf32, #tpu.memory_space<vmem_shared>>
      %dma_start3A_43 = arith.constant 0 : i32
      %dma_start3A_44 = tpu.memref_slice %arg8[%multiple_of3A_21, %dma_start3A_43] : memref<10008x128xf32, #tpu.memory_space<vmem_shared>> -> memref<128x128xf32, #tpu.memory_space<vmem_shared>>
      tpu.enqueue_dma source(%arg7 : memref<128x128xf32, #tpu.memory_space<vmem>>) target(%dma_start3A_44 : memref<128x128xf32, #tpu.memory_space<vmem_shared>>) target_semaphore(%run_scoped3A : memref<!tpu.dma_semaphore, #tpu.memory_space<semaphore_mem>>)
      %dma_wait3A = arith.constant 0 : i32
      %dma_wait3A_45 = tpu.memref_slice %arg8[%multiple_of3A_21, %dma_wait3A] : memref<10008x128xf32, #tpu.memory_space<vmem_shared>> -> memref<128x128xf32, #tpu.memory_space<vmem_shared>>
      %dma_wait3A_46 = arith.constant 0 : i32
      %dma_wait3A_47 = tpu.memref_slice %arg8[%multiple_of3A_21, %dma_wait3A_46] : memref<10008x128xf32, #tpu.memory_space<vmem_shared>> -> memref<128x128xf32, #tpu.memory_space<vmem_shared>>
      tpu.wait_dma2 semaphore(%run_scoped3A : memref<!tpu.dma_semaphore, #tpu.memory_space<semaphore_mem>>) src(%arg7 : memref<128x128xf32, #tpu.memory_space<vmem>>) dst(%dma_wait3A_47 : memref<128x128xf32, #tpu.memory_space<vmem_shared>>)
      tpu.yield
    }) : () -> ()
    "tpu.region"() ({
      %run_scoped3A = tpu.sem_alloc : memref<!tpu.dma_semaphore, #tpu.memory_space<semaphore_mem>>
      tpu.enqueue_dma source(%arg4 : memref<128x128xf32, #tpu.memory_space<hbm>>) target(%arg7 : memref<128x128xf32, #tpu.memory_space<vmem>>) target_semaphore(%run_scoped3A : memref<!tpu.dma_semaphore, #tpu.memory_space<semaphore_mem>>)
      tpu.wait_dma2 semaphore(%run_scoped3A : memref<!tpu.dma_semaphore, #tpu.memory_space<semaphore_mem>>) src(%arg4 : memref<128x128xf32, #tpu.memory_space<hbm>>) dst(%arg7 : memref<128x128xf32, #tpu.memory_space<vmem>>)
      tpu.yield
    }) : () -> ()
    %barrier3A = arith.constant 0 : index
    tpu.barrier barrier_id(%barrier3A)
    %scan3A = arith.constant 0 : i32
    %scan3A_22 = arith.constant 80 : i32
    %scan3A_23 = arith.addi %scan3A, %scan3A_22 : i32
    %scan3A_24 = arith.constant 1 : i32
    scf.for %scan3A_42 = %scan3A to %scan3A_23 step %scan3A_24  : i32 {
      %mul3A_43 = arith.constant 1 : i32
      %mul3A_44 = arith.muli %scan3A_42, %mul3A_43 : i32
      %add3A_45 = arith.constant 0 : i32
      %add3A_46 = arith.addi %add3A_45, %mul3A_44 : i32
      %mul3A_47 = arith.constant 128 : i32
      %mul3A_48 = arith.muli %add3A_46, %mul3A_47 : i32
      %add3A_49 = arith.addi %mul3A_4, %mul3A_48 : i32
      %multiple_of3A_50 = tpu.assume_multiple %add3A_49, 8 : i32
      "tpu.region"() ({
        %run_scoped3A = tpu.sem_alloc : memref<!tpu.dma_semaphore, #tpu.memory_space<semaphore_mem>>
        %dma_start3A = tpu.memref_slice %arg2[%multiple_of3A_50] : memref<327680xi32, #tpu.memory_space<hbm>> -> memref<128xi32, #tpu.memory_space<hbm>>
        %dma_start3A_51 = tpu.memref_slice %arg2[%multiple_of3A_50] : memref<327680xi32, #tpu.memory_space<hbm>> -> memref<128xi32, #tpu.memory_space<hbm>>
        tpu.enqueue_dma source(%dma_start3A_51 : memref<128xi32, #tpu.memory_space<hbm>>) target(%arg6 : memref<128xi32, #tpu.memory_space<vmem>>) target_semaphore(%run_scoped3A : memref<!tpu.dma_semaphore, #tpu.memory_space<semaphore_mem>>)
        %dma_wait3A = tpu.memref_slice %arg2[%multiple_of3A_50] : memref<327680xi32, #tpu.memory_space<hbm>> -> memref<128xi32, #tpu.memory_space<hbm>>
        %dma_wait3A_52 = tpu.memref_slice %arg2[%multiple_of3A_50] : memref<327680xi32, #tpu.memory_space<hbm>> -> memref<128xi32, #tpu.memory_space<hbm>>
        tpu.wait_dma2 semaphore(%run_scoped3A : memref<!tpu.dma_semaphore, #tpu.memory_space<semaphore_mem>>) src(%dma_wait3A_52 : memref<128xi32, #tpu.memory_space<hbm>>) dst(%arg6 : memref<128xi32, #tpu.memory_space<vmem>>)
        tpu.yield
      }) : () -> ()
      "tpu.region"() ({
        %run_scoped3A = tpu.sem_alloc : memref<!tpu.dma_semaphore, #tpu.memory_space<semaphore_mem>>
        %dma_start3A = arith.constant 0 : i32
        %dma_start3A_51 = arith.constant 0 : i32
        %dma_start3A_52 = tpu.memref_slice %arg8[%dma_start3A, %dma_start3A_51] : memref<10008x128xf32, #tpu.memory_space<vmem_shared>> -> memref<10008x128xf32, #tpu.memory_space<vmem_shared>>
        tpu.enqueue_indirect_dma source(%arg7 : memref<128x128xf32, #tpu.memory_space<vmem>>) target(%dma_start3A_52 : memref<10008x128xf32, #tpu.memory_space<vmem_shared>>) offsets(%arg6 : memref<128xi32, #tpu.memory_space<vmem>>) semaphore(%run_scoped3A : memref<!tpu.dma_semaphore, #tpu.memory_space<semaphore_mem>>) {add = true}
        %dma_wait3A = arith.constant 0 : i32
        %dma_wait3A_53 = arith.constant 0 : i32
        %dma_wait3A_54 = tpu.memref_slice %arg8[%dma_wait3A, %dma_wait3A_53] : memref<10008x128xf32, #tpu.memory_space<vmem_shared>> -> memref<10008x128xf32, #tpu.memory_space<vmem_shared>>
        tpu.wait_indirect_dma semaphore(%run_scoped3A : memref<!tpu.dma_semaphore, #tpu.memory_space<semaphore_mem>>) src(%arg7 : memref<128x128xf32, #tpu.memory_space<vmem>>) dst(%dma_wait3A_54 : memref<10008x128xf32, #tpu.memory_space<vmem_shared>>)
        tpu.yield
      }) : () -> ()
    }
    %scan3A_25 = arith.constant 80 : i32
    %barrier3A_26 = arith.constant 0 : index
    tpu.barrier barrier_id(%barrier3A_26)
    %add3A_27 = arith.constant 0 : i32
    %add3A_28 = arith.addi %multiple_of3A, %add3A_27 : i32
    %multiple_of3A_29 = tpu.assume_multiple %add3A_28, 8 : i32
    "tpu.region"() ({
      %run_scoped3A = tpu.sem_alloc : memref<!tpu.dma_semaphore, #tpu.memory_space<semaphore_mem>>
      %dma_start3A = arith.constant 0 : i32
      %dma_start3A_42 = tpu.memref_slice %arg8[%multiple_of3A_29, %dma_start3A] : memref<10008x128xf32, #tpu.memory_space<vmem_shared>> -> memref<128x128xf32, #tpu.memory_space<vmem_shared>>
      %dma_start3A_43 = arith.constant 0 : i32
      %dma_start3A_44 = tpu.memref_slice %arg8[%multiple_of3A_29, %dma_start3A_43] : memref<10008x128xf32, #tpu.memory_space<vmem_shared>> -> memref<128x128xf32, #tpu.memory_space<vmem_shared>>
      tpu.enqueue_dma source(%dma_start3A_44 : memref<128x128xf32, #tpu.memory_space<vmem_shared>>) target(%arg7 : memref<128x128xf32, #tpu.memory_space<vmem>>) target_semaphore(%run_scoped3A : memref<!tpu.dma_semaphore, #tpu.memory_space<semaphore_mem>>)
      %dma_wait3A = arith.constant 0 : i32
      %dma_wait3A_45 = tpu.memref_slice %arg8[%multiple_of3A_29, %dma_wait3A] : memref<10008x128xf32, #tpu.memory_space<vmem_shared>> -> memref<128x128xf32, #tpu.memory_space<vmem_shared>>
      %dma_wait3A_46 = arith.constant 0 : i32
      %dma_wait3A_47 = tpu.memref_slice %arg8[%multiple_of3A_29, %dma_wait3A_46] : memref<10008x128xf32, #tpu.memory_space<vmem_shared>> -> memref<128x128xf32, #tpu.memory_space<vmem_shared>>
      tpu.wait_dma2 semaphore(%run_scoped3A : memref<!tpu.dma_semaphore, #tpu.memory_space<semaphore_mem>>) src(%dma_wait3A_47 : memref<128x128xf32, #tpu.memory_space<vmem_shared>>) dst(%arg7 : memref<128x128xf32, #tpu.memory_space<vmem>>)
      tpu.yield
    }) : () -> ()
    "tpu.region"() ({
      %run_scoped3A = tpu.sem_alloc : memref<!tpu.dma_semaphore, #tpu.memory_space<semaphore_mem>>
      %dma_start3A = arith.constant 0 : i32
      %dma_start3A_42 = tpu.memref_slice %arg5[%arg0, %multiple_of3A_29, %dma_start3A] : memref<2x10000x128xf32, #tpu.memory_space<hbm>> -> memref<1x128x128xf32, #tpu.memory_space<hbm>>
      %dma_start3A_43 = tpu.memref_squeeze %dma_start3A_42 : memref<1x128x128xf32, #tpu.memory_space<hbm>> -> memref<128x128xf32, #tpu.memory_space<hbm>>
      %dma_start3A_44 = arith.constant 0 : i32
      %dma_start3A_45 = tpu.memref_slice %arg5[%arg0, %multiple_of3A_29, %dma_start3A_44] : memref<2x10000x128xf32, #tpu.memory_space<hbm>> -> memref<1x128x128xf32, #tpu.memory_space<hbm>>
      %dma_start3A_46 = tpu.memref_squeeze %dma_start3A_45 : memref<1x128x128xf32, #tpu.memory_space<hbm>> -> memref<128x128xf32, #tpu.memory_space<hbm>>
      tpu.enqueue_dma source(%arg7 : memref<128x128xf32, #tpu.memory_space<vmem>>) target(%dma_start3A_46 : memref<128x128xf32, #tpu.memory_space<hbm>>) target_semaphore(%run_scoped3A : memref<!tpu.dma_semaphore, #tpu.memory_space<semaphore_mem>>)
      %dma_wait3A = arith.constant 0 : i32
      %dma_wait3A_47 = tpu.memref_slice %arg5[%arg0, %multiple_of3A_29, %dma_wait3A] : memref<2x10000x128xf32, #tpu.memory_space<hbm>> -> memref<1x128x128xf32, #tpu.memory_space<hbm>>
      %dma_wait3A_48 = tpu.memref_squeeze %dma_wait3A_47 : memref<1x128x128xf32, #tpu.memory_space<hbm>> -> memref<128x128xf32, #tpu.memory_space<hbm>>
      %dma_wait3A_49 = arith.constant 0 : i32
      %dma_wait3A_50 = tpu.memref_slice %arg5[%arg0, %multiple_of3A_29, %dma_wait3A_49] : memref<2x10000x128xf32, #tpu.memory_space<hbm>> -> memref<1x128x128xf32, #tpu.memory_space<hbm>>
      %dma_wait3A_51 = tpu.memref_squeeze %dma_wait3A_50 : memref<1x128x128xf32, #tpu.memory_space<hbm>> -> memref<128x128xf32, #tpu.memory_space<hbm>>
      tpu.wait_dma2 semaphore(%run_scoped3A : memref<!tpu.dma_semaphore, #tpu.memory_space<semaphore_mem>>) src(%arg7 : memref<128x128xf32, #tpu.memory_space<vmem>>) dst(%dma_wait3A_51 : memref<128x128xf32, #tpu.memory_space<hbm>>)
      tpu.yield
    }) : () -> ()
    %add3A_30 = arith.constant 128 : i32
    %add3A_31 = arith.addi %multiple_of3A, %add3A_30 : i32
    %multiple_of3A_32 = tpu.assume_multiple %add3A_31, 8 : i32
    "tpu.region"() ({
      %run_scoped3A = tpu.sem_alloc : memref<!tpu.dma_semaphore, #tpu.memory_space<semaphore_mem>>
      %dma_start3A = arith.constant 0 : i32
      %dma_start3A_42 = tpu.memref_slice %arg8[%multiple_of3A_32, %dma_start3A] : memref<10008x128xf32, #tpu.memory_space<vmem_shared>> -> memref<128x128xf32, #tpu.memory_space<vmem_shared>>
      %dma_start3A_43 = arith.constant 0 : i32
      %dma_start3A_44 = tpu.memref_slice %arg8[%multiple_of3A_32, %dma_start3A_43] : memref<10008x128xf32, #tpu.memory_space<vmem_shared>> -> memref<128x128xf32, #tpu.memory_space<vmem_shared>>
      tpu.enqueue_dma source(%dma_start3A_44 : memref<128x128xf32, #tpu.memory_space<vmem_shared>>) target(%arg7 : memref<128x128xf32, #tpu.memory_space<vmem>>) target_semaphore(%run_scoped3A : memref<!tpu.dma_semaphore, #tpu.memory_space<semaphore_mem>>)
      %dma_wait3A = arith.constant 0 : i32
      %dma_wait3A_45 = tpu.memref_slice %arg8[%multiple_of3A_32, %dma_wait3A] : memref<10008x128xf32, #tpu.memory_space<vmem_shared>> -> memref<128x128xf32, #tpu.memory_space<vmem_shared>>
      %dma_wait3A_46 = arith.constant 0 : i32
      %dma_wait3A_47 = tpu.memref_slice %arg8[%multiple_of3A_32, %dma_wait3A_46] : memref<10008x128xf32, #tpu.memory_space<vmem_shared>> -> memref<128x128xf32, #tpu.memory_space<vmem_shared>>
      tpu.wait_dma2 semaphore(%run_scoped3A : memref<!tpu.dma_semaphore, #tpu.memory_space<semaphore_mem>>) src(%dma_wait3A_47 : memref<128x128xf32, #tpu.memory_space<vmem_shared>>) dst(%arg7 : memref<128x128xf32, #tpu.memory_space<vmem>>)
      tpu.yield
    }) : () -> ()
    "tpu.region"() ({
      %run_scoped3A = tpu.sem_alloc : memref<!tpu.dma_semaphore, #tpu.memory_space<semaphore_mem>>
      %dma_start3A = arith.constant 0 : i32
      %dma_start3A_42 = tpu.memref_slice %arg5[%arg0, %multiple_of3A_32, %dma_start3A] : memref<2x10000x128xf32, #tpu.memory_space<hbm>> -> memref<1x128x128xf32, #tpu.memory_space<hbm>>
      %dma_start3A_43 = tpu.memref_squeeze %dma_start3A_42 : memref<1x128x128xf32, #tpu.memory_space<hbm>> -> memref<128x128xf32, #tpu.memory_space<hbm>>
      %dma_start3A_44 = arith.constant 0 : i32
      %dma_start3A_45 = tpu.memref_slice %arg5[%arg0, %multiple_of3A_32, %dma_start3A_44] : memref<2x10000x128xf32, #tpu.memory_space<hbm>> -> memref<1x128x128xf32, #tpu.memory_space<hbm>>
      %dma_start3A_46 = tpu.memref_squeeze %dma_start3A_45 : memref<1x128x128xf32, #tpu.memory_space<hbm>> -> memref<128x128xf32, #tpu.memory_space<hbm>>
      tpu.enqueue_dma source(%arg7 : memref<128x128xf32, #tpu.memory_space<vmem>>) target(%dma_start3A_46 : memref<128x128xf32, #tpu.memory_space<hbm>>) target_semaphore(%run_scoped3A : memref<!tpu.dma_semaphore, #tpu.memory_space<semaphore_mem>>)
      %dma_wait3A = arith.constant 0 : i32
      %dma_wait3A_47 = tpu.memref_slice %arg5[%arg0, %multiple_of3A_32, %dma_wait3A] : memref<2x10000x128xf32, #tpu.memory_space<hbm>> -> memref<1x128x128xf32, #tpu.memory_space<hbm>>
      %dma_wait3A_48 = tpu.memref_squeeze %dma_wait3A_47 : memref<1x128x128xf32, #tpu.memory_space<hbm>> -> memref<128x128xf32, #tpu.memory_space<hbm>>
      %dma_wait3A_49 = arith.constant 0 : i32
      %dma_wait3A_50 = tpu.memref_slice %arg5[%arg0, %multiple_of3A_32, %dma_wait3A_49] : memref<2x10000x128xf32, #tpu.memory_space<hbm>> -> memref<1x128x128xf32, #tpu.memory_space<hbm>>
      %dma_wait3A_51 = tpu.memref_squeeze %dma_wait3A_50 : memref<1x128x128xf32, #tpu.memory_space<hbm>> -> memref<128x128xf32, #tpu.memory_space<hbm>>
      tpu.wait_dma2 semaphore(%run_scoped3A : memref<!tpu.dma_semaphore, #tpu.memory_space<semaphore_mem>>) src(%arg7 : memref<128x128xf32, #tpu.memory_space<vmem>>) dst(%dma_wait3A_51 : memref<128x128xf32, #tpu.memory_space<hbm>>)
      tpu.yield
    }) : () -> ()
    %add3A_33 = arith.constant 256 : i32
    %add3A_34 = arith.addi %multiple_of3A, %add3A_33 : i32
    %multiple_of3A_35 = tpu.assume_multiple %add3A_34, 8 : i32
    "tpu.region"() ({
      %run_scoped3A = tpu.sem_alloc : memref<!tpu.dma_semaphore, #tpu.memory_space<semaphore_mem>>
      %dma_start3A = arith.constant 0 : i32
      %dma_start3A_42 = tpu.memref_slice %arg8[%multiple_of3A_35, %dma_start3A] : memref<10008x128xf32, #tpu.memory_space<vmem_shared>> -> memref<128x128xf32, #tpu.memory_space<vmem_shared>>
      %dma_start3A_43 = arith.constant 0 : i32
      %dma_start3A_44 = tpu.memref_slice %arg8[%multiple_of3A_35, %dma_start3A_43] : memref<10008x128xf32, #tpu.memory_space<vmem_shared>> -> memref<128x128xf32, #tpu.memory_space<vmem_shared>>
      tpu.enqueue_dma source(%dma_start3A_44 : memref<128x128xf32, #tpu.memory_space<vmem_shared>>) target(%arg7 : memref<128x128xf32, #tpu.memory_space<vmem>>) target_semaphore(%run_scoped3A : memref<!tpu.dma_semaphore, #tpu.memory_space<semaphore_mem>>)
      %dma_wait3A = arith.constant 0 : i32
      %dma_wait3A_45 = tpu.memref_slice %arg8[%multiple_of3A_35, %dma_wait3A] : memref<10008x128xf32, #tpu.memory_space<vmem_shared>> -> memref<128x128xf32, #tpu.memory_space<vmem_shared>>
      %dma_wait3A_46 = arith.constant 0 : i32
      %dma_wait3A_47 = tpu.memref_slice %arg8[%multiple_of3A_35, %dma_wait3A_46] : memref<10008x128xf32, #tpu.memory_space<vmem_shared>> -> memref<128x128xf32, #tpu.memory_space<vmem_shared>>
      tpu.wait_dma2 semaphore(%run_scoped3A : memref<!tpu.dma_semaphore, #tpu.memory_space<semaphore_mem>>) src(%dma_wait3A_47 : memref<128x128xf32, #tpu.memory_space<vmem_shared>>) dst(%arg7 : memref<128x128xf32, #tpu.memory_space<vmem>>)
      tpu.yield
    }) : () -> ()
    "tpu.region"() ({
      %run_scoped3A = tpu.sem_alloc : memref<!tpu.dma_semaphore, #tpu.memory_space<semaphore_mem>>
      %dma_start3A = arith.constant 0 : i32
      %dma_start3A_42 = tpu.memref_slice %arg5[%arg0, %multiple_of3A_35, %dma_start3A] : memref<2x10000x128xf32, #tpu.memory_space<hbm>> -> memref<1x128x128xf32, #tpu.memory_space<hbm>>
      %dma_start3A_43 = tpu.memref_squeeze %dma_start3A_42 : memref<1x128x128xf32, #tpu.memory_space<hbm>> -> memref<128x128xf32, #tpu.memory_space<hbm>>
      %dma_start3A_44 = arith.constant 0 : i32
      %dma_start3A_45 = tpu.memref_slice %arg5[%arg0, %multiple_of3A_35, %dma_start3A_44] : memref<2x10000x128xf32, #tpu.memory_space<hbm>> -> memref<1x128x128xf32, #tpu.memory_space<hbm>>
      %dma_start3A_46 = tpu.memref_squeeze %dma_start3A_45 : memref<1x128x128xf32, #tpu.memory_space<hbm>> -> memref<128x128xf32, #tpu.memory_space<hbm>>
      tpu.enqueue_dma source(%arg7 : memref<128x128xf32, #tpu.memory_space<vmem>>) target(%dma_start3A_46 : memref<128x128xf32, #tpu.memory_space<hbm>>) target_semaphore(%run_scoped3A : memref<!tpu.dma_semaphore, #tpu.memory_space<semaphore_mem>>)
      %dma_wait3A = arith.constant 0 : i32
      %dma_wait3A_47 = tpu.memref_slice %arg5[%arg0, %multiple_of3A_35, %dma_wait3A] : memref<2x10000x128xf32, #tpu.memory_space<hbm>> -> memref<1x128x128xf32, #tpu.memory_space<hbm>>
      %dma_wait3A_48 = tpu.memref_squeeze %dma_wait3A_47 : memref<1x128x128xf32, #tpu.memory_space<hbm>> -> memref<128x128xf32, #tpu.memory_space<hbm>>
      %dma_wait3A_49 = arith.constant 0 : i32
      %dma_wait3A_50 = tpu.memref_slice %arg5[%arg0, %multiple_of3A_35, %dma_wait3A_49] : memref<2x10000x128xf32, #tpu.memory_space<hbm>> -> memref<1x128x128xf32, #tpu.memory_space<hbm>>
      %dma_wait3A_51 = tpu.memref_squeeze %dma_wait3A_50 : memref<1x128x128xf32, #tpu.memory_space<hbm>> -> memref<128x128xf32, #tpu.memory_space<hbm>>
      tpu.wait_dma2 semaphore(%run_scoped3A : memref<!tpu.dma_semaphore, #tpu.memory_space<semaphore_mem>>) src(%arg7 : memref<128x128xf32, #tpu.memory_space<vmem>>) dst(%dma_wait3A_51 : memref<128x128xf32, #tpu.memory_space<hbm>>)
      tpu.yield
    }) : () -> ()
    %add3A_36 = arith.constant 384 : i32
    %add3A_37 = arith.addi %multiple_of3A, %add3A_36 : i32
    %multiple_of3A_38 = tpu.assume_multiple %add3A_37, 8 : i32
    "tpu.region"() ({
      %run_scoped3A = tpu.sem_alloc : memref<!tpu.dma_semaphore, #tpu.memory_space<semaphore_mem>>
      %dma_start3A = arith.constant 0 : i32
      %dma_start3A_42 = tpu.memref_slice %arg8[%multiple_of3A_38, %dma_start3A] : memref<10008x128xf32, #tpu.memory_space<vmem_shared>> -> memref<128x128xf32, #tpu.memory_space<vmem_shared>>
      %dma_start3A_43 = arith.constant 0 : i32
      %dma_start3A_44 = tpu.memref_slice %arg8[%multiple_of3A_38, %dma_start3A_43] : memref<10008x128xf32, #tpu.memory_space<vmem_shared>> -> memref<128x128xf32, #tpu.memory_space<vmem_shared>>
      tpu.enqueue_dma source(%dma_start3A_44 : memref<128x128xf32, #tpu.memory_space<vmem_shared>>) target(%arg7 : memref<128x128xf32, #tpu.memory_space<vmem>>) target_semaphore(%run_scoped3A : memref<!tpu.dma_semaphore, #tpu.memory_space<semaphore_mem>>)
      %dma_wait3A = arith.constant 0 : i32
      %dma_wait3A_45 = tpu.memref_slice %arg8[%multiple_of3A_38, %dma_wait3A] : memref<10008x128xf32, #tpu.memory_space<vmem_shared>> -> memref<128x128xf32, #tpu.memory_space<vmem_shared>>
      %dma_wait3A_46 = arith.constant 0 : i32
      %dma_wait3A_47 = tpu.memref_slice %arg8[%multiple_of3A_38, %dma_wait3A_46] : memref<10008x128xf32, #tpu.memory_space<vmem_shared>> -> memref<128x128xf32, #tpu.memory_space<vmem_shared>>
      tpu.wait_dma2 semaphore(%run_scoped3A : memref<!tpu.dma_semaphore, #tpu.memory_space<semaphore_mem>>) src(%dma_wait3A_47 : memref<128x128xf32, #tpu.memory_space<vmem_shared>>) dst(%arg7 : memref<128x128xf32, #tpu.memory_space<vmem>>)
      tpu.yield
    }) : () -> ()
    "tpu.region"() ({
      %run_scoped3A = tpu.sem_alloc : memref<!tpu.dma_semaphore, #tpu.memory_space<semaphore_mem>>
      %dma_start3A = arith.constant 0 : i32
      %dma_start3A_42 = tpu.memref_slice %arg5[%arg0, %multiple_of3A_38, %dma_start3A] : memref<2x10000x128xf32, #tpu.memory_space<hbm>> -> memref<1x128x128xf32, #tpu.memory_space<hbm>>
      %dma_start3A_43 = tpu.memref_squeeze %dma_start3A_42 : memref<1x128x128xf32, #tpu.memory_space<hbm>> -> memref<128x128xf32, #tpu.memory_space<hbm>>
      %dma_start3A_44 = arith.constant 0 : i32
      %dma_start3A_45 = tpu.memref_slice %arg5[%arg0, %multiple_of3A_38, %dma_start3A_44] : memref<2x10000x128xf32, #tpu.memory_space<hbm>> -> memref<1x128x128xf32, #tpu.memory_space<hbm>>
      %dma_start3A_46 = tpu.memref_squeeze %dma_start3A_45 : memref<1x128x128xf32, #tpu.memory_space<hbm>> -> memref<128x128xf32, #tpu.memory_space<hbm>>
      tpu.enqueue_dma source(%arg7 : memref<128x128xf32, #tpu.memory_space<vmem>>) target(%dma_start3A_46 : memref<128x128xf32, #tpu.memory_space<hbm>>) target_semaphore(%run_scoped3A : memref<!tpu.dma_semaphore, #tpu.memory_space<semaphore_mem>>)
      %dma_wait3A = arith.constant 0 : i32
      %dma_wait3A_47 = tpu.memref_slice %arg5[%arg0, %multiple_of3A_38, %dma_wait3A] : memref<2x10000x128xf32, #tpu.memory_space<hbm>> -> memref<1x128x128xf32, #tpu.memory_space<hbm>>
      %dma_wait3A_48 = tpu.memref_squeeze %dma_wait3A_47 : memref<1x128x128xf32, #tpu.memory_space<hbm>> -> memref<128x128xf32, #tpu.memory_space<hbm>>
      %dma_wait3A_49 = arith.constant 0 : i32
      %dma_wait3A_50 = tpu.memref_slice %arg5[%arg0, %multiple_of3A_38, %dma_wait3A_49] : memref<2x10000x128xf32, #tpu.memory_space<hbm>> -> memref<1x128x128xf32, #tpu.memory_space<hbm>>
      %dma_wait3A_51 = tpu.memref_squeeze %dma_wait3A_50 : memref<1x128x128xf32, #tpu.memory_space<hbm>> -> memref<128x128xf32, #tpu.memory_space<hbm>>
      tpu.wait_dma2 semaphore(%run_scoped3A : memref<!tpu.dma_semaphore, #tpu.memory_space<semaphore_mem>>) src(%arg7 : memref<128x128xf32, #tpu.memory_space<vmem>>) dst(%dma_wait3A_51 : memref<128x128xf32, #tpu.memory_space<hbm>>)
      tpu.yield
    }) : () -> ()
    %add3A_39 = arith.constant 512 : i32
    %add3A_40 = arith.addi %multiple_of3A, %add3A_39 : i32
    %multiple_of3A_41 = tpu.assume_multiple %add3A_40, 8 : i32
    "tpu.region"() ({
      %run_scoped3A = tpu.sem_alloc : memref<!tpu.dma_semaphore, #tpu.memory_space<semaphore_mem>>
      %dma_start3A = arith.constant 0 : i32
      %dma_start3A_42 = tpu.memref_slice %arg8[%multiple_of3A_41, %dma_start3A] : memref<10008x128xf32, #tpu.memory_space<vmem_shared>> -> memref<128x128xf32, #tpu.memory_space<vmem_shared>>
      %dma_start3A_43 = arith.constant 0 : i32
      %dma_start3A_44 = tpu.memref_slice %arg8[%multiple_of3A_41, %dma_start3A_43] : memref<10008x128xf32, #tpu.memory_space<vmem_shared>> -> memref<128x128xf32, #tpu.memory_space<vmem_shared>>
      tpu.enqueue_dma source(%dma_start3A_44 : memref<128x128xf32, #tpu.memory_space<vmem_shared>>) target(%arg7 : memref<128x128xf32, #tpu.memory_space<vmem>>) target_semaphore(%run_scoped3A : memref<!tpu.dma_semaphore, #tpu.memory_space<semaphore_mem>>)
      %dma_wait3A = arith.constant 0 : i32
      %dma_wait3A_45 = tpu.memref_slice %arg8[%multiple_of3A_41, %dma_wait3A] : memref<10008x128xf32, #tpu.memory_space<vmem_shared>> -> memref<128x128xf32, #tpu.memory_space<vmem_shared>>
      %dma_wait3A_46 = arith.constant 0 : i32
      %dma_wait3A_47 = tpu.memref_slice %arg8[%multiple_of3A_41, %dma_wait3A_46] : memref<10008x128xf32, #tpu.memory_space<vmem_shared>> -> memref<128x128xf32, #tpu.memory_space<vmem_shared>>
      tpu.wait_dma2 semaphore(%run_scoped3A : memref<!tpu.dma_semaphore, #tpu.memory_space<semaphore_mem>>) src(%dma_wait3A_47 : memref<128x128xf32, #tpu.memory_space<vmem_shared>>) dst(%arg7 : memref<128x128xf32, #tpu.memory_space<vmem>>)
      tpu.yield
    }) : () -> ()
    "tpu.region"() ({
      %run_scoped3A = tpu.sem_alloc : memref<!tpu.dma_semaphore, #tpu.memory_space<semaphore_mem>>
      %dma_start3A = arith.constant 0 : i32
      %dma_start3A_42 = tpu.memref_slice %arg5[%arg0, %multiple_of3A_41, %dma_start3A] : memref<2x10000x128xf32, #tpu.memory_space<hbm>> -> memref<1x128x128xf32, #tpu.memory_space<hbm>>
      %dma_start3A_43 = tpu.memref_squeeze %dma_start3A_42 : memref<1x128x128xf32, #tpu.memory_space<hbm>> -> memref<128x128xf32, #tpu.memory_space<hbm>>
      %dma_start3A_44 = arith.constant 0 : i32
      %dma_start3A_45 = tpu.memref_slice %arg5[%arg0, %multiple_of3A_41, %dma_start3A_44] : memref<2x10000x128xf32, #tpu.memory_space<hbm>> -> memref<1x128x128xf32, #tpu.memory_space<hbm>>
      %dma_start3A_46 = tpu.memref_squeeze %dma_start3A_45 : memref<1x128x128xf32, #tpu.memory_space<hbm>> -> memref<128x128xf32, #tpu.memory_space<hbm>>
      tpu.enqueue_dma source(%arg7 : memref<128x128xf32, #tpu.memory_space<vmem>>) target(%dma_start3A_46 : memref<128x128xf32, #tpu.memory_space<hbm>>) target_semaphore(%run_scoped3A : memref<!tpu.dma_semaphore, #tpu.memory_space<semaphore_mem>>)
      %dma_wait3A = arith.constant 0 : i32
      %dma_wait3A_47 = tpu.memref_slice %arg5[%arg0, %multiple_of3A_41, %dma_wait3A] : memref<2x10000x128xf32, #tpu.memory_space<hbm>> -> memref<1x128x128xf32, #tpu.memory_space<hbm>>
      %dma_wait3A_48 = tpu.memref_squeeze %dma_wait3A_47 : memref<1x128x128xf32, #tpu.memory_space<hbm>> -> memref<128x128xf32, #tpu.memory_space<hbm>>
      %dma_wait3A_49 = arith.constant 0 : i32
      %dma_wait3A_50 = tpu.memref_slice %arg5[%arg0, %multiple_of3A_41, %dma_wait3A_49] : memref<2x10000x128xf32, #tpu.memory_space<hbm>> -> memref<1x128x128xf32, #tpu.memory_space<hbm>>
      %dma_wait3A_51 = tpu.memref_squeeze %dma_wait3A_50 : memref<1x128x128xf32, #tpu.memory_space<hbm>> -> memref<128x128xf32, #tpu.memory_space<hbm>>
      tpu.wait_dma2 semaphore(%run_scoped3A : memref<!tpu.dma_semaphore, #tpu.memory_space<semaphore_mem>>) src(%arg7 : memref<128x128xf32, #tpu.memory_space<vmem>>) dst(%dma_wait3A_51 : memref<128x128xf32, #tpu.memory_space<hbm>>)
      tpu.yield
    }) : () -> ()
    return
  }
}

module attributes {stable_mosaic.version = 14 : i64} {
  func.func @_tc_layer_body(%arg0: i32, %arg1: memref<1000x128xf32, #tpu.memory_space<vmem>>, %arg2: memref<2x1000x128xf32, #tpu.memory_space<vmem>>, %arg3: memref<2x1000x128xf32, #tpu.memory_space<vmem>>, %arg4: memref<128x128xf32, #tpu.memory_space<vmem>>, %arg5: memref<1x128xf32, #tpu.memory_space<vmem>>, %arg6: memref<128x128xf32, #tpu.memory_space<vmem>>, %arg7: memref<1000x128xf32, #tpu.memory_space<vmem>>) attributes {dimension_semantics = [#tpu.dimension_semantics<arbitrary>], iteration_bounds = array<i64: 10>, scalar_prefetch = 0 : i64, scratch_operands = 0 : i64, tpu.core_type = #tpu.core_type<tc>, window_params = [{transform_indices = @transform_0, window_bounds = array<i64: 1000, 128>}, {transform_indices = @transform_1, window_bounds = array<i64: 2, 1000, 128>}, {transform_indices = @transform_2, window_bounds = array<i64: 2, 1000, 128>}, {pipeline_mode = #tpu.pipeline_mode<synchronous>, transform_indices = @transform_3, window_bounds = array<i64: 128, 128>}, {pipeline_mode = #tpu.pipeline_mode<synchronous>, transform_indices = @transform_4, window_bounds = array<i64: 1, 128>}, {pipeline_mode = #tpu.pipeline_mode<synchronous>, transform_indices = @transform_5, window_bounds = array<i64: 128, 128>}, {transform_indices = @transform_6, window_bounds = array<i64: 1000, 128>}]} {
    %get3A = arith.constant 0 : index
    %get3A_0 = arith.constant 0 : index
    %get3A_1 = arith.constant 0 : index
    %get3A_2 = vector.load %arg2[%get3A, %get3A_0, %get3A_1] : memref<2x1000x128xf32, #tpu.memory_space<vmem>>, vector<1x1000x128xf32>
    %get3A_3 = vector.shape_cast %get3A_2 : vector<1x1000x128xf32> to vector<1000x128xf32>
    %get3A_4 = arith.constant 1 : index
    %get3A_5 = arith.constant 0 : index
    %get3A_6 = arith.constant 0 : index
    %get3A_7 = vector.load %arg2[%get3A_4, %get3A_5, %get3A_6] : memref<2x1000x128xf32, #tpu.memory_space<vmem>>, vector<1x1000x128xf32>
    %get3A_8 = vector.shape_cast %get3A_7 : vector<1x1000x128xf32> to vector<1000x128xf32>
    %add3A = arith.addf %get3A_3, %get3A_8 : vector<1000x128xf32>
    %get3A_9 = arith.constant 0 : index
    %get3A_10 = arith.constant 0 : index
    %get3A_11 = arith.constant 0 : index
    %get3A_12 = vector.load %arg3[%get3A_9, %get3A_10, %get3A_11] : memref<2x1000x128xf32, #tpu.memory_space<vmem>>, vector<1x1000x1xf32>
    %get3A_13 = vector.shape_cast %get3A_12 : vector<1x1000x1xf32> to vector<1000x1xf32>
    %get3A_14 = arith.constant 1 : index
    %get3A_15 = arith.constant 0 : index
    %get3A_16 = arith.constant 0 : index
    %get3A_17 = vector.load %arg3[%get3A_14, %get3A_15, %get3A_16] : memref<2x1000x128xf32, #tpu.memory_space<vmem>>, vector<1x1000x1xf32>
    %get3A_18 = vector.shape_cast %get3A_17 : vector<1x1000x1xf32> to vector<1000x1xf32>
    %add3A_19 = arith.addf %get3A_13, %get3A_18 : vector<1000x1xf32>
    %jit3A = arith.constant 1.000000e+00 : f32
    %max3A = vector.broadcast %jit3A : f32 to vector<1000x1xf32>
    %max3A_20 = arith.maximumf %max3A, %add3A_19 : vector<1000x1xf32>
    %div3A = arith.constant 1.000000e+00 : f32
    %div3A_21 = vector.broadcast %div3A : f32 to vector<1000x1xf32>
    %div3A_22 = arith.divf %div3A_21, %max3A_20 : vector<1000x1xf32>
    %mul3A = vector.broadcast %div3A_22 : vector<1000x1xf32> to vector<1000x128xf32>
    %mul3A_23 = arith.mulf %add3A, %mul3A : vector<1000x128xf32>
    %get3A_24 = arith.constant 0 : index
    %get3A_25 = arith.constant 0 : index
    %get3A_26 = vector.load %arg4[%get3A_24, %get3A_25] : memref<128x128xf32, #tpu.memory_space<vmem>>, vector<128x128xf32>
    %dot_general3A = arith.constant dense<0.000000e+00> : vector<1000x128xf32>
    %dot_general3A_27 = tpu.matmul %mul3A_23, %get3A_26, %dot_general3A {dimension_numbers = #tpu.dot_dimension_numbers<[1], [0], [0], [1], [0, 0, 1, 1], [], []>, transpose_lhs_hint = false} : vector<1000x128xf32>, vector<128x128xf32>, vector<1000x128xf32> -> vector<1000x128xf32>
    %get3A_28 = arith.constant 0 : index
    %get3A_29 = arith.constant 0 : index
    %get3A_30 = vector.load %arg1[%get3A_28, %get3A_29] : memref<1000x128xf32, #tpu.memory_space<vmem>>, vector<1000x128xf32>
    %get3A_31 = arith.constant 0 : index
    %get3A_32 = arith.constant 0 : index
    %get3A_33 = vector.load %arg6[%get3A_31, %get3A_32] : memref<128x128xf32, #tpu.memory_space<vmem>>, vector<128x128xf32>
    %dot_general3A_34 = arith.constant dense<0.000000e+00> : vector<1000x128xf32>
    %dot_general3A_35 = tpu.matmul %get3A_30, %get3A_33, %dot_general3A_34 {dimension_numbers = #tpu.dot_dimension_numbers<[1], [0], [0], [1], [0, 0, 1, 1], [], []>, transpose_lhs_hint = false} : vector<1000x128xf32>, vector<128x128xf32>, vector<1000x128xf32> -> vector<1000x128xf32>
    %add3A_36 = arith.addf %dot_general3A_27, %dot_general3A_35 : vector<1000x128xf32>
    %get3A_37 = arith.constant 0 : index
    %get3A_38 = arith.constant 0 : index
    %get3A_39 = vector.load %arg5[%get3A_37, %get3A_38] : memref<1x128xf32, #tpu.memory_space<vmem>>, vector<1x128xf32>
    %add3A_40 = vector.broadcast %get3A_39 : vector<1x128xf32> to vector<1000x128xf32>
    %add3A_41 = arith.addf %add3A_36, %add3A_40 : vector<1000x128xf32>
    %ge3A = arith.constant 0.000000e+00 : f32
    %ge3A_42 = vector.broadcast %ge3A : f32 to vector<1000x128xf32>
    %ge3A_43 = arith.cmpf oge, %add3A_41, %ge3A_42 : vector<1000x128xf32>
    %mul3A_44 = arith.constant 0.00999999977 : f32
    %mul3A_45 = vector.broadcast %mul3A_44 : f32 to vector<1000x128xf32>
    %mul3A_46 = arith.mulf %mul3A_45, %add3A_41 : vector<1000x128xf32>
    %select_n3A = arith.select %ge3A_43, %add3A_41, %mul3A_46 : vector<1000x128xi1>, vector<1000x128xf32>
    %swap3A = arith.constant 0 : index
    %swap3A_47 = arith.constant 0 : index
    %swap3A_48 = vector.load %arg7[%swap3A, %swap3A_47] : memref<1000x128xf32, #tpu.memory_space<vmem>>, vector<1000x128xf32>
    tpu.vector_store %arg7[%swap3A, %swap3A_47], %select_n3A {strides = array<i32>} : memref<1000x128xf32, #tpu.memory_space<vmem>>, vector<1000x128xf32>,
    return
  }
  func.func @transform_0(%arg0: i32) -> (i32, i32) {
    %c0_i32 = arith.constant 0 : i32
    %c0_i32_0 = arith.constant 0 : i32
    return %arg0, %c0_i32 : i32, i32
  }
  func.func @transform_1(%arg0: i32) -> (i32, i32, i32) {
    %c0_i32 = arith.constant 0 : i32
    %c0_i32_0 = arith.constant 0 : i32
    %c0_i32_1 = arith.constant 0 : i32
    return %c0_i32, %arg0, %c0_i32_0 : i32, i32, i32
  }
  func.func @transform_2(%arg0: i32) -> (i32, i32, i32) {
    %c0_i32 = arith.constant 0 : i32
    %c0_i32_0 = arith.constant 0 : i32
    %c0_i32_1 = arith.constant 0 : i32
    return %c0_i32, %arg0, %c0_i32_0 : i32, i32, i32
  }
  func.func @transform_3(%arg0: i32) -> (i32, i32) {
    %c0_i32 = arith.constant 0 : i32
    %c0_i32_0 = arith.constant 0 : i32
    %c0_i32_1 = arith.constant 0 : i32
    return %c0_i32, %c0_i32_0 : i32, i32
  }
  func.func @transform_4(%arg0: i32) -> (i32, i32) {
    %c0_i32 = arith.constant 0 : i32
    %c0_i32_0 = arith.constant 0 : i32
    %c0_i32_1 = arith.constant 0 : i32
    return %c0_i32, %c0_i32_0 : i32, i32
  }
  func.func @transform_5(%arg0: i32) -> (i32, i32) {
    %c0_i32 = arith.constant 0 : i32
    %c0_i32_0 = arith.constant 0 : i32
    %c0_i32_1 = arith.constant 0 : i32
    return %c0_i32, %c0_i32_0 : i32, i32
  }
  func.func @transform_6(%arg0: i32) -> (i32, i32) {
    %c0_i32 = arith.constant 0 : i32
    %c0_i32_0 = arith.constant 0 : i32
    return %arg0, %c0_i32 : i32, i32
  }
}

module attributes {stable_mosaic.version = 14 : i64} {
  func.func @_tc_final_body(%arg0: i32, %arg1: memref<1000x128xf32, #tpu.memory_space<vmem>>, %arg2: memref<2x1000x128xf32, #tpu.memory_space<vmem>>, %arg3: memref<2x1000x128xf32, #tpu.memory_space<vmem>>, %arg4: memref<128x128xf32, #tpu.memory_space<vmem>>, %arg5: memref<1x128xf32, #tpu.memory_space<vmem>>, %arg6: memref<128x128xf32, #tpu.memory_space<vmem>>, %arg7: memref<128x1xf32, #tpu.memory_space<vmem>>, %arg8: memref<1x1xf32, #tpu.memory_space<vmem>>, %arg9: memref<1000x1xf32, #tpu.memory_space<vmem>>) attributes {dimension_semantics = [#tpu.dimension_semantics<arbitrary>], iteration_bounds = array<i64: 10>, scalar_prefetch = 0 : i64, scratch_operands = 0 : i64, tpu.core_type = #tpu.core_type<tc>, window_params = [{transform_indices = @transform_0, window_bounds = array<i64: 1000, 128>}, {transform_indices = @transform_1, window_bounds = array<i64: 2, 1000, 128>}, {transform_indices = @transform_2, window_bounds = array<i64: 2, 1000, 128>}, {pipeline_mode = #tpu.pipeline_mode<synchronous>, transform_indices = @transform_3, window_bounds = array<i64: 128, 128>}, {pipeline_mode = #tpu.pipeline_mode<synchronous>, transform_indices = @transform_4, window_bounds = array<i64: 1, 128>}, {pipeline_mode = #tpu.pipeline_mode<synchronous>, transform_indices = @transform_5, window_bounds = array<i64: 128, 128>}, {pipeline_mode = #tpu.pipeline_mode<synchronous>, transform_indices = @transform_6, window_bounds = array<i64: 128, 1>}, {pipeline_mode = #tpu.pipeline_mode<synchronous>, transform_indices = @transform_7, window_bounds = array<i64: 1, 1>}, {transform_indices = @transform_8, window_bounds = array<i64: 1000, 1>}]} {
    %get3A = arith.constant 0 : index
    %get3A_0 = arith.constant 0 : index
    %get3A_1 = arith.constant 0 : index
    %get3A_2 = vector.load %arg2[%get3A, %get3A_0, %get3A_1] : memref<2x1000x128xf32, #tpu.memory_space<vmem>>, vector<1x1000x128xf32>
    %get3A_3 = vector.shape_cast %get3A_2 : vector<1x1000x128xf32> to vector<1000x128xf32>
    %get3A_4 = arith.constant 1 : index
    %get3A_5 = arith.constant 0 : index
    %get3A_6 = arith.constant 0 : index
    %get3A_7 = vector.load %arg2[%get3A_4, %get3A_5, %get3A_6] : memref<2x1000x128xf32, #tpu.memory_space<vmem>>, vector<1x1000x128xf32>
    %get3A_8 = vector.shape_cast %get3A_7 : vector<1x1000x128xf32> to vector<1000x128xf32>
    %add3A = arith.addf %get3A_3, %get3A_8 : vector<1000x128xf32>
    %get3A_9 = arith.constant 0 : index
    %get3A_10 = arith.constant 0 : index
    %get3A_11 = arith.constant 0 : index
    %get3A_12 = vector.load %arg3[%get3A_9, %get3A_10, %get3A_11] : memref<2x1000x128xf32, #tpu.memory_space<vmem>>, vector<1x1000x1xf32>
    %get3A_13 = vector.shape_cast %get3A_12 : vector<1x1000x1xf32> to vector<1000x1xf32>
    %get3A_14 = arith.constant 1 : index
    %get3A_15 = arith.constant 0 : index
    %get3A_16 = arith.constant 0 : index
    %get3A_17 = vector.load %arg3[%get3A_14, %get3A_15, %get3A_16] : memref<2x1000x128xf32, #tpu.memory_space<vmem>>, vector<1x1000x1xf32>
    %get3A_18 = vector.shape_cast %get3A_17 : vector<1x1000x1xf32> to vector<1000x1xf32>
    %add3A_19 = arith.addf %get3A_13, %get3A_18 : vector<1000x1xf32>
    %jit3A = arith.constant 1.000000e+00 : f32
    %max3A = vector.broadcast %jit3A : f32 to vector<1000x1xf32>
    %max3A_20 = arith.maximumf %max3A, %add3A_19 : vector<1000x1xf32>
    %div3A = arith.constant 1.000000e+00 : f32
    %div3A_21 = vector.broadcast %div3A : f32 to vector<1000x1xf32>
    %div3A_22 = arith.divf %div3A_21, %max3A_20 : vector<1000x1xf32>
    %mul3A = vector.broadcast %div3A_22 : vector<1000x1xf32> to vector<1000x128xf32>
    %mul3A_23 = arith.mulf %add3A, %mul3A : vector<1000x128xf32>
    %get3A_24 = arith.constant 0 : index
    %get3A_25 = arith.constant 0 : index
    %get3A_26 = vector.load %arg4[%get3A_24, %get3A_25] : memref<128x128xf32, #tpu.memory_space<vmem>>, vector<128x128xf32>
    %dot_general3A = arith.constant dense<0.000000e+00> : vector<1000x128xf32>
    %dot_general3A_27 = tpu.matmul %mul3A_23, %get3A_26, %dot_general3A {dimension_numbers = #tpu.dot_dimension_numbers<[1], [0], [0], [1], [0, 0, 1, 1], [], []>, transpose_lhs_hint = false} : vector<1000x128xf32>, vector<128x128xf32>, vector<1000x128xf32> -> vector<1000x128xf32>
    %get3A_28 = arith.constant 0 : index
    %get3A_29 = arith.constant 0 : index
    %get3A_30 = vector.load %arg1[%get3A_28, %get3A_29] : memref<1000x128xf32, #tpu.memory_space<vmem>>, vector<1000x128xf32>
    %get3A_31 = arith.constant 0 : index
    %get3A_32 = arith.constant 0 : index
    %get3A_33 = vector.load %arg6[%get3A_31, %get3A_32] : memref<128x128xf32, #tpu.memory_space<vmem>>, vector<128x128xf32>
    %dot_general3A_34 = arith.constant dense<0.000000e+00> : vector<1000x128xf32>
    %dot_general3A_35 = tpu.matmul %get3A_30, %get3A_33, %dot_general3A_34 {dimension_numbers = #tpu.dot_dimension_numbers<[1], [0], [0], [1], [0, 0, 1, 1], [], []>, transpose_lhs_hint = false} : vector<1000x128xf32>, vector<128x128xf32>, vector<1000x128xf32> -> vector<1000x128xf32>
    %add3A_36 = arith.addf %dot_general3A_27, %dot_general3A_35 : vector<1000x128xf32>
    %get3A_37 = arith.constant 0 : index
    %get3A_38 = arith.constant 0 : index
    %get3A_39 = vector.load %arg5[%get3A_37, %get3A_38] : memref<1x128xf32, #tpu.memory_space<vmem>>, vector<1x128xf32>
    %add3A_40 = vector.broadcast %get3A_39 : vector<1x128xf32> to vector<1000x128xf32>
    %add3A_41 = arith.addf %add3A_36, %add3A_40 : vector<1000x128xf32>
    %ge3A = arith.constant 0.000000e+00 : f32
    %ge3A_42 = vector.broadcast %ge3A : f32 to vector<1000x128xf32>
    %ge3A_43 = arith.cmpf oge, %add3A_41, %ge3A_42 : vector<1000x128xf32>
    %mul3A_44 = arith.constant 0.00999999977 : f32
    %mul3A_45 = vector.broadcast %mul3A_44 : f32 to vector<1000x128xf32>
    %mul3A_46 = arith.mulf %mul3A_45, %add3A_41 : vector<1000x128xf32>
    %select_n3A = arith.select %ge3A_43, %add3A_41, %mul3A_46 : vector<1000x128xi1>, vector<1000x128xf32>
    %get3A_47 = arith.constant 0 : index
    %get3A_48 = arith.constant 0 : index
    %get3A_49 = vector.load %arg7[%get3A_47, %get3A_48] : memref<128x1xf32, #tpu.memory_space<vmem>>, vector<128x1xf32>
    %dot_general3A_50 = arith.constant dense<0.000000e+00> : vector<1000x1xf32>
    %dot_general3A_51 = tpu.matmul %select_n3A, %get3A_49, %dot_general3A_50 {dimension_numbers = #tpu.dot_dimension_numbers<[1], [0], [0], [1], [0, 0, 1, 1], [], []>, transpose_lhs_hint = false} : vector<1000x128xf32>, vector<128x1xf32>, vector<1000x1xf32> -> vector<1000x1xf32>
    %get3A_52 = arith.constant 0 : index
    %get3A_53 = arith.constant 0 : index
    %get3A_54 = vector.load %arg8[%get3A_52, %get3A_53] : memref<1x1xf32, #tpu.memory_space<vmem>>, vector<1x1xf32>
    %add3A_55 = vector.broadcast %get3A_54 : vector<1x1xf32> to vector<1000x1xf32>
    %add3A_56 = arith.addf %dot_general3A_51, %add3A_55 : vector<1000x1xf32>
    %swap3A = arith.constant 0 : index
    %swap3A_57 = arith.constant 0 : index
    %swap3A_58 = vector.load %arg9[%swap3A, %swap3A_57] : memref<1000x1xf32, #tpu.memory_space<vmem>>, vector<1000x1xf32>
    tpu.vector_store %arg9[%swap3A, %swap3A_57], %add3A_56 {strides = array<i32>} : memref<1000x1xf32, #tpu.memory_space<vmem>>, vector<1000x1xf32>,
    return
  }
  func.func @transform_0(%arg0: i32) -> (i32, i32) {
    %c0_i32 = arith.constant 0 : i32
    %c0_i32_0 = arith.constant 0 : i32
    return %arg0, %c0_i32 : i32, i32
  }
  func.func @transform_1(%arg0: i32) -> (i32, i32, i32) {
    %c0_i32 = arith.constant 0 : i32
    %c0_i32_0 = arith.constant 0 : i32
    %c0_i32_1 = arith.constant 0 : i32
    return %c0_i32, %arg0, %c0_i32_0 : i32, i32, i32
  }
  func.func @transform_2(%arg0: i32) -> (i32, i32, i32) {
    %c0_i32 = arith.constant 0 : i32
    %c0_i32_0 = arith.constant 0 : i32
    %c0_i32_1 = arith.constant 0 : i32
    return %c0_i32, %arg0, %c0_i32_0 : i32, i32, i32
  }
  func.func @transform_3(%arg0: i32) -> (i32, i32) {
    %c0_i32 = arith.constant 0 : i32
    %c0_i32_0 = arith.constant 0 : i32
    %c0_i32_1 = arith.constant 0 : i32
    return %c0_i32, %c0_i32_0 : i32, i32
  }
  func.func @transform_4(%arg0: i32) -> (i32, i32) {
    %c0_i32 = arith.constant 0 : i32
    %c0_i32_0 = arith.constant 0 : i32
    %c0_i32_1 = arith.constant 0 : i32
    return %c0_i32, %c0_i32_0 : i32, i32
  }
  func.func @transform_5(%arg0: i32) -> (i32, i32) {
    %c0_i32 = arith.constant 0 : i32
    %c0_i32_0 = arith.constant 0 : i32
    %c0_i32_1 = arith.constant 0 : i32
    return %c0_i32, %c0_i32_0 : i32, i32
  }
  func.func @transform_6(%arg0: i32) -> (i32, i32) {
    %c0_i32 = arith.constant 0 : i32
    %c0_i32_0 = arith.constant 0 : i32
    %c0_i32_1 = arith.constant 0 : i32
    return %c0_i32, %c0_i32_0 : i32, i32
  }
  func.func @transform_7(%arg0: i32) -> (i32, i32) {
    %c0_i32 = arith.constant 0 : i32
    %c0_i32_0 = arith.constant 0 : i32
    %c0_i32_1 = arith.constant 0 : i32
    return %c0_i32, %c0_i32_0 : i32, i32
  }
  func.func @transform_8(%arg0: i32) -> (i32, i32) {
    %c0_i32 = arith.constant 0 : i32
    %c0_i32_0 = arith.constant 0 : i32
    return %arg0, %c0_i32 : i32, i32
  }
}

</mosaic_0001>

<sc_bundles>
// kernel: kernel.12.cloned.1.call-start
scs
__scs_entry_jumppad:
0x0: {  	(pc) =	sbr.rel $0x88, $3  }
0x1: {  	(tag) =	ssettag $0x0;
	lr =	simm.s32 $0x1  }
0x2: {  	[smem:$0x3F94] =	sst lr;
	_ =	strace $0xD0000000  }
0x3: {  	_ = 	snop  }
0x4: {  	_ = 	snop  }
0x5: {  	_ = 	snop  }
0x6: {  	_ = 	snop  }
0x7: {  	_ = 	snop  }
__scs_overlays_trampoline_lowered:
0x8: {  	[smem:$0x3FA3] =	sst s0  }
0x9: {  	[smem:$0x3FA4] =	sst s1  }
0xa: {  	[smem:$0x3FA5] =	sst s2  }
0xb: {  	[smem:$0x3FA6] =	sst s3  }
0xc: {  	[smem:$0x3FA7] =	sst s4  }
0xd: {  	[smem:$0x3FA8] =	sst s5  }
0xe: {  	[smem:$0x3FA9] =	sst s6  }
0xf: {  	[smem:$0x3FAA] =	sst s7  }
0x10: {  	[smem:$0x3FAB] =	sst s8  }
0x11: {  	[smem:$0x3FAC] =	sst s9;
	s0 =	simm.s32 @!p0 $0x0  }
0x12: {  	s1 =	sld [smem:$0x3F92];
	s0 =	simm.s32 @p0 $0x1  }
0x13: {  	[smem:$0x3FAD] =	sst s0;
	s0 =	simm.s32 @!p1 $0x0  }
0x14: {  	s2 =	sld [smem:$0x3F91];
	s0 =	simm.s32 @p1 $0x1  }
0x15: {  	[smem:$0x3FAE] =	sst s0;
	s0 =	simm.s32 @!p2 $0x0  }
0x16: {  	s3 =	sld [smem:$0x3FDB];
	s0 =	simm.s32 @p2 $0x1  }
0x17: {  	s4 =	simm.s32 $0x1BF5;
	[smem:$0x3FB0] =	sst s0  }
0x18: {  	s0 =	sld [smem:$0x3F93];
	_ =	swait.ge [sflag:s4], $0x0  }
0x19: {  	s7 =	sld [smem:$0x3F94]  }
0x1a: {  	s8 =	sadd.s32 $0xFFFFE003, lr  }
0x1b: {  	s9 =	sadd.s32 $0xFFFFFEF7, lr;
	s5 =	simm.s32 $0xFFFFFFFF;
	p2 =	slt.u32 s8, $0xFFFFF086  }
0x1c: {  	p1 =	slt.u32 s9, $0xF7A;
	s5 =	simm.s32 @!p2 $0x0  }
0x1d: {  	s5 =	simm.s32 @p1 $0x1;
	p0 =	seq.s32 s7, s2  }
0x1e: {  	s7 =	smul.u32 @!p0 $0xF7A, s2;
	p2 =	seq.s32 @!p0 s5, $0x0  }
0x1f: {  	s9 =	smul.u32 $0xF7A, s1;
	s8 =	simm.s32 @!p0 $0x1BF5;
	p2 =	por !p2, p0  }
0x20: {  	[sflag:s8] =	ssyncset.s32 @!p0 $0xFFFFF086;
	s6 =	sadd.s32 @!p0 s3, s7;
	s7 =	simm.s32 @!p0 $0x108  }
0x21: {  	s3 =	sadd.s32 s3, s9;
	s6 =	sadd.s32 @!p0 $0x88, s6;
	s7 =	simm.s32 @p2 $0x1082  }
0x22: {  	[simem:s7], [sflag:s8] =	dma.local @!p0 [hbm:s6], $0xF7A  }
0x23: {  	s9 =	sor.u32 $0xD0000000, s2;
	s6 =	simm.s32 $0x108;
	_ =	swait.ge @!p0 [sflag:s8], $0x0  }
0x24: {  	s3 =	sadd.s32 $0x88, s3;
	s6 =	simm.s32 @!p1 $0x1082;
	[sflag:s4] =	ssyncset.s32 $0xFFFFF086  }
0x25: {  	[simem:s6], [sflag:s4] =	dma.local [hbm:s3], $0xF7A  }
0x26: {  	[smem:$0x3F94] =	sst s1;
	(tag) =	ssettag s2;
	_ =	strace s9  }
0x27: {  	s1 =	sld [smem:$0x3FA4]  }
0x28: {  	s2 =	sld [smem:$0x3FA5]  }
0x29: {  	s4 =	sld [smem:$0x3FA7]  }
0x2a: {  	p0 =	seq.s32 s5, $0x0;
	s5 =	sld [smem:$0x3FA8]  }
0x2b: {  	s6 =	sld [smem:$0x3FA9]  }
0x2c: {  	s7 =	sld [smem:$0x3FAA]  }
0x2d: {  	s3 =	simm.s32 $0x108;
	s8 =	sld [smem:$0x3FAB]  }
0x2e: {  	s3 =	simm.s32 @!p0 $0x1082;
	s9 =	sld [smem:$0x3FAC]  }
0x2f: {  	lr =	sadd.s32 s0, s3;
	s0 =	sld [smem:$0x3FA3]  }
0x30: {  	s3 =	sld [smem:$0x3FA6]  }
0x31: {  	[smem:$0x3FAF] =	sst s10  }
0x32: {  	s10 =	sld [smem:$0x3FAD];
	_ =	sdelay $0x3  }
0x33: {  	p0 =	seq.s32 s10, $0x1;
	s10 =	sld [smem:$0x3FAF];
	_ =	sdelay $0x3  }
0x34: {  	[smem:$0x3FAF] =	sst s10  }
0x35: {  	s10 =	sld [smem:$0x3FAE];
	_ =	sdelay $0x3  }
0x36: {  	p1 =	seq.s32 s10, $0x1;
	s10 =	sld [smem:$0x3FAF];
	_ =	sdelay $0x3  }
0x37: {  	[smem:$0x3FAF] =	sst s10  }
0x38: {  	s10 =	sld [smem:$0x3FB0]  }
0x39: {  	_ = 	snop;
	(pc) =	sbr.ind lr, $3  }
0x3a: {  	_ = 	snop  }
0x3b: {  	_ = 	snop  }
0x3c: {  	p2 =	seq.s32 s10, $0x1;
	s10 =	sld [smem:$0x3FAF]  }
0x3d: {  	_ =	shalt  }
0x3e: {  	_ =	shalt  }
0x3f: {  	_ =	shalt  }
0x40: {  	_ =	shalt  }
0x41: {  	_ =	shalt  }
0x42: {  	_ =	shalt  }
0x43: {  	_ =	shalt  }
0x44: {  	_ =	shalt  }
0x45: {  	_ =	shalt  }
0x46: {  	_ =	shalt  }
0x47: {  	_ =	shalt  }
0x48: {  	_ =	shalt  }
0x49: {  	_ =	shalt  }
0x4a: {  	_ =	shalt  }
0x4b: {  	_ =	shalt  }
0x4c: {  	_ =	shalt  }
0x4d: {  	_ =	shalt  }
0x4e: {  	_ =	shalt  }
0x4f: {  	_ =	shalt  }
0x50: {  	_ =	shalt  }
0x51: {  	_ =	shalt  }
0x52: {  	_ =	shalt  }
0x53: {  	_ =	shalt  }
0x54: {  	_ =	shalt  }
0x55: {  	_ =	shalt  }
0x56: {  	_ =	shalt  }
0x57: {  	_ =	shalt  }
0x58: {  	_ =	shalt  }
0x59: {  	_ =	shalt  }
0x5a: {  	_ =	shalt  }
0x5b: {  	_ =	shalt  }
0x5c: {  	_ =	shalt  }
0x5d: {  	_ =	shalt  }
0x5e: {  	_ =	shalt  }
0x5f: {  	_ =	shalt  }
0x60: {  	_ =	shalt  }
0x61: {  	_ =	shalt  }
0x62: {  	_ =	shalt  }
0x63: {  	_ =	shalt  }
0x64: {  	_ =	shalt  }
0x65: {  	_ =	shalt  }
0x66: {  	_ =	shalt  }
0x67: {  	_ =	shalt  }
0x68: {  	_ =	shalt  }
0x69: {  	_ =	shalt  }
0x6a: {  	_ =	shalt  }
0x6b: {  	_ =	shalt  }
0x6c: {  	_ =	shalt  }
0x6d: {  	_ =	shalt  }
0x6e: {  	_ =	shalt  }
0x6f: {  	_ =	shalt  }
0x70: {  	_ =	shalt  }
0x71: {  	_ =	shalt  }
0x72: {  	_ =	shalt  }
0x73: {  	_ =	shalt  }
0x74: {  	_ =	shalt  }
0x75: {  	_ =	shalt  }
0x76: {  	_ =	shalt  }
0x77: {  	_ =	shalt  }
0x78: {  	_ =	shalt  }
0x79: {  	_ =	shalt  }
0x7a: {  	_ =	shalt  }
0x7b: {  	_ =	shalt  }
0x7c: {  	_ =	shalt  }
0x7d: {  	_ =	shalt  }
0x7e: {  	_ =	shalt  }
0x7f: {  	_ =	shalt  }
0x80: {  	_ =	shalt  }
0x81: {  	_ =	shalt  }
0x82: {  	_ =	shalt  }
0x83: {  	_ =	shalt  }
0x84: {  	_ =	shalt  }
0x85: {  	_ =	shalt  }
0x86: {  	_ =	shalt  }
0x87: {  	_ =	shalt  }
.Lfunc_end0:
.L_simem_size_0:
called_computation.1_lowered:
.L_overlay_start_0:
0x88: {  	s2 =	sld [smem:$0x3FD9]  }
0x89: {  	s3 =	sld [smem:$0x3FFE];
	_ =	sdelay $0x1  }
0x8a: {  	s1 =	srdreg.scid  }
0x8b: {  	s0 =	sand.u32 $0x1, s1  }
0x8c: {  	s17 =	sshll.u32 s0, $0xA;
	s2 =	sadd.s32 s3, s2  }
0x8d: {  	s2 =	sadd.s32 s2, s17  }
0x8e: {  	[smem:$0x3FBB] =	sst s2  }
0x8f: {  	_ = 	snop  }
0x90: {  	s2 =	sld [smem:$0x3FC9];
	(tm) =	ssettm $0x1  }
0x91: {  	s18 =	sld [smem:$0x3FFB];
	_ =	sdelay $0x3  }
0x92: {  	_ =	strace s18  }
0x93: {  	s3 =	sld [smem:$0x3FFC];
	_ =	sdelay $0x3  }
0x94: {  	_ =	strace s3  }
0x95: {  	s3 =	sld [smem:$0x3FFD];
	_ =	sdelay $0x3  }
0x96: {  	_ =	strace s3  }
0x97: {  	_ =	strace $0x8FFFFFFF  }
0x98: {  	s19 =	sld [smem:$0x3FDB];
	_ =	sdelay $0x1  }
0x99: {  	s4 =	simm.s32 $_scs_section_size  }
0x9a: {  	s5 =	simm.s32 $_size__tile_overlayer_lowered;
	s6 =	simm.s32 $_tile_overlayer_lowered  }
0x9b: {  	s22 =	simm.s32 $0x1BFF;
	s21 =	sshll.u32 s6, $0x1;
	s3 =	sadd.s32 s4, s19  }
0x9c: {  	s7 =	simm.s32 $0x0;
	s20 =	sshll.u32 s5, $0x1;
	s5 =	sadd.s32 s21, s3  }
0x9d: {  	[timem:s7], [sflag:s22] =	dma.local [hbm:s5], s20  }
0x9e: {  	_ =	swait.ge [sflag:s22], s20  }
0x9f: {  	s4 =	ssub.s32 $0x0, s20;
	[sflag:s22] =	ssyncset.done $0x0  }
0xa0: {  	[sflag:s22] =	ssyncadd.s32 s4;
	_ =	sdelay $0x1  }
0xa1: {  	s23 =	simm.s32 $0x1B8B  }
0xa2: {  	_ =	swait.ge [sflag:s23], $0x1  }
0xa3: {  	[sflag:s23] =	ssyncset.done $0x0  }
0xa4: {  	s25 =	simm.s32 $0x1B8E;
	s24 =	sld [smem:$0x3FFE];
	[sflag:s23] =	ssyncadd.s32 $0xFFFFFFFF  }
0xa5: {  	s26 =	simm.s32 $execute0_lowered;
	[smem:$0x3FD2] =	sst s25  }
0xa6: {  	s5 =	sshll.u32 s26, $0x1;
	_ =	strace $0x80000046;
	[dreg:$0x1] =	wrdreg $0xFFFFFFFF  }
0xa7: {  	s28 =	simm.s32 $_size_execute0_lowered;
	s3 =	sadd.s32 s3, s5;
	[dreg:$0x0] =	wrdreg $0x0  }
0xa8: {  	s5 =	sshll.u32 s28, $0x1;
	[dreg:$0x2] =	wrdreg s3  }
0xa9: {  	[dreg:$0x3] =	wrdreg s5  }
0xaa: {  	[dreg:$0x4] =	wrdreg $0xC0  }
0xab: {  	_ =	task [dreg:s7], $0x5FFFF  }
0xac: {  	[dreg:$0x1] =	wrdreg $0xFFFFFFFF  }
0xad: {  	[dreg:$0x0] =	wrdreg $0x60  }
0xae: {  	[dreg:$0x2] =	wrdreg s2  }
0xaf: {  	[dreg:$0x3] =	wrdreg s24  }
0xb0: {  	[dreg:$0x4] =	wrdreg $0xC3000  }
0xb1: {  	[dreg:$0x5] =	wrdreg $0xA  }
0xb2: {  	_ =	task.clear_ibuf [dreg:s7], $0x6FFFF;
	_ =	strace $0x90000046  }
0xb3: {  	s29 =	simm.s32 $0xA;
	_ =	strace $0x80000048  }
0xb4: {  	_ =	swait.ge [sflag:s29], $0x1  }
0xb5: {  	[sflag:s29] =	ssyncadd.s32 $0xFFFFFFFF  }
0xb6: {  	_ =	strace $0x90000048  }
0xb7: {  	_ =	sfence  }
0xb8: {  	s30 =	sld [smem:$0x0];
	_ =	sdelay $0x2  }
0xb9: {  	s31 =	sshll.u32 s1, $0xD;
	s1 =	sshrl.u32 s1, $0x2  }
0xba: {  	s3 =	sand.u32 $0x4000, s31;
	s1 =	sadd.s32 s1, s30  }
0xbb: {  	s0 =	sor.u32 s3, s0;
	s1 =	sshll.u32 s1, $0x11  }
0xbc: {  	s0 =	sor.u32 s1, s0  }
0xbd: {  	s0 =	sadd.s32 $0x8F2B, s0  }
0xbe: {  	[sflag:s0] =	ssyncadd.remote.s32 $0x1  }
0xbf: {  	_ =	sfence.sel $0xFFFF  }
0xc0: {  	[dreg:$0x0] =	wrdreg $0xFFFFFFFF;
	(pc) =	sbr.abs _section_cstart, $3  }
0xc1: {  	[dreg:$0x1] =	wrdreg $0xFFFFFFFF  }
0xc2: {  	_ =	task.clear_ibuf [dreg:s7], $0x2FFFF;
	_ =	strace $0x9FFFFFFF  }
0xc3: {  	(tm) =	ssettm $0x7FFFFFFF  }
tec
execute0_lowered:
.L_overlay_start_1:
0x0: {  	(tag) =	ssettag $0x1  }
0x1: {  	s1 =	rddreg [dreg:$0x0]  }
0x2: {  	s0 =	rddreg [dreg:$0x1]  }
0x3: {  	s2 =	rddreg [dreg:$0x2]  }
0x4: {  	s3 =	simm.s32 $0x0;
	s4 =	srdreg.scid;
	s20 =	stileid.u32  }
0x5: {  	s28 =	simm.s32 $0x7;
	s29 =	simm.s32 $0x80;
	s30 =	simm.s32 $0x4300  }
0x6: {  	[smem:$0x7FF] =	sst s3;
	s5 =	sadd.s32 $0xD200, s0;
	s7 =	smul.u32 $0x4E000, s20  }
0x7: {  	s4 =	sand.u32 $0x1, s4;
	s11 =	sadd.s32 $0x3200, s0;
	s12 =	smul.u32 $0x13800, s20  }
0x8: {  	s8 =	sadd.s32 $0x17200, s0;
	s0 =	sadd.s32 $0x17A00, s0;
	s22 =	smul.u32 $0x2800, s20  }
0x9: {  	_ =	strace $0x80000047;
	s6 =	ssub.s32 $0x2, s4;
	s18 =	smul.u32 $0x138800, s4  }
0xa: {  	[dreg:$0x4] =	wrdreg s8;
	s10 =	sshll.u32 s4, $0x4;
	s4 =	smul.u32 $0x28000, s4  }
0xb: {  	s9 =	sshrl.u32 s6, $0x1;
	s7 =	sshrl.u32 s7, $0x2;
	s14 =	sadd.s32 $0x4000, s12  }
0xc: {  	s16 =	sadd.s32 $0x8000, s12;
	s17 =	sadd.s32 $0xC000, s12;
	s19 =	sadd.s32 $0x10000, s12  }
0xd: {  	s13 =	ssub.s32 s6, s9;
	s6 =	sor.u32 s20, s10;
	s7 =	sadd.s32 s7, s2  }
0xe: {  	s8 =	sadd.s32 s14, s2;
	s25 =	sadd.s32 s16, s2;
	s31 =	sadd.s32 s17, s2  }
0xf: {  	s12 =	sadd.s32 s12, s18;
	s14 =	sadd.s32 s18, s14;
	s16 =	sadd.s32 s18, s16  }
0x10: {  	s21 =	sadd.s32 s18, s17;
	s26 =	sadd.s32 s18, s19;
	s4 =	sadd.s32 s22, s4  }
0x11: {  	s15 =	smul.u32 $0x2800, s6;
	s6 =	sadd.s32 s19, s2;
	s12 =	sshrl.u32 s12, $0x3  }
0x12: {  	s14 =	sshrl.u32 s14, $0x3;
	s24 =	sshrl.u32 s21, $0x3;
	s17 =	sshrl.u32 s26, $0x3  }
0x13: {  	s18 =	sor.u32 $0x280, s4;
	s19 =	sor.u32 $0x200, s4;
	[dreg:$0x5] =	wrdreg s25  }
0x14: {  	s20 =	sor.u32 $0x180, s4;
	s22 =	sor.u32 $0x100, s4;
	[dreg:$0x6] =	wrdreg s31  }
0x15: {  	s26 =	smax.u32 s13, $0x1;
	s13 =	simm.s32 $0x200;
	[dreg:$0x8] =	wrdreg s8  }
0x16: {  	s12 =	sadd.s32 s0, s12;
	s21 =	sshrl.u32 s20, $0x3;
	[dreg:$0x11] =	wrdreg s26  }
0x17: {  	s26 =	simm.s32 $0x300;
	[dreg:$0x7] =	wrdreg s6;
	s15 =	sshrl.u32 s15, $0x3  }
0x18: {  	[dreg:$0xb] =	wrdreg s12;
	s12 =	sshrl.u32 s16, $0x3;
	s16 =	sadd.s32 s0, s24  }
0x19: {  	s20 =	sadd.s32 s21, s5;
	s9 =	sadd.s32 s5, s15;
	s15 =	sadd.s32 s0, s14  }
0x1a: {  	s23 =	sadd.s32 s0, s12;
	[dreg:$0xe] =	wrdreg s16;
	s0 =	sadd.s32 s0, s17  }
0x1b: {  	s12 =	sshrl.u32 s19, $0x3;
	s14 =	simm.s32 $0x4;
	[dreg:$0xc] =	wrdreg s15  }
0x1c: {  	s16 =	simm.s32 $0x280;
	s17 =	simm.s32 $0x6;
	[dreg:$0xd] =	wrdreg s23  }
0x1d: {  	s10 =	sadd.s32 $0x10, s9;
	[dreg:$0xf] =	wrdreg s0;
	s0 =	sshrl.u32 s18, $0x3  }
0x1e: {  	s19 =	sadd.s32 s12, s5;
	s23 =	sor.u32 $0x80, s4;
	s4 =	sshrl.u32 s4, $0x3  }
0x1f: {  	[dreg:$0x9] =	wrdreg s9;
	s24 =	sadd.s32 $0x20, s9;
	s12 =	simm.s32 $0x2  }
.Ltmp0:
0x20: {  	s15 =	simm.s32 $0x5;
	[dreg:$0xa] =	wrdreg s10;
	(pc) =	sbr.rel .LBB2_1-.Ltmp0, $4  }
0x21: {  	s18 =	sadd.s32 s0, s5;
	s0 =	sshrl.u32 s22, $0x3;
	s5 =	sshrl.u32 s23, $0x3  }
0x22: {  	s23 =	sadd.s32 s4, s11;
	[dreg:$0x10] =	wrdreg s24;
	s4 =	simm.s32 $0x1  }
0x23: {  	s24 =	simm.s32 $0x0;
	s21 =	sadd.s32 s0, s11;
	s22 =	sadd.s32 s5, s11  }
0x24: {  	s0 =	simm.s32 $0x8300;
	s5 =	simm.s32 $0x180;
	s11 =	simm.s32 $0x3  }
.LBB2_3:
0x25: {  	_ =	swait.ge [sflag:s14], $0x4000  }
0x26: {  	[sflag:s14] =	ssyncset.done $0x0  }
0x27: {  	[sflag:s14] =	ssyncadd.s32 $0xFFFFC000  }
0x28: {  	_ =	swait.ge [sflag:s15], $0x4000  }
0x29: {  	[sflag:s15] =	ssyncset.done $0x0  }
0x2a: {  	[sflag:s15] =	ssyncadd.s32 $0xFFFFC000  }
.LBB2_5:
0x2b: {  	[bflag:$0x0] =	sbarrier.arrive $0xFFFF  }
0x2c: {  	[tilespmem:s26], [sflag:$0x7] =	stream.linear.gather [spmem:s9], $0x4000, $0x38;
	[tilespmem:$0x1FBC0] =	vst v63  }
0x2d: {  	_ =	swait.ge [sflag:s28], $0x4000  }
0x2e: {  	[sflag:s28] =	ssyncset.done $0x0  }
0x2f: {  	s6 =	rddreg [dreg:$0xb];
	[sflag:s28] =	ssyncadd.s32 $0xFFFFC000  }
0x30: {  	[hbm4b:s6+s3] =	stream.linear.scatter [tilespmem:s26], [sflag:$0x7], $0x4000, $0x38;
	[tilespmem:$0x1FBC0] =	vst v63  }
0x31: {  	_ =	swait.ge [sflag:s28], $0x4000  }
0x32: {  	[sflag:s28] =	ssyncset.done $0x0  }
0x33: {  	s8 =	rddreg [dreg:$0x8];
	[sflag:s28] =	ssyncadd.s32 $0xFFFFC000  }
0x34: {  	[tilespmem:s26], [sflag:$0x7] =	stream.linear.gather [spmem:s8], $0x4000, $0x38;
	[tilespmem:$0x1FBC0] =	vst v63  }
0x35: {  	_ =	swait.ge [sflag:s28], $0x4000  }
0x36: {  	[sflag:s28] =	ssyncset.done $0x0  }
0x37: {  	s7 =	smov.u32 s9;
	s9 =	rddreg [dreg:$0xc];
	[sflag:s28] =	ssyncadd.s32 $0xFFFFC000  }
0x38: {  	[hbm4b:s9+s3] =	stream.linear.scatter [tilespmem:s26], [sflag:$0x7], $0x4000, $0x38;
	[tilespmem:$0x1FBC0] =	vst v63  }
0x39: {  	_ =	swait.ge [sflag:s28], $0x4000  }
0x3a: {  	[sflag:s28] =	ssyncset.done $0x0  }
0x3b: {  	s25 =	rddreg [dreg:$0x5];
	[sflag:s28] =	ssyncadd.s32 $0xFFFFC000  }
0x3c: {  	[tilespmem:s26], [sflag:$0x7] =	stream.linear.gather [spmem:s25], $0x4000, $0x38;
	[tilespmem:$0x1FBC0] =	vst v63  }
0x3d: {  	_ =	swait.ge [sflag:s28], $0x4000  }
0x3e: {  	[sflag:s28] =	ssyncset.done $0x0  }
0x3f: {  	s10 =	rddreg [dreg:$0xd];
	[sflag:s28] =	ssyncadd.s32 $0xFFFFC000  }
0x40: {  	[hbm4b:s10+s3] =	stream.linear.scatter [tilespmem:s26], [sflag:$0x7], $0x4000, $0x38;
	[tilespmem:$0x1FBC0] =	vst v63  }
0x41: {  	_ =	swait.ge [sflag:s28], $0x4000  }
0x42: {  	[sflag:s28] =	ssyncset.done $0x0  }
0x43: {  	s31 =	rddreg [dreg:$0x6];
	[sflag:s28] =	ssyncadd.s32 $0xFFFFC000  }
0x44: {  	[tilespmem:s26], [sflag:$0x7] =	stream.linear.gather [spmem:s31], $0x4000, $0x38;
	[tilespmem:$0x1FBC0] =	vst v63  }
0x45: {  	_ =	swait.ge [sflag:s28], $0x4000  }
0x46: {  	[sflag:s28] =	ssyncset.done $0x0  }
0x47: {  	s9 =	rddreg [dreg:$0xe];
	[sflag:s28] =	ssyncadd.s32 $0xFFFFC000  }
0x48: {  	[hbm4b:s9+s3] =	stream.linear.scatter [tilespmem:s26], [sflag:$0x7], $0x4000, $0x38;
	[tilespmem:$0x1FBC0] =	vst v63  }
0x49: {  	_ =	swait.ge [sflag:s28], $0x4000  }
0x4a: {  	[sflag:s28] =	ssyncset.done $0x0  }
0x4b: {  	s6 =	rddreg [dreg:$0x7];
	[sflag:s28] =	ssyncadd.s32 $0xFFFFC000  }
0x4c: {  	[tilespmem:s26], [sflag:$0x7] =	stream.linear.gather [spmem:s6], $0x4000, $0x38;
	[tilespmem:$0x1FBC0] =	vst v63  }
0x4d: {  	_ =	swait.ge [sflag:s28], $0x4000  }
0x4e: {  	[sflag:s28] =	ssyncset.done $0x0  }
0x4f: {  	s10 =	rddreg [dreg:$0xf];
	[sflag:s28] =	ssyncadd.s32 $0xFFFFC000  }
0x50: {  	[hbm4b:s10+s3] =	stream.linear.scatter [tilespmem:s26], [sflag:$0x7], $0x4000, $0x38;
	[tilespmem:$0x1FBC0] =	vst v63  }
0x51: {  	_ =	swait.ge [sflag:s28], $0x4000  }
0x52: {  	s24 =	sadd.s32 $0x1, s24;
	s10 =	rddreg [dreg:$0x11]  }
0x53: {  	p0 =	sne.s32 s24, s10  }
.Ltmp1:
0x54: {  	_ = 	snop;
	(pc) =	sbr.rel @!p0 .LBB2_6-.Ltmp1, $3  }
0x55: {  	_ =	sdelay $0x1  }
0x56: {  	[sflag:s28] =	ssyncset.done $0x0  }
0x57: {  	[sflag:s28] =	ssyncadd.s32 $0xFFFFC000  }
.LBB2_1:
0x58: {  	s9 =	rddreg [dreg:$0x4]  }
0x59: {  	[tilespmem:s26], [sflag:$0x7] =	stream.linear.gather [hbm4b:s9+s3], $0x4000, $0x38;
	[tilespmem:$0x1FBC0] =	vst v63  }
0x5a: {  	_ =	swait.ge [sflag:s28], $0x4000  }
0x5b: {  	[sflag:s28] =	ssyncset.done $0x0  }
0x5c: {  	[sflag:s28] =	ssyncadd.s32 $0xFFFFC000  }
0x5d: {  	[spmem:s7] =	stream.linear.scatter [tilespmem:s26], [sflag:$0x7], $0x4000, $0x38;
	[tilespmem:$0x1FBC0] =	vst v63  }
0x5e: {  	_ =	swait.ge [sflag:s28], $0x4000  }
0x5f: {  	[sflag:s28] =	ssyncset.done $0x0  }
0x60: {  	[sflag:s28] =	ssyncadd.s32 $0xFFFFC000  }
0x61: {  	[spmem:s8] =	stream.linear.scatter [tilespmem:s26], [sflag:$0x7], $0x4000, $0x38;
	[tilespmem:$0x1FBC0] =	vst v63  }
0x62: {  	_ =	swait.ge [sflag:s28], $0x4000  }
0x63: {  	[sflag:s28] =	ssyncset.done $0x0  }
0x64: {  	[sflag:s28] =	ssyncadd.s32 $0xFFFFC000  }
0x65: {  	[spmem:s25] =	stream.linear.scatter [tilespmem:s26], [sflag:$0x7], $0x4000, $0x38;
	[tilespmem:$0x1FBC0] =	vst v63  }
0x66: {  	_ =	swait.ge [sflag:s28], $0x4000  }
0x67: {  	[sflag:s28] =	ssyncset.done $0x0  }
0x68: {  	[sflag:s28] =	ssyncadd.s32 $0xFFFFC000  }
0x69: {  	[spmem:s31] =	stream.linear.scatter [tilespmem:s26], [sflag:$0x7], $0x4000, $0x38;
	[tilespmem:$0x1FBC0] =	vst v63  }
0x6a: {  	_ =	swait.ge [sflag:s28], $0x4000  }
0x6b: {  	[sflag:s28] =	ssyncset.done $0x0  }
0x6c: {  	s10 =	smov.u32 s6;
	[sflag:s28] =	ssyncadd.s32 $0xFFFFC000  }
0x6d: {  	[spmem:s10] =	stream.linear.scatter [tilespmem:s26], [sflag:$0x7], $0x4000, $0x38;
	[tilespmem:$0x1FBC0] =	vst v63  }
0x6e: {  	_ =	swait.ge [sflag:s28], $0x4000  }
0x6f: {  	[sflag:s28] =	ssyncset.done $0x0  }
0x70: {  	[sflag:s28] =	ssyncadd.s32 $0xFFFFC000  }
0x71: {  	[bflag:$0x0] =	sbarrier.arrive $0xFFFF  }
0x72: {  	s9 =	smov.u32 s7;
	s7 =	rddreg [dreg:$0x9]  }
0x73: {  	[tilespmem:s3], [sflag:$0x7] =	stream.linear.gather [hbm4b:s7+s3], $0x80, $0x38;
	[tilespmem:$0x1FBC0] =	vst v63  }
0x74: {  	_ =	swait.ge [sflag:s28], $0x80  }
0x75: {  	[sflag:s28] =	ssyncset.done $0x0  }
0x76: {  	[sflag:s28] =	ssyncadd.s32 $0xFFFFFF80  }
0x77: {  	[tilespmem:s26], [sflag:$0x1] =	stream.indirect.gather [hbm4b:s1+s29], $0x80, s3, s29, $0xb8;
	[tilespmem:$0x1FBC0] =	vst v63  }
0x78: {  	s8 =	rddreg [dreg:$0xa]  }
0x79: {  	[tilespmem:s29], [sflag:$0x7] =	stream.linear.gather [hbm4b:s8+s3], $0x80, $0x38;
	[tilespmem:$0x1FBC0] =	vst v63  }
0x7a: {  	_ =	swait.ge [sflag:s28], $0x80  }
0x7b: {  	[sflag:s28] =	ssyncset.done $0x0  }
0x7c: {  	[sflag:s28] =	ssyncadd.s32 $0xFFFFFF80  }
0x7d: {  	[tilespmem:s30], [sflag:$0x2] =	stream.indirect.gather [hbm4b:s1+s29], $0x80, s29, s29, $0xb8;
	[tilespmem:$0x1FBC0] =	vst v63  }
0x7e: {  	s25 =	simm.s32 $0x100;
	s10 =	rddreg [dreg:$0x10]  }
0x7f: {  	[tilespmem:s25], [sflag:$0x7] =	stream.linear.gather [hbm4b:s10+s3], $0x80, $0x38;
	[tilespmem:$0x1FBC0] =	vst v63  }
0x80: {  	_ =	swait.ge [sflag:s28], $0x80  }
0x81: {  	[sflag:s28] =	ssyncset.done $0x0  }
0x82: {  	[sflag:s28] =	ssyncadd.s32 $0xFFFFFF80  }
0x83: {  	[tilespmem:s0], [sflag:$0x3] =	stream.indirect.gather [hbm4b:s1+s29], $0x80, s25, s29, $0xb8;
	[tilespmem:$0x1FBC0] =	vst v63  }
0x84: {  	s31 =	simm.s32 $0x0;
	s25 =	simm.s32 $0x0  }
.LBB2_2:
0x85: {  	_ =	swait.ge [sflag:s4], $0x4000  }
0x86: {  	[sflag:s4] =	ssyncset.done $0x0  }
0x87: {  	s6 =	sadd.s32 s25, s23;
	[sflag:s4] =	ssyncadd.s32 $0xFFFFC000  }
0x88: {  	[tilespmem:s5], [sflag:$0x7] =	stream.linear.gather [hbm4b:s6+s3], $0x80, $0x38;
	[tilespmem:$0x1FBC0] =	vst v63  }
0x89: {  	_ =	swait.ge [sflag:s28], $0x80  }
0x8a: {  	[sflag:s28] =	ssyncset.done $0x0  }
0x8b: {  	[sflag:s28] =	ssyncadd.s32 $0xFFFFFF80  }
0x8c: {  	[spmem:s2] =	stream.indirect.scatter.add.f32 [tilespmem:s26], [sflag:$0x4], $0x80, s5, s29, $0xb8;
	[tilespmem:$0x1FBC0] =	vst v63  }
0x8d: {  	_ =	swait.ge [sflag:s12], $0x4000  }
0x8e: {  	[sflag:s12] =	ssyncset.done $0x0  }
0x8f: {  	s10 =	sadd.s32 s25, s22;
	p0 =	sne.s32 s25, $0x4E0;
	[sflag:s12] =	ssyncadd.s32 $0xFFFFC000  }
0x90: {  	[tilespmem:s13], [sflag:$0x7] =	stream.linear.gather [hbm4b:s10+s3], $0x80, $0x38;
	[tilespmem:$0x1FBC0] =	vst v63  }
.Ltmp2:
0x91: {  	_ = 	snop;
	(pc) =	sbr.rel @!p0 .LBB2_3-.Ltmp2, $4  }
0x92: {  	_ =	swait.ge [sflag:s28], $0x80  }
0x93: {  	[sflag:s28] =	ssyncset.done $0x0  }
0x94: {  	[sflag:s28] =	ssyncadd.s32 $0xFFFFFF80  }
0x95: {  	[spmem:s2] =	stream.indirect.scatter.add.f32 [tilespmem:s30], [sflag:$0x5], $0x80, s13, s29, $0xb8;
	[tilespmem:$0x1FBC0] =	vst v63  }
0x96: {  	_ =	swait.ge [sflag:s11], $0x4000  }
0x97: {  	[sflag:s11] =	ssyncset.done $0x0  }
0x98: {  	s6 =	sadd.s32 s25, s21;
	[sflag:s11] =	ssyncadd.s32 $0xFFFFC000  }
0x99: {  	[tilespmem:s16], [sflag:$0x7] =	stream.linear.gather [hbm4b:s6+s3], $0x80, $0x38;
	[tilespmem:$0x1FBC0] =	vst v63  }
0x9a: {  	_ =	swait.ge [sflag:s28], $0x80  }
0x9b: {  	[sflag:s28] =	ssyncset.done $0x0  }
0x9c: {  	[sflag:s28] =	ssyncadd.s32 $0xFFFFFF80  }
0x9d: {  	[spmem:s2] =	stream.indirect.scatter.add.f32 [tilespmem:s0], [sflag:$0x6], $0x80, s16, s29, $0xb8;
	[tilespmem:$0x1FBC0] =	vst v63  }
0x9e: {  	_ =	swait.ge [sflag:s14], $0x4000  }
0x9f: {  	[sflag:s14] =	ssyncset.done $0x0  }
0xa0: {  	s8 =	sadd.s32 s25, s20;
	[sflag:s14] =	ssyncadd.s32 $0xFFFFC000  }
0xa1: {  	[tilespmem:s3], [sflag:$0x7] =	stream.linear.gather [hbm4b:s8+s3], $0x80, $0x38;
	[tilespmem:$0x1FBC0] =	vst v63  }
0xa2: {  	_ =	swait.ge [sflag:s28], $0x80  }
0xa3: {  	[sflag:s28] =	ssyncset.done $0x0  }
0xa4: {  	[sflag:s28] =	ssyncadd.s32 $0xFFFFFF80  }
0xa5: {  	[tilespmem:s26], [sflag:$0x1] =	stream.indirect.gather [hbm4b:s1+s29], $0x80, s3, s29, $0xb8;
	[tilespmem:$0x1FBC0] =	vst v63  }
0xa6: {  	_ =	swait.ge [sflag:s15], $0x4000  }
0xa7: {  	[sflag:s15] =	ssyncset.done $0x0  }
0xa8: {  	s10 =	sadd.s32 s25, s19;
	[sflag:s15] =	ssyncadd.s32 $0xFFFFC000  }
0xa9: {  	[tilespmem:s29], [sflag:$0x7] =	stream.linear.gather [hbm4b:s10+s3], $0x80, $0x38;
	[tilespmem:$0x1FBC0] =	vst v63  }
0xaa: {  	_ =	swait.ge [sflag:s28], $0x80  }
0xab: {  	[sflag:s28] =	ssyncset.done $0x0  }
0xac: {  	[sflag:s28] =	ssyncadd.s32 $0xFFFFFF80  }
0xad: {  	[tilespmem:s30], [sflag:$0x2] =	stream.indirect.gather [hbm4b:s1+s29], $0x80, s29, s29, $0xb8;
	[tilespmem:$0x1FBC0] =	vst v63  }
0xae: {  	p0 =	sgt.u32 s31, $0x18;
	_ =	swait.ge [sflag:s17], $0x4000  }
0xaf: {  	s7 =	simm.s32 @!p0 $0x0;
	[sflag:s17] =	ssyncset.done $0x0  }
0xb0: {  	s6 =	sadd.s32 @!p0 s25, s18;
	s8 =	simm.s32 @!p0 $0x100;
	[sflag:s17] =	ssyncadd.s32 $0xFFFFC000  }
0xb1: {  	[tilespmem:s8], [sflag:$0x7] =	stream.linear.gather @!p0 [hbm4b:s6+s7], $0x80, $0x38;
	[tilespmem:$0x1FBC0] =	vst v63  }
0xb2: {  	s6 =	simm.s32 @!p0 $0x7  }
0xb3: {  	_ =	swait.ge @!p0 [sflag:s6], $0x80  }
0xb4: {  	s25 =	sadd.s32 $0x30, s25;
	[sflag:s6] =	ssyncset.done @!p0 $0x0  }
0xb5: {  	s7 =	simm.s32 @!p0 $0x8300;
	[sflag:s6] =	ssyncadd.s32 @!p0 $0xFFFFFF80;
	s6 =	simm.s32 @!p0 $0x80  }
0xb6: {  	[tilespmem:s7], [sflag:$0x3] =	stream.indirect.gather @!p0 [hbm4b:s1+s6], $0x80, s8, s6, $0xb8;
	[tilespmem:$0x1FBC0] =	vst v63  }
0xb7: {  	p0 =	sne.s32 s25, $0x510  }
.Ltmp3:
0xb8: {  	_ = 	snop;
	(pc) =	sbr.rel @p0 .LBB2_2-.Ltmp3, $4  }
.Ltmp4:
0xb9: {  	_ = 	snop;
	(pc) =	sbr.rel @!p0 .LBB2_5-.Ltmp4, $4  }
0xba: {  	_ = 	snop  }
0xbb: {  	_ = 	snop  }
0xbc: {  	s31 =	sadd.s32 $0x1, s31  }
0xbd: {  	_ = 	snop  }
.LBB2_6:
0xbe: {  	_ =	sfence.sel $0x180000  }
0xbf: {  	[bflag:$0x0] =	sbarrier.arrive $0xFFFF  }
0xc0: {  	_ =	strace $0x90000047  }
0xc1: {  	s0 =	stileid.u32;
	[bflag:$0x2] =	sbarrier.arrive $0xFFFF  }
0xc2: {  	p0 =	sne.s32 s0, $0x0;
	s0 =	rddreg [dreg:$0x3]  }
0xc3: {  	s0 =	sadd.s32 @!p0 $0x100000, s0  }
0xc4: {  	[sflag:s0] =	ssyncadd.tile.s32 @!p0 $0x1;
	_ =	shalt  }
.Lfunc_end2:
_tile_overlayer_lowered:
.L_overlay_start_2:
0xc5: {  	(tag) =	ssettag $0x2  }
0xc6: {  	s0 =	rddreg [dreg:$0x0];
	s2 =	stileid.u32  }
0xc7: {  	s1 =	rddreg [dreg:$0x1];
	p0 =	sne.s32 s2, $0x0  }
0xc8: {  	s3 =	rddreg [dreg:$0x2];
	[bflag:$0x3] =	sbarrier.arrive $0xFFFF;
	s2 =	simm.s32 @!p0 $0x1C07  }
0xc9: {  	[timem:s3], [sflag:s2] =	dma.local @!p0 [hbm:s0], s1  }
0xca: {  	s0 =	simm.s32 @!p0 $0x7  }
0xcb: {  	_ =	swait.ge @!p0 [sflag:s0], s1  }
0xcc: {  	s1 =	ssub.s32 @!p0 $0x0, s1;
	[sflag:s0] =	ssyncset.done @!p0 $0x0  }
0xcd: {  	[sflag:s0] =	ssyncadd.s32 @!p0 s1  }
0xce: {  	[bflag:$0x3] =	sbarrier.arrive $0xFFFF  }
0xcf: {  	_ =	shalt  }

// kernel: kernel.15.cloned.1.call-start
scs
__scs_entry_jumppad:
0x0: {  	(pc) =	sbr.rel $0x88, $3  }
0x1: {  	(tag) =	ssettag $0x0;
	lr =	simm.s32 $0x1  }
0x2: {  	[smem:$0x3F94] =	sst lr;
	_ =	strace $0xD0000000  }
0x3: {  	_ = 	snop  }
0x4: {  	_ = 	snop  }
0x5: {  	_ = 	snop  }
0x6: {  	_ = 	snop  }
0x7: {  	_ = 	snop  }
__scs_overlays_trampoline_lowered:
0x8: {  	[smem:$0x3FA3] =	sst s0  }
0x9: {  	[smem:$0x3FA4] =	sst s1  }
0xa: {  	[smem:$0x3FA5] =	sst s2  }
0xb: {  	[smem:$0x3FA6] =	sst s3  }
0xc: {  	[smem:$0x3FA7] =	sst s4  }
0xd: {  	[smem:$0x3FA8] =	sst s5  }
0xe: {  	[smem:$0x3FA9] =	sst s6  }
0xf: {  	[smem:$0x3FAA] =	sst s7  }
0x10: {  	[smem:$0x3FAB] =	sst s8  }
0x11: {  	[smem:$0x3FAC] =	sst s9;
	s0 =	simm.s32 @!p0 $0x0  }
0x12: {  	s1 =	sld [smem:$0x3F92];
	s0 =	simm.s32 @p0 $0x1  }
0x13: {  	[smem:$0x3FAD] =	sst s0;
	s0 =	simm.s32 @!p1 $0x0  }
0x14: {  	s2 =	sld [smem:$0x3F91];
	s0 =	simm.s32 @p1 $0x1  }
0x15: {  	[smem:$0x3FAE] =	sst s0;
	s0 =	simm.s32 @!p2 $0x0  }
0x16: {  	s3 =	sld [smem:$0x3FDB];
	s0 =	simm.s32 @p2 $0x1  }
0x17: {  	s4 =	simm.s32 $0x1BF5;
	[smem:$0x3FB0] =	sst s0  }
0x18: {  	s0 =	sld [smem:$0x3F93];
	_ =	swait.ge [sflag:s4], $0x0  }
0x19: {  	s7 =	sld [smem:$0x3F94]  }
0x1a: {  	s8 =	sadd.s32 $0xFFFFE003, lr  }
0x1b: {  	s9 =	sadd.s32 $0xFFFFFEF7, lr;
	s5 =	simm.s32 $0xFFFFFFFF;
	p2 =	slt.u32 s8, $0xFFFFF086  }
0x1c: {  	p1 =	slt.u32 s9, $0xF7A;
	s5 =	simm.s32 @!p2 $0x0  }
0x1d: {  	s5 =	simm.s32 @p1 $0x1;
	p0 =	seq.s32 s7, s2  }
0x1e: {  	s7 =	smul.u32 @!p0 $0xF7A, s2;
	p2 =	seq.s32 @!p0 s5, $0x0  }
0x1f: {  	s9 =	smul.u32 $0xF7A, s1;
	s8 =	simm.s32 @!p0 $0x1BF5;
	p2 =	por !p2, p0  }
0x20: {  	[sflag:s8] =	ssyncset.s32 @!p0 $0xFFFFF086;
	s6 =	sadd.s32 @!p0 s3, s7;
	s7 =	simm.s32 @!p0 $0x108  }
0x21: {  	s3 =	sadd.s32 s3, s9;
	s6 =	sadd.s32 @!p0 $0x88, s6;
	s7 =	simm.s32 @p2 $0x1082  }
0x22: {  	[simem:s7], [sflag:s8] =	dma.local @!p0 [hbm:s6], $0xF7A  }
0x23: {  	s9 =	sor.u32 $0xD0000000, s2;
	s6 =	simm.s32 $0x108;
	_ =	swait.ge @!p0 [sflag:s8], $0x0  }
0x24: {  	s3 =	sadd.s32 $0x88, s3;
	s6 =	simm.s32 @!p1 $0x1082;
	[sflag:s4] =	ssyncset.s32 $0xFFFFF086  }
0x25: {  	[simem:s6], [sflag:s4] =	dma.local [hbm:s3], $0xF7A  }
0x26: {  	[smem:$0x3F94] =	sst s1;
	(tag) =	ssettag s2;
	_ =	strace s9  }
0x27: {  	s1 =	sld [smem:$0x3FA4]  }
0x28: {  	s2 =	sld [smem:$0x3FA5]  }
0x29: {  	s4 =	sld [smem:$0x3FA7]  }
0x2a: {  	p0 =	seq.s32 s5, $0x0;
	s5 =	sld [smem:$0x3FA8]  }
0x2b: {  	s6 =	sld [smem:$0x3FA9]  }
0x2c: {  	s7 =	sld [smem:$0x3FAA]  }
0x2d: {  	s3 =	simm.s32 $0x108;
	s8 =	sld [smem:$0x3FAB]  }
0x2e: {  	s3 =	simm.s32 @!p0 $0x1082;
	s9 =	sld [smem:$0x3FAC]  }
0x2f: {  	lr =	sadd.s32 s0, s3;
	s0 =	sld [smem:$0x3FA3]  }
0x30: {  	s3 =	sld [smem:$0x3FA6]  }
0x31: {  	[smem:$0x3FAF] =	sst s10  }
0x32: {  	s10 =	sld [smem:$0x3FAD];
	_ =	sdelay $0x3  }
0x33: {  	p0 =	seq.s32 s10, $0x1;
	s10 =	sld [smem:$0x3FAF];
	_ =	sdelay $0x3  }
0x34: {  	[smem:$0x3FAF] =	sst s10  }
0x35: {  	s10 =	sld [smem:$0x3FAE];
	_ =	sdelay $0x3  }
0x36: {  	p1 =	seq.s32 s10, $0x1;
	s10 =	sld [smem:$0x3FAF];
	_ =	sdelay $0x3  }
0x37: {  	[smem:$0x3FAF] =	sst s10  }
0x38: {  	s10 =	sld [smem:$0x3FB0]  }
0x39: {  	_ = 	snop;
	(pc) =	sbr.ind lr, $3  }
0x3a: {  	_ = 	snop  }
0x3b: {  	_ = 	snop  }
0x3c: {  	p2 =	seq.s32 s10, $0x1;
	s10 =	sld [smem:$0x3FAF]  }
0x3d: {  	_ =	shalt  }
0x3e: {  	_ =	shalt  }
0x3f: {  	_ =	shalt  }
0x40: {  	_ =	shalt  }
0x41: {  	_ =	shalt  }
0x42: {  	_ =	shalt  }
0x43: {  	_ =	shalt  }
0x44: {  	_ =	shalt  }
0x45: {  	_ =	shalt  }
0x46: {  	_ =	shalt  }
0x47: {  	_ =	shalt  }
0x48: {  	_ =	shalt  }
0x49: {  	_ =	shalt  }
0x4a: {  	_ =	shalt  }
0x4b: {  	_ =	shalt  }
0x4c: {  	_ =	shalt  }
0x4d: {  	_ =	shalt  }
0x4e: {  	_ =	shalt  }
0x4f: {  	_ =	shalt  }
0x50: {  	_ =	shalt  }
0x51: {  	_ =	shalt  }
0x52: {  	_ =	shalt  }
0x53: {  	_ =	shalt  }
0x54: {  	_ =	shalt  }
0x55: {  	_ =	shalt  }
0x56: {  	_ =	shalt  }
0x57: {  	_ =	shalt  }
0x58: {  	_ =	shalt  }
0x59: {  	_ =	shalt  }
0x5a: {  	_ =	shalt  }
0x5b: {  	_ =	shalt  }
0x5c: {  	_ =	shalt  }
0x5d: {  	_ =	shalt  }
0x5e: {  	_ =	shalt  }
0x5f: {  	_ =	shalt  }
0x60: {  	_ =	shalt  }
0x61: {  	_ =	shalt  }
0x62: {  	_ =	shalt  }
0x63: {  	_ =	shalt  }
0x64: {  	_ =	shalt  }
0x65: {  	_ =	shalt  }
0x66: {  	_ =	shalt  }
0x67: {  	_ =	shalt  }
0x68: {  	_ =	shalt  }
0x69: {  	_ =	shalt  }
0x6a: {  	_ =	shalt  }
0x6b: {  	_ =	shalt  }
0x6c: {  	_ =	shalt  }
0x6d: {  	_ =	shalt  }
0x6e: {  	_ =	shalt  }
0x6f: {  	_ =	shalt  }
0x70: {  	_ =	shalt  }
0x71: {  	_ =	shalt  }
0x72: {  	_ =	shalt  }
0x73: {  	_ =	shalt  }
0x74: {  	_ =	shalt  }
0x75: {  	_ =	shalt  }
0x76: {  	_ =	shalt  }
0x77: {  	_ =	shalt  }
0x78: {  	_ =	shalt  }
0x79: {  	_ =	shalt  }
0x7a: {  	_ =	shalt  }
0x7b: {  	_ =	shalt  }
0x7c: {  	_ =	shalt  }
0x7d: {  	_ =	shalt  }
0x7e: {  	_ =	shalt  }
0x7f: {  	_ =	shalt  }
0x80: {  	_ =	shalt  }
0x81: {  	_ =	shalt  }
0x82: {  	_ =	shalt  }
0x83: {  	_ =	shalt  }
0x84: {  	_ =	shalt  }
0x85: {  	_ =	shalt  }
0x86: {  	_ =	shalt  }
0x87: {  	_ =	shalt  }
.Lfunc_end0:
.L_simem_size_0:
called_computation.2_lowered:
.L_overlay_start_0:
0x88: {  	s2 =	sld [smem:$0x3FD9]  }
0x89: {  	s3 =	sld [smem:$0x3FFE];
	_ =	sdelay $0x1  }
0x8a: {  	s1 =	srdreg.scid  }
0x8b: {  	s0 =	sand.u32 $0x1, s1  }
0x8c: {  	s16 =	sshll.u32 s0, $0xA;
	s2 =	sadd.s32 s3, s2  }
0x8d: {  	s2 =	sadd.s32 s2, s16  }
0x8e: {  	[smem:$0x3FBB] =	sst s2  }
0x8f: {  	_ = 	snop  }
0x90: {  	(tm) =	ssettm $0x1  }
0x91: {  	s17 =	sld [smem:$0x3FFB];
	_ =	sdelay $0x3  }
0x92: {  	_ =	strace s17  }
0x93: {  	s2 =	sld [smem:$0x3FFC];
	_ =	sdelay $0x3  }
0x94: {  	_ =	strace s2  }
0x95: {  	s2 =	sld [smem:$0x3FFD];
	_ =	sdelay $0x3  }
0x96: {  	_ =	strace s2  }
0x97: {  	_ =	strace $0x8FFFFFFF  }
0x98: {  	s18 =	sld [smem:$0x3FDB];
	_ =	sdelay $0x1  }
0x99: {  	s19 =	simm.s32 $_scs_section_size  }
0x9a: {  	s4 =	simm.s32 $_size__tile_overlayer_lowered;
	s5 =	simm.s32 $_tile_overlayer_lowered  }
0x9b: {  	s22 =	simm.s32 $0x1BFF;
	s21 =	sshll.u32 s5, $0x1;
	s2 =	sadd.s32 s19, s18  }
0x9c: {  	s6 =	simm.s32 $0x0;
	s20 =	sshll.u32 s4, $0x1;
	s4 =	sadd.s32 s21, s2  }
0x9d: {  	[timem:s6], [sflag:s22] =	dma.local [hbm:s4], s20  }
0x9e: {  	_ =	swait.ge [sflag:s22], s20  }
0x9f: {  	s3 =	ssub.s32 $0x0, s20;
	[sflag:s22] =	ssyncset.done $0x0  }
0xa0: {  	[sflag:s22] =	ssyncadd.s32 s3;
	_ =	sdelay $0x1  }
0xa1: {  	s23 =	simm.s32 $0x1B8B  }
0xa2: {  	_ =	swait.ge [sflag:s23], $0x1  }
0xa3: {  	[sflag:s23] =	ssyncset.done $0x0  }
0xa4: {  	s25 =	simm.s32 $0x1B8E;
	s24 =	sld [smem:$0x3FFE];
	[sflag:s23] =	ssyncadd.s32 $0xFFFFFFFF  }
0xa5: {  	s26 =	simm.s32 $execute0_lowered;
	[smem:$0x3FD2] =	sst s25  }
0xa6: {  	s4 =	sshll.u32 s26, $0x1;
	_ =	strace $0x8000004C;
	[dreg:$0x1] =	wrdreg $0xFFFFFFFF  }
0xa7: {  	s28 =	simm.s32 $_size_execute0_lowered;
	s2 =	sadd.s32 s2, s4;
	[dreg:$0x0] =	wrdreg $0x0  }
0xa8: {  	s4 =	sshll.u32 s28, $0x1;
	[dreg:$0x2] =	wrdreg s2  }
0xa9: {  	[dreg:$0x3] =	wrdreg s4  }
0xaa: {  	[dreg:$0x4] =	wrdreg $0xC0  }
0xab: {  	_ =	task [dreg:s6], $0x5FFFF  }
0xac: {  	[dreg:$0x1] =	wrdreg $0xFFFFFFFF  }
0xad: {  	[dreg:$0x0] =	wrdreg $0x60  }
0xae: {  	[dreg:$0x2] =	wrdreg s24  }
0xaf: {  	[dreg:$0x3] =	wrdreg $0xC3000  }
0xb0: {  	[dreg:$0x4] =	wrdreg $0x9  }
0xb1: {  	_ =	task.clear_ibuf [dreg:s6], $0x5FFFF;
	_ =	strace $0x9000004C  }
0xb2: {  	s29 =	simm.s32 $0x9;
	_ =	strace $0x8000004E  }
0xb3: {  	_ =	swait.ge [sflag:s29], $0x1  }
0xb4: {  	[sflag:s29] =	ssyncadd.s32 $0xFFFFFFFF  }
0xb5: {  	_ =	strace $0x9000004E  }
0xb6: {  	_ =	sfence  }
0xb7: {  	s30 =	sld [smem:$0x0];
	_ =	sdelay $0x2  }
0xb8: {  	s31 =	sshll.u32 s1, $0xD;
	s1 =	sshrl.u32 s1, $0x2  }
0xb9: {  	s3 =	sand.u32 $0x4000, s31;
	s1 =	sadd.s32 s1, s30  }
0xba: {  	s0 =	sor.u32 s3, s0;
	s1 =	sshll.u32 s1, $0x11  }
0xbb: {  	s0 =	sor.u32 s1, s0  }
0xbc: {  	s0 =	sadd.s32 $0x8F2B, s0  }
0xbd: {  	[sflag:s0] =	ssyncadd.remote.s32 $0x1  }
0xbe: {  	_ =	sfence.sel $0xFFFF  }
0xbf: {  	[dreg:$0x0] =	wrdreg $0xFFFFFFFF;
	(pc) =	sbr.abs _section_cstart, $3  }
0xc0: {  	[dreg:$0x1] =	wrdreg $0xFFFFFFFF  }
0xc1: {  	_ =	task.clear_ibuf [dreg:s6], $0x2FFFF;
	_ =	strace $0x9FFFFFFF  }
0xc2: {  	(tm) =	ssettm $0x7FFFFFFF  }
0xc3: {  	_ =	shalt  }
tec
execute0_lowered:
.L_overlay_start_1:
0x0: {  	(tag) =	ssettag $0x1  }
0x1: {  	s0 =	rddreg [dreg:$0x0]  }
0x2: {  	s1 =	rddreg [dreg:$0x1];
	s2 =	simm.s32 $0x0  }
0x3: {  	s3 =	srdreg.scid;
	s20 =	stileid.u32;
	s28 =	simm.s32 $0x7  }
0x4: {  	s29 =	simm.s32 $0x80;
	s30 =	simm.s32 $0x4300;
	[smem:$0x7FF] =	sst s2  }
0x5: {  	s4 =	sadd.s32 $0x17A00, s0;
	s5 =	sadd.s32 $0xD200, s0;
	s7 =	smul.u32 $0x4E000, s20  }
0x6: {  	s3 =	sand.u32 $0x1, s3;
	s11 =	sadd.s32 $0x3200, s0;
	s12 =	smul.u32 $0x13800, s20  }
0x7: {  	s8 =	sadd.s32 $0x17200, s0;
	s0 =	sadd.s32 $0xB4600, s0;
	s22 =	smul.u32 $0x2800, s20  }
0x8: {  	_ =	strace $0x8000004D;
	s6 =	ssub.s32 $0x2, s3;
	s18 =	smul.u32 $0x138800, s3  }
0x9: {  	[dreg:$0x3] =	wrdreg s8;
	s10 =	sshll.u32 s3, $0x4;
	s3 =	smul.u32 $0x28000, s3  }
0xa: {  	s9 =	sshrl.u32 s6, $0x1;
	s7 =	sshrl.u32 s7, $0x2;
	s14 =	sadd.s32 $0x4000, s12  }
0xb: {  	s16 =	sadd.s32 $0x8000, s12;
	s17 =	sadd.s32 $0xC000, s12;
	s19 =	sadd.s32 $0x10000, s12  }
0xc: {  	s13 =	ssub.s32 s6, s9;
	s6 =	sor.u32 s20, s10;
	s7 =	sadd.s32 s7, s1  }
0xd: {  	s8 =	sadd.s32 s14, s1;
	s25 =	sadd.s32 s16, s1;
	s31 =	sadd.s32 s17, s1  }
0xe: {  	s12 =	sadd.s32 s12, s18;
	s14 =	sadd.s32 s18, s14;
	s16 =	sadd.s32 s18, s16  }
0xf: {  	s21 =	sadd.s32 s18, s17;
	s26 =	sadd.s32 s18, s19;
	s3 =	sadd.s32 s22, s3  }
0x10: {  	s15 =	smul.u32 $0x2800, s6;
	s6 =	sadd.s32 s19, s1;
	s12 =	sshrl.u32 s12, $0x3  }
0x11: {  	s14 =	sshrl.u32 s14, $0x3;
	s24 =	sshrl.u32 s21, $0x3;
	s17 =	sshrl.u32 s26, $0x3  }
0x12: {  	s18 =	sor.u32 $0x280, s3;
	s19 =	sor.u32 $0x200, s3;
	[dreg:$0x4] =	wrdreg s25  }
0x13: {  	s20 =	sor.u32 $0x180, s3;
	s22 =	sor.u32 $0x100, s3;
	[dreg:$0x5] =	wrdreg s31  }
0x14: {  	s26 =	smax.u32 s13, $0x1;
	s13 =	simm.s32 $0x200;
	[dreg:$0x7] =	wrdreg s8  }
0x15: {  	s12 =	sadd.s32 s0, s12;
	s21 =	sshrl.u32 s20, $0x3;
	[dreg:$0x10] =	wrdreg s26  }
0x16: {  	s26 =	simm.s32 $0x300;
	[dreg:$0x6] =	wrdreg s6;
	s15 =	sshrl.u32 s15, $0x3  }
0x17: {  	[dreg:$0xa] =	wrdreg s12;
	s12 =	sshrl.u32 s16, $0x3;
	s16 =	sadd.s32 s0, s24  }
0x18: {  	s20 =	sadd.s32 s21, s5;
	s9 =	sadd.s32 s5, s15;
	s15 =	sadd.s32 s0, s14  }
0x19: {  	s23 =	sadd.s32 s0, s12;
	[dreg:$0xd] =	wrdreg s16;
	s0 =	sadd.s32 s0, s17  }
0x1a: {  	s12 =	sshrl.u32 s19, $0x3;
	s14 =	simm.s32 $0x4;
	[dreg:$0xb] =	wrdreg s15  }
0x1b: {  	s16 =	simm.s32 $0x280;
	s17 =	simm.s32 $0x6;
	[dreg:$0xc] =	wrdreg s23  }
0x1c: {  	s10 =	sadd.s32 $0x10, s9;
	[dreg:$0xe] =	wrdreg s0;
	s0 =	sshrl.u32 s18, $0x3  }
0x1d: {  	s19 =	sadd.s32 s12, s5;
	s23 =	sor.u32 $0x80, s3;
	s3 =	sshrl.u32 s3, $0x3  }
0x1e: {  	[dreg:$0x8] =	wrdreg s9;
	s24 =	sadd.s32 $0x20, s9;
	s12 =	simm.s32 $0x2  }
.Ltmp0:
0x1f: {  	s15 =	simm.s32 $0x5;
	[dreg:$0x9] =	wrdreg s10;
	(pc) =	sbr.rel .LBB2_1-.Ltmp0, $4  }
0x20: {  	s18 =	sadd.s32 s0, s5;
	s0 =	sshrl.u32 s22, $0x3;
	s5 =	sshrl.u32 s23, $0x3  }
0x21: {  	s23 =	sadd.s32 s3, s11;
	[dreg:$0xf] =	wrdreg s24;
	s3 =	simm.s32 $0x1  }
0x22: {  	s24 =	simm.s32 $0x0;
	s21 =	sadd.s32 s0, s11;
	s22 =	sadd.s32 s5, s11  }
0x23: {  	s0 =	simm.s32 $0x8300;
	s5 =	simm.s32 $0x180;
	s11 =	simm.s32 $0x3  }
.LBB2_3:
0x24: {  	_ =	swait.ge [sflag:s14], $0x4000  }
0x25: {  	[sflag:s14] =	ssyncset.done $0x0  }
0x26: {  	[sflag:s14] =	ssyncadd.s32 $0xFFFFC000  }
0x27: {  	_ =	swait.ge [sflag:s15], $0x4000  }
0x28: {  	[sflag:s15] =	ssyncset.done $0x0  }
0x29: {  	[sflag:s15] =	ssyncadd.s32 $0xFFFFC000  }
.LBB2_5:
0x2a: {  	[bflag:$0x0] =	sbarrier.arrive $0xFFFF  }
0x2b: {  	[tilespmem:s26], [sflag:$0x7] =	stream.linear.gather [spmem:s9], $0x4000, $0x38;
	[tilespmem:$0x1FBC0] =	vst v63  }
0x2c: {  	_ =	swait.ge [sflag:s28], $0x4000  }
0x2d: {  	[sflag:s28] =	ssyncset.done $0x0  }
0x2e: {  	s6 =	rddreg [dreg:$0xa];
	[sflag:s28] =	ssyncadd.s32 $0xFFFFC000  }
0x2f: {  	[hbm4b:s6+s2] =	stream.linear.scatter [tilespmem:s26], [sflag:$0x7], $0x4000, $0x38;
	[tilespmem:$0x1FBC0] =	vst v63  }
0x30: {  	_ =	swait.ge [sflag:s28], $0x4000  }
0x31: {  	[sflag:s28] =	ssyncset.done $0x0  }
0x32: {  	s8 =	rddreg [dreg:$0x7];
	[sflag:s28] =	ssyncadd.s32 $0xFFFFC000  }
0x33: {  	[tilespmem:s26], [sflag:$0x7] =	stream.linear.gather [spmem:s8], $0x4000, $0x38;
	[tilespmem:$0x1FBC0] =	vst v63  }
0x34: {  	_ =	swait.ge [sflag:s28], $0x4000  }
0x35: {  	[sflag:s28] =	ssyncset.done $0x0  }
0x36: {  	s7 =	smov.u32 s9;
	s9 =	rddreg [dreg:$0xb];
	[sflag:s28] =	ssyncadd.s32 $0xFFFFC000  }
0x37: {  	[hbm4b:s9+s2] =	stream.linear.scatter [tilespmem:s26], [sflag:$0x7], $0x4000, $0x38;
	[tilespmem:$0x1FBC0] =	vst v63  }
0x38: {  	_ =	swait.ge [sflag:s28], $0x4000  }
0x39: {  	[sflag:s28] =	ssyncset.done $0x0  }
0x3a: {  	s25 =	rddreg [dreg:$0x4];
	[sflag:s28] =	ssyncadd.s32 $0xFFFFC000  }
0x3b: {  	[tilespmem:s26], [sflag:$0x7] =	stream.linear.gather [spmem:s25], $0x4000, $0x38;
	[tilespmem:$0x1FBC0] =	vst v63  }
0x3c: {  	_ =	swait.ge [sflag:s28], $0x4000  }
0x3d: {  	[sflag:s28] =	ssyncset.done $0x0  }
0x3e: {  	s10 =	rddreg [dreg:$0xc];
	[sflag:s28] =	ssyncadd.s32 $0xFFFFC000  }
0x3f: {  	[hbm4b:s10+s2] =	stream.linear.scatter [tilespmem:s26], [sflag:$0x7], $0x4000, $0x38;
	[tilespmem:$0x1FBC0] =	vst v63  }
0x40: {  	_ =	swait.ge [sflag:s28], $0x4000  }
0x41: {  	[sflag:s28] =	ssyncset.done $0x0  }
0x42: {  	s31 =	rddreg [dreg:$0x5];
	[sflag:s28] =	ssyncadd.s32 $0xFFFFC000  }
0x43: {  	[tilespmem:s26], [sflag:$0x7] =	stream.linear.gather [spmem:s31], $0x4000, $0x38;
	[tilespmem:$0x1FBC0] =	vst v63  }
0x44: {  	_ =	swait.ge [sflag:s28], $0x4000  }
0x45: {  	[sflag:s28] =	ssyncset.done $0x0  }
0x46: {  	s9 =	rddreg [dreg:$0xd];
	[sflag:s28] =	ssyncadd.s32 $0xFFFFC000  }
0x47: {  	[hbm4b:s9+s2] =	stream.linear.scatter [tilespmem:s26], [sflag:$0x7], $0x4000, $0x38;
	[tilespmem:$0x1FBC0] =	vst v63  }
0x48: {  	_ =	swait.ge [sflag:s28], $0x4000  }
0x49: {  	[sflag:s28] =	ssyncset.done $0x0  }
0x4a: {  	s6 =	rddreg [dreg:$0x6];
	[sflag:s28] =	ssyncadd.s32 $0xFFFFC000  }
0x4b: {  	[tilespmem:s26], [sflag:$0x7] =	stream.linear.gather [spmem:s6], $0x4000, $0x38;
	[tilespmem:$0x1FBC0] =	vst v63  }
0x4c: {  	_ =	swait.ge [sflag:s28], $0x4000  }
0x4d: {  	[sflag:s28] =	ssyncset.done $0x0  }
0x4e: {  	s10 =	rddreg [dreg:$0xe];
	[sflag:s28] =	ssyncadd.s32 $0xFFFFC000  }
0x4f: {  	[hbm4b:s10+s2] =	stream.linear.scatter [tilespmem:s26], [sflag:$0x7], $0x4000, $0x38;
	[tilespmem:$0x1FBC0] =	vst v63  }
0x50: {  	_ =	swait.ge [sflag:s28], $0x4000  }
0x51: {  	s24 =	sadd.s32 $0x1, s24;
	s10 =	rddreg [dreg:$0x10]  }
0x52: {  	p0 =	sne.s32 s24, s10  }
.Ltmp1:
0x53: {  	_ = 	snop;
	(pc) =	sbr.rel @!p0 .LBB2_6-.Ltmp1, $3  }
0x54: {  	_ =	sdelay $0x1  }
0x55: {  	[sflag:s28] =	ssyncset.done $0x0  }
0x56: {  	[sflag:s28] =	ssyncadd.s32 $0xFFFFC000  }
.LBB2_1:
0x57: {  	s9 =	rddreg [dreg:$0x3]  }
0x58: {  	[tilespmem:s26], [sflag:$0x7] =	stream.linear.gather [hbm4b:s9+s2], $0x4000, $0x38;
	[tilespmem:$0x1FBC0] =	vst v63  }
0x59: {  	_ =	swait.ge [sflag:s28], $0x4000  }
0x5a: {  	[sflag:s28] =	ssyncset.done $0x0  }
0x5b: {  	[sflag:s28] =	ssyncadd.s32 $0xFFFFC000  }
0x5c: {  	[spmem:s7] =	stream.linear.scatter [tilespmem:s26], [sflag:$0x7], $0x4000, $0x38;
	[tilespmem:$0x1FBC0] =	vst v63  }
0x5d: {  	_ =	swait.ge [sflag:s28], $0x4000  }
0x5e: {  	[sflag:s28] =	ssyncset.done $0x0  }
0x5f: {  	[sflag:s28] =	ssyncadd.s32 $0xFFFFC000  }
0x60: {  	[spmem:s8] =	stream.linear.scatter [tilespmem:s26], [sflag:$0x7], $0x4000, $0x38;
	[tilespmem:$0x1FBC0] =	vst v63  }
0x61: {  	_ =	swait.ge [sflag:s28], $0x4000  }
0x62: {  	[sflag:s28] =	ssyncset.done $0x0  }
0x63: {  	[sflag:s28] =	ssyncadd.s32 $0xFFFFC000  }
0x64: {  	[spmem:s25] =	stream.linear.scatter [tilespmem:s26], [sflag:$0x7], $0x4000, $0x38;
	[tilespmem:$0x1FBC0] =	vst v63  }
0x65: {  	_ =	swait.ge [sflag:s28], $0x4000  }
0x66: {  	[sflag:s28] =	ssyncset.done $0x0  }
0x67: {  	[sflag:s28] =	ssyncadd.s32 $0xFFFFC000  }
0x68: {  	[spmem:s31] =	stream.linear.scatter [tilespmem:s26], [sflag:$0x7], $0x4000, $0x38;
	[tilespmem:$0x1FBC0] =	vst v63  }
0x69: {  	_ =	swait.ge [sflag:s28], $0x4000  }
0x6a: {  	[sflag:s28] =	ssyncset.done $0x0  }
0x6b: {  	s10 =	smov.u32 s6;
	[sflag:s28] =	ssyncadd.s32 $0xFFFFC000  }
0x6c: {  	[spmem:s10] =	stream.linear.scatter [tilespmem:s26], [sflag:$0x7], $0x4000, $0x38;
	[tilespmem:$0x1FBC0] =	vst v63  }
0x6d: {  	_ =	swait.ge [sflag:s28], $0x4000  }
0x6e: {  	[sflag:s28] =	ssyncset.done $0x0  }
0x6f: {  	[sflag:s28] =	ssyncadd.s32 $0xFFFFC000  }
0x70: {  	[bflag:$0x0] =	sbarrier.arrive $0xFFFF  }
0x71: {  	s9 =	smov.u32 s7;
	s7 =	rddreg [dreg:$0x8]  }
0x72: {  	[tilespmem:s2], [sflag:$0x7] =	stream.linear.gather [hbm4b:s7+s2], $0x80, $0x38;
	[tilespmem:$0x1FBC0] =	vst v63  }
0x73: {  	_ =	swait.ge [sflag:s28], $0x80  }
0x74: {  	[sflag:s28] =	ssyncset.done $0x0  }
0x75: {  	[sflag:s28] =	ssyncadd.s32 $0xFFFFFF80  }
0x76: {  	[tilespmem:s26], [sflag:$0x1] =	stream.indirect.gather [hbm4b:s4+s29], $0x80, s2, s29, $0xb8;
	[tilespmem:$0x1FBC0] =	vst v63  }
0x77: {  	s8 =	rddreg [dreg:$0x9]  }
0x78: {  	[tilespmem:s29], [sflag:$0x7] =	stream.linear.gather [hbm4b:s8+s2], $0x80, $0x38;
	[tilespmem:$0x1FBC0] =	vst v63  }
0x79: {  	_ =	swait.ge [sflag:s28], $0x80  }
0x7a: {  	[sflag:s28] =	ssyncset.done $0x0  }
0x7b: {  	[sflag:s28] =	ssyncadd.s32 $0xFFFFFF80  }
0x7c: {  	[tilespmem:s30], [sflag:$0x2] =	stream.indirect.gather [hbm4b:s4+s29], $0x80, s29, s29, $0xb8;
	[tilespmem:$0x1FBC0] =	vst v63  }
0x7d: {  	s25 =	simm.s32 $0x100;
	s10 =	rddreg [dreg:$0xf]  }
0x7e: {  	[tilespmem:s25], [sflag:$0x7] =	stream.linear.gather [hbm4b:s10+s2], $0x80, $0x38;
	[tilespmem:$0x1FBC0] =	vst v63  }
0x7f: {  	_ =	swait.ge [sflag:s28], $0x80  }
0x80: {  	[sflag:s28] =	ssyncset.done $0x0  }
0x81: {  	[sflag:s28] =	ssyncadd.s32 $0xFFFFFF80  }
0x82: {  	[tilespmem:s0], [sflag:$0x3] =	stream.indirect.gather [hbm4b:s4+s29], $0x80, s25, s29, $0xb8;
	[tilespmem:$0x1FBC0] =	vst v63  }
0x83: {  	s31 =	simm.s32 $0x0;
	s25 =	simm.s32 $0x0  }
.LBB2_2:
0x84: {  	_ =	swait.ge [sflag:s3], $0x4000  }
0x85: {  	[sflag:s3] =	ssyncset.done $0x0  }
0x86: {  	s6 =	sadd.s32 s25, s23;
	[sflag:s3] =	ssyncadd.s32 $0xFFFFC000  }
0x87: {  	[tilespmem:s5], [sflag:$0x7] =	stream.linear.gather [hbm4b:s6+s2], $0x80, $0x38;
	[tilespmem:$0x1FBC0] =	vst v63  }
0x88: {  	_ =	swait.ge [sflag:s28], $0x80  }
0x89: {  	[sflag:s28] =	ssyncset.done $0x0  }
0x8a: {  	[sflag:s28] =	ssyncadd.s32 $0xFFFFFF80  }
0x8b: {  	[spmem:s1] =	stream.indirect.scatter.add.f32 [tilespmem:s26], [sflag:$0x4], $0x80, s5, s29, $0xb8;
	[tilespmem:$0x1FBC0] =	vst v63  }
0x8c: {  	_ =	swait.ge [sflag:s12], $0x4000  }
0x8d: {  	[sflag:s12] =	ssyncset.done $0x0  }
0x8e: {  	s10 =	sadd.s32 s25, s22;
	p0 =	sne.s32 s25, $0x4E0;
	[sflag:s12] =	ssyncadd.s32 $0xFFFFC000  }
0x8f: {  	[tilespmem:s13], [sflag:$0x7] =	stream.linear.gather [hbm4b:s10+s2], $0x80, $0x38;
	[tilespmem:$0x1FBC0] =	vst v63  }
.Ltmp2:
0x90: {  	_ = 	snop;
	(pc) =	sbr.rel @!p0 .LBB2_3-.Ltmp2, $4  }
0x91: {  	_ =	swait.ge [sflag:s28], $0x80  }
0x92: {  	[sflag:s28] =	ssyncset.done $0x0  }
0x93: {  	[sflag:s28] =	ssyncadd.s32 $0xFFFFFF80  }
0x94: {  	[spmem:s1] =	stream.indirect.scatter.add.f32 [tilespmem:s30], [sflag:$0x5], $0x80, s13, s29, $0xb8;
	[tilespmem:$0x1FBC0] =	vst v63  }
0x95: {  	_ =	swait.ge [sflag:s11], $0x4000  }
0x96: {  	[sflag:s11] =	ssyncset.done $0x0  }
0x97: {  	s6 =	sadd.s32 s25, s21;
	[sflag:s11] =	ssyncadd.s32 $0xFFFFC000  }
0x98: {  	[tilespmem:s16], [sflag:$0x7] =	stream.linear.gather [hbm4b:s6+s2], $0x80, $0x38;
	[tilespmem:$0x1FBC0] =	vst v63  }
0x99: {  	_ =	swait.ge [sflag:s28], $0x80  }
0x9a: {  	[sflag:s28] =	ssyncset.done $0x0  }
0x9b: {  	[sflag:s28] =	ssyncadd.s32 $0xFFFFFF80  }
0x9c: {  	[spmem:s1] =	stream.indirect.scatter.add.f32 [tilespmem:s0], [sflag:$0x6], $0x80, s16, s29, $0xb8;
	[tilespmem:$0x1FBC0] =	vst v63  }
0x9d: {  	_ =	swait.ge [sflag:s14], $0x4000  }
0x9e: {  	[sflag:s14] =	ssyncset.done $0x0  }
0x9f: {  	s8 =	sadd.s32 s25, s20;
	[sflag:s14] =	ssyncadd.s32 $0xFFFFC000  }
0xa0: {  	[tilespmem:s2], [sflag:$0x7] =	stream.linear.gather [hbm4b:s8+s2], $0x80, $0x38;
	[tilespmem:$0x1FBC0] =	vst v63  }
0xa1: {  	_ =	swait.ge [sflag:s28], $0x80  }
0xa2: {  	[sflag:s28] =	ssyncset.done $0x0  }
0xa3: {  	[sflag:s28] =	ssyncadd.s32 $0xFFFFFF80  }
0xa4: {  	[tilespmem:s26], [sflag:$0x1] =	stream.indirect.gather [hbm4b:s4+s29], $0x80, s2, s29, $0xb8;
	[tilespmem:$0x1FBC0] =	vst v63  }
0xa5: {  	_ =	swait.ge [sflag:s15], $0x4000  }
0xa6: {  	[sflag:s15] =	ssyncset.done $0x0  }
0xa7: {  	s10 =	sadd.s32 s25, s19;
	[sflag:s15] =	ssyncadd.s32 $0xFFFFC000  }
0xa8: {  	[tilespmem:s29], [sflag:$0x7] =	stream.linear.gather [hbm4b:s10+s2], $0x80, $0x38;
	[tilespmem:$0x1FBC0] =	vst v63  }
0xa9: {  	_ =	swait.ge [sflag:s28], $0x80  }
0xaa: {  	[sflag:s28] =	ssyncset.done $0x0  }
0xab: {  	[sflag:s28] =	ssyncadd.s32 $0xFFFFFF80  }
0xac: {  	[tilespmem:s30], [sflag:$0x2] =	stream.indirect.gather [hbm4b:s4+s29], $0x80, s29, s29, $0xb8;
	[tilespmem:$0x1FBC0] =	vst v63  }
0xad: {  	p0 =	sgt.u32 s31, $0x18;
	_ =	swait.ge [sflag:s17], $0x4000  }
0xae: {  	s7 =	simm.s32 @!p0 $0x0;
	[sflag:s17] =	ssyncset.done $0x0  }
0xaf: {  	s6 =	sadd.s32 @!p0 s25, s18;
	s8 =	simm.s32 @!p0 $0x100;
	[sflag:s17] =	ssyncadd.s32 $0xFFFFC000  }
0xb0: {  	[tilespmem:s8], [sflag:$0x7] =	stream.linear.gather @!p0 [hbm4b:s6+s7], $0x80, $0x38;
	[tilespmem:$0x1FBC0] =	vst v63  }
0xb1: {  	s6 =	simm.s32 @!p0 $0x7  }
0xb2: {  	_ =	swait.ge @!p0 [sflag:s6], $0x80  }
0xb3: {  	s25 =	sadd.s32 $0x30, s25;
	[sflag:s6] =	ssyncset.done @!p0 $0x0  }
0xb4: {  	s7 =	simm.s32 @!p0 $0x8300;
	[sflag:s6] =	ssyncadd.s32 @!p0 $0xFFFFFF80;
	s6 =	simm.s32 @!p0 $0x80  }
0xb5: {  	[tilespmem:s7], [sflag:$0x3] =	stream.indirect.gather @!p0 [hbm4b:s4+s6], $0x80, s8, s6, $0xb8;
	[tilespmem:$0x1FBC0] =	vst v63  }
0xb6: {  	p0 =	sne.s32 s25, $0x510  }
.Ltmp3:
0xb7: {  	_ = 	snop;
	(pc) =	sbr.rel @p0 .LBB2_2-.Ltmp3, $4  }
.Ltmp4:
0xb8: {  	_ = 	snop;
	(pc) =	sbr.rel @!p0 .LBB2_5-.Ltmp4, $4  }
0xb9: {  	_ = 	snop  }
0xba: {  	_ = 	snop  }
0xbb: {  	s31 =	sadd.s32 $0x1, s31  }
0xbc: {  	_ = 	snop  }
.LBB2_6:
0xbd: {  	_ =	sfence.sel $0x180000  }
0xbe: {  	[bflag:$0x0] =	sbarrier.arrive $0xFFFF  }
0xbf: {  	_ =	strace $0x9000004D  }
0xc0: {  	s0 =	stileid.u32;
	[bflag:$0x2] =	sbarrier.arrive $0xFFFF  }
0xc1: {  	p0 =	sne.s32 s0, $0x0;
	s0 =	rddreg [dreg:$0x2]  }
0xc2: {  	s0 =	sadd.s32 @!p0 $0x100000, s0  }
0xc3: {  	[sflag:s0] =	ssyncadd.tile.s32 @!p0 $0x1;
	_ =	shalt  }
.Lfunc_end2:
_tile_overlayer_lowered:
.L_overlay_start_2:
0xc4: {  	(tag) =	ssettag $0x2  }
0xc5: {  	s0 =	rddreg [dreg:$0x0];
	s2 =	stileid.u32  }
0xc6: {  	s1 =	rddreg [dreg:$0x1];
	p0 =	sne.s32 s2, $0x0  }
0xc7: {  	s3 =	rddreg [dreg:$0x2];
	[bflag:$0x3] =	sbarrier.arrive $0xFFFF;
	s2 =	simm.s32 @!p0 $0x1C07  }
0xc8: {  	[timem:s3], [sflag:s2] =	dma.local @!p0 [hbm:s0], s1  }
0xc9: {  	s0 =	simm.s32 @!p0 $0x7  }
0xca: {  	_ =	swait.ge @!p0 [sflag:s0], s1  }
0xcb: {  	s1 =	ssub.s32 @!p0 $0x0, s1;
	[sflag:s0] =	ssyncset.done @!p0 $0x0  }
0xcc: {  	[sflag:s0] =	ssyncadd.s32 @!p0 s1  }
0xcd: {  	[bflag:$0x3] =	sbarrier.arrive $0xFFFF  }
0xce: {  	_ =	shalt  }

// kernel: kernel.18.cloned.1.call-start
scs
__scs_entry_jumppad:
0x0: {  	(pc) =	sbr.rel $0x88, $3  }
0x1: {  	(tag) =	ssettag $0x0;
	lr =	simm.s32 $0x1  }
0x2: {  	[smem:$0x3F94] =	sst lr;
	_ =	strace $0xD0000000  }
0x3: {  	_ = 	snop  }
0x4: {  	_ = 	snop  }
0x5: {  	_ = 	snop  }
0x6: {  	_ = 	snop  }
0x7: {  	_ = 	snop  }
__scs_overlays_trampoline_lowered:
0x8: {  	[smem:$0x3FA3] =	sst s0  }
0x9: {  	[smem:$0x3FA4] =	sst s1  }
0xa: {  	[smem:$0x3FA5] =	sst s2  }
0xb: {  	[smem:$0x3FA6] =	sst s3  }
0xc: {  	[smem:$0x3FA7] =	sst s4  }
0xd: {  	[smem:$0x3FA8] =	sst s5  }
0xe: {  	[smem:$0x3FA9] =	sst s6  }
0xf: {  	[smem:$0x3FAA] =	sst s7  }
0x10: {  	[smem:$0x3FAB] =	sst s8  }
0x11: {  	[smem:$0x3FAC] =	sst s9;
	s0 =	simm.s32 @!p0 $0x0  }
0x12: {  	s1 =	sld [smem:$0x3F92];
	s0 =	simm.s32 @p0 $0x1  }
0x13: {  	[smem:$0x3FAD] =	sst s0;
	s0 =	simm.s32 @!p1 $0x0  }
0x14: {  	s2 =	sld [smem:$0x3F91];
	s0 =	simm.s32 @p1 $0x1  }
0x15: {  	[smem:$0x3FAE] =	sst s0;
	s0 =	simm.s32 @!p2 $0x0  }
0x16: {  	s3 =	sld [smem:$0x3FDB];
	s0 =	simm.s32 @p2 $0x1  }
0x17: {  	s4 =	simm.s32 $0x1BF5;
	[smem:$0x3FB0] =	sst s0  }
0x18: {  	s0 =	sld [smem:$0x3F93];
	_ =	swait.ge [sflag:s4], $0x0  }
0x19: {  	s7 =	sld [smem:$0x3F94]  }
0x1a: {  	s8 =	sadd.s32 $0xFFFFE003, lr  }
0x1b: {  	s9 =	sadd.s32 $0xFFFFFEF7, lr;
	s5 =	simm.s32 $0xFFFFFFFF;
	p2 =	slt.u32 s8, $0xFFFFF086  }
0x1c: {  	p1 =	slt.u32 s9, $0xF7A;
	s5 =	simm.s32 @!p2 $0x0  }
0x1d: {  	s5 =	simm.s32 @p1 $0x1;
	p0 =	seq.s32 s7, s2  }
0x1e: {  	s7 =	smul.u32 @!p0 $0xF7A, s2;
	p2 =	seq.s32 @!p0 s5, $0x0  }
0x1f: {  	s9 =	smul.u32 $0xF7A, s1;
	s8 =	simm.s32 @!p0 $0x1BF5;
	p2 =	por !p2, p0  }
0x20: {  	[sflag:s8] =	ssyncset.s32 @!p0 $0xFFFFF086;
	s6 =	sadd.s32 @!p0 s3, s7;
	s7 =	simm.s32 @!p0 $0x108  }
0x21: {  	s3 =	sadd.s32 s3, s9;
	s6 =	sadd.s32 @!p0 $0x88, s6;
	s7 =	simm.s32 @p2 $0x1082  }
0x22: {  	[simem:s7], [sflag:s8] =	dma.local @!p0 [hbm:s6], $0xF7A  }
0x23: {  	s9 =	sor.u32 $0xD0000000, s2;
	s6 =	simm.s32 $0x108;
	_ =	swait.ge @!p0 [sflag:s8], $0x0  }
0x24: {  	s3 =	sadd.s32 $0x88, s3;
	s6 =	simm.s32 @!p1 $0x1082;
	[sflag:s4] =	ssyncset.s32 $0xFFFFF086  }
0x25: {  	[simem:s6], [sflag:s4] =	dma.local [hbm:s3], $0xF7A  }
0x26: {  	[smem:$0x3F94] =	sst s1;
	(tag) =	ssettag s2;
	_ =	strace s9  }
0x27: {  	s1 =	sld [smem:$0x3FA4]  }
0x28: {  	s2 =	sld [smem:$0x3FA5]  }
0x29: {  	s4 =	sld [smem:$0x3FA7]  }
0x2a: {  	p0 =	seq.s32 s5, $0x0;
	s5 =	sld [smem:$0x3FA8]  }
0x2b: {  	s6 =	sld [smem:$0x3FA9]  }
0x2c: {  	s7 =	sld [smem:$0x3FAA]  }
0x2d: {  	s3 =	simm.s32 $0x108;
	s8 =	sld [smem:$0x3FAB]  }
0x2e: {  	s3 =	simm.s32 @!p0 $0x1082;
	s9 =	sld [smem:$0x3FAC]  }
0x2f: {  	lr =	sadd.s32 s0, s3;
	s0 =	sld [smem:$0x3FA3]  }
0x30: {  	s3 =	sld [smem:$0x3FA6]  }
0x31: {  	[smem:$0x3FAF] =	sst s10  }
0x32: {  	s10 =	sld [smem:$0x3FAD];
	_ =	sdelay $0x3  }
0x33: {  	p0 =	seq.s32 s10, $0x1;
	s10 =	sld [smem:$0x3FAF];
	_ =	sdelay $0x3  }
0x34: {  	[smem:$0x3FAF] =	sst s10  }
0x35: {  	s10 =	sld [smem:$0x3FAE];
	_ =	sdelay $0x3  }
0x36: {  	p1 =	seq.s32 s10, $0x1;
	s10 =	sld [smem:$0x3FAF];
	_ =	sdelay $0x3  }
0x37: {  	[smem:$0x3FAF] =	sst s10  }
0x38: {  	s10 =	sld [smem:$0x3FB0]  }
0x39: {  	_ = 	snop;
	(pc) =	sbr.ind lr, $3  }
0x3a: {  	_ = 	snop  }
0x3b: {  	_ = 	snop  }
0x3c: {  	p2 =	seq.s32 s10, $0x1;
	s10 =	sld [smem:$0x3FAF]  }
0x3d: {  	_ =	shalt  }
0x3e: {  	_ =	shalt  }
0x3f: {  	_ =	shalt  }
0x40: {  	_ =	shalt  }
0x41: {  	_ =	shalt  }
0x42: {  	_ =	shalt  }
0x43: {  	_ =	shalt  }
0x44: {  	_ =	shalt  }
0x45: {  	_ =	shalt  }
0x46: {  	_ =	shalt  }
0x47: {  	_ =	shalt  }
0x48: {  	_ =	shalt  }
0x49: {  	_ =	shalt  }
0x4a: {  	_ =	shalt  }
0x4b: {  	_ =	shalt  }
0x4c: {  	_ =	shalt  }
0x4d: {  	_ =	shalt  }
0x4e: {  	_ =	shalt  }
0x4f: {  	_ =	shalt  }
0x50: {  	_ =	shalt  }
0x51: {  	_ =	shalt  }
0x52: {  	_ =	shalt  }
0x53: {  	_ =	shalt  }
0x54: {  	_ =	shalt  }
0x55: {  	_ =	shalt  }
0x56: {  	_ =	shalt  }
0x57: {  	_ =	shalt  }
0x58: {  	_ =	shalt  }
0x59: {  	_ =	shalt  }
0x5a: {  	_ =	shalt  }
0x5b: {  	_ =	shalt  }
0x5c: {  	_ =	shalt  }
0x5d: {  	_ =	shalt  }
0x5e: {  	_ =	shalt  }
0x5f: {  	_ =	shalt  }
0x60: {  	_ =	shalt  }
0x61: {  	_ =	shalt  }
0x62: {  	_ =	shalt  }
0x63: {  	_ =	shalt  }
0x64: {  	_ =	shalt  }
0x65: {  	_ =	shalt  }
0x66: {  	_ =	shalt  }
0x67: {  	_ =	shalt  }
0x68: {  	_ =	shalt  }
0x69: {  	_ =	shalt  }
0x6a: {  	_ =	shalt  }
0x6b: {  	_ =	shalt  }
0x6c: {  	_ =	shalt  }
0x6d: {  	_ =	shalt  }
0x6e: {  	_ =	shalt  }
0x6f: {  	_ =	shalt  }
0x70: {  	_ =	shalt  }
0x71: {  	_ =	shalt  }
0x72: {  	_ =	shalt  }
0x73: {  	_ =	shalt  }
0x74: {  	_ =	shalt  }
0x75: {  	_ =	shalt  }
0x76: {  	_ =	shalt  }
0x77: {  	_ =	shalt  }
0x78: {  	_ =	shalt  }
0x79: {  	_ =	shalt  }
0x7a: {  	_ =	shalt  }
0x7b: {  	_ =	shalt  }
0x7c: {  	_ =	shalt  }
0x7d: {  	_ =	shalt  }
0x7e: {  	_ =	shalt  }
0x7f: {  	_ =	shalt  }
0x80: {  	_ =	shalt  }
0x81: {  	_ =	shalt  }
0x82: {  	_ =	shalt  }
0x83: {  	_ =	shalt  }
0x84: {  	_ =	shalt  }
0x85: {  	_ =	shalt  }
0x86: {  	_ =	shalt  }
0x87: {  	_ =	shalt  }
.Lfunc_end0:
.L_simem_size_0:
called_computation.3_lowered:
.L_overlay_start_0:
0x88: {  	s2 =	sld [smem:$0x3FD9]  }
0x89: {  	s3 =	sld [smem:$0x3FFE];
	_ =	sdelay $0x1  }
0x8a: {  	s1 =	srdreg.scid  }
0x8b: {  	s0 =	sand.u32 $0x1, s1  }
0x8c: {  	s16 =	sshll.u32 s0, $0xA;
	s2 =	sadd.s32 s3, s2  }
0x8d: {  	s2 =	sadd.s32 s2, s16  }
0x8e: {  	[smem:$0x3FBB] =	sst s2  }
0x8f: {  	_ = 	snop  }
0x90: {  	(tm) =	ssettm $0x1  }
0x91: {  	s17 =	sld [smem:$0x3FFB];
	_ =	sdelay $0x3  }
0x92: {  	_ =	strace s17  }
0x93: {  	s2 =	sld [smem:$0x3FFC];
	_ =	sdelay $0x3  }
0x94: {  	_ =	strace s2  }
0x95: {  	s2 =	sld [smem:$0x3FFD];
	_ =	sdelay $0x3  }
0x96: {  	_ =	strace s2  }
0x97: {  	_ =	strace $0x8FFFFFFF  }
0x98: {  	s18 =	sld [smem:$0x3FDB];
	_ =	sdelay $0x1  }
0x99: {  	s19 =	simm.s32 $_scs_section_size  }
0x9a: {  	s4 =	simm.s32 $_size__tile_overlayer_lowered;
	s5 =	simm.s32 $_tile_overlayer_lowered  }
0x9b: {  	s22 =	simm.s32 $0x1BFF;
	s21 =	sshll.u32 s5, $0x1;
	s2 =	sadd.s32 s19, s18  }
0x9c: {  	s6 =	simm.s32 $0x0;
	s20 =	sshll.u32 s4, $0x1;
	s4 =	sadd.s32 s21, s2  }
0x9d: {  	[timem:s6], [sflag:s22] =	dma.local [hbm:s4], s20  }
0x9e: {  	_ =	swait.ge [sflag:s22], s20  }
0x9f: {  	s3 =	ssub.s32 $0x0, s20;
	[sflag:s22] =	ssyncset.done $0x0  }
0xa0: {  	[sflag:s22] =	ssyncadd.s32 s3;
	_ =	sdelay $0x1  }
0xa1: {  	s23 =	simm.s32 $0x1B8B  }
0xa2: {  	_ =	swait.ge [sflag:s23], $0x1  }
0xa3: {  	[sflag:s23] =	ssyncset.done $0x0  }
0xa4: {  	s25 =	simm.s32 $0x1B8E;
	s24 =	sld [smem:$0x3FFE];
	[sflag:s23] =	ssyncadd.s32 $0xFFFFFFFF  }
0xa5: {  	s26 =	simm.s32 $execute0_lowered;
	[smem:$0x3FD2] =	sst s25  }
0xa6: {  	s4 =	sshll.u32 s26, $0x1;
	_ =	strace $0x8000004F;
	[dreg:$0x1] =	wrdreg $0xFFFFFFFF  }
0xa7: {  	s28 =	simm.s32 $_size_execute0_lowered;
	s2 =	sadd.s32 s2, s4;
	[dreg:$0x0] =	wrdreg $0x0  }
0xa8: {  	s4 =	sshll.u32 s28, $0x1;
	[dreg:$0x2] =	wrdreg s2  }
0xa9: {  	[dreg:$0x3] =	wrdreg s4  }
0xaa: {  	[dreg:$0x4] =	wrdreg $0xC0  }
0xab: {  	_ =	task [dreg:s6], $0x5FFFF  }
0xac: {  	[dreg:$0x1] =	wrdreg $0xFFFFFFFF  }
0xad: {  	[dreg:$0x0] =	wrdreg $0x60  }
0xae: {  	[dreg:$0x2] =	wrdreg s24  }
0xaf: {  	[dreg:$0x3] =	wrdreg $0xC3000  }
0xb0: {  	[dreg:$0x4] =	wrdreg $0x9  }
0xb1: {  	_ =	task.clear_ibuf [dreg:s6], $0x5FFFF;
	_ =	strace $0x9000004F  }
0xb2: {  	s29 =	simm.s32 $0x9;
	_ =	strace $0x80000051  }
0xb3: {  	_ =	swait.ge [sflag:s29], $0x1  }
0xb4: {  	[sflag:s29] =	ssyncadd.s32 $0xFFFFFFFF  }
0xb5: {  	_ =	strace $0x90000051  }
0xb6: {  	_ =	sfence  }
0xb7: {  	s30 =	sld [smem:$0x0];
	_ =	sdelay $0x2  }
0xb8: {  	s31 =	sshll.u32 s1, $0xD;
	s1 =	sshrl.u32 s1, $0x2  }
0xb9: {  	s3 =	sand.u32 $0x4000, s31;
	s1 =	sadd.s32 s1, s30  }
0xba: {  	s0 =	sor.u32 s3, s0;
	s1 =	sshll.u32 s1, $0x11  }
0xbb: {  	s0 =	sor.u32 s1, s0  }
0xbc: {  	s0 =	sadd.s32 $0x8F2B, s0  }
0xbd: {  	[sflag:s0] =	ssyncadd.remote.s32 $0x1  }
0xbe: {  	_ =	sfence.sel $0xFFFF  }
0xbf: {  	[dreg:$0x0] =	wrdreg $0xFFFFFFFF;
	(pc) =	sbr.abs _section_cstart, $3  }
0xc0: {  	[dreg:$0x1] =	wrdreg $0xFFFFFFFF  }
0xc1: {  	_ =	task.clear_ibuf [dreg:s6], $0x2FFFF;
	_ =	strace $0x9FFFFFFF  }
0xc2: {  	(tm) =	ssettm $0x7FFFFFFF  }
0xc3: {  	_ =	shalt  }
tec
execute0_lowered:
.L_overlay_start_1:
0x0: {  	(tag) =	ssettag $0x1  }
0x1: {  	s0 =	rddreg [dreg:$0x0]  }
0x2: {  	s1 =	rddreg [dreg:$0x1];
	s2 =	simm.s32 $0x0  }
0x3: {  	s3 =	srdreg.scid;
	s20 =	stileid.u32;
	s28 =	simm.s32 $0x7  }
0x4: {  	s29 =	simm.s32 $0x80;
	s30 =	simm.s32 $0x4300;
	[smem:$0x7FF] =	sst s2  }
0x5: {  	s4 =	sadd.s32 $0x17A00, s0;
	s5 =	sadd.s32 $0xD200, s0;
	s7 =	smul.u32 $0x4E000, s20  }
0x6: {  	s3 =	sand.u32 $0x1, s3;
	s11 =	sadd.s32 $0x3200, s0;
	s12 =	smul.u32 $0x13800, s20  }
0x7: {  	s8 =	sadd.s32 $0x17200, s0;
	s0 =	sadd.s32 $0xB4600, s0;
	s22 =	smul.u32 $0x2800, s20  }
0x8: {  	_ =	strace $0x80000050;
	s6 =	ssub.s32 $0x2, s3;
	s18 =	smul.u32 $0x138800, s3  }
0x9: {  	[dreg:$0x3] =	wrdreg s8;
	s10 =	sshll.u32 s3, $0x4;
	s3 =	smul.u32 $0x28000, s3  }
0xa: {  	s9 =	sshrl.u32 s6, $0x1;
	s7 =	sshrl.u32 s7, $0x2;
	s14 =	sadd.s32 $0x4000, s12  }
0xb: {  	s16 =	sadd.s32 $0x8000, s12;
	s17 =	sadd.s32 $0xC000, s12;
	s19 =	sadd.s32 $0x10000, s12  }
0xc: {  	s13 =	ssub.s32 s6, s9;
	s6 =	sor.u32 s20, s10;
	s7 =	sadd.s32 s7, s1  }
0xd: {  	s8 =	sadd.s32 s14, s1;
	s25 =	sadd.s32 s16, s1;
	s31 =	sadd.s32 s17, s1  }
0xe: {  	s12 =	sadd.s32 s12, s18;
	s14 =	sadd.s32 s18, s14;
	s16 =	sadd.s32 s18, s16  }
0xf: {  	s21 =	sadd.s32 s18, s17;
	s26 =	sadd.s32 s18, s19;
	s3 =	sadd.s32 s22, s3  }
0x10: {  	s15 =	smul.u32 $0x2800, s6;
	s6 =	sadd.s32 s19, s1;
	s12 =	sshrl.u32 s12, $0x3  }
0x11: {  	s14 =	sshrl.u32 s14, $0x3;
	s24 =	sshrl.u32 s21, $0x3;
	s17 =	sshrl.u32 s26, $0x3  }
0x12: {  	s18 =	sor.u32 $0x280, s3;
	s19 =	sor.u32 $0x200, s3;
	[dreg:$0x4] =	wrdreg s25  }
0x13: {  	s20 =	sor.u32 $0x180, s3;
	s22 =	sor.u32 $0x100, s3;
	[dreg:$0x5] =	wrdreg s31  }
0x14: {  	s26 =	smax.u32 s13, $0x1;
	s13 =	simm.s32 $0x200;
	[dreg:$0x7] =	wrdreg s8  }
0x15: {  	s12 =	sadd.s32 s0, s12;
	s21 =	sshrl.u32 s20, $0x3;
	[dreg:$0x10] =	wrdreg s26  }
0x16: {  	s26 =	simm.s32 $0x300;
	[dreg:$0x6] =	wrdreg s6;
	s15 =	sshrl.u32 s15, $0x3  }
0x17: {  	[dreg:$0xa] =	wrdreg s12;
	s12 =	sshrl.u32 s16, $0x3;
	s16 =	sadd.s32 s0, s24  }
0x18: {  	s20 =	sadd.s32 s21, s5;
	s9 =	sadd.s32 s5, s15;
	s15 =	sadd.s32 s0, s14  }
0x19: {  	s23 =	sadd.s32 s0, s12;
	[dreg:$0xd] =	wrdreg s16;
	s0 =	sadd.s32 s0, s17  }
0x1a: {  	s12 =	sshrl.u32 s19, $0x3;
	s14 =	simm.s32 $0x4;
	[dreg:$0xb] =	wrdreg s15  }
0x1b: {  	s16 =	simm.s32 $0x280;
	s17 =	simm.s32 $0x6;
	[dreg:$0xc] =	wrdreg s23  }
0x1c: {  	s10 =	sadd.s32 $0x10, s9;
	[dreg:$0xe] =	wrdreg s0;
	s0 =	sshrl.u32 s18, $0x3  }
0x1d: {  	s19 =	sadd.s32 s12, s5;
	s23 =	sor.u32 $0x80, s3;
	s3 =	sshrl.u32 s3, $0x3  }
0x1e: {  	[dreg:$0x8] =	wrdreg s9;
	s24 =	sadd.s32 $0x20, s9;
	s12 =	simm.s32 $0x2  }
.Ltmp0:
0x1f: {  	s15 =	simm.s32 $0x5;
	[dreg:$0x9] =	wrdreg s10;
	(pc) =	sbr.rel .LBB2_1-.Ltmp0, $4  }
0x20: {  	s18 =	sadd.s32 s0, s5;
	s0 =	sshrl.u32 s22, $0x3;
	s5 =	sshrl.u32 s23, $0x3  }
0x21: {  	s23 =	sadd.s32 s3, s11;
	[dreg:$0xf] =	wrdreg s24;
	s3 =	simm.s32 $0x1  }
0x22: {  	s24 =	simm.s32 $0x0;
	s21 =	sadd.s32 s0, s11;
	s22 =	sadd.s32 s5, s11  }
0x23: {  	s0 =	simm.s32 $0x8300;
	s5 =	simm.s32 $0x180;
	s11 =	simm.s32 $0x3  }
.LBB2_3:
0x24: {  	_ =	swait.ge [sflag:s14], $0x4000  }
0x25: {  	[sflag:s14] =	ssyncset.done $0x0  }
0x26: {  	[sflag:s14] =	ssyncadd.s32 $0xFFFFC000  }
0x27: {  	_ =	swait.ge [sflag:s15], $0x4000  }
0x28: {  	[sflag:s15] =	ssyncset.done $0x0  }
0x29: {  	[sflag:s15] =	ssyncadd.s32 $0xFFFFC000  }
.LBB2_5:
0x2a: {  	[bflag:$0x0] =	sbarrier.arrive $0xFFFF  }
0x2b: {  	[tilespmem:s26], [sflag:$0x7] =	stream.linear.gather [spmem:s9], $0x4000, $0x38;
	[tilespmem:$0x1FBC0] =	vst v63  }
0x2c: {  	_ =	swait.ge [sflag:s28], $0x4000  }
0x2d: {  	[sflag:s28] =	ssyncset.done $0x0  }
0x2e: {  	s6 =	rddreg [dreg:$0xa];
	[sflag:s28] =	ssyncadd.s32 $0xFFFFC000  }
0x2f: {  	[hbm4b:s6+s2] =	stream.linear.scatter [tilespmem:s26], [sflag:$0x7], $0x4000, $0x38;
	[tilespmem:$0x1FBC0] =	vst v63  }
0x30: {  	_ =	swait.ge [sflag:s28], $0x4000  }
0x31: {  	[sflag:s28] =	ssyncset.done $0x0  }
0x32: {  	s8 =	rddreg [dreg:$0x7];
	[sflag:s28] =	ssyncadd.s32 $0xFFFFC000  }
0x33: {  	[tilespmem:s26], [sflag:$0x7] =	stream.linear.gather [spmem:s8], $0x4000, $0x38;
	[tilespmem:$0x1FBC0] =	vst v63  }
0x34: {  	_ =	swait.ge [sflag:s28], $0x4000  }
0x35: {  	[sflag:s28] =	ssyncset.done $0x0  }
0x36: {  	s7 =	smov.u32 s9;
	s9 =	rddreg [dreg:$0xb];
	[sflag:s28] =	ssyncadd.s32 $0xFFFFC000  }
0x37: {  	[hbm4b:s9+s2] =	stream.linear.scatter [tilespmem:s26], [sflag:$0x7], $0x4000, $0x38;
	[tilespmem:$0x1FBC0] =	vst v63  }
0x38: {  	_ =	swait.ge [sflag:s28], $0x4000  }
0x39: {  	[sflag:s28] =	ssyncset.done $0x0  }
0x3a: {  	s25 =	rddreg [dreg:$0x4];
	[sflag:s28] =	ssyncadd.s32 $0xFFFFC000  }
0x3b: {  	[tilespmem:s26], [sflag:$0x7] =	stream.linear.gather [spmem:s25], $0x4000, $0x38;
	[tilespmem:$0x1FBC0] =	vst v63  }
0x3c: {  	_ =	swait.ge [sflag:s28], $0x4000  }
0x3d: {  	[sflag:s28] =	ssyncset.done $0x0  }
0x3e: {  	s10 =	rddreg [dreg:$0xc];
	[sflag:s28] =	ssyncadd.s32 $0xFFFFC000  }
0x3f: {  	[hbm4b:s10+s2] =	stream.linear.scatter [tilespmem:s26], [sflag:$0x7], $0x4000, $0x38;
	[tilespmem:$0x1FBC0] =	vst v63  }
0x40: {  	_ =	swait.ge [sflag:s28], $0x4000  }
0x41: {  	[sflag:s28] =	ssyncset.done $0x0  }
0x42: {  	s31 =	rddreg [dreg:$0x5];
	[sflag:s28] =	ssyncadd.s32 $0xFFFFC000  }
0x43: {  	[tilespmem:s26], [sflag:$0x7] =	stream.linear.gather [spmem:s31], $0x4000, $0x38;
	[tilespmem:$0x1FBC0] =	vst v63  }
0x44: {  	_ =	swait.ge [sflag:s28], $0x4000  }
0x45: {  	[sflag:s28] =	ssyncset.done $0x0  }
0x46: {  	s9 =	rddreg [dreg:$0xd];
	[sflag:s28] =	ssyncadd.s32 $0xFFFFC000  }
0x47: {  	[hbm4b:s9+s2] =	stream.linear.scatter [tilespmem:s26], [sflag:$0x7], $0x4000, $0x38;
	[tilespmem:$0x1FBC0] =	vst v63  }
0x48: {  	_ =	swait.ge [sflag:s28], $0x4000  }
0x49: {  	[sflag:s28] =	ssyncset.done $0x0  }
0x4a: {  	s6 =	rddreg [dreg:$0x6];
	[sflag:s28] =	ssyncadd.s32 $0xFFFFC000  }
0x4b: {  	[tilespmem:s26], [sflag:$0x7] =	stream.linear.gather [spmem:s6], $0x4000, $0x38;
	[tilespmem:$0x1FBC0] =	vst v63  }
0x4c: {  	_ =	swait.ge [sflag:s28], $0x4000  }
0x4d: {  	[sflag:s28] =	ssyncset.done $0x0  }
0x4e: {  	s10 =	rddreg [dreg:$0xe];
	[sflag:s28] =	ssyncadd.s32 $0xFFFFC000  }
0x4f: {  	[hbm4b:s10+s2] =	stream.linear.scatter [tilespmem:s26], [sflag:$0x7], $0x4000, $0x38;
	[tilespmem:$0x1FBC0] =	vst v63  }
0x50: {  	_ =	swait.ge [sflag:s28], $0x4000  }
0x51: {  	s24 =	sadd.s32 $0x1, s24;
	s10 =	rddreg [dreg:$0x10]  }
0x52: {  	p0 =	sne.s32 s24, s10  }
.Ltmp1:
0x53: {  	_ = 	snop;
	(pc) =	sbr.rel @!p0 .LBB2_6-.Ltmp1, $3  }
0x54: {  	_ =	sdelay $0x1  }
0x55: {  	[sflag:s28] =	ssyncset.done $0x0  }
0x56: {  	[sflag:s28] =	ssyncadd.s32 $0xFFFFC000  }
.LBB2_1:
0x57: {  	s9 =	rddreg [dreg:$0x3]  }
0x58: {  	[tilespmem:s26], [sflag:$0x7] =	stream.linear.gather [hbm4b:s9+s2], $0x4000, $0x38;
	[tilespmem:$0x1FBC0] =	vst v63  }
0x59: {  	_ =	swait.ge [sflag:s28], $0x4000  }
0x5a: {  	[sflag:s28] =	ssyncset.done $0x0  }
0x5b: {  	[sflag:s28] =	ssyncadd.s32 $0xFFFFC000  }
0x5c: {  	[spmem:s7] =	stream.linear.scatter [tilespmem:s26], [sflag:$0x7], $0x4000, $0x38;
	[tilespmem:$0x1FBC0] =	vst v63  }
0x5d: {  	_ =	swait.ge [sflag:s28], $0x4000  }
0x5e: {  	[sflag:s28] =	ssyncset.done $0x0  }
0x5f: {  	[sflag:s28] =	ssyncadd.s32 $0xFFFFC000  }
0x60: {  	[spmem:s8] =	stream.linear.scatter [tilespmem:s26], [sflag:$0x7], $0x4000, $0x38;
	[tilespmem:$0x1FBC0] =	vst v63  }
0x61: {  	_ =	swait.ge [sflag:s28], $0x4000  }
0x62: {  	[sflag:s28] =	ssyncset.done $0x0  }
0x63: {  	[sflag:s28] =	ssyncadd.s32 $0xFFFFC000  }
0x64: {  	[spmem:s25] =	stream.linear.scatter [tilespmem:s26], [sflag:$0x7], $0x4000, $0x38;
	[tilespmem:$0x1FBC0] =	vst v63  }
0x65: {  	_ =	swait.ge [sflag:s28], $0x4000  }
0x66: {  	[sflag:s28] =	ssyncset.done $0x0  }
0x67: {  	[sflag:s28] =	ssyncadd.s32 $0xFFFFC000  }
0x68: {  	[spmem:s31] =	stream.linear.scatter [tilespmem:s26], [sflag:$0x7], $0x4000, $0x38;
	[tilespmem:$0x1FBC0] =	vst v63  }
0x69: {  	_ =	swait.ge [sflag:s28], $0x4000  }
0x6a: {  	[sflag:s28] =	ssyncset.done $0x0  }
0x6b: {  	s10 =	smov.u32 s6;
	[sflag:s28] =	ssyncadd.s32 $0xFFFFC000  }
0x6c: {  	[spmem:s10] =	stream.linear.scatter [tilespmem:s26], [sflag:$0x7], $0x4000, $0x38;
	[tilespmem:$0x1FBC0] =	vst v63  }
0x6d: {  	_ =	swait.ge [sflag:s28], $0x4000  }
0x6e: {  	[sflag:s28] =	ssyncset.done $0x0  }
0x6f: {  	[sflag:s28] =	ssyncadd.s32 $0xFFFFC000  }
0x70: {  	[bflag:$0x0] =	sbarrier.arrive $0xFFFF  }
0x71: {  	s9 =	smov.u32 s7;
	s7 =	rddreg [dreg:$0x8]  }
0x72: {  	[tilespmem:s2], [sflag:$0x7] =	stream.linear.gather [hbm4b:s7+s2], $0x80, $0x38;
	[tilespmem:$0x1FBC0] =	vst v63  }
0x73: {  	_ =	swait.ge [sflag:s28], $0x80  }
0x74: {  	[sflag:s28] =	ssyncset.done $0x0  }
0x75: {  	[sflag:s28] =	ssyncadd.s32 $0xFFFFFF80  }
0x76: {  	[tilespmem:s26], [sflag:$0x1] =	stream.indirect.gather [hbm4b:s4+s29], $0x80, s2, s29, $0xb8;
	[tilespmem:$0x1FBC0] =	vst v63  }
0x77: {  	s8 =	rddreg [dreg:$0x9]  }
0x78: {  	[tilespmem:s29], [sflag:$0x7] =	stream.linear.gather [hbm4b:s8+s2], $0x80, $0x38;
	[tilespmem:$0x1FBC0] =	vst v63  }
0x79: {  	_ =	swait.ge [sflag:s28], $0x80  }
0x7a: {  	[sflag:s28] =	ssyncset.done $0x0  }
0x7b: {  	[sflag:s28] =	ssyncadd.s32 $0xFFFFFF80  }
0x7c: {  	[tilespmem:s30], [sflag:$0x2] =	stream.indirect.gather [hbm4b:s4+s29], $0x80, s29, s29, $0xb8;
	[tilespmem:$0x1FBC0] =	vst v63  }
0x7d: {  	s25 =	simm.s32 $0x100;
	s10 =	rddreg [dreg:$0xf]  }
0x7e: {  	[tilespmem:s25], [sflag:$0x7] =	stream.linear.gather [hbm4b:s10+s2], $0x80, $0x38;
	[tilespmem:$0x1FBC0] =	vst v63  }
0x7f: {  	_ =	swait.ge [sflag:s28], $0x80  }
0x80: {  	[sflag:s28] =	ssyncset.done $0x0  }
0x81: {  	[sflag:s28] =	ssyncadd.s32 $0xFFFFFF80  }
0x82: {  	[tilespmem:s0], [sflag:$0x3] =	stream.indirect.gather [hbm4b:s4+s29], $0x80, s25, s29, $0xb8;
	[tilespmem:$0x1FBC0] =	vst v63  }
0x83: {  	s31 =	simm.s32 $0x0;
	s25 =	simm.s32 $0x0  }
.LBB2_2:
0x84: {  	_ =	swait.ge [sflag:s3], $0x4000  }
0x85: {  	[sflag:s3] =	ssyncset.done $0x0  }
0x86: {  	s6 =	sadd.s32 s25, s23;
	[sflag:s3] =	ssyncadd.s32 $0xFFFFC000  }
0x87: {  	[tilespmem:s5], [sflag:$0x7] =	stream.linear.gather [hbm4b:s6+s2], $0x80, $0x38;
	[tilespmem:$0x1FBC0] =	vst v63  }
0x88: {  	_ =	swait.ge [sflag:s28], $0x80  }
0x89: {  	[sflag:s28] =	ssyncset.done $0x0  }
0x8a: {  	[sflag:s28] =	ssyncadd.s32 $0xFFFFFF80  }
0x8b: {  	[spmem:s1] =	stream.indirect.scatter.add.f32 [tilespmem:s26], [sflag:$0x4], $0x80, s5, s29, $0xb8;
	[tilespmem:$0x1FBC0] =	vst v63  }
0x8c: {  	_ =	swait.ge [sflag:s12], $0x4000  }
0x8d: {  	[sflag:s12] =	ssyncset.done $0x0  }
0x8e: {  	s10 =	sadd.s32 s25, s22;
	p0 =	sne.s32 s25, $0x4E0;
	[sflag:s12] =	ssyncadd.s32 $0xFFFFC000  }
0x8f: {  	[tilespmem:s13], [sflag:$0x7] =	stream.linear.gather [hbm4b:s10+s2], $0x80, $0x38;
	[tilespmem:$0x1FBC0] =	vst v63  }
.Ltmp2:
0x90: {  	_ = 	snop;
	(pc) =	sbr.rel @!p0 .LBB2_3-.Ltmp2, $4  }
0x91: {  	_ =	swait.ge [sflag:s28], $0x80  }
0x92: {  	[sflag:s28] =	ssyncset.done $0x0  }
0x93: {  	[sflag:s28] =	ssyncadd.s32 $0xFFFFFF80  }
0x94: {  	[spmem:s1] =	stream.indirect.scatter.add.f32 [tilespmem:s30], [sflag:$0x5], $0x80, s13, s29, $0xb8;
	[tilespmem:$0x1FBC0] =	vst v63  }
0x95: {  	_ =	swait.ge [sflag:s11], $0x4000  }
0x96: {  	[sflag:s11] =	ssyncset.done $0x0  }
0x97: {  	s6 =	sadd.s32 s25, s21;
	[sflag:s11] =	ssyncadd.s32 $0xFFFFC000  }
0x98: {  	[tilespmem:s16], [sflag:$0x7] =	stream.linear.gather [hbm4b:s6+s2], $0x80, $0x38;
	[tilespmem:$0x1FBC0] =	vst v63  }
0x99: {  	_ =	swait.ge [sflag:s28], $0x80  }
0x9a: {  	[sflag:s28] =	ssyncset.done $0x0  }
0x9b: {  	[sflag:s28] =	ssyncadd.s32 $0xFFFFFF80  }
0x9c: {  	[spmem:s1] =	stream.indirect.scatter.add.f32 [tilespmem:s0], [sflag:$0x6], $0x80, s16, s29, $0xb8;
	[tilespmem:$0x1FBC0] =	vst v63  }
0x9d: {  	_ =	swait.ge [sflag:s14], $0x4000  }
0x9e: {  	[sflag:s14] =	ssyncset.done $0x0  }
0x9f: {  	s8 =	sadd.s32 s25, s20;
	[sflag:s14] =	ssyncadd.s32 $0xFFFFC000  }
0xa0: {  	[tilespmem:s2], [sflag:$0x7] =	stream.linear.gather [hbm4b:s8+s2], $0x80, $0x38;
	[tilespmem:$0x1FBC0] =	vst v63  }
0xa1: {  	_ =	swait.ge [sflag:s28], $0x80  }
0xa2: {  	[sflag:s28] =	ssyncset.done $0x0  }
0xa3: {  	[sflag:s28] =	ssyncadd.s32 $0xFFFFFF80  }
0xa4: {  	[tilespmem:s26], [sflag:$0x1] =	stream.indirect.gather [hbm4b:s4+s29], $0x80, s2, s29, $0xb8;
	[tilespmem:$0x1FBC0] =	vst v63  }
0xa5: {  	_ =	swait.ge [sflag:s15], $0x4000  }
0xa6: {  	[sflag:s15] =	ssyncset.done $0x0  }
0xa7: {  	s10 =	sadd.s32 s25, s19;
	[sflag:s15] =	ssyncadd.s32 $0xFFFFC000  }
0xa8: {  	[tilespmem:s29], [sflag:$0x7] =	stream.linear.gather [hbm4b:s10+s2], $0x80, $0x38;
	[tilespmem:$0x1FBC0] =	vst v63  }
0xa9: {  	_ =	swait.ge [sflag:s28], $0x80  }
0xaa: {  	[sflag:s28] =	ssyncset.done $0x0  }
0xab: {  	[sflag:s28] =	ssyncadd.s32 $0xFFFFFF80  }
0xac: {  	[tilespmem:s30], [sflag:$0x2] =	stream.indirect.gather [hbm4b:s4+s29], $0x80, s29, s29, $0xb8;
	[tilespmem:$0x1FBC0] =	vst v63  }
0xad: {  	p0 =	sgt.u32 s31, $0x18;
	_ =	swait.ge [sflag:s17], $0x4000  }
0xae: {  	s7 =	simm.s32 @!p0 $0x0;
	[sflag:s17] =	ssyncset.done $0x0  }
0xaf: {  	s6 =	sadd.s32 @!p0 s25, s18;
	s8 =	simm.s32 @!p0 $0x100;
	[sflag:s17] =	ssyncadd.s32 $0xFFFFC000  }
0xb0: {  	[tilespmem:s8], [sflag:$0x7] =	stream.linear.gather @!p0 [hbm4b:s6+s7], $0x80, $0x38;
	[tilespmem:$0x1FBC0] =	vst v63  }
0xb1: {  	s6 =	simm.s32 @!p0 $0x7  }
0xb2: {  	_ =	swait.ge @!p0 [sflag:s6], $0x80  }
0xb3: {  	s25 =	sadd.s32 $0x30, s25;
	[sflag:s6] =	ssyncset.done @!p0 $0x0  }
0xb4: {  	s7 =	simm.s32 @!p0 $0x8300;
	[sflag:s6] =	ssyncadd.s32 @!p0 $0xFFFFFF80;
	s6 =	simm.s32 @!p0 $0x80  }
0xb5: {  	[tilespmem:s7], [sflag:$0x3] =	stream.indirect.gather @!p0 [hbm4b:s4+s6], $0x80, s8, s6, $0xb8;
	[tilespmem:$0x1FBC0] =	vst v63  }
0xb6: {  	p0 =	sne.s32 s25, $0x510  }
.Ltmp3:
0xb7: {  	_ = 	snop;
	(pc) =	sbr.rel @p0 .LBB2_2-.Ltmp3, $4  }
.Ltmp4:
0xb8: {  	_ = 	snop;
	(pc) =	sbr.rel @!p0 .LBB2_5-.Ltmp4, $4  }
0xb9: {  	_ = 	snop  }
0xba: {  	_ = 	snop  }
0xbb: {  	s31 =	sadd.s32 $0x1, s31  }
0xbc: {  	_ = 	snop  }
.LBB2_6:
0xbd: {  	_ =	sfence.sel $0x180000  }
0xbe: {  	[bflag:$0x0] =	sbarrier.arrive $0xFFFF  }
0xbf: {  	_ =	strace $0x90000050  }
0xc0: {  	s0 =	stileid.u32;
	[bflag:$0x2] =	sbarrier.arrive $0xFFFF  }
0xc1: {  	p0 =	sne.s32 s0, $0x0;
	s0 =	rddreg [dreg:$0x2]  }
0xc2: {  	s0 =	sadd.s32 @!p0 $0x100000, s0  }
0xc3: {  	[sflag:s0] =	ssyncadd.tile.s32 @!p0 $0x1;
	_ =	shalt  }
.Lfunc_end2:
_tile_overlayer_lowered:
.L_overlay_start_2:
0xc4: {  	(tag) =	ssettag $0x2  }
0xc5: {  	s0 =	rddreg [dreg:$0x0];
	s2 =	stileid.u32  }
0xc6: {  	s1 =	rddreg [dreg:$0x1];
	p0 =	sne.s32 s2, $0x0  }
0xc7: {  	s3 =	rddreg [dreg:$0x2];
	[bflag:$0x3] =	sbarrier.arrive $0xFFFF;
	s2 =	simm.s32 @!p0 $0x1C07  }
0xc8: {  	[timem:s3], [sflag:s2] =	dma.local @!p0 [hbm:s0], s1  }
0xc9: {  	s0 =	simm.s32 @!p0 $0x7  }
0xca: {  	_ =	swait.ge @!p0 [sflag:s0], s1  }
0xcb: {  	s1 =	ssub.s32 @!p0 $0x0, s1;
	[sflag:s0] =	ssyncset.done @!p0 $0x0  }
0xcc: {  	[sflag:s0] =	ssyncadd.s32 @!p0 s1  }
0xcd: {  	[bflag:$0x3] =	sbarrier.arrive $0xFFFF  }
0xce: {  	_ =	shalt  }

// kernel: kernel.9.cloned.1.call-start
scs
__scs_entry_jumppad:
0x0: {  	(pc) =	sbr.rel $0x88, $3  }
0x1: {  	(tag) =	ssettag $0x0;
	lr =	simm.s32 $0x1  }
0x2: {  	[smem:$0x3F94] =	sst lr;
	_ =	strace $0xD0000000  }
0x3: {  	_ = 	snop  }
0x4: {  	_ = 	snop  }
0x5: {  	_ = 	snop  }
0x6: {  	_ = 	snop  }
0x7: {  	_ = 	snop  }
__scs_overlays_trampoline_lowered:
0x8: {  	[smem:$0x3FA3] =	sst s0  }
0x9: {  	[smem:$0x3FA4] =	sst s1  }
0xa: {  	[smem:$0x3FA5] =	sst s2  }
0xb: {  	[smem:$0x3FA6] =	sst s3  }
0xc: {  	[smem:$0x3FA7] =	sst s4  }
0xd: {  	[smem:$0x3FA8] =	sst s5  }
0xe: {  	[smem:$0x3FA9] =	sst s6  }
0xf: {  	[smem:$0x3FAA] =	sst s7  }
0x10: {  	[smem:$0x3FAB] =	sst s8  }
0x11: {  	[smem:$0x3FAC] =	sst s9;
	s0 =	simm.s32 @!p0 $0x0  }
0x12: {  	s1 =	sld [smem:$0x3F92];
	s0 =	simm.s32 @p0 $0x1  }
0x13: {  	[smem:$0x3FAD] =	sst s0;
	s0 =	simm.s32 @!p1 $0x0  }
0x14: {  	s2 =	sld [smem:$0x3F91];
	s0 =	simm.s32 @p1 $0x1  }
0x15: {  	[smem:$0x3FAE] =	sst s0;
	s0 =	simm.s32 @!p2 $0x0  }
0x16: {  	s3 =	sld [smem:$0x3FDB];
	s0 =	simm.s32 @p2 $0x1  }
0x17: {  	s4 =	simm.s32 $0x1BF5;
	[smem:$0x3FB0] =	sst s0  }
0x18: {  	s0 =	sld [smem:$0x3F93];
	_ =	swait.ge [sflag:s4], $0x0  }
0x19: {  	s7 =	sld [smem:$0x3F94]  }
0x1a: {  	s8 =	sadd.s32 $0xFFFFE003, lr  }
0x1b: {  	s9 =	sadd.s32 $0xFFFFFEF7, lr;
	s5 =	simm.s32 $0xFFFFFFFF;
	p2 =	slt.u32 s8, $0xFFFFF086  }
0x1c: {  	p1 =	slt.u32 s9, $0xF7A;
	s5 =	simm.s32 @!p2 $0x0  }
0x1d: {  	s5 =	simm.s32 @p1 $0x1;
	p0 =	seq.s32 s7, s2  }
0x1e: {  	s7 =	smul.u32 @!p0 $0xF7A, s2;
	p2 =	seq.s32 @!p0 s5, $0x0  }
0x1f: {  	s9 =	smul.u32 $0xF7A, s1;
	s8 =	simm.s32 @!p0 $0x1BF5;
	p2 =	por !p2, p0  }
0x20: {  	[sflag:s8] =	ssyncset.s32 @!p0 $0xFFFFF086;
	s6 =	sadd.s32 @!p0 s3, s7;
	s7 =	simm.s32 @!p0 $0x108  }
0x21: {  	s3 =	sadd.s32 s3, s9;
	s6 =	sadd.s32 @!p0 $0x88, s6;
	s7 =	simm.s32 @p2 $0x1082  }
0x22: {  	[simem:s7], [sflag:s8] =	dma.local @!p0 [hbm:s6], $0xF7A  }
0x23: {  	s9 =	sor.u32 $0xD0000000, s2;
	s6 =	simm.s32 $0x108;
	_ =	swait.ge @!p0 [sflag:s8], $0x0  }
0x24: {  	s3 =	sadd.s32 $0x88, s3;
	s6 =	simm.s32 @!p1 $0x1082;
	[sflag:s4] =	ssyncset.s32 $0xFFFFF086  }
0x25: {  	[simem:s6], [sflag:s4] =	dma.local [hbm:s3], $0xF7A  }
0x26: {  	[smem:$0x3F94] =	sst s1;
	(tag) =	ssettag s2;
	_ =	strace s9  }
0x27: {  	s1 =	sld [smem:$0x3FA4]  }
0x28: {  	s2 =	sld [smem:$0x3FA5]  }
0x29: {  	s4 =	sld [smem:$0x3FA7]  }
0x2a: {  	p0 =	seq.s32 s5, $0x0;
	s5 =	sld [smem:$0x3FA8]  }
0x2b: {  	s6 =	sld [smem:$0x3FA9]  }
0x2c: {  	s7 =	sld [smem:$0x3FAA]  }
0x2d: {  	s3 =	simm.s32 $0x108;
	s8 =	sld [smem:$0x3FAB]  }
0x2e: {  	s3 =	simm.s32 @!p0 $0x1082;
	s9 =	sld [smem:$0x3FAC]  }
0x2f: {  	lr =	sadd.s32 s0, s3;
	s0 =	sld [smem:$0x3FA3]  }
0x30: {  	s3 =	sld [smem:$0x3FA6]  }
0x31: {  	[smem:$0x3FAF] =	sst s10  }
0x32: {  	s10 =	sld [smem:$0x3FAD];
	_ =	sdelay $0x3  }
0x33: {  	p0 =	seq.s32 s10, $0x1;
	s10 =	sld [smem:$0x3FAF];
	_ =	sdelay $0x3  }
0x34: {  	[smem:$0x3FAF] =	sst s10  }
0x35: {  	s10 =	sld [smem:$0x3FAE];
	_ =	sdelay $0x3  }
0x36: {  	p1 =	seq.s32 s10, $0x1;
	s10 =	sld [smem:$0x3FAF];
	_ =	sdelay $0x3  }
0x37: {  	[smem:$0x3FAF] =	sst s10  }
0x38: {  	s10 =	sld [smem:$0x3FB0]  }
0x39: {  	_ = 	snop;
	(pc) =	sbr.ind lr, $3  }
0x3a: {  	_ = 	snop  }
0x3b: {  	_ = 	snop  }
0x3c: {  	p2 =	seq.s32 s10, $0x1;
	s10 =	sld [smem:$0x3FAF]  }
0x3d: {  	_ =	shalt  }
0x3e: {  	_ =	shalt  }
0x3f: {  	_ =	shalt  }
0x40: {  	_ =	shalt  }
0x41: {  	_ =	shalt  }
0x42: {  	_ =	shalt  }
0x43: {  	_ =	shalt  }
0x44: {  	_ =	shalt  }
0x45: {  	_ =	shalt  }
0x46: {  	_ =	shalt  }
0x47: {  	_ =	shalt  }
0x48: {  	_ =	shalt  }
0x49: {  	_ =	shalt  }
0x4a: {  	_ =	shalt  }
0x4b: {  	_ =	shalt  }
0x4c: {  	_ =	shalt  }
0x4d: {  	_ =	shalt  }
0x4e: {  	_ =	shalt  }
0x4f: {  	_ =	shalt  }
0x50: {  	_ =	shalt  }
0x51: {  	_ =	shalt  }
0x52: {  	_ =	shalt  }
0x53: {  	_ =	shalt  }
0x54: {  	_ =	shalt  }
0x55: {  	_ =	shalt  }
0x56: {  	_ =	shalt  }
0x57: {  	_ =	shalt  }
0x58: {  	_ =	shalt  }
0x59: {  	_ =	shalt  }
0x5a: {  	_ =	shalt  }
0x5b: {  	_ =	shalt  }
0x5c: {  	_ =	shalt  }
0x5d: {  	_ =	shalt  }
0x5e: {  	_ =	shalt  }
0x5f: {  	_ =	shalt  }
0x60: {  	_ =	shalt  }
0x61: {  	_ =	shalt  }
0x62: {  	_ =	shalt  }
0x63: {  	_ =	shalt  }
0x64: {  	_ =	shalt  }
0x65: {  	_ =	shalt  }
0x66: {  	_ =	shalt  }
0x67: {  	_ =	shalt  }
0x68: {  	_ =	shalt  }
0x69: {  	_ =	shalt  }
0x6a: {  	_ =	shalt  }
0x6b: {  	_ =	shalt  }
0x6c: {  	_ =	shalt  }
0x6d: {  	_ =	shalt  }
0x6e: {  	_ =	shalt  }
0x6f: {  	_ =	shalt  }
0x70: {  	_ =	shalt  }
0x71: {  	_ =	shalt  }
0x72: {  	_ =	shalt  }
0x73: {  	_ =	shalt  }
0x74: {  	_ =	shalt  }
0x75: {  	_ =	shalt  }
0x76: {  	_ =	shalt  }
0x77: {  	_ =	shalt  }
0x78: {  	_ =	shalt  }
0x79: {  	_ =	shalt  }
0x7a: {  	_ =	shalt  }
0x7b: {  	_ =	shalt  }
0x7c: {  	_ =	shalt  }
0x7d: {  	_ =	shalt  }
0x7e: {  	_ =	shalt  }
0x7f: {  	_ =	shalt  }
0x80: {  	_ =	shalt  }
0x81: {  	_ =	shalt  }
0x82: {  	_ =	shalt  }
0x83: {  	_ =	shalt  }
0x84: {  	_ =	shalt  }
0x85: {  	_ =	shalt  }
0x86: {  	_ =	shalt  }
0x87: {  	_ =	shalt  }
.Lfunc_end0:
.L_simem_size_0:
called_computation_lowered:
.L_overlay_start_0:
0x88: {  	s2 =	sld [smem:$0x3FD9]  }
0x89: {  	s3 =	sld [smem:$0x3FFE];
	_ =	sdelay $0x1  }
0x8a: {  	s1 =	srdreg.scid  }
0x8b: {  	s0 =	sand.u32 $0x1, s1  }
0x8c: {  	s17 =	sshll.u32 s0, $0xA;
	s2 =	sadd.s32 s3, s2  }
0x8d: {  	s2 =	sadd.s32 s2, s17  }
0x8e: {  	[smem:$0x3FBB] =	sst s2  }
0x8f: {  	_ = 	snop  }
0x90: {  	(tm) =	ssettm $0x1  }
0x91: {  	s18 =	sld [smem:$0x3FFB];
	_ =	sdelay $0x3  }
0x92: {  	_ =	strace s18  }
0x93: {  	s2 =	sld [smem:$0x3FFC];
	_ =	sdelay $0x3  }
0x94: {  	_ =	strace s2  }
0x95: {  	s2 =	sld [smem:$0x3FFD];
	_ =	sdelay $0x3  }
0x96: {  	_ =	strace s2  }
0x97: {  	_ =	strace $0x8FFFFFFF  }
0x98: {  	s19 =	sld [smem:$0x3FDB];
	_ =	sdelay $0x1  }
0x99: {  	s20 =	simm.s32 $_scs_section_size  }
0x9a: {  	s4 =	simm.s32 $_size__tile_overlayer_lowered;
	s5 =	simm.s32 $_tile_overlayer_lowered  }
0x9b: {  	s6 =	simm.s32 $0x1BFF;
	s21 =	sshll.u32 s5, $0x1;
	s3 =	sadd.s32 s20, s19  }
0x9c: {  	s22 =	simm.s32 $0x0;
	s4 =	sshll.u32 s4, $0x1;
	s5 =	sadd.s32 s21, s3  }
0x9d: {  	[timem:s22], [sflag:s6] =	dma.local [hbm:s5], s4  }
0x9e: {  	_ =	swait.ge [sflag:s6], s4  }
0x9f: {  	s4 =	ssub.s32 $0x0, s4;
	[sflag:s6] =	ssyncset.done $0x0  }
0xa0: {  	[sflag:s6] =	ssyncadd.s32 s4;
	_ =	sdelay $0x1  }
0xa1: {  	s23 =	simm.s32 $0x1B8B  }
0xa2: {  	_ =	swait.ge [sflag:s23], $0x1  }
0xa3: {  	[sflag:s23] =	ssyncset.done $0x0  }
0xa4: {  	[sflag:s23] =	ssyncadd.s32 $0xFFFFFFFF  }
0xa5: {  	s4 =	sld [smem:$0x0]  }
0xa6: {  	s5 =	sand.u32 $0xFFFFFFFE, s1  }
0xa7: {  	p0 =	sne.s32 s1, s5  }
0xa8: {  	s5 =	sshll.u32 @p0 s5, $0xE  }
0xa9: {  	s5 =	sadd.s32 @p0 $0x11B8D, s5;
	s6 =	sshll.u32 @p0 s4, $0x11  }
0xaa: {  	s5 =	sor.u32 @p0 s6, s5  }
0xab: {  	[sflag:s5] =	ssyncadd.remote.s32 @p0 $0x1;
	_ =	sdelay $0x1  }
0xac: {  	s5 =	simm.s32 @p0 $0x1B8D  }
0xad: {  	_ =	swait.eq @p0 [sflag:s5], $0x1  }
0xae: {  	[sflag:s5] =	ssyncadd.s32 @p0 $0xFFFFFFFF  }
0xaf: {  	s6 =	sshll.u32 @!p0 s1, $0xE  }
0xb0: {  	s6 =	sor.u32 @!p0 $0x4000, s6;
	s5 =	simm.s32 @!p0 $0x1B8D  }
0xb1: {  	s4 =	sshll.u32 @!p0 s4, $0x11;
	s6 =	sadd.s32 @!p0 $0x11B8D, s6;
	_ =	swait.eq @!p0 [sflag:s5], $0x1  }
0xb2: {  	s4 =	sor.u32 @!p0 s4, s6;
	[sflag:s5] =	ssyncadd.s32 @!p0 $0xFFFFFFFF  }
0xb3: {  	s25 =	simm.s32 $0x1B8E;
	s24 =	sld [smem:$0x3FFE];
	[sflag:s4] =	ssyncadd.remote.s32 @!p0 $0x1  }
0xb4: {  	s26 =	simm.s32 $execute0_lowered;
	[smem:$0x3FD2] =	sst s25  }
0xb5: {  	s5 =	sshll.u32 s26, $0x1;
	_ =	strace $0x80000049;
	[dreg:$0x1] =	wrdreg $0xFFFFFFFF  }
0xb6: {  	s28 =	simm.s32 $_size_execute0_lowered;
	s3 =	sadd.s32 s3, s5;
	[dreg:$0x0] =	wrdreg $0x0  }
0xb7: {  	s5 =	sshll.u32 s28, $0x1;
	[dreg:$0x2] =	wrdreg s3  }
0xb8: {  	[dreg:$0x3] =	wrdreg s5  }
0xb9: {  	[dreg:$0x4] =	wrdreg $0xC0  }
0xba: {  	_ =	task [dreg:s22], $0x5FFFF  }
0xbb: {  	[dreg:$0x1] =	wrdreg $0xFFFFFFFF  }
0xbc: {  	[dreg:$0x0] =	wrdreg $0x60  }
0xbd: {  	[dreg:$0x2] =	wrdreg s24  }
0xbe: {  	[dreg:$0x3] =	wrdreg $0x40800  }
0xbf: {  	[dreg:$0x4] =	wrdreg $0x9  }
0xc0: {  	_ =	task.clear_ibuf [dreg:s22], $0x5FFFF;
	_ =	strace $0x90000049  }
0xc1: {  	s29 =	simm.s32 $0x9;
	_ =	strace $0x8000004B  }
0xc2: {  	_ =	swait.ge [sflag:s29], $0x1  }
0xc3: {  	[sflag:s29] =	ssyncadd.s32 $0xFFFFFFFF  }
0xc4: {  	_ =	strace $0x9000004B  }
0xc5: {  	_ =	sfence  }
0xc6: {  	s30 =	sld [smem:$0x0];
	_ =	sdelay $0x2  }
0xc7: {  	s31 =	sshll.u32 s1, $0xD;
	s1 =	sshrl.u32 s1, $0x2  }
0xc8: {  	s4 =	sand.u32 $0x4000, s31;
	s1 =	sadd.s32 s1, s30  }
0xc9: {  	s0 =	sor.u32 s4, s0;
	s1 =	sshll.u32 s1, $0x11  }
0xca: {  	s0 =	sor.u32 s1, s0  }
0xcb: {  	s0 =	sadd.s32 $0x8F2B, s0  }
0xcc: {  	[sflag:s0] =	ssyncadd.remote.s32 $0x1  }
0xcd: {  	_ =	sfence.sel $0xFFFF  }
0xce: {  	[dreg:$0x0] =	wrdreg $0xFFFFFFFF;
	(pc) =	sbr.abs _section_cstart, $3  }
0xcf: {  	[dreg:$0x1] =	wrdreg $0xFFFFFFFF  }
0xd0: {  	_ =	task.clear_ibuf [dreg:s22], $0x2FFFF;
	_ =	strace $0x9FFFFFFF  }
0xd1: {  	(tm) =	ssettm $0x7FFFFFFF  }
tec
execute0_lowered:
.L_overlay_start_1:
0x0: {  	(tag) =	ssettag $0x1  }
0x1: {  	s6 =	rddreg [dreg:$0x0]  }
0x2: {  	s1 =	rddreg [dreg:$0x1];
	s3 =	srdreg.scid  }
0x3: {  	s0 =	rddreg [dreg:$0x2];
	s7 =	sand.u32 $0x1, s3  }
0x4: {  	s2 =	simm.s32 $0x0;
	s3 =	stileid.u32;
	s4 =	smul.u32 $0x5000, s7  }
0x5: {  	[smem:$0x7FF] =	sst s2;
	s8 =	smul.u32 $0x4E000, s3  }
0x6: {  	s5 =	sadd.s32 $0x65C00, s6;
	s16 =	sadd.s32 $0x66400, s6;
	s10 =	smul.u32 $0x13800, s3  }
0x7: {  	_ =	strace $0x8000004A;
	s9 =	ssub.s32 $0x2, s7;
	s18 =	smul.u32 $0x138800, s7  }
0x8: {  	s30 =	smul.u32 $0x500, s3;
	s29 =	sshrl.u32 s9, $0x1;
	s15 =	sadd.s32 s4, s6  }
0x9: {  	s4 =	sadd.s32 $0x17200, s6;
	s8 =	sshrl.u32 s8, $0x2;
	s17 =	ssub.s32 s9, s29  }
0xa: {  	s11 =	sadd.s32 $0x4000, s10;
	s13 =	sadd.s32 $0x8000, s10;
	s14 =	sadd.s32 $0xC000, s10  }
0xb: {  	s19 =	sadd.s32 $0x10000, s10;
	s12 =	sadd.s32 s10, s18;
	s6 =	sadd.s32 s8, s1  }
0xc: {  	s7 =	sadd.s32 s11, s1;
	s8 =	sadd.s32 s13, s1;
	s9 =	sadd.s32 s14, s1  }
0xd: {  	s11 =	sadd.s32 s18, s11;
	s10 =	sadd.s32 s19, s1;
	s12 =	sshrl.u32 s12, $0x3  }
0xe: {  	s13 =	sadd.s32 s18, s13;
	s14 =	sadd.s32 s18, s14;
	s18 =	sadd.s32 s18, s19  }
0xf: {  	s31 =	sadd.s32 s30, s15;
	s19 =	simm.s32 $0x1;
	s20 =	sshrl.u32 s11, $0x3  }
0x10: {  	s11 =	sadd.s32 s16, s12;
	s13 =	sshrl.u32 s13, $0x3;
	s14 =	sshrl.u32 s14, $0x3  }
0x11: {  	s18 =	sshrl.u32 s18, $0x3;
	s12 =	sadd.s32 s16, s20;
	s13 =	sadd.s32 s16, s13  }
0x12: {  	s14 =	sadd.s32 s16, s14;
	s15 =	sadd.s32 s16, s18;
	s16 =	smax.u32 s17, $0x1  }
0x13: {  	s17 =	sadd.s32 $0x3200, s31;
	s18 =	simm.s32 $0x80;
	s20 =	simm.s32 $0x0  }
.LBB2_1:
0x14: {  	[tilespmem:s18], [sflag:$0x1] =	stream.linear.gather [hbm4b:s4+s2], $0x4000, $0x38;
	[tilespmem:$0x17940] =	vst v63  }
0x15: {  	_ =	swait.ge [sflag:s19], $0x4000  }
0x16: {  	[sflag:s19] =	ssyncset.done $0x0  }
0x17: {  	[sflag:s19] =	ssyncadd.s32 $0xFFFFC000  }
0x18: {  	[spmem:s6] =	stream.linear.scatter [tilespmem:s18], [sflag:$0x1], $0x4000, $0x38;
	[tilespmem:$0x17940] =	vst v63  }
0x19: {  	_ =	swait.ge [sflag:s19], $0x4000  }
0x1a: {  	[sflag:s19] =	ssyncset.done $0x0  }
0x1b: {  	[sflag:s19] =	ssyncadd.s32 $0xFFFFC000  }
0x1c: {  	[spmem:s7] =	stream.linear.scatter [tilespmem:s18], [sflag:$0x1], $0x4000, $0x38;
	[tilespmem:$0x17940] =	vst v63  }
0x1d: {  	_ =	swait.ge [sflag:s19], $0x4000  }
0x1e: {  	[sflag:s19] =	ssyncset.done $0x0  }
0x1f: {  	[sflag:s19] =	ssyncadd.s32 $0xFFFFC000  }
0x20: {  	[spmem:s8] =	stream.linear.scatter [tilespmem:s18], [sflag:$0x1], $0x4000, $0x38;
	[tilespmem:$0x17940] =	vst v63  }
0x21: {  	_ =	swait.ge [sflag:s19], $0x4000  }
0x22: {  	[sflag:s19] =	ssyncset.done $0x0  }
0x23: {  	[sflag:s19] =	ssyncadd.s32 $0xFFFFC000  }
0x24: {  	[spmem:s9] =	stream.linear.scatter [tilespmem:s18], [sflag:$0x1], $0x4000, $0x38;
	[tilespmem:$0x17940] =	vst v63  }
0x25: {  	_ =	swait.ge [sflag:s19], $0x4000  }
0x26: {  	[sflag:s19] =	ssyncset.done $0x0  }
0x27: {  	[sflag:s19] =	ssyncadd.s32 $0xFFFFC000  }
0x28: {  	[spmem:s10] =	stream.linear.scatter [tilespmem:s18], [sflag:$0x1], $0x4000, $0x38;
	[tilespmem:$0x17940] =	vst v63  }
0x29: {  	_ =	swait.ge [sflag:s19], $0x4000  }
0x2a: {  	[sflag:s19] =	ssyncset.done $0x0  }
0x2b: {  	[sflag:s19] =	ssyncadd.s32 $0xFFFFC000  }
0x2c: {  	[tilespmem:s18], [sflag:$0x1] =	stream.linear.gather [hbm4b:s5+s2], $0x4000, $0x38;
	[tilespmem:$0x17940] =	vst v63  }
0x2d: {  	_ =	swait.ge [sflag:s19], $0x4000  }
0x2e: {  	[sflag:s19] =	ssyncset.done $0x0  }
0x2f: {  	[sflag:s19] =	ssyncadd.s32 $0xFFFFC000  }
0x30: {  	s21 =	sadd.s32 $0x0, s17;
	[bflag:$0x0] =	sbarrier.arrive $0xFFFF  }
0x31: {  	[tilespmem:s2], [sflag:$0x1] =	stream.linear.gather [hbm4b:s21+s2], $0x80, $0x38;
	[tilespmem:$0x17940] =	vst v63  }
0x32: {  	_ =	swait.ge [sflag:s19], $0x80  }
0x33: {  	[sflag:s19] =	ssyncset.done $0x0  }
0x34: {  	[sflag:s19] =	ssyncadd.s32 $0xFFFFFF80  }
0x35: {  	[spmem:s1] =	stream.indirect.scatter.add.f32 [tilespmem:s18], [sflag:$0x1], $0x80, s2, s18, $0xb8;
	[tilespmem:$0x17940] =	vst v63  }
0x36: {  	_ =	swait.ge [sflag:s19], $0x4000  }
0x37: {  	s22 =	simm.s32 $0x20;
	s21 =	simm.s32 $0x10;
	[sflag:s19] =	ssyncset.done $0x0  }
.LBB2_2:
0x38: {  	s23 =	sadd.s32 s21, s17  }
0x39: {  	[sflag:s19] =	ssyncadd.s32 $0xFFFFC000;
	s21 =	smov.u32 s22;
	s24 =	sadd.s32 $0x10, s22  }
0x3a: {  	[tilespmem:s2], [sflag:$0x1] =	stream.linear.gather [hbm4b:s23+s2], $0x80, $0x38;
	[tilespmem:$0x17940] =	vst v63  }
0x3b: {  	p0 =	sne.s32 s22, $0x4F0;
	_ =	swait.ge [sflag:s19], $0x80  }
.Ltmp0:
0x3c: {  	[sflag:s19] =	ssyncset.done $0x0;
	(pc) =	sbr.rel @p0 .LBB2_2-.Ltmp0, $4  }
0x3d: {  	[sflag:s19] =	ssyncadd.s32 $0xFFFFFF80  }
0x3e: {  	[spmem:s1] =	stream.indirect.scatter.add.f32 [tilespmem:s18], [sflag:$0x1], $0x80, s2, s18, $0xb8;
	[tilespmem:$0x17940] =	vst v63  }
0x3f: {  	_ =	swait.ge [sflag:s19], $0x4000  }
0x40: {  	s22 =	smov.u32 s24;
	[sflag:s19] =	ssyncset.done $0x0  }
0x41: {  	s21 =	sadd.s32 s21, s17;
	[sflag:s19] =	ssyncadd.s32 $0xFFFFC000  }
0x42: {  	[tilespmem:s2], [sflag:$0x1] =	stream.linear.gather [hbm4b:s21+s2], $0x80, $0x38;
	[tilespmem:$0x17940] =	vst v63  }
0x43: {  	_ =	swait.ge [sflag:s19], $0x80  }
0x44: {  	[sflag:s19] =	ssyncset.done $0x0  }
0x45: {  	[sflag:s19] =	ssyncadd.s32 $0xFFFFFF80  }
0x46: {  	[spmem:s1] =	stream.indirect.scatter.add.f32 [tilespmem:s18], [sflag:$0x1], $0x80, s2, s18, $0xb8;
	[tilespmem:$0x17940] =	vst v63  }
0x47: {  	_ =	swait.ge [sflag:s19], $0x4000  }
0x48: {  	[sflag:s19] =	ssyncset.done $0x0  }
0x49: {  	[sflag:s19] =	ssyncadd.s32 $0xFFFFC000  }
0x4a: {  	[bflag:$0x0] =	sbarrier.arrive $0xFFFF  }
0x4b: {  	[tilespmem:s18], [sflag:$0x1] =	stream.linear.gather [spmem:s6], $0x4000, $0x38;
	[tilespmem:$0x17940] =	vst v63  }
0x4c: {  	_ =	swait.ge [sflag:s19], $0x4000  }
0x4d: {  	[sflag:s19] =	ssyncset.done $0x0  }
0x4e: {  	[sflag:s19] =	ssyncadd.s32 $0xFFFFC000  }
0x4f: {  	[hbm4b:s11+s2] =	stream.linear.scatter [tilespmem:s18], [sflag:$0x1], $0x4000, $0x38;
	[tilespmem:$0x17940] =	vst v63  }
0x50: {  	_ =	swait.ge [sflag:s19], $0x4000  }
0x51: {  	[sflag:s19] =	ssyncset.done $0x0  }
0x52: {  	[sflag:s19] =	ssyncadd.s32 $0xFFFFC000  }
0x53: {  	[tilespmem:s18], [sflag:$0x1] =	stream.linear.gather [spmem:s7], $0x4000, $0x38;
	[tilespmem:$0x17940] =	vst v63  }
0x54: {  	_ =	swait.ge [sflag:s19], $0x4000  }
0x55: {  	[sflag:s19] =	ssyncset.done $0x0  }
0x56: {  	[sflag:s19] =	ssyncadd.s32 $0xFFFFC000  }
0x57: {  	[hbm4b:s12+s2] =	stream.linear.scatter [tilespmem:s18], [sflag:$0x1], $0x4000, $0x38;
	[tilespmem:$0x17940] =	vst v63  }
0x58: {  	_ =	swait.ge [sflag:s19], $0x4000  }
0x59: {  	[sflag:s19] =	ssyncset.done $0x0  }
0x5a: {  	[sflag:s19] =	ssyncadd.s32 $0xFFFFC000  }
0x5b: {  	[tilespmem:s18], [sflag:$0x1] =	stream.linear.gather [spmem:s8], $0x4000, $0x38;
	[tilespmem:$0x17940] =	vst v63  }
0x5c: {  	_ =	swait.ge [sflag:s19], $0x4000  }
0x5d: {  	[sflag:s19] =	ssyncset.done $0x0  }
0x5e: {  	[sflag:s19] =	ssyncadd.s32 $0xFFFFC000  }
0x5f: {  	[hbm4b:s13+s2] =	stream.linear.scatter [tilespmem:s18], [sflag:$0x1], $0x4000, $0x38;
	[tilespmem:$0x17940] =	vst v63  }
0x60: {  	_ =	swait.ge [sflag:s19], $0x4000  }
0x61: {  	[sflag:s19] =	ssyncset.done $0x0  }
0x62: {  	[sflag:s19] =	ssyncadd.s32 $0xFFFFC000  }
0x63: {  	[tilespmem:s18], [sflag:$0x1] =	stream.linear.gather [spmem:s9], $0x4000, $0x38;
	[tilespmem:$0x17940] =	vst v63  }
0x64: {  	_ =	swait.ge [sflag:s19], $0x4000  }
0x65: {  	[sflag:s19] =	ssyncset.done $0x0  }
0x66: {  	[sflag:s19] =	ssyncadd.s32 $0xFFFFC000  }
0x67: {  	[hbm4b:s14+s2] =	stream.linear.scatter [tilespmem:s18], [sflag:$0x1], $0x4000, $0x38;
	[tilespmem:$0x17940] =	vst v63  }
0x68: {  	_ =	swait.ge [sflag:s19], $0x4000  }
0x69: {  	[sflag:s19] =	ssyncset.done $0x0  }
0x6a: {  	[sflag:s19] =	ssyncadd.s32 $0xFFFFC000  }
0x6b: {  	[tilespmem:s18], [sflag:$0x1] =	stream.linear.gather [spmem:s10], $0x4000, $0x38;
	[tilespmem:$0x17940] =	vst v63  }
0x6c: {  	s20 =	sadd.s32 $0x1, s20;
	_ =	swait.ge [sflag:s19], $0x4000  }
0x6d: {  	p0 =	sne.s32 s20, s16;
	[sflag:s19] =	ssyncset.done $0x0  }
.Ltmp1:
0x6e: {  	[sflag:s19] =	ssyncadd.s32 $0xFFFFC000;
	(pc) =	sbr.rel @p0 .LBB2_1-.Ltmp1, $4  }
0x6f: {  	[hbm4b:s15+s2] =	stream.linear.scatter [tilespmem:s18], [sflag:$0x1], $0x4000, $0x38;
	[tilespmem:$0x17940] =	vst v63  }
0x70: {  	_ =	swait.ge [sflag:s19], $0x4000  }
0x71: {  	[sflag:s19] =	ssyncset.done $0x0  }
0x72: {  	[sflag:s19] =	ssyncadd.s32 $0xFFFFC000  }
0x73: {  	_ =	sfence.sel $0x180000  }
0x74: {  	[bflag:$0x0] =	sbarrier.arrive $0xFFFF  }
0x75: {  	p0 =	sne.s32 s3, $0x0;
	_ =	strace $0x9000004A  }
0x76: {  	s0 =	sadd.s32 @!p0 $0x100000, s0;
	[bflag:$0x2] =	sbarrier.arrive $0xFFFF  }
0x77: {  	[sflag:s0] =	ssyncadd.tile.s32 @!p0 $0x1;
	_ =	shalt  }
.Lfunc_end2:
_tile_overlayer_lowered:
.L_overlay_start_2:
0x78: {  	(tag) =	ssettag $0x2  }
0x79: {  	s0 =	rddreg [dreg:$0x0];
	s2 =	stileid.u32  }
0x7a: {  	s1 =	rddreg [dreg:$0x1];
	p0 =	sne.s32 s2, $0x0  }
0x7b: {  	s3 =	rddreg [dreg:$0x2];
	[bflag:$0x3] =	sbarrier.arrive $0xFFFF;
	s2 =	simm.s32 @!p0 $0x1C01  }
0x7c: {  	[timem:s3], [sflag:s2] =	dma.local @!p0 [hbm:s0], s1  }
0x7d: {  	s0 =	simm.s32 @!p0 $0x1  }
0x7e: {  	_ =	swait.ge @!p0 [sflag:s0], s1  }
0x7f: {  	s1 =	ssub.s32 @!p0 $0x0, s1;
	[sflag:s0] =	ssyncset.done @!p0 $0x0  }
0x80: {  	[sflag:s0] =	ssyncadd.s32 @!p0 s1  }
0x81: {  	[bflag:$0x3] =	sbarrier.arrive $0xFFFF  }
0x82: {  	_ =	shalt  }

</sc_bundles>
